<compile_context>
chip_gen: v7x
topology: tpu7x:2x2x1
jax: 0.10.2.dev20260603
libtpu: 0.0.44.dev20260713+nightly
codegen_flags: <defaults>
</compile_context>

<pallas_src>
import numpy as np
import jax
import jax.numpy as jnp
from jax import lax
from jax.experimental import pallas as pl
from jax.experimental.pallas import tpu as pltpu
from jax.experimental.pallas import tpu_sc as plsc

B, T, H, V = 1024, 200, 128, 256
NC, NS = 2, 16
NW = NC * NS
BPW = B // NW
RB = 128
NBLK = T * (B // RB)
BLKW = NBLK // NW
NBUF = 7

_t = np.arange(NBLK, dtype=np.int64) // (B // RB)
_b0 = (np.arange(NBLK, dtype=np.int64) % (B // RB)) * RB
_GIDX = ((_b0[:, None] + np.arange(RB)[None, :]) * T + _t[:, None]).astype(
    np.int32
)
BLKP = 56
_GIDX = np.zeros((NW, BLKP, RB), np.int32)
_GIDX[:, :BLKW, :] = (
    ((_b0[:, None] + np.arange(RB)[None, :]) * T + _t[:, None])
    .astype(np.int32)
    .reshape(NW, BLKW, RB)
)


def _sc_body(gidx_hbm, idx_hbm, table_hbm, mel_hbm, out_hbm,
             gidx_v, idx_v, rows_v, bufs, rsems, wsems, gat_sem):
    wid = lax.axis_index("s") * NC + lax.axis_index("c")
    m0 = wid * BLKW

    pltpu.sync_copy(idx_hbm.at[pl.ds(wid * BPW, BPW)], idx_v)
    pltpu.async_copy(table_hbm.at[idx_v], rows_v, gat_sem).wait()
    emb_wr = pltpu.async_copy(
        rows_v, out_hbm.at[pl.ds(wid * BPW, BPW), :], gat_sem
    )

    pltpu.sync_copy(gidx_hbm.at[wid], gidx_v)

    rd = [None] * BLKW
    wr = [None] * BLKW

    def start_read(i):
        return pltpu.async_copy(
            mel_hbm.at[gidx_v.at[i]], bufs[i % NBUF], rsems[i % NBUF]
        )

    for i in range(NBUF):
        rd[i] = start_read(i)
    for i in range(BLKW):
        rd[i].wait()
        m = m0 + i
        row0 = (1 + m // (B // RB)) * B + (m % (B // RB)) * RB
        wr[i] = pltpu.async_copy(
            bufs[i % NBUF], out_hbm.at[pl.ds(row0, RB), :], wsems[i % NBUF]
        )
        if i >= 1 and i + NBUF - 1 < BLKW:
            wr[i - 1].wait()
            rd[i + NBUF - 1] = start_read(i + NBUF - 1)
    for j in range(BLKW - NBUF, BLKW):
        wr[j].wait()
    emb_wr.wait()


@jax.jit
def _run(gidx, idx, table, mel2d):
    mesh = plsc.VectorSubcoreMesh(
        core_axis_name="c", subcore_axis_name="s", num_cores=NC, num_subcores=NS
    )
    out2d = pl.kernel(
        _sc_body,
        out_type=jax.ShapeDtypeStruct(((T + 1) * B, H), jnp.float32),
        mesh=mesh,
        scratch_types=[
            pltpu.VMEM((BLKP, RB), jnp.int32),
            pltpu.VMEM((BPW,), jnp.int32),
            pltpu.VMEM((BPW, H), jnp.float32),
            [pltpu.VMEM((RB, H), jnp.float32)] * NBUF,
            [pltpu.SemaphoreType.DMA] * NBUF,
            [pltpu.SemaphoreType.DMA] * NBUF,
            pltpu.SemaphoreType.DMA,
        ],
        compiler_params=pltpu.CompilerParams(use_tc_tiling_on_sc=True),
    )(gidx, idx, table, mel2d)
    return out2d.reshape(T + 1, B, H).transpose(1, 0, 2)


def kernel(arranger_id, mel_db, table):
    idx = arranger_id.reshape(B).astype(jnp.int32)
    gidx = jnp.asarray(_GIDX)
    return _run(gidx, idx, table, mel_db.reshape(B * T, H))

# --- scband reference (transcript-rebuilt; emitter-appended) ---
"""Pipeline reference for scband-arranger-embedding-42013370089535 (READ-ONLY COPY).

The authoritative reference and input builder live on the scoring server;
editing this copy changes nothing except your own understanding.
"""

import jax, jax.numpy as jnp
import numpy as np


def setup_inputs(seed: int = 0) -> dict:
    key = jax.random.key(seed)
    k1, k2, k3 = jax.random.split(key, 3)
    arranger_id = jax.random.randint(k1, (1024, 1), 0, 256, dtype=jnp.int64)
    mel_db = jax.random.normal(k2, (1024, 200, 128), dtype=jnp.float32)
    # learned embedding table per init_kwargs: arranger_ids=256, hidden_size=128
    table = jax.random.normal(k3, (256, 128), dtype=jnp.float32)
    return {"arranger_id": arranger_id, "mel_db": mel_db, "table": table}


def reference(arranger_id, mel_db, table):
    # nn.Embedding lookup -> gather rows from table
    emb = jnp.take(table, arranger_id, axis=0)  # [B, 1, H]
    # torch.cat([...], dim=-2)
    out = jnp.concatenate([emb, mel_db], axis=-2)  # [B, 1+T, H]
    return out

if __name__ == "__main__":
    import jax
    _d = setup_inputs()
    print(jax.jit(kernel)(*tuple(_d.values())))

</pallas_src>

<mosaic_0001>
#map = affine_map<(d0, d1) -> (0, 0, 0)>
#map1 = affine_map<(d0, d1) -> (0)>
#map2 = affine_map<(d0, d1) -> (0, 0)>
module attributes {stable_mosaic.version = 14 : i64} {
  func.func @_sc_body(%arg0: i32, %arg1: i32, %arg2: memref<32x56x128xi32, #tpu.memory_space<hbm>>, %arg3: memref<1024xi32, #tpu.memory_space<hbm>>, %arg4: memref<256x128xf32, #tpu.memory_space<hbm>>, %arg5: memref<204800x128xf32, #tpu.memory_space<hbm>>, %arg6: memref<205824x128xf32, #tpu.memory_space<hbm>>, %arg7: memref<56x128xi32, #tpu.memory_space<vmem>>, %arg8: memref<32xi32, #tpu.memory_space<vmem>>, %arg9: memref<32x128xf32, #tpu.memory_space<vmem>>, %arg10: memref<128x128xf32, #tpu.memory_space<vmem>>, %arg11: memref<128x128xf32, #tpu.memory_space<vmem>>, %arg12: memref<128x128xf32, #tpu.memory_space<vmem>>, %arg13: memref<128x128xf32, #tpu.memory_space<vmem>>, %arg14: memref<128x128xf32, #tpu.memory_space<vmem>>, %arg15: memref<128x128xf32, #tpu.memory_space<vmem>>, %arg16: memref<128x128xf32, #tpu.memory_space<vmem>>, %arg17: memref<!tpu.dma_semaphore, #tpu.memory_space<semaphore_mem>>, %arg18: memref<!tpu.dma_semaphore, #tpu.memory_space<semaphore_mem>>, %arg19: memref<!tpu.dma_semaphore, #tpu.memory_space<semaphore_mem>>, %arg20: memref<!tpu.dma_semaphore, #tpu.memory_space<semaphore_mem>>, %arg21: memref<!tpu.dma_semaphore, #tpu.memory_space<semaphore_mem>>, %arg22: memref<!tpu.dma_semaphore, #tpu.memory_space<semaphore_mem>>, %arg23: memref<!tpu.dma_semaphore, #tpu.memory_space<semaphore_mem>>, %arg24: memref<!tpu.dma_semaphore, #tpu.memory_space<semaphore_mem>>, %arg25: memref<!tpu.dma_semaphore, #tpu.memory_space<semaphore_mem>>, %arg26: memref<!tpu.dma_semaphore, #tpu.memory_space<semaphore_mem>>, %arg27: memref<!tpu.dma_semaphore, #tpu.memory_space<semaphore_mem>>, %arg28: memref<!tpu.dma_semaphore, #tpu.memory_space<semaphore_mem>>, %arg29: memref<!tpu.dma_semaphore, #tpu.memory_space<semaphore_mem>>, %arg30: memref<!tpu.dma_semaphore, #tpu.memory_space<semaphore_mem>>, %arg31: memref<!tpu.dma_semaphore, #tpu.memory_space<semaphore_mem>>) attributes {dimension_semantics = [#tpu.dimension_semantics<core_parallel>, #tpu.dimension_semantics<subcore_parallel>], iteration_bounds = array<i64: 2, 16>, scalar_prefetch = 0 : i64, scratch_operands = 25 : i64, tpu.core_type = #tpu.core_type<sc_vector_subcore>, window_params = [{transform_indices = #map}, {transform_indices = #map1}, {transform_indices = #map2}, {transform_indices = #map2}, {transform_indices = #map2}]} {
    %mul3A = arith.constant 2 : i32
    %mul3A_0 = arith.muli %arg1, %mul3A : i32
    %add3A = arith.addi %mul3A_0, %arg0 : i32
    %mul3A_1 = arith.constant 50 : i32
    %mul3A_2 = arith.muli %add3A, %mul3A_1 : i32
    %mul3A_3 = arith.constant 32 : i32
    %mul3A_4 = arith.muli %add3A, %mul3A_3 : i32
    "tpu.region"() ({
      %run_scoped3A = tpu.sem_alloc : memref<!tpu.dma_semaphore, #tpu.memory_space<semaphore_mem>>
      %dma_start3A_3559 = tpu.memref_slice %arg3[%mul3A_4] : memref<1024xi32, #tpu.memory_space<hbm>> -> memref<32xi32, #tpu.memory_space<hbm>>
      %dma_start3A_3560 = tpu.memref_slice %arg3[%mul3A_4] : memref<1024xi32, #tpu.memory_space<hbm>> -> memref<32xi32, #tpu.memory_space<hbm>>
      tpu.enqueue_dma source(%dma_start3A_3560 : memref<32xi32, #tpu.memory_space<hbm>>) target(%arg8 : memref<32xi32, #tpu.memory_space<vmem>>) target_semaphore(%run_scoped3A : memref<!tpu.dma_semaphore, #tpu.memory_space<semaphore_mem>>)
      %dma_wait3A_3561 = tpu.memref_slice %arg3[%mul3A_4] : memref<1024xi32, #tpu.memory_space<hbm>> -> memref<32xi32, #tpu.memory_space<hbm>>
      %dma_wait3A_3562 = tpu.memref_slice %arg3[%mul3A_4] : memref<1024xi32, #tpu.memory_space<hbm>> -> memref<32xi32, #tpu.memory_space<hbm>>
      tpu.wait_dma2 semaphore(%run_scoped3A : memref<!tpu.dma_semaphore, #tpu.memory_space<semaphore_mem>>) src(%dma_wait3A_3562 : memref<32xi32, #tpu.memory_space<hbm>>) dst(%arg8 : memref<32xi32, #tpu.memory_space<vmem>>)
      tpu.yield
    }) : () -> ()
    %dma_start3A = arith.constant 0 : i32
    %dma_start3A_5 = arith.constant 0 : i32
    %dma_start3A_6 = tpu.memref_slice %arg4[%dma_start3A, %dma_start3A_5] : memref<256x128xf32, #tpu.memory_space<hbm>> -> memref<256x128xf32, #tpu.memory_space<hbm>>
    tpu.enqueue_indirect_dma source(%dma_start3A_6 : memref<256x128xf32, #tpu.memory_space<hbm>>) target(%arg9 : memref<32x128xf32, #tpu.memory_space<vmem>>) offsets(%arg8 : memref<32xi32, #tpu.memory_space<vmem>>) semaphore(%arg31 : memref<!tpu.dma_semaphore, #tpu.memory_space<semaphore_mem>>)
    %dma_wait3A = arith.constant 0 : i32
    %dma_wait3A_7 = arith.constant 0 : i32
    %dma_wait3A_8 = tpu.memref_slice %arg4[%dma_wait3A, %dma_wait3A_7] : memref<256x128xf32, #tpu.memory_space<hbm>> -> memref<256x128xf32, #tpu.memory_space<hbm>>
    tpu.wait_indirect_dma semaphore(%arg31 : memref<!tpu.dma_semaphore, #tpu.memory_space<semaphore_mem>>) src(%dma_wait3A_8 : memref<256x128xf32, #tpu.memory_space<hbm>>) dst(%arg9 : memref<32x128xf32, #tpu.memory_space<vmem>>)
    %mul3A_9 = arith.constant 32 : i32
    %mul3A_10 = arith.muli %add3A, %mul3A_9 : i32
    %dma_start3A_11 = arith.constant 0 : i32
    %dma_start3A_12 = tpu.memref_slice %arg6[%mul3A_10, %dma_start3A_11] : memref<205824x128xf32, #tpu.memory_space<hbm>> -> memref<32x128xf32, #tpu.memory_space<hbm>>
    %dma_start3A_13 = arith.constant 0 : i32
    %dma_start3A_14 = tpu.memref_slice %arg6[%mul3A_10, %dma_start3A_13] : memref<205824x128xf32, #tpu.memory_space<hbm>> -> memref<32x128xf32, #tpu.memory_space<hbm>>
    tpu.enqueue_dma source(%arg9 : memref<32x128xf32, #tpu.memory_space<vmem>>) target(%dma_start3A_14 : memref<32x128xf32, #tpu.memory_space<hbm>>) target_semaphore(%arg31 : memref<!tpu.dma_semaphore, #tpu.memory_space<semaphore_mem>>)
    "tpu.region"() ({
      %run_scoped3A = tpu.sem_alloc : memref<!tpu.dma_semaphore, #tpu.memory_space<semaphore_mem>>
      %dma_start3A_3559 = arith.constant 0 : i32
      %dma_start3A_3560 = arith.constant 0 : i32
      %dma_start3A_3561 = tpu.memref_slice %arg2[%add3A, %dma_start3A_3559, %dma_start3A_3560] : memref<32x56x128xi32, #tpu.memory_space<hbm>> -> memref<1x56x128xi32, #tpu.memory_space<hbm>>
      %dma_start3A_3562 = tpu.memref_squeeze %dma_start3A_3561 : memref<1x56x128xi32, #tpu.memory_space<hbm>> -> memref<56x128xi32, #tpu.memory_space<hbm>>
      %dma_start3A_3563 = arith.constant 0 : i32
      %dma_start3A_3564 = arith.constant 0 : i32
      %dma_start3A_3565 = tpu.memref_slice %arg2[%add3A, %dma_start3A_3563, %dma_start3A_3564] : memref<32x56x128xi32, #tpu.memory_space<hbm>> -> memref<1x56x128xi32, #tpu.memory_space<hbm>>
      %dma_start3A_3566 = tpu.memref_squeeze %dma_start3A_3565 : memref<1x56x128xi32, #tpu.memory_space<hbm>> -> memref<56x128xi32, #tpu.memory_space<hbm>>
      tpu.enqueue_dma source(%dma_start3A_3566 : memref<56x128xi32, #tpu.memory_space<hbm>>) target(%arg7 : memref<56x128xi32, #tpu.memory_space<vmem>>) target_semaphore(%run_scoped3A : memref<!tpu.dma_semaphore, #tpu.memory_space<semaphore_mem>>)
      %dma_wait3A_3567 = arith.constant 0 : i32
      %dma_wait3A_3568 = arith.constant 0 : i32
      %dma_wait3A_3569 = tpu.memref_slice %arg2[%add3A, %dma_wait3A_3567, %dma_wait3A_3568] : memref<32x56x128xi32, #tpu.memory_space<hbm>> -> memref<1x56x128xi32, #tpu.memory_space<hbm>>
      %dma_wait3A_3570 = tpu.memref_squeeze %dma_wait3A_3569 : memref<1x56x128xi32, #tpu.memory_space<hbm>> -> memref<56x128xi32, #tpu.memory_space<hbm>>
      %dma_wait3A_3571 = arith.constant 0 : i32
      %dma_wait3A_3572 = arith.constant 0 : i32
      %dma_wait3A_3573 = tpu.memref_slice %arg2[%add3A, %dma_wait3A_3571, %dma_wait3A_3572] : memref<32x56x128xi32, #tpu.memory_space<hbm>> -> memref<1x56x128xi32, #tpu.memory_space<hbm>>
      %dma_wait3A_3574 = tpu.memref_squeeze %dma_wait3A_3573 : memref<1x56x128xi32, #tpu.memory_space<hbm>> -> memref<56x128xi32, #tpu.memory_space<hbm>>
      tpu.wait_dma2 semaphore(%run_scoped3A : memref<!tpu.dma_semaphore, #tpu.memory_space<semaphore_mem>>) src(%dma_wait3A_3574 : memref<56x128xi32, #tpu.memory_space<hbm>>) dst(%arg7 : memref<56x128xi32, #tpu.memory_space<vmem>>)
      tpu.yield
    }) : () -> ()
    %dma_start3A_15 = arith.constant 0 : i32
    %dma_start3A_16 = arith.constant 0 : i32
    %dma_start3A_17 = tpu.memref_slice %arg7[%dma_start3A_15, %dma_start3A_16] : memref<56x128xi32, #tpu.memory_space<vmem>> -> memref<1x128xi32, #tpu.memory_space<vmem>>
    %dma_start3A_18 = tpu.memref_squeeze %dma_start3A_17 : memref<1x128xi32, #tpu.memory_space<vmem>> -> memref<128xi32, #tpu.memory_space<vmem>>
    %dma_start3A_19 = arith.constant 0 : i32
    %dma_start3A_20 = arith.constant 0 : i32
    %dma_start3A_21 = tpu.memref_slice %arg5[%dma_start3A_19, %dma_start3A_20] : memref<204800x128xf32, #tpu.memory_space<hbm>> -> memref<204800x128xf32, #tpu.memory_space<hbm>>
    tpu.enqueue_indirect_dma source(%dma_start3A_21 : memref<204800x128xf32, #tpu.memory_space<hbm>>) target(%arg10 : memref<128x128xf32, #tpu.memory_space<vmem>>) offsets(%dma_start3A_18 : memref<128xi32, #tpu.memory_space<vmem>>) semaphore(%arg17 : memref<!tpu.dma_semaphore, #tpu.memory_space<semaphore_mem>>)
    %dma_start3A_22 = arith.constant 1 : i32
    %dma_start3A_23 = arith.constant 0 : i32
    %dma_start3A_24 = tpu.memref_slice %arg7[%dma_start3A_22, %dma_start3A_23] : memref<56x128xi32, #tpu.memory_space<vmem>> -> memref<1x128xi32, #tpu.memory_space<vmem>>
    %dma_start3A_25 = tpu.memref_squeeze %dma_start3A_24 : memref<1x128xi32, #tpu.memory_space<vmem>> -> memref<128xi32, #tpu.memory_space<vmem>>
    %dma_start3A_26 = arith.constant 0 : i32
    %dma_start3A_27 = arith.constant 0 : i32
    %dma_start3A_28 = tpu.memref_slice %arg5[%dma_start3A_26, %dma_start3A_27] : memref<204800x128xf32, #tpu.memory_space<hbm>> -> memref<204800x128xf32, #tpu.memory_space<hbm>>
    tpu.enqueue_indirect_dma source(%dma_start3A_28 : memref<204800x128xf32, #tpu.memory_space<hbm>>) target(%arg11 : memref<128x128xf32, #tpu.memory_space<vmem>>) offsets(%dma_start3A_25 : memref<128xi32, #tpu.memory_space<vmem>>) semaphore(%arg18 : memref<!tpu.dma_semaphore, #tpu.memory_space<semaphore_mem>>)
    %dma_start3A_29 = arith.constant 2 : i32
    %dma_start3A_30 = arith.constant 0 : i32
    %dma_start3A_31 = tpu.memref_slice %arg7[%dma_start3A_29, %dma_start3A_30] : memref<56x128xi32, #tpu.memory_space<vmem>> -> memref<1x128xi32, #tpu.memory_space<vmem>>
    %dma_start3A_32 = tpu.memref_squeeze %dma_start3A_31 : memref<1x128xi32, #tpu.memory_space<vmem>> -> memref<128xi32, #tpu.memory_space<vmem>>
    %dma_start3A_33 = arith.constant 0 : i32
    %dma_start3A_34 = arith.constant 0 : i32
    %dma_start3A_35 = tpu.memref_slice %arg5[%dma_start3A_33, %dma_start3A_34] : memref<204800x128xf32, #tpu.memory_space<hbm>> -> memref<204800x128xf32, #tpu.memory_space<hbm>>
    tpu.enqueue_indirect_dma source(%dma_start3A_35 : memref<204800x128xf32, #tpu.memory_space<hbm>>) target(%arg12 : memref<128x128xf32, #tpu.memory_space<vmem>>) offsets(%dma_start3A_32 : memref<128xi32, #tpu.memory_space<vmem>>) semaphore(%arg19 : memref<!tpu.dma_semaphore, #tpu.memory_space<semaphore_mem>>)
    %dma_start3A_36 = arith.constant 3 : i32
    %dma_start3A_37 = arith.constant 0 : i32
    %dma_start3A_38 = tpu.memref_slice %arg7[%dma_start3A_36, %dma_start3A_37] : memref<56x128xi32, #tpu.memory_space<vmem>> -> memref<1x128xi32, #tpu.memory_space<vmem>>
    %dma_start3A_39 = tpu.memref_squeeze %dma_start3A_38 : memref<1x128xi32, #tpu.memory_space<vmem>> -> memref<128xi32, #tpu.memory_space<vmem>>
    %dma_start3A_40 = arith.constant 0 : i32
    %dma_start3A_41 = arith.constant 0 : i32
    %dma_start3A_42 = tpu.memref_slice %arg5[%dma_start3A_40, %dma_start3A_41] : memref<204800x128xf32, #tpu.memory_space<hbm>> -> memref<204800x128xf32, #tpu.memory_space<hbm>>
    tpu.enqueue_indirect_dma source(%dma_start3A_42 : memref<204800x128xf32, #tpu.memory_space<hbm>>) target(%arg13 : memref<128x128xf32, #tpu.memory_space<vmem>>) offsets(%dma_start3A_39 : memref<128xi32, #tpu.memory_space<vmem>>) semaphore(%arg20 : memref<!tpu.dma_semaphore, #tpu.memory_space<semaphore_mem>>)
    %dma_start3A_43 = arith.constant 4 : i32
    %dma_start3A_44 = arith.constant 0 : i32
    %dma_start3A_45 = tpu.memref_slice %arg7[%dma_start3A_43, %dma_start3A_44] : memref<56x128xi32, #tpu.memory_space<vmem>> -> memref<1x128xi32, #tpu.memory_space<vmem>>
    %dma_start3A_46 = tpu.memref_squeeze %dma_start3A_45 : memref<1x128xi32, #tpu.memory_space<vmem>> -> memref<128xi32, #tpu.memory_space<vmem>>
    %dma_start3A_47 = arith.constant 0 : i32
    %dma_start3A_48 = arith.constant 0 : i32
    %dma_start3A_49 = tpu.memref_slice %arg5[%dma_start3A_47, %dma_start3A_48] : memref<204800x128xf32, #tpu.memory_space<hbm>> -> memref<204800x128xf32, #tpu.memory_space<hbm>>
    tpu.enqueue_indirect_dma source(%dma_start3A_49 : memref<204800x128xf32, #tpu.memory_space<hbm>>) target(%arg14 : memref<128x128xf32, #tpu.memory_space<vmem>>) offsets(%dma_start3A_46 : memref<128xi32, #tpu.memory_space<vmem>>) semaphore(%arg21 : memref<!tpu.dma_semaphore, #tpu.memory_space<semaphore_mem>>)
    %dma_start3A_50 = arith.constant 5 : i32
    %dma_start3A_51 = arith.constant 0 : i32
    %dma_start3A_52 = tpu.memref_slice %arg7[%dma_start3A_50, %dma_start3A_51] : memref<56x128xi32, #tpu.memory_space<vmem>> -> memref<1x128xi32, #tpu.memory_space<vmem>>
    %dma_start3A_53 = tpu.memref_squeeze %dma_start3A_52 : memref<1x128xi32, #tpu.memory_space<vmem>> -> memref<128xi32, #tpu.memory_space<vmem>>
    %dma_start3A_54 = arith.constant 0 : i32
    %dma_start3A_55 = arith.constant 0 : i32
    %dma_start3A_56 = tpu.memref_slice %arg5[%dma_start3A_54, %dma_start3A_55] : memref<204800x128xf32, #tpu.memory_space<hbm>> -> memref<204800x128xf32, #tpu.memory_space<hbm>>
    tpu.enqueue_indirect_dma source(%dma_start3A_56 : memref<204800x128xf32, #tpu.memory_space<hbm>>) target(%arg15 : memref<128x128xf32, #tpu.memory_space<vmem>>) offsets(%dma_start3A_53 : memref<128xi32, #tpu.memory_space<vmem>>) semaphore(%arg22 : memref<!tpu.dma_semaphore, #tpu.memory_space<semaphore_mem>>)
    %dma_start3A_57 = arith.constant 6 : i32
    %dma_start3A_58 = arith.constant 0 : i32
    %dma_start3A_59 = tpu.memref_slice %arg7[%dma_start3A_57, %dma_start3A_58] : memref<56x128xi32, #tpu.memory_space<vmem>> -> memref<1x128xi32, #tpu.memory_space<vmem>>
    %dma_start3A_60 = tpu.memref_squeeze %dma_start3A_59 : memref<1x128xi32, #tpu.memory_space<vmem>> -> memref<128xi32, #tpu.memory_space<vmem>>
    %dma_start3A_61 = arith.constant 0 : i32
    %dma_start3A_62 = arith.constant 0 : i32
    %dma_start3A_63 = tpu.memref_slice %arg5[%dma_start3A_61, %dma_start3A_62] : memref<204800x128xf32, #tpu.memory_space<hbm>> -> memref<204800x128xf32, #tpu.memory_space<hbm>>
    tpu.enqueue_indirect_dma source(%dma_start3A_63 : memref<204800x128xf32, #tpu.memory_space<hbm>>) target(%arg16 : memref<128x128xf32, #tpu.memory_space<vmem>>) offsets(%dma_start3A_60 : memref<128xi32, #tpu.memory_space<vmem>>) semaphore(%arg23 : memref<!tpu.dma_semaphore, #tpu.memory_space<semaphore_mem>>)
    %dma_wait3A_64 = arith.constant 0 : i32
    %dma_wait3A_65 = arith.constant 0 : i32
    %dma_wait3A_66 = tpu.memref_slice %arg7[%dma_wait3A_64, %dma_wait3A_65] : memref<56x128xi32, #tpu.memory_space<vmem>> -> memref<1x128xi32, #tpu.memory_space<vmem>>
    %dma_wait3A_67 = tpu.memref_squeeze %dma_wait3A_66 : memref<1x128xi32, #tpu.memory_space<vmem>> -> memref<128xi32, #tpu.memory_space<vmem>>
    %dma_wait3A_68 = arith.constant 0 : i32
    %dma_wait3A_69 = arith.constant 0 : i32
    %dma_wait3A_70 = tpu.memref_slice %arg5[%dma_wait3A_68, %dma_wait3A_69] : memref<204800x128xf32, #tpu.memory_space<hbm>> -> memref<204800x128xf32, #tpu.memory_space<hbm>>
    tpu.wait_indirect_dma semaphore(%arg17 : memref<!tpu.dma_semaphore, #tpu.memory_space<semaphore_mem>>) src(%dma_wait3A_70 : memref<204800x128xf32, #tpu.memory_space<hbm>>) dst(%arg10 : memref<128x128xf32, #tpu.memory_space<vmem>>)
    %add3A_71 = arith.constant 0 : i32
    %add3A_72 = arith.addi %mul3A_2, %add3A_71 : i32
    %jit3A = arith.constant 8 : i32
    %div3A = arith.divsi %add3A_72, %jit3A : i32
    %sign3A = arith.constant 0 : i32
    %sign3A_73 = arith.cmpi sgt, %add3A_72, %sign3A : i32
    %sign3A_74 = arith.extui %sign3A_73 : i1 to i32
    %sign3A_75 = arith.constant 0 : i32
    %sign3A_76 = arith.cmpi slt, %add3A_72, %sign3A_75 : i32
    %sign3A_77 = arith.extui %sign3A_76 : i1 to i32
    %sign3A_78 = arith.subi %sign3A_74, %sign3A_77 : i32
    %sign3A_79 = arith.constant 0 : i32
    %sign3A_80 = arith.cmpi sgt, %jit3A, %sign3A_79 : i32
    %sign3A_81 = arith.extui %sign3A_80 : i1 to i32
    %sign3A_82 = arith.constant 0 : i32
    %sign3A_83 = arith.cmpi slt, %jit3A, %sign3A_82 : i32
    %sign3A_84 = arith.extui %sign3A_83 : i1 to i32
    %sign3A_85 = arith.subi %sign3A_81, %sign3A_84 : i32
    %ne3A = arith.cmpi ne, %sign3A_78, %sign3A_85 : i32
    %rem3A = arith.remsi %add3A_72, %jit3A : i32
    %ne3A_86 = arith.constant 0 : i32
    %ne3A_87 = arith.cmpi ne, %rem3A, %ne3A_86 : i32
    %and3A = arith.andi %ne3A, %ne3A_87 : i1
    %sub3A = arith.constant 1 : i32
    %sub3A_88 = arith.subi %div3A, %sub3A : i32
    %select_n3A = arith.select %and3A, %sub3A_88, %div3A : i32
    %add3A_89 = arith.constant 1 : i32
    %add3A_90 = arith.addi %add3A_89, %select_n3A : i32
    %mul3A_91 = arith.constant 1024 : i32
    %mul3A_92 = arith.muli %add3A_90, %mul3A_91 : i32
    %jit3A_93 = arith.constant 8 : i32
    %eq3A = arith.constant 0 : i32
    %eq3A_94 = arith.cmpi eq, %jit3A_93, %eq3A : i32
    %jit3A_95 = arith.constant 1 : i32
    %select_n3A_96 = arith.select %eq3A_94, %jit3A_95, %jit3A_93 : i32
    %rem3A_97 = arith.remsi %add3A_72, %select_n3A_96 : i32
    %ne3A_98 = arith.constant 0 : i32
    %ne3A_99 = arith.cmpi ne, %rem3A_97, %ne3A_98 : i32
    %lt3A = arith.constant 0 : i32
    %lt3A_100 = arith.cmpi slt, %rem3A_97, %lt3A : i32
    %lt3A_101 = arith.constant 0 : i32
    %lt3A_102 = arith.cmpi slt, %select_n3A_96, %lt3A_101 : i32
    %ne3A_103 = arith.xori %lt3A_100, %lt3A_102 : i1
    %and3A_104 = arith.andi %ne3A_103, %ne3A_99 : i1
    %add3A_105 = arith.addi %rem3A_97, %select_n3A_96 : i32
    %select_n3A_106 = arith.select %and3A_104, %add3A_105, %rem3A_97 : i32
    %mul3A_107 = arith.constant 128 : i32
    %mul3A_108 = arith.muli %select_n3A_106, %mul3A_107 : i32
    %add3A_109 = arith.addi %mul3A_92, %mul3A_108 : i32
    %dma_start3A_110 = arith.constant 0 : i32
    %dma_start3A_111 = tpu.memref_slice %arg6[%add3A_109, %dma_start3A_110] : memref<205824x128xf32, #tpu.memory_space<hbm>> -> memref<128x128xf32, #tpu.memory_space<hbm>>
    %dma_start3A_112 = arith.constant 0 : i32
    %dma_start3A_113 = tpu.memref_slice %arg6[%add3A_109, %dma_start3A_112] : memref<205824x128xf32, #tpu.memory_space<hbm>> -> memref<128x128xf32, #tpu.memory_space<hbm>>
    tpu.enqueue_dma source(%arg10 : memref<128x128xf32, #tpu.memory_space<vmem>>) target(%dma_start3A_113 : memref<128x128xf32, #tpu.memory_space<hbm>>) target_semaphore(%arg24 : memref<!tpu.dma_semaphore, #tpu.memory_space<semaphore_mem>>)
    %dma_wait3A_114 = arith.constant 1 : i32
    %dma_wait3A_115 = arith.constant 0 : i32
    %dma_wait3A_116 = tpu.memref_slice %arg7[%dma_wait3A_114, %dma_wait3A_115] : memref<56x128xi32, #tpu.memory_space<vmem>> -> memref<1x128xi32, #tpu.memory_space<vmem>>
    %dma_wait3A_117 = tpu.memref_squeeze %dma_wait3A_116 : memref<1x128xi32, #tpu.memory_space<vmem>> -> memref<128xi32, #tpu.memory_space<vmem>>
    %dma_wait3A_118 = arith.constant 0 : i32
    %dma_wait3A_119 = arith.constant 0 : i32
    %dma_wait3A_120 = tpu.memref_slice %arg5[%dma_wait3A_118, %dma_wait3A_119] : memref<204800x128xf32, #tpu.memory_space<hbm>> -> memref<204800x128xf32, #tpu.memory_space<hbm>>
    tpu.wait_indirect_dma semaphore(%arg18 : memref<!tpu.dma_semaphore, #tpu.memory_space<semaphore_mem>>) src(%dma_wait3A_120 : memref<204800x128xf32, #tpu.memory_space<hbm>>) dst(%arg11 : memref<128x128xf32, #tpu.memory_space<vmem>>)
    %add3A_121 = arith.constant 1 : i32
    %add3A_122 = arith.addi %mul3A_2, %add3A_121 : i32
    %jit3A_123 = arith.constant 8 : i32
    %div3A_124 = arith.divsi %add3A_122, %jit3A_123 : i32
    %sign3A_125 = arith.constant 0 : i32
    %sign3A_126 = arith.cmpi sgt, %add3A_122, %sign3A_125 : i32
    %sign3A_127 = arith.extui %sign3A_126 : i1 to i32
    %sign3A_128 = arith.constant 0 : i32
    %sign3A_129 = arith.cmpi slt, %add3A_122, %sign3A_128 : i32
    %sign3A_130 = arith.extui %sign3A_129 : i1 to i32
    %sign3A_131 = arith.subi %sign3A_127, %sign3A_130 : i32
    %sign3A_132 = arith.constant 0 : i32
    %sign3A_133 = arith.cmpi sgt, %jit3A_123, %sign3A_132 : i32
    %sign3A_134 = arith.extui %sign3A_133 : i1 to i32
    %sign3A_135 = arith.constant 0 : i32
    %sign3A_136 = arith.cmpi slt, %jit3A_123, %sign3A_135 : i32
    %sign3A_137 = arith.extui %sign3A_136 : i1 to i32
    %sign3A_138 = arith.subi %sign3A_134, %sign3A_137 : i32
    %ne3A_139 = arith.cmpi ne, %sign3A_131, %sign3A_138 : i32
    %rem3A_140 = arith.remsi %add3A_122, %jit3A_123 : i32
    %ne3A_141 = arith.constant 0 : i32
    %ne3A_142 = arith.cmpi ne, %rem3A_140, %ne3A_141 : i32
    %and3A_143 = arith.andi %ne3A_139, %ne3A_142 : i1
    %sub3A_144 = arith.constant 1 : i32
    %sub3A_145 = arith.subi %div3A_124, %sub3A_144 : i32
    %select_n3A_146 = arith.select %and3A_143, %sub3A_145, %div3A_124 : i32
    %add3A_147 = arith.constant 1 : i32
    %add3A_148 = arith.addi %add3A_147, %select_n3A_146 : i32
    %mul3A_149 = arith.constant 1024 : i32
    %mul3A_150 = arith.muli %add3A_148, %mul3A_149 : i32
    %jit3A_151 = arith.constant 8 : i32
    %eq3A_152 = arith.constant 0 : i32
    %eq3A_153 = arith.cmpi eq, %jit3A_151, %eq3A_152 : i32
    %jit3A_154 = arith.constant 1 : i32
    %select_n3A_155 = arith.select %eq3A_153, %jit3A_154, %jit3A_151 : i32
    %rem3A_156 = arith.remsi %add3A_122, %select_n3A_155 : i32
    %ne3A_157 = arith.constant 0 : i32
    %ne3A_158 = arith.cmpi ne, %rem3A_156, %ne3A_157 : i32
    %lt3A_159 = arith.constant 0 : i32
    %lt3A_160 = arith.cmpi slt, %rem3A_156, %lt3A_159 : i32
    %lt3A_161 = arith.constant 0 : i32
    %lt3A_162 = arith.cmpi slt, %select_n3A_155, %lt3A_161 : i32
    %ne3A_163 = arith.xori %lt3A_160, %lt3A_162 : i1
    %and3A_164 = arith.andi %ne3A_163, %ne3A_158 : i1
    %add3A_165 = arith.addi %rem3A_156, %select_n3A_155 : i32
    %select_n3A_166 = arith.select %and3A_164, %add3A_165, %rem3A_156 : i32
    %mul3A_167 = arith.constant 128 : i32
    %mul3A_168 = arith.muli %select_n3A_166, %mul3A_167 : i32
    %add3A_169 = arith.addi %mul3A_150, %mul3A_168 : i32
    %dma_start3A_170 = arith.constant 0 : i32
    %dma_start3A_171 = tpu.memref_slice %arg6[%add3A_169, %dma_start3A_170] : memref<205824x128xf32, #tpu.memory_space<hbm>> -> memref<128x128xf32, #tpu.memory_space<hbm>>
    %dma_start3A_172 = arith.constant 0 : i32
    %dma_start3A_173 = tpu.memref_slice %arg6[%add3A_169, %dma_start3A_172] : memref<205824x128xf32, #tpu.memory_space<hbm>> -> memref<128x128xf32, #tpu.memory_space<hbm>>
    tpu.enqueue_dma source(%arg11 : memref<128x128xf32, #tpu.memory_space<vmem>>) target(%dma_start3A_173 : memref<128x128xf32, #tpu.memory_space<hbm>>) target_semaphore(%arg25 : memref<!tpu.dma_semaphore, #tpu.memory_space<semaphore_mem>>)
    %dma_wait3A_174 = arith.constant 0 : i32
    %dma_wait3A_175 = tpu.memref_slice %arg6[%add3A_109, %dma_wait3A_174] : memref<205824x128xf32, #tpu.memory_space<hbm>> -> memref<128x128xf32, #tpu.memory_space<hbm>>
    %dma_wait3A_176 = arith.constant 0 : i32
    %dma_wait3A_177 = tpu.memref_slice %arg6[%add3A_109, %dma_wait3A_176] : memref<205824x128xf32, #tpu.memory_space<hbm>> -> memref<128x128xf32, #tpu.memory_space<hbm>>
    tpu.wait_dma2 semaphore(%arg24 : memref<!tpu.dma_semaphore, #tpu.memory_space<semaphore_mem>>) src(%arg10 : memref<128x128xf32, #tpu.memory_space<vmem>>) dst(%dma_wait3A_177 : memref<128x128xf32, #tpu.memory_space<hbm>>)
    %dma_start3A_178 = arith.constant 7 : i32
    %dma_start3A_179 = arith.constant 0 : i32
    %dma_start3A_180 = tpu.memref_slice %arg7[%dma_start3A_178, %dma_start3A_179] : memref<56x128xi32, #tpu.memory_space<vmem>> -> memref<1x128xi32, #tpu.memory_space<vmem>>
    %dma_start3A_181 = tpu.memref_squeeze %dma_start3A_180 : memref<1x128xi32, #tpu.memory_space<vmem>> -> memref<128xi32, #tpu.memory_space<vmem>>
    %dma_start3A_182 = arith.constant 0 : i32
    %dma_start3A_183 = arith.constant 0 : i32
    %dma_start3A_184 = tpu.memref_slice %arg5[%dma_start3A_182, %dma_start3A_183] : memref<204800x128xf32, #tpu.memory_space<hbm>> -> memref<204800x128xf32, #tpu.memory_space<hbm>>
    tpu.enqueue_indirect_dma source(%dma_start3A_184 : memref<204800x128xf32, #tpu.memory_space<hbm>>) target(%arg10 : memref<128x128xf32, #tpu.memory_space<vmem>>) offsets(%dma_start3A_181 : memref<128xi32, #tpu.memory_space<vmem>>) semaphore(%arg17 : memref<!tpu.dma_semaphore, #tpu.memory_space<semaphore_mem>>)
    %dma_wait3A_185 = arith.constant 2 : i32
    %dma_wait3A_186 = arith.constant 0 : i32
    %dma_wait3A_187 = tpu.memref_slice %arg7[%dma_wait3A_185, %dma_wait3A_186] : memref<56x128xi32, #tpu.memory_space<vmem>> -> memref<1x128xi32, #tpu.memory_space<vmem>>
    %dma_wait3A_188 = tpu.memref_squeeze %dma_wait3A_187 : memref<1x128xi32, #tpu.memory_space<vmem>> -> memref<128xi32, #tpu.memory_space<vmem>>
    %dma_wait3A_189 = arith.constant 0 : i32
    %dma_wait3A_190 = arith.constant 0 : i32
    %dma_wait3A_191 = tpu.memref_slice %arg5[%dma_wait3A_189, %dma_wait3A_190] : memref<204800x128xf32, #tpu.memory_space<hbm>> -> memref<204800x128xf32, #tpu.memory_space<hbm>>
    tpu.wait_indirect_dma semaphore(%arg19 : memref<!tpu.dma_semaphore, #tpu.memory_space<semaphore_mem>>) src(%dma_wait3A_191 : memref<204800x128xf32, #tpu.memory_space<hbm>>) dst(%arg12 : memref<128x128xf32, #tpu.memory_space<vmem>>)
    %add3A_192 = arith.constant 2 : i32
    %add3A_193 = arith.addi %mul3A_2, %add3A_192 : i32
    %jit3A_194 = arith.constant 8 : i32
    %div3A_195 = arith.divsi %add3A_193, %jit3A_194 : i32
    %sign3A_196 = arith.constant 0 : i32
    %sign3A_197 = arith.cmpi sgt, %add3A_193, %sign3A_196 : i32
    %sign3A_198 = arith.extui %sign3A_197 : i1 to i32
    %sign3A_199 = arith.constant 0 : i32
    %sign3A_200 = arith.cmpi slt, %add3A_193, %sign3A_199 : i32
    %sign3A_201 = arith.extui %sign3A_200 : i1 to i32
    %sign3A_202 = arith.subi %sign3A_198, %sign3A_201 : i32
    %sign3A_203 = arith.constant 0 : i32
    %sign3A_204 = arith.cmpi sgt, %jit3A_194, %sign3A_203 : i32
    %sign3A_205 = arith.extui %sign3A_204 : i1 to i32
    %sign3A_206 = arith.constant 0 : i32
    %sign3A_207 = arith.cmpi slt, %jit3A_194, %sign3A_206 : i32
    %sign3A_208 = arith.extui %sign3A_207 : i1 to i32
    %sign3A_209 = arith.subi %sign3A_205, %sign3A_208 : i32
    %ne3A_210 = arith.cmpi ne, %sign3A_202, %sign3A_209 : i32
    %rem3A_211 = arith.remsi %add3A_193, %jit3A_194 : i32
    %ne3A_212 = arith.constant 0 : i32
    %ne3A_213 = arith.cmpi ne, %rem3A_211, %ne3A_212 : i32
    %and3A_214 = arith.andi %ne3A_210, %ne3A_213 : i1
    %sub3A_215 = arith.constant 1 : i32
    %sub3A_216 = arith.subi %div3A_195, %sub3A_215 : i32
    %select_n3A_217 = arith.select %and3A_214, %sub3A_216, %div3A_195 : i32
    %add3A_218 = arith.constant 1 : i32
    %add3A_219 = arith.addi %add3A_218, %select_n3A_217 : i32
    %mul3A_220 = arith.constant 1024 : i32
    %mul3A_221 = arith.muli %add3A_219, %mul3A_220 : i32
    %jit3A_222 = arith.constant 8 : i32
    %eq3A_223 = arith.constant 0 : i32
    %eq3A_224 = arith.cmpi eq, %jit3A_222, %eq3A_223 : i32
    %jit3A_225 = arith.constant 1 : i32
    %select_n3A_226 = arith.select %eq3A_224, %jit3A_225, %jit3A_222 : i32
    %rem3A_227 = arith.remsi %add3A_193, %select_n3A_226 : i32
    %ne3A_228 = arith.constant 0 : i32
    %ne3A_229 = arith.cmpi ne, %rem3A_227, %ne3A_228 : i32
    %lt3A_230 = arith.constant 0 : i32
    %lt3A_231 = arith.cmpi slt, %rem3A_227, %lt3A_230 : i32
    %lt3A_232 = arith.constant 0 : i32
    %lt3A_233 = arith.cmpi slt, %select_n3A_226, %lt3A_232 : i32
    %ne3A_234 = arith.xori %lt3A_231, %lt3A_233 : i1
    %and3A_235 = arith.andi %ne3A_234, %ne3A_229 : i1
    %add3A_236 = arith.addi %rem3A_227, %select_n3A_226 : i32
    %select_n3A_237 = arith.select %and3A_235, %add3A_236, %rem3A_227 : i32
    %mul3A_238 = arith.constant 128 : i32
    %mul3A_239 = arith.muli %select_n3A_237, %mul3A_238 : i32
    %add3A_240 = arith.addi %mul3A_221, %mul3A_239 : i32
    %dma_start3A_241 = arith.constant 0 : i32
    %dma_start3A_242 = tpu.memref_slice %arg6[%add3A_240, %dma_start3A_241] : memref<205824x128xf32, #tpu.memory_space<hbm>> -> memref<128x128xf32, #tpu.memory_space<hbm>>
    %dma_start3A_243 = arith.constant 0 : i32
    %dma_start3A_244 = tpu.memref_slice %arg6[%add3A_240, %dma_start3A_243] : memref<205824x128xf32, #tpu.memory_space<hbm>> -> memref<128x128xf32, #tpu.memory_space<hbm>>
    tpu.enqueue_dma source(%arg12 : memref<128x128xf32, #tpu.memory_space<vmem>>) target(%dma_start3A_244 : memref<128x128xf32, #tpu.memory_space<hbm>>) target_semaphore(%arg26 : memref<!tpu.dma_semaphore, #tpu.memory_space<semaphore_mem>>)
    %dma_wait3A_245 = arith.constant 0 : i32
    %dma_wait3A_246 = tpu.memref_slice %arg6[%add3A_169, %dma_wait3A_245] : memref<205824x128xf32, #tpu.memory_space<hbm>> -> memref<128x128xf32, #tpu.memory_space<hbm>>
    %dma_wait3A_247 = arith.constant 0 : i32
    %dma_wait3A_248 = tpu.memref_slice %arg6[%add3A_169, %dma_wait3A_247] : memref<205824x128xf32, #tpu.memory_space<hbm>> -> memref<128x128xf32, #tpu.memory_space<hbm>>
    tpu.wait_dma2 semaphore(%arg25 : memref<!tpu.dma_semaphore, #tpu.memory_space<semaphore_mem>>) src(%arg11 : memref<128x128xf32, #tpu.memory_space<vmem>>) dst(%dma_wait3A_248 : memref<128x128xf32, #tpu.memory_space<hbm>>)
    %dma_start3A_249 = arith.constant 8 : i32
    %dma_start3A_250 = arith.constant 0 : i32
    %dma_start3A_251 = tpu.memref_slice %arg7[%dma_start3A_249, %dma_start3A_250] : memref<56x128xi32, #tpu.memory_space<vmem>> -> memref<1x128xi32, #tpu.memory_space<vmem>>
    %dma_start3A_252 = tpu.memref_squeeze %dma_start3A_251 : memref<1x128xi32, #tpu.memory_space<vmem>> -> memref<128xi32, #tpu.memory_space<vmem>>
    %dma_start3A_253 = arith.constant 0 : i32
    %dma_start3A_254 = arith.constant 0 : i32
    %dma_start3A_255 = tpu.memref_slice %arg5[%dma_start3A_253, %dma_start3A_254] : memref<204800x128xf32, #tpu.memory_space<hbm>> -> memref<204800x128xf32, #tpu.memory_space<hbm>>
    tpu.enqueue_indirect_dma source(%dma_start3A_255 : memref<204800x128xf32, #tpu.memory_space<hbm>>) target(%arg11 : memref<128x128xf32, #tpu.memory_space<vmem>>) offsets(%dma_start3A_252 : memref<128xi32, #tpu.memory_space<vmem>>) semaphore(%arg18 : memref<!tpu.dma_semaphore, #tpu.memory_space<semaphore_mem>>)
    %dma_wait3A_256 = arith.constant 3 : i32
    %dma_wait3A_257 = arith.constant 0 : i32
    %dma_wait3A_258 = tpu.memref_slice %arg7[%dma_wait3A_256, %dma_wait3A_257] : memref<56x128xi32, #tpu.memory_space<vmem>> -> memref<1x128xi32, #tpu.memory_space<vmem>>
    %dma_wait3A_259 = tpu.memref_squeeze %dma_wait3A_258 : memref<1x128xi32, #tpu.memory_space<vmem>> -> memref<128xi32, #tpu.memory_space<vmem>>
    %dma_wait3A_260 = arith.constant 0 : i32
    %dma_wait3A_261 = arith.constant 0 : i32
    %dma_wait3A_262 = tpu.memref_slice %arg5[%dma_wait3A_260, %dma_wait3A_261] : memref<204800x128xf32, #tpu.memory_space<hbm>> -> memref<204800x128xf32, #tpu.memory_space<hbm>>
    tpu.wait_indirect_dma semaphore(%arg20 : memref<!tpu.dma_semaphore, #tpu.memory_space<semaphore_mem>>) src(%dma_wait3A_262 : memref<204800x128xf32, #tpu.memory_space<hbm>>) dst(%arg13 : memref<128x128xf32, #tpu.memory_space<vmem>>)
    %add3A_263 = arith.constant 3 : i32
    %add3A_264 = arith.addi %mul3A_2, %add3A_263 : i32
    %jit3A_265 = arith.constant 8 : i32
    %div3A_266 = arith.divsi %add3A_264, %jit3A_265 : i32
    %sign3A_267 = arith.constant 0 : i32
    %sign3A_268 = arith.cmpi sgt, %add3A_264, %sign3A_267 : i32
    %sign3A_269 = arith.extui %sign3A_268 : i1 to i32
    %sign3A_270 = arith.constant 0 : i32
    %sign3A_271 = arith.cmpi slt, %add3A_264, %sign3A_270 : i32
    %sign3A_272 = arith.extui %sign3A_271 : i1 to i32
    %sign3A_273 = arith.subi %sign3A_269, %sign3A_272 : i32
    %sign3A_274 = arith.constant 0 : i32
    %sign3A_275 = arith.cmpi sgt, %jit3A_265, %sign3A_274 : i32
    %sign3A_276 = arith.extui %sign3A_275 : i1 to i32
    %sign3A_277 = arith.constant 0 : i32
    %sign3A_278 = arith.cmpi slt, %jit3A_265, %sign3A_277 : i32
    %sign3A_279 = arith.extui %sign3A_278 : i1 to i32
    %sign3A_280 = arith.subi %sign3A_276, %sign3A_279 : i32
    %ne3A_281 = arith.cmpi ne, %sign3A_273, %sign3A_280 : i32
    %rem3A_282 = arith.remsi %add3A_264, %jit3A_265 : i32
    %ne3A_283 = arith.constant 0 : i32
    %ne3A_284 = arith.cmpi ne, %rem3A_282, %ne3A_283 : i32
    %and3A_285 = arith.andi %ne3A_281, %ne3A_284 : i1
    %sub3A_286 = arith.constant 1 : i32
    %sub3A_287 = arith.subi %div3A_266, %sub3A_286 : i32
    %select_n3A_288 = arith.select %and3A_285, %sub3A_287, %div3A_266 : i32
    %add3A_289 = arith.constant 1 : i32
    %add3A_290 = arith.addi %add3A_289, %select_n3A_288 : i32
    %mul3A_291 = arith.constant 1024 : i32
    %mul3A_292 = arith.muli %add3A_290, %mul3A_291 : i32
    %jit3A_293 = arith.constant 8 : i32
    %eq3A_294 = arith.constant 0 : i32
    %eq3A_295 = arith.cmpi eq, %jit3A_293, %eq3A_294 : i32
    %jit3A_296 = arith.constant 1 : i32
    %select_n3A_297 = arith.select %eq3A_295, %jit3A_296, %jit3A_293 : i32
    %rem3A_298 = arith.remsi %add3A_264, %select_n3A_297 : i32
    %ne3A_299 = arith.constant 0 : i32
    %ne3A_300 = arith.cmpi ne, %rem3A_298, %ne3A_299 : i32
    %lt3A_301 = arith.constant 0 : i32
    %lt3A_302 = arith.cmpi slt, %rem3A_298, %lt3A_301 : i32
    %lt3A_303 = arith.constant 0 : i32
    %lt3A_304 = arith.cmpi slt, %select_n3A_297, %lt3A_303 : i32
    %ne3A_305 = arith.xori %lt3A_302, %lt3A_304 : i1
    %and3A_306 = arith.andi %ne3A_305, %ne3A_300 : i1
    %add3A_307 = arith.addi %rem3A_298, %select_n3A_297 : i32
    %select_n3A_308 = arith.select %and3A_306, %add3A_307, %rem3A_298 : i32
    %mul3A_309 = arith.constant 128 : i32
    %mul3A_310 = arith.muli %select_n3A_308, %mul3A_309 : i32
    %add3A_311 = arith.addi %mul3A_292, %mul3A_310 : i32
    %dma_start3A_312 = arith.constant 0 : i32
    %dma_start3A_313 = tpu.memref_slice %arg6[%add3A_311, %dma_start3A_312] : memref<205824x128xf32, #tpu.memory_space<hbm>> -> memref<128x128xf32, #tpu.memory_space<hbm>>
    %dma_start3A_314 = arith.constant 0 : i32
    %dma_start3A_315 = tpu.memref_slice %arg6[%add3A_311, %dma_start3A_314] : memref<205824x128xf32, #tpu.memory_space<hbm>> -> memref<128x128xf32, #tpu.memory_space<hbm>>
    tpu.enqueue_dma source(%arg13 : memref<128x128xf32, #tpu.memory_space<vmem>>) target(%dma_start3A_315 : memref<128x128xf32, #tpu.memory_space<hbm>>) target_semaphore(%arg27 : memref<!tpu.dma_semaphore, #tpu.memory_space<semaphore_mem>>)
    %dma_wait3A_316 = arith.constant 0 : i32
    %dma_wait3A_317 = tpu.memref_slice %arg6[%add3A_240, %dma_wait3A_316] : memref<205824x128xf32, #tpu.memory_space<hbm>> -> memref<128x128xf32, #tpu.memory_space<hbm>>
    %dma_wait3A_318 = arith.constant 0 : i32
    %dma_wait3A_319 = tpu.memref_slice %arg6[%add3A_240, %dma_wait3A_318] : memref<205824x128xf32, #tpu.memory_space<hbm>> -> memref<128x128xf32, #tpu.memory_space<hbm>>
    tpu.wait_dma2 semaphore(%arg26 : memref<!tpu.dma_semaphore, #tpu.memory_space<semaphore_mem>>) src(%arg12 : memref<128x128xf32, #tpu.memory_space<vmem>>) dst(%dma_wait3A_319 : memref<128x128xf32, #tpu.memory_space<hbm>>)
    %dma_start3A_320 = arith.constant 9 : i32
    %dma_start3A_321 = arith.constant 0 : i32
    %dma_start3A_322 = tpu.memref_slice %arg7[%dma_start3A_320, %dma_start3A_321] : memref<56x128xi32, #tpu.memory_space<vmem>> -> memref<1x128xi32, #tpu.memory_space<vmem>>
    %dma_start3A_323 = tpu.memref_squeeze %dma_start3A_322 : memref<1x128xi32, #tpu.memory_space<vmem>> -> memref<128xi32, #tpu.memory_space<vmem>>
    %dma_start3A_324 = arith.constant 0 : i32
    %dma_start3A_325 = arith.constant 0 : i32
    %dma_start3A_326 = tpu.memref_slice %arg5[%dma_start3A_324, %dma_start3A_325] : memref<204800x128xf32, #tpu.memory_space<hbm>> -> memref<204800x128xf32, #tpu.memory_space<hbm>>
    tpu.enqueue_indirect_dma source(%dma_start3A_326 : memref<204800x128xf32, #tpu.memory_space<hbm>>) target(%arg12 : memref<128x128xf32, #tpu.memory_space<vmem>>) offsets(%dma_start3A_323 : memref<128xi32, #tpu.memory_space<vmem>>) semaphore(%arg19 : memref<!tpu.dma_semaphore, #tpu.memory_space<semaphore_mem>>)
    %dma_wait3A_327 = arith.constant 4 : i32
    %dma_wait3A_328 = arith.constant 0 : i32
    %dma_wait3A_329 = tpu.memref_slice %arg7[%dma_wait3A_327, %dma_wait3A_328] : memref<56x128xi32, #tpu.memory_space<vmem>> -> memref<1x128xi32, #tpu.memory_space<vmem>>
    %dma_wait3A_330 = tpu.memref_squeeze %dma_wait3A_329 : memref<1x128xi32, #tpu.memory_space<vmem>> -> memref<128xi32, #tpu.memory_space<vmem>>
    %dma_wait3A_331 = arith.constant 0 : i32
    %dma_wait3A_332 = arith.constant 0 : i32
    %dma_wait3A_333 = tpu.memref_slice %arg5[%dma_wait3A_331, %dma_wait3A_332] : memref<204800x128xf32, #tpu.memory_space<hbm>> -> memref<204800x128xf32, #tpu.memory_space<hbm>>
    tpu.wait_indirect_dma semaphore(%arg21 : memref<!tpu.dma_semaphore, #tpu.memory_space<semaphore_mem>>) src(%dma_wait3A_333 : memref<204800x128xf32, #tpu.memory_space<hbm>>) dst(%arg14 : memref<128x128xf32, #tpu.memory_space<vmem>>)
    %add3A_334 = arith.constant 4 : i32
    %add3A_335 = arith.addi %mul3A_2, %add3A_334 : i32
    %jit3A_336 = arith.constant 8 : i32
    %div3A_337 = arith.divsi %add3A_335, %jit3A_336 : i32
    %sign3A_338 = arith.constant 0 : i32
    %sign3A_339 = arith.cmpi sgt, %add3A_335, %sign3A_338 : i32
    %sign3A_340 = arith.extui %sign3A_339 : i1 to i32
    %sign3A_341 = arith.constant 0 : i32
    %sign3A_342 = arith.cmpi slt, %add3A_335, %sign3A_341 : i32
    %sign3A_343 = arith.extui %sign3A_342 : i1 to i32
    %sign3A_344 = arith.subi %sign3A_340, %sign3A_343 : i32
    %sign3A_345 = arith.constant 0 : i32
    %sign3A_346 = arith.cmpi sgt, %jit3A_336, %sign3A_345 : i32
    %sign3A_347 = arith.extui %sign3A_346 : i1 to i32
    %sign3A_348 = arith.constant 0 : i32
    %sign3A_349 = arith.cmpi slt, %jit3A_336, %sign3A_348 : i32
    %sign3A_350 = arith.extui %sign3A_349 : i1 to i32
    %sign3A_351 = arith.subi %sign3A_347, %sign3A_350 : i32
    %ne3A_352 = arith.cmpi ne, %sign3A_344, %sign3A_351 : i32
    %rem3A_353 = arith.remsi %add3A_335, %jit3A_336 : i32
    %ne3A_354 = arith.constant 0 : i32
    %ne3A_355 = arith.cmpi ne, %rem3A_353, %ne3A_354 : i32
    %and3A_356 = arith.andi %ne3A_352, %ne3A_355 : i1
    %sub3A_357 = arith.constant 1 : i32
    %sub3A_358 = arith.subi %div3A_337, %sub3A_357 : i32
    %select_n3A_359 = arith.select %and3A_356, %sub3A_358, %div3A_337 : i32
    %add3A_360 = arith.constant 1 : i32
    %add3A_361 = arith.addi %add3A_360, %select_n3A_359 : i32
    %mul3A_362 = arith.constant 1024 : i32
    %mul3A_363 = arith.muli %add3A_361, %mul3A_362 : i32
    %jit3A_364 = arith.constant 8 : i32
    %eq3A_365 = arith.constant 0 : i32
    %eq3A_366 = arith.cmpi eq, %jit3A_364, %eq3A_365 : i32
    %jit3A_367 = arith.constant 1 : i32
    %select_n3A_368 = arith.select %eq3A_366, %jit3A_367, %jit3A_364 : i32
    %rem3A_369 = arith.remsi %add3A_335, %select_n3A_368 : i32
    %ne3A_370 = arith.constant 0 : i32
    %ne3A_371 = arith.cmpi ne, %rem3A_369, %ne3A_370 : i32
    %lt3A_372 = arith.constant 0 : i32
    %lt3A_373 = arith.cmpi slt, %rem3A_369, %lt3A_372 : i32
    %lt3A_374 = arith.constant 0 : i32
    %lt3A_375 = arith.cmpi slt, %select_n3A_368, %lt3A_374 : i32
    %ne3A_376 = arith.xori %lt3A_373, %lt3A_375 : i1
    %and3A_377 = arith.andi %ne3A_376, %ne3A_371 : i1
    %add3A_378 = arith.addi %rem3A_369, %select_n3A_368 : i32
    %select_n3A_379 = arith.select %and3A_377, %add3A_378, %rem3A_369 : i32
    %mul3A_380 = arith.constant 128 : i32
    %mul3A_381 = arith.muli %select_n3A_379, %mul3A_380 : i32
    %add3A_382 = arith.addi %mul3A_363, %mul3A_381 : i32
    %dma_start3A_383 = arith.constant 0 : i32
    %dma_start3A_384 = tpu.memref_slice %arg6[%add3A_382, %dma_start3A_383] : memref<205824x128xf32, #tpu.memory_space<hbm>> -> memref<128x128xf32, #tpu.memory_space<hbm>>
    %dma_start3A_385 = arith.constant 0 : i32
    %dma_start3A_386 = tpu.memref_slice %arg6[%add3A_382, %dma_start3A_385] : memref<205824x128xf32, #tpu.memory_space<hbm>> -> memref<128x128xf32, #tpu.memory_space<hbm>>
    tpu.enqueue_dma source(%arg14 : memref<128x128xf32, #tpu.memory_space<vmem>>) target(%dma_start3A_386 : memref<128x128xf32, #tpu.memory_space<hbm>>) target_semaphore(%arg28 : memref<!tpu.dma_semaphore, #tpu.memory_space<semaphore_mem>>)
    %dma_wait3A_387 = arith.constant 0 : i32
    %dma_wait3A_388 = tpu.memref_slice %arg6[%add3A_311, %dma_wait3A_387] : memref<205824x128xf32, #tpu.memory_space<hbm>> -> memref<128x128xf32, #tpu.memory_space<hbm>>
    %dma_wait3A_389 = arith.constant 0 : i32
    %dma_wait3A_390 = tpu.memref_slice %arg6[%add3A_311, %dma_wait3A_389] : memref<205824x128xf32, #tpu.memory_space<hbm>> -> memref<128x128xf32, #tpu.memory_space<hbm>>
    tpu.wait_dma2 semaphore(%arg27 : memref<!tpu.dma_semaphore, #tpu.memory_space<semaphore_mem>>) src(%arg13 : memref<128x128xf32, #tpu.memory_space<vmem>>) dst(%dma_wait3A_390 : memref<128x128xf32, #tpu.memory_space<hbm>>)
    %dma_start3A_391 = arith.constant 10 : i32
    %dma_start3A_392 = arith.constant 0 : i32
    %dma_start3A_393 = tpu.memref_slice %arg7[%dma_start3A_391, %dma_start3A_392] : memref<56x128xi32, #tpu.memory_space<vmem>> -> memref<1x128xi32, #tpu.memory_space<vmem>>
    %dma_start3A_394 = tpu.memref_squeeze %dma_start3A_393 : memref<1x128xi32, #tpu.memory_space<vmem>> -> memref<128xi32, #tpu.memory_space<vmem>>
    %dma_start3A_395 = arith.constant 0 : i32
    %dma_start3A_396 = arith.constant 0 : i32
    %dma_start3A_397 = tpu.memref_slice %arg5[%dma_start3A_395, %dma_start3A_396] : memref<204800x128xf32, #tpu.memory_space<hbm>> -> memref<204800x128xf32, #tpu.memory_space<hbm>>
    tpu.enqueue_indirect_dma source(%dma_start3A_397 : memref<204800x128xf32, #tpu.memory_space<hbm>>) target(%arg13 : memref<128x128xf32, #tpu.memory_space<vmem>>) offsets(%dma_start3A_394 : memref<128xi32, #tpu.memory_space<vmem>>) semaphore(%arg20 : memref<!tpu.dma_semaphore, #tpu.memory_space<semaphore_mem>>)
    %dma_wait3A_398 = arith.constant 5 : i32
    %dma_wait3A_399 = arith.constant 0 : i32
    %dma_wait3A_400 = tpu.memref_slice %arg7[%dma_wait3A_398, %dma_wait3A_399] : memref<56x128xi32, #tpu.memory_space<vmem>> -> memref<1x128xi32, #tpu.memory_space<vmem>>
    %dma_wait3A_401 = tpu.memref_squeeze %dma_wait3A_400 : memref<1x128xi32, #tpu.memory_space<vmem>> -> memref<128xi32, #tpu.memory_space<vmem>>
    %dma_wait3A_402 = arith.constant 0 : i32
    %dma_wait3A_403 = arith.constant 0 : i32
    %dma_wait3A_404 = tpu.memref_slice %arg5[%dma_wait3A_402, %dma_wait3A_403] : memref<204800x128xf32, #tpu.memory_space<hbm>> -> memref<204800x128xf32, #tpu.memory_space<hbm>>
    tpu.wait_indirect_dma semaphore(%arg22 : memref<!tpu.dma_semaphore, #tpu.memory_space<semaphore_mem>>) src(%dma_wait3A_404 : memref<204800x128xf32, #tpu.memory_space<hbm>>) dst(%arg15 : memref<128x128xf32, #tpu.memory_space<vmem>>)
    %add3A_405 = arith.constant 5 : i32
    %add3A_406 = arith.addi %mul3A_2, %add3A_405 : i32
    %jit3A_407 = arith.constant 8 : i32
    %div3A_408 = arith.divsi %add3A_406, %jit3A_407 : i32
    %sign3A_409 = arith.constant 0 : i32
    %sign3A_410 = arith.cmpi sgt, %add3A_406, %sign3A_409 : i32
    %sign3A_411 = arith.extui %sign3A_410 : i1 to i32
    %sign3A_412 = arith.constant 0 : i32
    %sign3A_413 = arith.cmpi slt, %add3A_406, %sign3A_412 : i32
    %sign3A_414 = arith.extui %sign3A_413 : i1 to i32
    %sign3A_415 = arith.subi %sign3A_411, %sign3A_414 : i32
    %sign3A_416 = arith.constant 0 : i32
    %sign3A_417 = arith.cmpi sgt, %jit3A_407, %sign3A_416 : i32
    %sign3A_418 = arith.extui %sign3A_417 : i1 to i32
    %sign3A_419 = arith.constant 0 : i32
    %sign3A_420 = arith.cmpi slt, %jit3A_407, %sign3A_419 : i32
    %sign3A_421 = arith.extui %sign3A_420 : i1 to i32
    %sign3A_422 = arith.subi %sign3A_418, %sign3A_421 : i32
    %ne3A_423 = arith.cmpi ne, %sign3A_415, %sign3A_422 : i32
    %rem3A_424 = arith.remsi %add3A_406, %jit3A_407 : i32
    %ne3A_425 = arith.constant 0 : i32
    %ne3A_426 = arith.cmpi ne, %rem3A_424, %ne3A_425 : i32
    %and3A_427 = arith.andi %ne3A_423, %ne3A_426 : i1
    %sub3A_428 = arith.constant 1 : i32
    %sub3A_429 = arith.subi %div3A_408, %sub3A_428 : i32
    %select_n3A_430 = arith.select %and3A_427, %sub3A_429, %div3A_408 : i32
    %add3A_431 = arith.constant 1 : i32
    %add3A_432 = arith.addi %add3A_431, %select_n3A_430 : i32
    %mul3A_433 = arith.constant 1024 : i32
    %mul3A_434 = arith.muli %add3A_432, %mul3A_433 : i32
    %jit3A_435 = arith.constant 8 : i32
    %eq3A_436 = arith.constant 0 : i32
    %eq3A_437 = arith.cmpi eq, %jit3A_435, %eq3A_436 : i32
    %jit3A_438 = arith.constant 1 : i32
    %select_n3A_439 = arith.select %eq3A_437, %jit3A_438, %jit3A_435 : i32
    %rem3A_440 = arith.remsi %add3A_406, %select_n3A_439 : i32
    %ne3A_441 = arith.constant 0 : i32
    %ne3A_442 = arith.cmpi ne, %rem3A_440, %ne3A_441 : i32
    %lt3A_443 = arith.constant 0 : i32
    %lt3A_444 = arith.cmpi slt, %rem3A_440, %lt3A_443 : i32
    %lt3A_445 = arith.constant 0 : i32
    %lt3A_446 = arith.cmpi slt, %select_n3A_439, %lt3A_445 : i32
    %ne3A_447 = arith.xori %lt3A_444, %lt3A_446 : i1
    %and3A_448 = arith.andi %ne3A_447, %ne3A_442 : i1
    %add3A_449 = arith.addi %rem3A_440, %select_n3A_439 : i32
    %select_n3A_450 = arith.select %and3A_448, %add3A_449, %rem3A_440 : i32
    %mul3A_451 = arith.constant 128 : i32
    %mul3A_452 = arith.muli %select_n3A_450, %mul3A_451 : i32
    %add3A_453 = arith.addi %mul3A_434, %mul3A_452 : i32
    %dma_start3A_454 = arith.constant 0 : i32
    %dma_start3A_455 = tpu.memref_slice %arg6[%add3A_453, %dma_start3A_454] : memref<205824x128xf32, #tpu.memory_space<hbm>> -> memref<128x128xf32, #tpu.memory_space<hbm>>
    %dma_start3A_456 = arith.constant 0 : i32
    %dma_start3A_457 = tpu.memref_slice %arg6[%add3A_453, %dma_start3A_456] : memref<205824x128xf32, #tpu.memory_space<hbm>> -> memref<128x128xf32, #tpu.memory_space<hbm>>
    tpu.enqueue_dma source(%arg15 : memref<128x128xf32, #tpu.memory_space<vmem>>) target(%dma_start3A_457 : memref<128x128xf32, #tpu.memory_space<hbm>>) target_semaphore(%arg29 : memref<!tpu.dma_semaphore, #tpu.memory_space<semaphore_mem>>)
    %dma_wait3A_458 = arith.constant 0 : i32
    %dma_wait3A_459 = tpu.memref_slice %arg6[%add3A_382, %dma_wait3A_458] : memref<205824x128xf32, #tpu.memory_space<hbm>> -> memref<128x128xf32, #tpu.memory_space<hbm>>
    %dma_wait3A_460 = arith.constant 0 : i32
    %dma_wait3A_461 = tpu.memref_slice %arg6[%add3A_382, %dma_wait3A_460] : memref<205824x128xf32, #tpu.memory_space<hbm>> -> memref<128x128xf32, #tpu.memory_space<hbm>>
    tpu.wait_dma2 semaphore(%arg28 : memref<!tpu.dma_semaphore, #tpu.memory_space<semaphore_mem>>) src(%arg14 : memref<128x128xf32, #tpu.memory_space<vmem>>) dst(%dma_wait3A_461 : memref<128x128xf32, #tpu.memory_space<hbm>>)
    %dma_start3A_462 = arith.constant 11 : i32
    %dma_start3A_463 = arith.constant 0 : i32
    %dma_start3A_464 = tpu.memref_slice %arg7[%dma_start3A_462, %dma_start3A_463] : memref<56x128xi32, #tpu.memory_space<vmem>> -> memref<1x128xi32, #tpu.memory_space<vmem>>
    %dma_start3A_465 = tpu.memref_squeeze %dma_start3A_464 : memref<1x128xi32, #tpu.memory_space<vmem>> -> memref<128xi32, #tpu.memory_space<vmem>>
    %dma_start3A_466 = arith.constant 0 : i32
    %dma_start3A_467 = arith.constant 0 : i32
    %dma_start3A_468 = tpu.memref_slice %arg5[%dma_start3A_466, %dma_start3A_467] : memref<204800x128xf32, #tpu.memory_space<hbm>> -> memref<204800x128xf32, #tpu.memory_space<hbm>>
    tpu.enqueue_indirect_dma source(%dma_start3A_468 : memref<204800x128xf32, #tpu.memory_space<hbm>>) target(%arg14 : memref<128x128xf32, #tpu.memory_space<vmem>>) offsets(%dma_start3A_465 : memref<128xi32, #tpu.memory_space<vmem>>) semaphore(%arg21 : memref<!tpu.dma_semaphore, #tpu.memory_space<semaphore_mem>>)
    %dma_wait3A_469 = arith.constant 6 : i32
    %dma_wait3A_470 = arith.constant 0 : i32
    %dma_wait3A_471 = tpu.memref_slice %arg7[%dma_wait3A_469, %dma_wait3A_470] : memref<56x128xi32, #tpu.memory_space<vmem>> -> memref<1x128xi32, #tpu.memory_space<vmem>>
    %dma_wait3A_472 = tpu.memref_squeeze %dma_wait3A_471 : memref<1x128xi32, #tpu.memory_space<vmem>> -> memref<128xi32, #tpu.memory_space<vmem>>
    %dma_wait3A_473 = arith.constant 0 : i32
    %dma_wait3A_474 = arith.constant 0 : i32
    %dma_wait3A_475 = tpu.memref_slice %arg5[%dma_wait3A_473, %dma_wait3A_474] : memref<204800x128xf32, #tpu.memory_space<hbm>> -> memref<204800x128xf32, #tpu.memory_space<hbm>>
    tpu.wait_indirect_dma semaphore(%arg23 : memref<!tpu.dma_semaphore, #tpu.memory_space<semaphore_mem>>) src(%dma_wait3A_475 : memref<204800x128xf32, #tpu.memory_space<hbm>>) dst(%arg16 : memref<128x128xf32, #tpu.memory_space<vmem>>)
    %add3A_476 = arith.constant 6 : i32
    %add3A_477 = arith.addi %mul3A_2, %add3A_476 : i32
    %jit3A_478 = arith.constant 8 : i32
    %div3A_479 = arith.divsi %add3A_477, %jit3A_478 : i32
    %sign3A_480 = arith.constant 0 : i32
    %sign3A_481 = arith.cmpi sgt, %add3A_477, %sign3A_480 : i32
    %sign3A_482 = arith.extui %sign3A_481 : i1 to i32
    %sign3A_483 = arith.constant 0 : i32
    %sign3A_484 = arith.cmpi slt, %add3A_477, %sign3A_483 : i32
    %sign3A_485 = arith.extui %sign3A_484 : i1 to i32
    %sign3A_486 = arith.subi %sign3A_482, %sign3A_485 : i32
    %sign3A_487 = arith.constant 0 : i32
    %sign3A_488 = arith.cmpi sgt, %jit3A_478, %sign3A_487 : i32
    %sign3A_489 = arith.extui %sign3A_488 : i1 to i32
    %sign3A_490 = arith.constant 0 : i32
    %sign3A_491 = arith.cmpi slt, %jit3A_478, %sign3A_490 : i32
    %sign3A_492 = arith.extui %sign3A_491 : i1 to i32
    %sign3A_493 = arith.subi %sign3A_489, %sign3A_492 : i32
    %ne3A_494 = arith.cmpi ne, %sign3A_486, %sign3A_493 : i32
    %rem3A_495 = arith.remsi %add3A_477, %jit3A_478 : i32
    %ne3A_496 = arith.constant 0 : i32
    %ne3A_497 = arith.cmpi ne, %rem3A_495, %ne3A_496 : i32
    %and3A_498 = arith.andi %ne3A_494, %ne3A_497 : i1
    %sub3A_499 = arith.constant 1 : i32
    %sub3A_500 = arith.subi %div3A_479, %sub3A_499 : i32
    %select_n3A_501 = arith.select %and3A_498, %sub3A_500, %div3A_479 : i32
    %add3A_502 = arith.constant 1 : i32
    %add3A_503 = arith.addi %add3A_502, %select_n3A_501 : i32
    %mul3A_504 = arith.constant 1024 : i32
    %mul3A_505 = arith.muli %add3A_503, %mul3A_504 : i32
    %jit3A_506 = arith.constant 8 : i32
    %eq3A_507 = arith.constant 0 : i32
    %eq3A_508 = arith.cmpi eq, %jit3A_506, %eq3A_507 : i32
    %jit3A_509 = arith.constant 1 : i32
    %select_n3A_510 = arith.select %eq3A_508, %jit3A_509, %jit3A_506 : i32
    %rem3A_511 = arith.remsi %add3A_477, %select_n3A_510 : i32
    %ne3A_512 = arith.constant 0 : i32
    %ne3A_513 = arith.cmpi ne, %rem3A_511, %ne3A_512 : i32
    %lt3A_514 = arith.constant 0 : i32
    %lt3A_515 = arith.cmpi slt, %rem3A_511, %lt3A_514 : i32
    %lt3A_516 = arith.constant 0 : i32
    %lt3A_517 = arith.cmpi slt, %select_n3A_510, %lt3A_516 : i32
    %ne3A_518 = arith.xori %lt3A_515, %lt3A_517 : i1
    %and3A_519 = arith.andi %ne3A_518, %ne3A_513 : i1
    %add3A_520 = arith.addi %rem3A_511, %select_n3A_510 : i32
    %select_n3A_521 = arith.select %and3A_519, %add3A_520, %rem3A_511 : i32
    %mul3A_522 = arith.constant 128 : i32
    %mul3A_523 = arith.muli %select_n3A_521, %mul3A_522 : i32
    %add3A_524 = arith.addi %mul3A_505, %mul3A_523 : i32
    %dma_start3A_525 = arith.constant 0 : i32
    %dma_start3A_526 = tpu.memref_slice %arg6[%add3A_524, %dma_start3A_525] : memref<205824x128xf32, #tpu.memory_space<hbm>> -> memref<128x128xf32, #tpu.memory_space<hbm>>
    %dma_start3A_527 = arith.constant 0 : i32
    %dma_start3A_528 = tpu.memref_slice %arg6[%add3A_524, %dma_start3A_527] : memref<205824x128xf32, #tpu.memory_space<hbm>> -> memref<128x128xf32, #tpu.memory_space<hbm>>
    tpu.enqueue_dma source(%arg16 : memref<128x128xf32, #tpu.memory_space<vmem>>) target(%dma_start3A_528 : memref<128x128xf32, #tpu.memory_space<hbm>>) target_semaphore(%arg30 : memref<!tpu.dma_semaphore, #tpu.memory_space<semaphore_mem>>)
    %dma_wait3A_529 = arith.constant 0 : i32
    %dma_wait3A_530 = tpu.memref_slice %arg6[%add3A_453, %dma_wait3A_529] : memref<205824x128xf32, #tpu.memory_space<hbm>> -> memref<128x128xf32, #tpu.memory_space<hbm>>
    %dma_wait3A_531 = arith.constant 0 : i32
    %dma_wait3A_532 = tpu.memref_slice %arg6[%add3A_453, %dma_wait3A_531] : memref<205824x128xf32, #tpu.memory_space<hbm>> -> memref<128x128xf32, #tpu.memory_space<hbm>>
    tpu.wait_dma2 semaphore(%arg29 : memref<!tpu.dma_semaphore, #tpu.memory_space<semaphore_mem>>) src(%arg15 : memref<128x128xf32, #tpu.memory_space<vmem>>) dst(%dma_wait3A_532 : memref<128x128xf32, #tpu.memory_space<hbm>>)
    %dma_start3A_533 = arith.constant 12 : i32
    %dma_start3A_534 = arith.constant 0 : i32
    %dma_start3A_535 = tpu.memref_slice %arg7[%dma_start3A_533, %dma_start3A_534] : memref<56x128xi32, #tpu.memory_space<vmem>> -> memref<1x128xi32, #tpu.memory_space<vmem>>
    %dma_start3A_536 = tpu.memref_squeeze %dma_start3A_535 : memref<1x128xi32, #tpu.memory_space<vmem>> -> memref<128xi32, #tpu.memory_space<vmem>>
    %dma_start3A_537 = arith.constant 0 : i32
    %dma_start3A_538 = arith.constant 0 : i32
    %dma_start3A_539 = tpu.memref_slice %arg5[%dma_start3A_537, %dma_start3A_538] : memref<204800x128xf32, #tpu.memory_space<hbm>> -> memref<204800x128xf32, #tpu.memory_space<hbm>>
    tpu.enqueue_indirect_dma source(%dma_start3A_539 : memref<204800x128xf32, #tpu.memory_space<hbm>>) target(%arg15 : memref<128x128xf32, #tpu.memory_space<vmem>>) offsets(%dma_start3A_536 : memref<128xi32, #tpu.memory_space<vmem>>) semaphore(%arg22 : memref<!tpu.dma_semaphore, #tpu.memory_space<semaphore_mem>>)
    %dma_wait3A_540 = arith.constant 7 : i32
    %dma_wait3A_541 = arith.constant 0 : i32
    %dma_wait3A_542 = tpu.memref_slice %arg7[%dma_wait3A_540, %dma_wait3A_541] : memref<56x128xi32, #tpu.memory_space<vmem>> -> memref<1x128xi32, #tpu.memory_space<vmem>>
    %dma_wait3A_543 = tpu.memref_squeeze %dma_wait3A_542 : memref<1x128xi32, #tpu.memory_space<vmem>> -> memref<128xi32, #tpu.memory_space<vmem>>
    %dma_wait3A_544 = arith.constant 0 : i32
    %dma_wait3A_545 = arith.constant 0 : i32
    %dma_wait3A_546 = tpu.memref_slice %arg5[%dma_wait3A_544, %dma_wait3A_545] : memref<204800x128xf32, #tpu.memory_space<hbm>> -> memref<204800x128xf32, #tpu.memory_space<hbm>>
    tpu.wait_indirect_dma semaphore(%arg17 : memref<!tpu.dma_semaphore, #tpu.memory_space<semaphore_mem>>) src(%dma_wait3A_546 : memref<204800x128xf32, #tpu.memory_space<hbm>>) dst(%arg10 : memref<128x128xf32, #tpu.memory_space<vmem>>)
    %add3A_547 = arith.constant 7 : i32
    %add3A_548 = arith.addi %mul3A_2, %add3A_547 : i32
    %jit3A_549 = arith.constant 8 : i32
    %div3A_550 = arith.divsi %add3A_548, %jit3A_549 : i32
    %sign3A_551 = arith.constant 0 : i32
    %sign3A_552 = arith.cmpi sgt, %add3A_548, %sign3A_551 : i32
    %sign3A_553 = arith.extui %sign3A_552 : i1 to i32
    %sign3A_554 = arith.constant 0 : i32
    %sign3A_555 = arith.cmpi slt, %add3A_548, %sign3A_554 : i32
    %sign3A_556 = arith.extui %sign3A_555 : i1 to i32
    %sign3A_557 = arith.subi %sign3A_553, %sign3A_556 : i32
    %sign3A_558 = arith.constant 0 : i32
    %sign3A_559 = arith.cmpi sgt, %jit3A_549, %sign3A_558 : i32
    %sign3A_560 = arith.extui %sign3A_559 : i1 to i32
    %sign3A_561 = arith.constant 0 : i32
    %sign3A_562 = arith.cmpi slt, %jit3A_549, %sign3A_561 : i32
    %sign3A_563 = arith.extui %sign3A_562 : i1 to i32
    %sign3A_564 = arith.subi %sign3A_560, %sign3A_563 : i32
    %ne3A_565 = arith.cmpi ne, %sign3A_557, %sign3A_564 : i32
    %rem3A_566 = arith.remsi %add3A_548, %jit3A_549 : i32
    %ne3A_567 = arith.constant 0 : i32
    %ne3A_568 = arith.cmpi ne, %rem3A_566, %ne3A_567 : i32
    %and3A_569 = arith.andi %ne3A_565, %ne3A_568 : i1
    %sub3A_570 = arith.constant 1 : i32
    %sub3A_571 = arith.subi %div3A_550, %sub3A_570 : i32
    %select_n3A_572 = arith.select %and3A_569, %sub3A_571, %div3A_550 : i32
    %add3A_573 = arith.constant 1 : i32
    %add3A_574 = arith.addi %add3A_573, %select_n3A_572 : i32
    %mul3A_575 = arith.constant 1024 : i32
    %mul3A_576 = arith.muli %add3A_574, %mul3A_575 : i32
    %jit3A_577 = arith.constant 8 : i32
    %eq3A_578 = arith.constant 0 : i32
    %eq3A_579 = arith.cmpi eq, %jit3A_577, %eq3A_578 : i32
    %jit3A_580 = arith.constant 1 : i32
    %select_n3A_581 = arith.select %eq3A_579, %jit3A_580, %jit3A_577 : i32
    %rem3A_582 = arith.remsi %add3A_548, %select_n3A_581 : i32
    %ne3A_583 = arith.constant 0 : i32
    %ne3A_584 = arith.cmpi ne, %rem3A_582, %ne3A_583 : i32
    %lt3A_585 = arith.constant 0 : i32
    %lt3A_586 = arith.cmpi slt, %rem3A_582, %lt3A_585 : i32
    %lt3A_587 = arith.constant 0 : i32
    %lt3A_588 = arith.cmpi slt, %select_n3A_581, %lt3A_587 : i32
    %ne3A_589 = arith.xori %lt3A_586, %lt3A_588 : i1
    %and3A_590 = arith.andi %ne3A_589, %ne3A_584 : i1
    %add3A_591 = arith.addi %rem3A_582, %select_n3A_581 : i32
    %select_n3A_592 = arith.select %and3A_590, %add3A_591, %rem3A_582 : i32
    %mul3A_593 = arith.constant 128 : i32
    %mul3A_594 = arith.muli %select_n3A_592, %mul3A_593 : i32
    %add3A_595 = arith.addi %mul3A_576, %mul3A_594 : i32
    %dma_start3A_596 = arith.constant 0 : i32
    %dma_start3A_597 = tpu.memref_slice %arg6[%add3A_595, %dma_start3A_596] : memref<205824x128xf32, #tpu.memory_space<hbm>> -> memref<128x128xf32, #tpu.memory_space<hbm>>
    %dma_start3A_598 = arith.constant 0 : i32
    %dma_start3A_599 = tpu.memref_slice %arg6[%add3A_595, %dma_start3A_598] : memref<205824x128xf32, #tpu.memory_space<hbm>> -> memref<128x128xf32, #tpu.memory_space<hbm>>
    tpu.enqueue_dma source(%arg10 : memref<128x128xf32, #tpu.memory_space<vmem>>) target(%dma_start3A_599 : memref<128x128xf32, #tpu.memory_space<hbm>>) target_semaphore(%arg24 : memref<!tpu.dma_semaphore, #tpu.memory_space<semaphore_mem>>)
    %dma_wait3A_600 = arith.constant 0 : i32
    %dma_wait3A_601 = tpu.memref_slice %arg6[%add3A_524, %dma_wait3A_600] : memref<205824x128xf32, #tpu.memory_space<hbm>> -> memref<128x128xf32, #tpu.memory_space<hbm>>
    %dma_wait3A_602 = arith.constant 0 : i32
    %dma_wait3A_603 = tpu.memref_slice %arg6[%add3A_524, %dma_wait3A_602] : memref<205824x128xf32, #tpu.memory_space<hbm>> -> memref<128x128xf32, #tpu.memory_space<hbm>>
    tpu.wait_dma2 semaphore(%arg30 : memref<!tpu.dma_semaphore, #tpu.memory_space<semaphore_mem>>) src(%arg16 : memref<128x128xf32, #tpu.memory_space<vmem>>) dst(%dma_wait3A_603 : memref<128x128xf32, #tpu.memory_space<hbm>>)
    %dma_start3A_604 = arith.constant 13 : i32
    %dma_start3A_605 = arith.constant 0 : i32
    %dma_start3A_606 = tpu.memref_slice %arg7[%dma_start3A_604, %dma_start3A_605] : memref<56x128xi32, #tpu.memory_space<vmem>> -> memref<1x128xi32, #tpu.memory_space<vmem>>
    %dma_start3A_607 = tpu.memref_squeeze %dma_start3A_606 : memref<1x128xi32, #tpu.memory_space<vmem>> -> memref<128xi32, #tpu.memory_space<vmem>>
    %dma_start3A_608 = arith.constant 0 : i32
    %dma_start3A_609 = arith.constant 0 : i32
    %dma_start3A_610 = tpu.memref_slice %arg5[%dma_start3A_608, %dma_start3A_609] : memref<204800x128xf32, #tpu.memory_space<hbm>> -> memref<204800x128xf32, #tpu.memory_space<hbm>>
    tpu.enqueue_indirect_dma source(%dma_start3A_610 : memref<204800x128xf32, #tpu.memory_space<hbm>>) target(%arg16 : memref<128x128xf32, #tpu.memory_space<vmem>>) offsets(%dma_start3A_607 : memref<128xi32, #tpu.memory_space<vmem>>) semaphore(%arg23 : memref<!tpu.dma_semaphore, #tpu.memory_space<semaphore_mem>>)
    %dma_wait3A_611 = arith.constant 8 : i32
    %dma_wait3A_612 = arith.constant 0 : i32
    %dma_wait3A_613 = tpu.memref_slice %arg7[%dma_wait3A_611, %dma_wait3A_612] : memref<56x128xi32, #tpu.memory_space<vmem>> -> memref<1x128xi32, #tpu.memory_space<vmem>>
    %dma_wait3A_614 = tpu.memref_squeeze %dma_wait3A_613 : memref<1x128xi32, #tpu.memory_space<vmem>> -> memref<128xi32, #tpu.memory_space<vmem>>
    %dma_wait3A_615 = arith.constant 0 : i32
    %dma_wait3A_616 = arith.constant 0 : i32
    %dma_wait3A_617 = tpu.memref_slice %arg5[%dma_wait3A_615, %dma_wait3A_616] : memref<204800x128xf32, #tpu.memory_space<hbm>> -> memref<204800x128xf32, #tpu.memory_space<hbm>>
    tpu.wait_indirect_dma semaphore(%arg18 : memref<!tpu.dma_semaphore, #tpu.memory_space<semaphore_mem>>) src(%dma_wait3A_617 : memref<204800x128xf32, #tpu.memory_space<hbm>>) dst(%arg11 : memref<128x128xf32, #tpu.memory_space<vmem>>)
    %add3A_618 = arith.constant 8 : i32
    %add3A_619 = arith.addi %mul3A_2, %add3A_618 : i32
    %jit3A_620 = arith.constant 8 : i32
    %div3A_621 = arith.divsi %add3A_619, %jit3A_620 : i32
    %sign3A_622 = arith.constant 0 : i32
    %sign3A_623 = arith.cmpi sgt, %add3A_619, %sign3A_622 : i32
    %sign3A_624 = arith.extui %sign3A_623 : i1 to i32
    %sign3A_625 = arith.constant 0 : i32
    %sign3A_626 = arith.cmpi slt, %add3A_619, %sign3A_625 : i32
    %sign3A_627 = arith.extui %sign3A_626 : i1 to i32
    %sign3A_628 = arith.subi %sign3A_624, %sign3A_627 : i32
    %sign3A_629 = arith.constant 0 : i32
    %sign3A_630 = arith.cmpi sgt, %jit3A_620, %sign3A_629 : i32
    %sign3A_631 = arith.extui %sign3A_630 : i1 to i32
    %sign3A_632 = arith.constant 0 : i32
    %sign3A_633 = arith.cmpi slt, %jit3A_620, %sign3A_632 : i32
    %sign3A_634 = arith.extui %sign3A_633 : i1 to i32
    %sign3A_635 = arith.subi %sign3A_631, %sign3A_634 : i32
    %ne3A_636 = arith.cmpi ne, %sign3A_628, %sign3A_635 : i32
    %rem3A_637 = arith.remsi %add3A_619, %jit3A_620 : i32
    %ne3A_638 = arith.constant 0 : i32
    %ne3A_639 = arith.cmpi ne, %rem3A_637, %ne3A_638 : i32
    %and3A_640 = arith.andi %ne3A_636, %ne3A_639 : i1
    %sub3A_641 = arith.constant 1 : i32
    %sub3A_642 = arith.subi %div3A_621, %sub3A_641 : i32
    %select_n3A_643 = arith.select %and3A_640, %sub3A_642, %div3A_621 : i32
    %add3A_644 = arith.constant 1 : i32
    %add3A_645 = arith.addi %add3A_644, %select_n3A_643 : i32
    %mul3A_646 = arith.constant 1024 : i32
    %mul3A_647 = arith.muli %add3A_645, %mul3A_646 : i32
    %jit3A_648 = arith.constant 8 : i32
    %eq3A_649 = arith.constant 0 : i32
    %eq3A_650 = arith.cmpi eq, %jit3A_648, %eq3A_649 : i32
    %jit3A_651 = arith.constant 1 : i32
    %select_n3A_652 = arith.select %eq3A_650, %jit3A_651, %jit3A_648 : i32
    %rem3A_653 = arith.remsi %add3A_619, %select_n3A_652 : i32
    %ne3A_654 = arith.constant 0 : i32
    %ne3A_655 = arith.cmpi ne, %rem3A_653, %ne3A_654 : i32
    %lt3A_656 = arith.constant 0 : i32
    %lt3A_657 = arith.cmpi slt, %rem3A_653, %lt3A_656 : i32
    %lt3A_658 = arith.constant 0 : i32
    %lt3A_659 = arith.cmpi slt, %select_n3A_652, %lt3A_658 : i32
    %ne3A_660 = arith.xori %lt3A_657, %lt3A_659 : i1
    %and3A_661 = arith.andi %ne3A_660, %ne3A_655 : i1
    %add3A_662 = arith.addi %rem3A_653, %select_n3A_652 : i32
    %select_n3A_663 = arith.select %and3A_661, %add3A_662, %rem3A_653 : i32
    %mul3A_664 = arith.constant 128 : i32
    %mul3A_665 = arith.muli %select_n3A_663, %mul3A_664 : i32
    %add3A_666 = arith.addi %mul3A_647, %mul3A_665 : i32
    %dma_start3A_667 = arith.constant 0 : i32
    %dma_start3A_668 = tpu.memref_slice %arg6[%add3A_666, %dma_start3A_667] : memref<205824x128xf32, #tpu.memory_space<hbm>> -> memref<128x128xf32, #tpu.memory_space<hbm>>
    %dma_start3A_669 = arith.constant 0 : i32
    %dma_start3A_670 = tpu.memref_slice %arg6[%add3A_666, %dma_start3A_669] : memref<205824x128xf32, #tpu.memory_space<hbm>> -> memref<128x128xf32, #tpu.memory_space<hbm>>
    tpu.enqueue_dma source(%arg11 : memref<128x128xf32, #tpu.memory_space<vmem>>) target(%dma_start3A_670 : memref<128x128xf32, #tpu.memory_space<hbm>>) target_semaphore(%arg25 : memref<!tpu.dma_semaphore, #tpu.memory_space<semaphore_mem>>)
    %dma_wait3A_671 = arith.constant 0 : i32
    %dma_wait3A_672 = tpu.memref_slice %arg6[%add3A_595, %dma_wait3A_671] : memref<205824x128xf32, #tpu.memory_space<hbm>> -> memref<128x128xf32, #tpu.memory_space<hbm>>
    %dma_wait3A_673 = arith.constant 0 : i32
    %dma_wait3A_674 = tpu.memref_slice %arg6[%add3A_595, %dma_wait3A_673] : memref<205824x128xf32, #tpu.memory_space<hbm>> -> memref<128x128xf32, #tpu.memory_space<hbm>>
    tpu.wait_dma2 semaphore(%arg24 : memref<!tpu.dma_semaphore, #tpu.memory_space<semaphore_mem>>) src(%arg10 : memref<128x128xf32, #tpu.memory_space<vmem>>) dst(%dma_wait3A_674 : memref<128x128xf32, #tpu.memory_space<hbm>>)
    %dma_start3A_675 = arith.constant 14 : i32
    %dma_start3A_676 = arith.constant 0 : i32
    %dma_start3A_677 = tpu.memref_slice %arg7[%dma_start3A_675, %dma_start3A_676] : memref<56x128xi32, #tpu.memory_space<vmem>> -> memref<1x128xi32, #tpu.memory_space<vmem>>
    %dma_start3A_678 = tpu.memref_squeeze %dma_start3A_677 : memref<1x128xi32, #tpu.memory_space<vmem>> -> memref<128xi32, #tpu.memory_space<vmem>>
    %dma_start3A_679 = arith.constant 0 : i32
    %dma_start3A_680 = arith.constant 0 : i32
    %dma_start3A_681 = tpu.memref_slice %arg5[%dma_start3A_679, %dma_start3A_680] : memref<204800x128xf32, #tpu.memory_space<hbm>> -> memref<204800x128xf32, #tpu.memory_space<hbm>>
    tpu.enqueue_indirect_dma source(%dma_start3A_681 : memref<204800x128xf32, #tpu.memory_space<hbm>>) target(%arg10 : memref<128x128xf32, #tpu.memory_space<vmem>>) offsets(%dma_start3A_678 : memref<128xi32, #tpu.memory_space<vmem>>) semaphore(%arg17 : memref<!tpu.dma_semaphore, #tpu.memory_space<semaphore_mem>>)
    %dma_wait3A_682 = arith.constant 9 : i32
    %dma_wait3A_683 = arith.constant 0 : i32
    %dma_wait3A_684 = tpu.memref_slice %arg7[%dma_wait3A_682, %dma_wait3A_683] : memref<56x128xi32, #tpu.memory_space<vmem>> -> memref<1x128xi32, #tpu.memory_space<vmem>>
    %dma_wait3A_685 = tpu.memref_squeeze %dma_wait3A_684 : memref<1x128xi32, #tpu.memory_space<vmem>> -> memref<128xi32, #tpu.memory_space<vmem>>
    %dma_wait3A_686 = arith.constant 0 : i32
    %dma_wait3A_687 = arith.constant 0 : i32
    %dma_wait3A_688 = tpu.memref_slice %arg5[%dma_wait3A_686, %dma_wait3A_687] : memref<204800x128xf32, #tpu.memory_space<hbm>> -> memref<204800x128xf32, #tpu.memory_space<hbm>>
    tpu.wait_indirect_dma semaphore(%arg19 : memref<!tpu.dma_semaphore, #tpu.memory_space<semaphore_mem>>) src(%dma_wait3A_688 : memref<204800x128xf32, #tpu.memory_space<hbm>>) dst(%arg12 : memref<128x128xf32, #tpu.memory_space<vmem>>)
    %add3A_689 = arith.constant 9 : i32
    %add3A_690 = arith.addi %mul3A_2, %add3A_689 : i32
    %jit3A_691 = arith.constant 8 : i32
    %div3A_692 = arith.divsi %add3A_690, %jit3A_691 : i32
    %sign3A_693 = arith.constant 0 : i32
    %sign3A_694 = arith.cmpi sgt, %add3A_690, %sign3A_693 : i32
    %sign3A_695 = arith.extui %sign3A_694 : i1 to i32
    %sign3A_696 = arith.constant 0 : i32
    %sign3A_697 = arith.cmpi slt, %add3A_690, %sign3A_696 : i32
    %sign3A_698 = arith.extui %sign3A_697 : i1 to i32
    %sign3A_699 = arith.subi %sign3A_695, %sign3A_698 : i32
    %sign3A_700 = arith.constant 0 : i32
    %sign3A_701 = arith.cmpi sgt, %jit3A_691, %sign3A_700 : i32
    %sign3A_702 = arith.extui %sign3A_701 : i1 to i32
    %sign3A_703 = arith.constant 0 : i32
    %sign3A_704 = arith.cmpi slt, %jit3A_691, %sign3A_703 : i32
    %sign3A_705 = arith.extui %sign3A_704 : i1 to i32
    %sign3A_706 = arith.subi %sign3A_702, %sign3A_705 : i32
    %ne3A_707 = arith.cmpi ne, %sign3A_699, %sign3A_706 : i32
    %rem3A_708 = arith.remsi %add3A_690, %jit3A_691 : i32
    %ne3A_709 = arith.constant 0 : i32
    %ne3A_710 = arith.cmpi ne, %rem3A_708, %ne3A_709 : i32
    %and3A_711 = arith.andi %ne3A_707, %ne3A_710 : i1
    %sub3A_712 = arith.constant 1 : i32
    %sub3A_713 = arith.subi %div3A_692, %sub3A_712 : i32
    %select_n3A_714 = arith.select %and3A_711, %sub3A_713, %div3A_692 : i32
    %add3A_715 = arith.constant 1 : i32
    %add3A_716 = arith.addi %add3A_715, %select_n3A_714 : i32
    %mul3A_717 = arith.constant 1024 : i32
    %mul3A_718 = arith.muli %add3A_716, %mul3A_717 : i32
    %jit3A_719 = arith.constant 8 : i32
    %eq3A_720 = arith.constant 0 : i32
    %eq3A_721 = arith.cmpi eq, %jit3A_719, %eq3A_720 : i32
    %jit3A_722 = arith.constant 1 : i32
    %select_n3A_723 = arith.select %eq3A_721, %jit3A_722, %jit3A_719 : i32
    %rem3A_724 = arith.remsi %add3A_690, %select_n3A_723 : i32
    %ne3A_725 = arith.constant 0 : i32
    %ne3A_726 = arith.cmpi ne, %rem3A_724, %ne3A_725 : i32
    %lt3A_727 = arith.constant 0 : i32
    %lt3A_728 = arith.cmpi slt, %rem3A_724, %lt3A_727 : i32
    %lt3A_729 = arith.constant 0 : i32
    %lt3A_730 = arith.cmpi slt, %select_n3A_723, %lt3A_729 : i32
    %ne3A_731 = arith.xori %lt3A_728, %lt3A_730 : i1
    %and3A_732 = arith.andi %ne3A_731, %ne3A_726 : i1
    %add3A_733 = arith.addi %rem3A_724, %select_n3A_723 : i32
    %select_n3A_734 = arith.select %and3A_732, %add3A_733, %rem3A_724 : i32
    %mul3A_735 = arith.constant 128 : i32
    %mul3A_736 = arith.muli %select_n3A_734, %mul3A_735 : i32
    %add3A_737 = arith.addi %mul3A_718, %mul3A_736 : i32
    %dma_start3A_738 = arith.constant 0 : i32
    %dma_start3A_739 = tpu.memref_slice %arg6[%add3A_737, %dma_start3A_738] : memref<205824x128xf32, #tpu.memory_space<hbm>> -> memref<128x128xf32, #tpu.memory_space<hbm>>
    %dma_start3A_740 = arith.constant 0 : i32
    %dma_start3A_741 = tpu.memref_slice %arg6[%add3A_737, %dma_start3A_740] : memref<205824x128xf32, #tpu.memory_space<hbm>> -> memref<128x128xf32, #tpu.memory_space<hbm>>
    tpu.enqueue_dma source(%arg12 : memref<128x128xf32, #tpu.memory_space<vmem>>) target(%dma_start3A_741 : memref<128x128xf32, #tpu.memory_space<hbm>>) target_semaphore(%arg26 : memref<!tpu.dma_semaphore, #tpu.memory_space<semaphore_mem>>)
    %dma_wait3A_742 = arith.constant 0 : i32
    %dma_wait3A_743 = tpu.memref_slice %arg6[%add3A_666, %dma_wait3A_742] : memref<205824x128xf32, #tpu.memory_space<hbm>> -> memref<128x128xf32, #tpu.memory_space<hbm>>
    %dma_wait3A_744 = arith.constant 0 : i32
    %dma_wait3A_745 = tpu.memref_slice %arg6[%add3A_666, %dma_wait3A_744] : memref<205824x128xf32, #tpu.memory_space<hbm>> -> memref<128x128xf32, #tpu.memory_space<hbm>>
    tpu.wait_dma2 semaphore(%arg25 : memref<!tpu.dma_semaphore, #tpu.memory_space<semaphore_mem>>) src(%arg11 : memref<128x128xf32, #tpu.memory_space<vmem>>) dst(%dma_wait3A_745 : memref<128x128xf32, #tpu.memory_space<hbm>>)
    %dma_start3A_746 = arith.constant 15 : i32
    %dma_start3A_747 = arith.constant 0 : i32
    %dma_start3A_748 = tpu.memref_slice %arg7[%dma_start3A_746, %dma_start3A_747] : memref<56x128xi32, #tpu.memory_space<vmem>> -> memref<1x128xi32, #tpu.memory_space<vmem>>
    %dma_start3A_749 = tpu.memref_squeeze %dma_start3A_748 : memref<1x128xi32, #tpu.memory_space<vmem>> -> memref<128xi32, #tpu.memory_space<vmem>>
    %dma_start3A_750 = arith.constant 0 : i32
    %dma_start3A_751 = arith.constant 0 : i32
    %dma_start3A_752 = tpu.memref_slice %arg5[%dma_start3A_750, %dma_start3A_751] : memref<204800x128xf32, #tpu.memory_space<hbm>> -> memref<204800x128xf32, #tpu.memory_space<hbm>>
    tpu.enqueue_indirect_dma source(%dma_start3A_752 : memref<204800x128xf32, #tpu.memory_space<hbm>>) target(%arg11 : memref<128x128xf32, #tpu.memory_space<vmem>>) offsets(%dma_start3A_749 : memref<128xi32, #tpu.memory_space<vmem>>) semaphore(%arg18 : memref<!tpu.dma_semaphore, #tpu.memory_space<semaphore_mem>>)
    %dma_wait3A_753 = arith.constant 10 : i32
    %dma_wait3A_754 = arith.constant 0 : i32
    %dma_wait3A_755 = tpu.memref_slice %arg7[%dma_wait3A_753, %dma_wait3A_754] : memref<56x128xi32, #tpu.memory_space<vmem>> -> memref<1x128xi32, #tpu.memory_space<vmem>>
    %dma_wait3A_756 = tpu.memref_squeeze %dma_wait3A_755 : memref<1x128xi32, #tpu.memory_space<vmem>> -> memref<128xi32, #tpu.memory_space<vmem>>
    %dma_wait3A_757 = arith.constant 0 : i32
    %dma_wait3A_758 = arith.constant 0 : i32
    %dma_wait3A_759 = tpu.memref_slice %arg5[%dma_wait3A_757, %dma_wait3A_758] : memref<204800x128xf32, #tpu.memory_space<hbm>> -> memref<204800x128xf32, #tpu.memory_space<hbm>>
    tpu.wait_indirect_dma semaphore(%arg20 : memref<!tpu.dma_semaphore, #tpu.memory_space<semaphore_mem>>) src(%dma_wait3A_759 : memref<204800x128xf32, #tpu.memory_space<hbm>>) dst(%arg13 : memref<128x128xf32, #tpu.memory_space<vmem>>)
    %add3A_760 = arith.constant 10 : i32
    %add3A_761 = arith.addi %mul3A_2, %add3A_760 : i32
    %jit3A_762 = arith.constant 8 : i32
    %div3A_763 = arith.divsi %add3A_761, %jit3A_762 : i32
    %sign3A_764 = arith.constant 0 : i32
    %sign3A_765 = arith.cmpi sgt, %add3A_761, %sign3A_764 : i32
    %sign3A_766 = arith.extui %sign3A_765 : i1 to i32
    %sign3A_767 = arith.constant 0 : i32
    %sign3A_768 = arith.cmpi slt, %add3A_761, %sign3A_767 : i32
    %sign3A_769 = arith.extui %sign3A_768 : i1 to i32
    %sign3A_770 = arith.subi %sign3A_766, %sign3A_769 : i32
    %sign3A_771 = arith.constant 0 : i32
    %sign3A_772 = arith.cmpi sgt, %jit3A_762, %sign3A_771 : i32
    %sign3A_773 = arith.extui %sign3A_772 : i1 to i32
    %sign3A_774 = arith.constant 0 : i32
    %sign3A_775 = arith.cmpi slt, %jit3A_762, %sign3A_774 : i32
    %sign3A_776 = arith.extui %sign3A_775 : i1 to i32
    %sign3A_777 = arith.subi %sign3A_773, %sign3A_776 : i32
    %ne3A_778 = arith.cmpi ne, %sign3A_770, %sign3A_777 : i32
    %rem3A_779 = arith.remsi %add3A_761, %jit3A_762 : i32
    %ne3A_780 = arith.constant 0 : i32
    %ne3A_781 = arith.cmpi ne, %rem3A_779, %ne3A_780 : i32
    %and3A_782 = arith.andi %ne3A_778, %ne3A_781 : i1
    %sub3A_783 = arith.constant 1 : i32
    %sub3A_784 = arith.subi %div3A_763, %sub3A_783 : i32
    %select_n3A_785 = arith.select %and3A_782, %sub3A_784, %div3A_763 : i32
    %add3A_786 = arith.constant 1 : i32
    %add3A_787 = arith.addi %add3A_786, %select_n3A_785 : i32
    %mul3A_788 = arith.constant 1024 : i32
    %mul3A_789 = arith.muli %add3A_787, %mul3A_788 : i32
    %jit3A_790 = arith.constant 8 : i32
    %eq3A_791 = arith.constant 0 : i32
    %eq3A_792 = arith.cmpi eq, %jit3A_790, %eq3A_791 : i32
    %jit3A_793 = arith.constant 1 : i32
    %select_n3A_794 = arith.select %eq3A_792, %jit3A_793, %jit3A_790 : i32
    %rem3A_795 = arith.remsi %add3A_761, %select_n3A_794 : i32
    %ne3A_796 = arith.constant 0 : i32
    %ne3A_797 = arith.cmpi ne, %rem3A_795, %ne3A_796 : i32
    %lt3A_798 = arith.constant 0 : i32
    %lt3A_799 = arith.cmpi slt, %rem3A_795, %lt3A_798 : i32
    %lt3A_800 = arith.constant 0 : i32
    %lt3A_801 = arith.cmpi slt, %select_n3A_794, %lt3A_800 : i32
    %ne3A_802 = arith.xori %lt3A_799, %lt3A_801 : i1
    %and3A_803 = arith.andi %ne3A_802, %ne3A_797 : i1
    %add3A_804 = arith.addi %rem3A_795, %select_n3A_794 : i32
    %select_n3A_805 = arith.select %and3A_803, %add3A_804, %rem3A_795 : i32
    %mul3A_806 = arith.constant 128 : i32
    %mul3A_807 = arith.muli %select_n3A_805, %mul3A_806 : i32
    %add3A_808 = arith.addi %mul3A_789, %mul3A_807 : i32
    %dma_start3A_809 = arith.constant 0 : i32
    %dma_start3A_810 = tpu.memref_slice %arg6[%add3A_808, %dma_start3A_809] : memref<205824x128xf32, #tpu.memory_space<hbm>> -> memref<128x128xf32, #tpu.memory_space<hbm>>
    %dma_start3A_811 = arith.constant 0 : i32
    %dma_start3A_812 = tpu.memref_slice %arg6[%add3A_808, %dma_start3A_811] : memref<205824x128xf32, #tpu.memory_space<hbm>> -> memref<128x128xf32, #tpu.memory_space<hbm>>
    tpu.enqueue_dma source(%arg13 : memref<128x128xf32, #tpu.memory_space<vmem>>) target(%dma_start3A_812 : memref<128x128xf32, #tpu.memory_space<hbm>>) target_semaphore(%arg27 : memref<!tpu.dma_semaphore, #tpu.memory_space<semaphore_mem>>)
    %dma_wait3A_813 = arith.constant 0 : i32
    %dma_wait3A_814 = tpu.memref_slice %arg6[%add3A_737, %dma_wait3A_813] : memref<205824x128xf32, #tpu.memory_space<hbm>> -> memref<128x128xf32, #tpu.memory_space<hbm>>
    %dma_wait3A_815 = arith.constant 0 : i32
    %dma_wait3A_816 = tpu.memref_slice %arg6[%add3A_737, %dma_wait3A_815] : memref<205824x128xf32, #tpu.memory_space<hbm>> -> memref<128x128xf32, #tpu.memory_space<hbm>>
    tpu.wait_dma2 semaphore(%arg26 : memref<!tpu.dma_semaphore, #tpu.memory_space<semaphore_mem>>) src(%arg12 : memref<128x128xf32, #tpu.memory_space<vmem>>) dst(%dma_wait3A_816 : memref<128x128xf32, #tpu.memory_space<hbm>>)
    %dma_start3A_817 = arith.constant 16 : i32
    %dma_start3A_818 = arith.constant 0 : i32
    %dma_start3A_819 = tpu.memref_slice %arg7[%dma_start3A_817, %dma_start3A_818] : memref<56x128xi32, #tpu.memory_space<vmem>> -> memref<1x128xi32, #tpu.memory_space<vmem>>
    %dma_start3A_820 = tpu.memref_squeeze %dma_start3A_819 : memref<1x128xi32, #tpu.memory_space<vmem>> -> memref<128xi32, #tpu.memory_space<vmem>>
    %dma_start3A_821 = arith.constant 0 : i32
    %dma_start3A_822 = arith.constant 0 : i32
    %dma_start3A_823 = tpu.memref_slice %arg5[%dma_start3A_821, %dma_start3A_822] : memref<204800x128xf32, #tpu.memory_space<hbm>> -> memref<204800x128xf32, #tpu.memory_space<hbm>>
    tpu.enqueue_indirect_dma source(%dma_start3A_823 : memref<204800x128xf32, #tpu.memory_space<hbm>>) target(%arg12 : memref<128x128xf32, #tpu.memory_space<vmem>>) offsets(%dma_start3A_820 : memref<128xi32, #tpu.memory_space<vmem>>) semaphore(%arg19 : memref<!tpu.dma_semaphore, #tpu.memory_space<semaphore_mem>>)
    %dma_wait3A_824 = arith.constant 11 : i32
    %dma_wait3A_825 = arith.constant 0 : i32
    %dma_wait3A_826 = tpu.memref_slice %arg7[%dma_wait3A_824, %dma_wait3A_825] : memref<56x128xi32, #tpu.memory_space<vmem>> -> memref<1x128xi32, #tpu.memory_space<vmem>>
    %dma_wait3A_827 = tpu.memref_squeeze %dma_wait3A_826 : memref<1x128xi32, #tpu.memory_space<vmem>> -> memref<128xi32, #tpu.memory_space<vmem>>
    %dma_wait3A_828 = arith.constant 0 : i32
    %dma_wait3A_829 = arith.constant 0 : i32
    %dma_wait3A_830 = tpu.memref_slice %arg5[%dma_wait3A_828, %dma_wait3A_829] : memref<204800x128xf32, #tpu.memory_space<hbm>> -> memref<204800x128xf32, #tpu.memory_space<hbm>>
    tpu.wait_indirect_dma semaphore(%arg21 : memref<!tpu.dma_semaphore, #tpu.memory_space<semaphore_mem>>) src(%dma_wait3A_830 : memref<204800x128xf32, #tpu.memory_space<hbm>>) dst(%arg14 : memref<128x128xf32, #tpu.memory_space<vmem>>)
    %add3A_831 = arith.constant 11 : i32
    %add3A_832 = arith.addi %mul3A_2, %add3A_831 : i32
    %jit3A_833 = arith.constant 8 : i32
    %div3A_834 = arith.divsi %add3A_832, %jit3A_833 : i32
    %sign3A_835 = arith.constant 0 : i32
    %sign3A_836 = arith.cmpi sgt, %add3A_832, %sign3A_835 : i32
    %sign3A_837 = arith.extui %sign3A_836 : i1 to i32
    %sign3A_838 = arith.constant 0 : i32
    %sign3A_839 = arith.cmpi slt, %add3A_832, %sign3A_838 : i32
    %sign3A_840 = arith.extui %sign3A_839 : i1 to i32
    %sign3A_841 = arith.subi %sign3A_837, %sign3A_840 : i32
    %sign3A_842 = arith.constant 0 : i32
    %sign3A_843 = arith.cmpi sgt, %jit3A_833, %sign3A_842 : i32
    %sign3A_844 = arith.extui %sign3A_843 : i1 to i32
    %sign3A_845 = arith.constant 0 : i32
    %sign3A_846 = arith.cmpi slt, %jit3A_833, %sign3A_845 : i32
    %sign3A_847 = arith.extui %sign3A_846 : i1 to i32
    %sign3A_848 = arith.subi %sign3A_844, %sign3A_847 : i32
    %ne3A_849 = arith.cmpi ne, %sign3A_841, %sign3A_848 : i32
    %rem3A_850 = arith.remsi %add3A_832, %jit3A_833 : i32
    %ne3A_851 = arith.constant 0 : i32
    %ne3A_852 = arith.cmpi ne, %rem3A_850, %ne3A_851 : i32
    %and3A_853 = arith.andi %ne3A_849, %ne3A_852 : i1
    %sub3A_854 = arith.constant 1 : i32
    %sub3A_855 = arith.subi %div3A_834, %sub3A_854 : i32
    %select_n3A_856 = arith.select %and3A_853, %sub3A_855, %div3A_834 : i32
    %add3A_857 = arith.constant 1 : i32
    %add3A_858 = arith.addi %add3A_857, %select_n3A_856 : i32
    %mul3A_859 = arith.constant 1024 : i32
    %mul3A_860 = arith.muli %add3A_858, %mul3A_859 : i32
    %jit3A_861 = arith.constant 8 : i32
    %eq3A_862 = arith.constant 0 : i32
    %eq3A_863 = arith.cmpi eq, %jit3A_861, %eq3A_862 : i32
    %jit3A_864 = arith.constant 1 : i32
    %select_n3A_865 = arith.select %eq3A_863, %jit3A_864, %jit3A_861 : i32
    %rem3A_866 = arith.remsi %add3A_832, %select_n3A_865 : i32
    %ne3A_867 = arith.constant 0 : i32
    %ne3A_868 = arith.cmpi ne, %rem3A_866, %ne3A_867 : i32
    %lt3A_869 = arith.constant 0 : i32
    %lt3A_870 = arith.cmpi slt, %rem3A_866, %lt3A_869 : i32
    %lt3A_871 = arith.constant 0 : i32
    %lt3A_872 = arith.cmpi slt, %select_n3A_865, %lt3A_871 : i32
    %ne3A_873 = arith.xori %lt3A_870, %lt3A_872 : i1
    %and3A_874 = arith.andi %ne3A_873, %ne3A_868 : i1
    %add3A_875 = arith.addi %rem3A_866, %select_n3A_865 : i32
    %select_n3A_876 = arith.select %and3A_874, %add3A_875, %rem3A_866 : i32
    %mul3A_877 = arith.constant 128 : i32
    %mul3A_878 = arith.muli %select_n3A_876, %mul3A_877 : i32
    %add3A_879 = arith.addi %mul3A_860, %mul3A_878 : i32
    %dma_start3A_880 = arith.constant 0 : i32
    %dma_start3A_881 = tpu.memref_slice %arg6[%add3A_879, %dma_start3A_880] : memref<205824x128xf32, #tpu.memory_space<hbm>> -> memref<128x128xf32, #tpu.memory_space<hbm>>
    %dma_start3A_882 = arith.constant 0 : i32
    %dma_start3A_883 = tpu.memref_slice %arg6[%add3A_879, %dma_start3A_882] : memref<205824x128xf32, #tpu.memory_space<hbm>> -> memref<128x128xf32, #tpu.memory_space<hbm>>
    tpu.enqueue_dma source(%arg14 : memref<128x128xf32, #tpu.memory_space<vmem>>) target(%dma_start3A_883 : memref<128x128xf32, #tpu.memory_space<hbm>>) target_semaphore(%arg28 : memref<!tpu.dma_semaphore, #tpu.memory_space<semaphore_mem>>)
    %dma_wait3A_884 = arith.constant 0 : i32
    %dma_wait3A_885 = tpu.memref_slice %arg6[%add3A_808, %dma_wait3A_884] : memref<205824x128xf32, #tpu.memory_space<hbm>> -> memref<128x128xf32, #tpu.memory_space<hbm>>
    %dma_wait3A_886 = arith.constant 0 : i32
    %dma_wait3A_887 = tpu.memref_slice %arg6[%add3A_808, %dma_wait3A_886] : memref<205824x128xf32, #tpu.memory_space<hbm>> -> memref<128x128xf32, #tpu.memory_space<hbm>>
    tpu.wait_dma2 semaphore(%arg27 : memref<!tpu.dma_semaphore, #tpu.memory_space<semaphore_mem>>) src(%arg13 : memref<128x128xf32, #tpu.memory_space<vmem>>) dst(%dma_wait3A_887 : memref<128x128xf32, #tpu.memory_space<hbm>>)
    %dma_start3A_888 = arith.constant 17 : i32
    %dma_start3A_889 = arith.constant 0 : i32
    %dma_start3A_890 = tpu.memref_slice %arg7[%dma_start3A_888, %dma_start3A_889] : memref<56x128xi32, #tpu.memory_space<vmem>> -> memref<1x128xi32, #tpu.memory_space<vmem>>
    %dma_start3A_891 = tpu.memref_squeeze %dma_start3A_890 : memref<1x128xi32, #tpu.memory_space<vmem>> -> memref<128xi32, #tpu.memory_space<vmem>>
    %dma_start3A_892 = arith.constant 0 : i32
    %dma_start3A_893 = arith.constant 0 : i32
    %dma_start3A_894 = tpu.memref_slice %arg5[%dma_start3A_892, %dma_start3A_893] : memref<204800x128xf32, #tpu.memory_space<hbm>> -> memref<204800x128xf32, #tpu.memory_space<hbm>>
    tpu.enqueue_indirect_dma source(%dma_start3A_894 : memref<204800x128xf32, #tpu.memory_space<hbm>>) target(%arg13 : memref<128x128xf32, #tpu.memory_space<vmem>>) offsets(%dma_start3A_891 : memref<128xi32, #tpu.memory_space<vmem>>) semaphore(%arg20 : memref<!tpu.dma_semaphore, #tpu.memory_space<semaphore_mem>>)
    %dma_wait3A_895 = arith.constant 12 : i32
    %dma_wait3A_896 = arith.constant 0 : i32
    %dma_wait3A_897 = tpu.memref_slice %arg7[%dma_wait3A_895, %dma_wait3A_896] : memref<56x128xi32, #tpu.memory_space<vmem>> -> memref<1x128xi32, #tpu.memory_space<vmem>>
    %dma_wait3A_898 = tpu.memref_squeeze %dma_wait3A_897 : memref<1x128xi32, #tpu.memory_space<vmem>> -> memref<128xi32, #tpu.memory_space<vmem>>
    %dma_wait3A_899 = arith.constant 0 : i32
    %dma_wait3A_900 = arith.constant 0 : i32
    %dma_wait3A_901 = tpu.memref_slice %arg5[%dma_wait3A_899, %dma_wait3A_900] : memref<204800x128xf32, #tpu.memory_space<hbm>> -> memref<204800x128xf32, #tpu.memory_space<hbm>>
    tpu.wait_indirect_dma semaphore(%arg22 : memref<!tpu.dma_semaphore, #tpu.memory_space<semaphore_mem>>) src(%dma_wait3A_901 : memref<204800x128xf32, #tpu.memory_space<hbm>>) dst(%arg15 : memref<128x128xf32, #tpu.memory_space<vmem>>)
    %add3A_902 = arith.constant 12 : i32
    %add3A_903 = arith.addi %mul3A_2, %add3A_902 : i32
    %jit3A_904 = arith.constant 8 : i32
    %div3A_905 = arith.divsi %add3A_903, %jit3A_904 : i32
    %sign3A_906 = arith.constant 0 : i32
    %sign3A_907 = arith.cmpi sgt, %add3A_903, %sign3A_906 : i32
    %sign3A_908 = arith.extui %sign3A_907 : i1 to i32
    %sign3A_909 = arith.constant 0 : i32
    %sign3A_910 = arith.cmpi slt, %add3A_903, %sign3A_909 : i32
    %sign3A_911 = arith.extui %sign3A_910 : i1 to i32
    %sign3A_912 = arith.subi %sign3A_908, %sign3A_911 : i32
    %sign3A_913 = arith.constant 0 : i32
    %sign3A_914 = arith.cmpi sgt, %jit3A_904, %sign3A_913 : i32
    %sign3A_915 = arith.extui %sign3A_914 : i1 to i32
    %sign3A_916 = arith.constant 0 : i32
    %sign3A_917 = arith.cmpi slt, %jit3A_904, %sign3A_916 : i32
    %sign3A_918 = arith.extui %sign3A_917 : i1 to i32
    %sign3A_919 = arith.subi %sign3A_915, %sign3A_918 : i32
    %ne3A_920 = arith.cmpi ne, %sign3A_912, %sign3A_919 : i32
    %rem3A_921 = arith.remsi %add3A_903, %jit3A_904 : i32
    %ne3A_922 = arith.constant 0 : i32
    %ne3A_923 = arith.cmpi ne, %rem3A_921, %ne3A_922 : i32
    %and3A_924 = arith.andi %ne3A_920, %ne3A_923 : i1
    %sub3A_925 = arith.constant 1 : i32
    %sub3A_926 = arith.subi %div3A_905, %sub3A_925 : i32
    %select_n3A_927 = arith.select %and3A_924, %sub3A_926, %div3A_905 : i32
    %add3A_928 = arith.constant 1 : i32
    %add3A_929 = arith.addi %add3A_928, %select_n3A_927 : i32
    %mul3A_930 = arith.constant 1024 : i32
    %mul3A_931 = arith.muli %add3A_929, %mul3A_930 : i32
    %jit3A_932 = arith.constant 8 : i32
    %eq3A_933 = arith.constant 0 : i32
    %eq3A_934 = arith.cmpi eq, %jit3A_932, %eq3A_933 : i32
    %jit3A_935 = arith.constant 1 : i32
    %select_n3A_936 = arith.select %eq3A_934, %jit3A_935, %jit3A_932 : i32
    %rem3A_937 = arith.remsi %add3A_903, %select_n3A_936 : i32
    %ne3A_938 = arith.constant 0 : i32
    %ne3A_939 = arith.cmpi ne, %rem3A_937, %ne3A_938 : i32
    %lt3A_940 = arith.constant 0 : i32
    %lt3A_941 = arith.cmpi slt, %rem3A_937, %lt3A_940 : i32
    %lt3A_942 = arith.constant 0 : i32
    %lt3A_943 = arith.cmpi slt, %select_n3A_936, %lt3A_942 : i32
    %ne3A_944 = arith.xori %lt3A_941, %lt3A_943 : i1
    %and3A_945 = arith.andi %ne3A_944, %ne3A_939 : i1
    %add3A_946 = arith.addi %rem3A_937, %select_n3A_936 : i32
    %select_n3A_947 = arith.select %and3A_945, %add3A_946, %rem3A_937 : i32
    %mul3A_948 = arith.constant 128 : i32
    %mul3A_949 = arith.muli %select_n3A_947, %mul3A_948 : i32
    %add3A_950 = arith.addi %mul3A_931, %mul3A_949 : i32
    %dma_start3A_951 = arith.constant 0 : i32
    %dma_start3A_952 = tpu.memref_slice %arg6[%add3A_950, %dma_start3A_951] : memref<205824x128xf32, #tpu.memory_space<hbm>> -> memref<128x128xf32, #tpu.memory_space<hbm>>
    %dma_start3A_953 = arith.constant 0 : i32
    %dma_start3A_954 = tpu.memref_slice %arg6[%add3A_950, %dma_start3A_953] : memref<205824x128xf32, #tpu.memory_space<hbm>> -> memref<128x128xf32, #tpu.memory_space<hbm>>
    tpu.enqueue_dma source(%arg15 : memref<128x128xf32, #tpu.memory_space<vmem>>) target(%dma_start3A_954 : memref<128x128xf32, #tpu.memory_space<hbm>>) target_semaphore(%arg29 : memref<!tpu.dma_semaphore, #tpu.memory_space<semaphore_mem>>)
    %dma_wait3A_955 = arith.constant 0 : i32
    %dma_wait3A_956 = tpu.memref_slice %arg6[%add3A_879, %dma_wait3A_955] : memref<205824x128xf32, #tpu.memory_space<hbm>> -> memref<128x128xf32, #tpu.memory_space<hbm>>
    %dma_wait3A_957 = arith.constant 0 : i32
    %dma_wait3A_958 = tpu.memref_slice %arg6[%add3A_879, %dma_wait3A_957] : memref<205824x128xf32, #tpu.memory_space<hbm>> -> memref<128x128xf32, #tpu.memory_space<hbm>>
    tpu.wait_dma2 semaphore(%arg28 : memref<!tpu.dma_semaphore, #tpu.memory_space<semaphore_mem>>) src(%arg14 : memref<128x128xf32, #tpu.memory_space<vmem>>) dst(%dma_wait3A_958 : memref<128x128xf32, #tpu.memory_space<hbm>>)
    %dma_start3A_959 = arith.constant 18 : i32
    %dma_start3A_960 = arith.constant 0 : i32
    %dma_start3A_961 = tpu.memref_slice %arg7[%dma_start3A_959, %dma_start3A_960] : memref<56x128xi32, #tpu.memory_space<vmem>> -> memref<1x128xi32, #tpu.memory_space<vmem>>
    %dma_start3A_962 = tpu.memref_squeeze %dma_start3A_961 : memref<1x128xi32, #tpu.memory_space<vmem>> -> memref<128xi32, #tpu.memory_space<vmem>>
    %dma_start3A_963 = arith.constant 0 : i32
    %dma_start3A_964 = arith.constant 0 : i32
    %dma_start3A_965 = tpu.memref_slice %arg5[%dma_start3A_963, %dma_start3A_964] : memref<204800x128xf32, #tpu.memory_space<hbm>> -> memref<204800x128xf32, #tpu.memory_space<hbm>>
    tpu.enqueue_indirect_dma source(%dma_start3A_965 : memref<204800x128xf32, #tpu.memory_space<hbm>>) target(%arg14 : memref<128x128xf32, #tpu.memory_space<vmem>>) offsets(%dma_start3A_962 : memref<128xi32, #tpu.memory_space<vmem>>) semaphore(%arg21 : memref<!tpu.dma_semaphore, #tpu.memory_space<semaphore_mem>>)
    %dma_wait3A_966 = arith.constant 13 : i32
    %dma_wait3A_967 = arith.constant 0 : i32
    %dma_wait3A_968 = tpu.memref_slice %arg7[%dma_wait3A_966, %dma_wait3A_967] : memref<56x128xi32, #tpu.memory_space<vmem>> -> memref<1x128xi32, #tpu.memory_space<vmem>>
    %dma_wait3A_969 = tpu.memref_squeeze %dma_wait3A_968 : memref<1x128xi32, #tpu.memory_space<vmem>> -> memref<128xi32, #tpu.memory_space<vmem>>
    %dma_wait3A_970 = arith.constant 0 : i32
    %dma_wait3A_971 = arith.constant 0 : i32
    %dma_wait3A_972 = tpu.memref_slice %arg5[%dma_wait3A_970, %dma_wait3A_971] : memref<204800x128xf32, #tpu.memory_space<hbm>> -> memref<204800x128xf32, #tpu.memory_space<hbm>>
    tpu.wait_indirect_dma semaphore(%arg23 : memref<!tpu.dma_semaphore, #tpu.memory_space<semaphore_mem>>) src(%dma_wait3A_972 : memref<204800x128xf32, #tpu.memory_space<hbm>>) dst(%arg16 : memref<128x128xf32, #tpu.memory_space<vmem>>)
    %add3A_973 = arith.constant 13 : i32
    %add3A_974 = arith.addi %mul3A_2, %add3A_973 : i32
    %jit3A_975 = arith.constant 8 : i32
    %div3A_976 = arith.divsi %add3A_974, %jit3A_975 : i32
    %sign3A_977 = arith.constant 0 : i32
    %sign3A_978 = arith.cmpi sgt, %add3A_974, %sign3A_977 : i32
    %sign3A_979 = arith.extui %sign3A_978 : i1 to i32
    %sign3A_980 = arith.constant 0 : i32
    %sign3A_981 = arith.cmpi slt, %add3A_974, %sign3A_980 : i32
    %sign3A_982 = arith.extui %sign3A_981 : i1 to i32
    %sign3A_983 = arith.subi %sign3A_979, %sign3A_982 : i32
    %sign3A_984 = arith.constant 0 : i32
    %sign3A_985 = arith.cmpi sgt, %jit3A_975, %sign3A_984 : i32
    %sign3A_986 = arith.extui %sign3A_985 : i1 to i32
    %sign3A_987 = arith.constant 0 : i32
    %sign3A_988 = arith.cmpi slt, %jit3A_975, %sign3A_987 : i32
    %sign3A_989 = arith.extui %sign3A_988 : i1 to i32
    %sign3A_990 = arith.subi %sign3A_986, %sign3A_989 : i32
    %ne3A_991 = arith.cmpi ne, %sign3A_983, %sign3A_990 : i32
    %rem3A_992 = arith.remsi %add3A_974, %jit3A_975 : i32
    %ne3A_993 = arith.constant 0 : i32
    %ne3A_994 = arith.cmpi ne, %rem3A_992, %ne3A_993 : i32
    %and3A_995 = arith.andi %ne3A_991, %ne3A_994 : i1
    %sub3A_996 = arith.constant 1 : i32
    %sub3A_997 = arith.subi %div3A_976, %sub3A_996 : i32
    %select_n3A_998 = arith.select %and3A_995, %sub3A_997, %div3A_976 : i32
    %add3A_999 = arith.constant 1 : i32
    %add3A_1000 = arith.addi %add3A_999, %select_n3A_998 : i32
    %mul3A_1001 = arith.constant 1024 : i32
    %mul3A_1002 = arith.muli %add3A_1000, %mul3A_1001 : i32
    %jit3A_1003 = arith.constant 8 : i32
    %eq3A_1004 = arith.constant 0 : i32
    %eq3A_1005 = arith.cmpi eq, %jit3A_1003, %eq3A_1004 : i32
    %jit3A_1006 = arith.constant 1 : i32
    %select_n3A_1007 = arith.select %eq3A_1005, %jit3A_1006, %jit3A_1003 : i32
    %rem3A_1008 = arith.remsi %add3A_974, %select_n3A_1007 : i32
    %ne3A_1009 = arith.constant 0 : i32
    %ne3A_1010 = arith.cmpi ne, %rem3A_1008, %ne3A_1009 : i32
    %lt3A_1011 = arith.constant 0 : i32
    %lt3A_1012 = arith.cmpi slt, %rem3A_1008, %lt3A_1011 : i32
    %lt3A_1013 = arith.constant 0 : i32
    %lt3A_1014 = arith.cmpi slt, %select_n3A_1007, %lt3A_1013 : i32
    %ne3A_1015 = arith.xori %lt3A_1012, %lt3A_1014 : i1
    %and3A_1016 = arith.andi %ne3A_1015, %ne3A_1010 : i1
    %add3A_1017 = arith.addi %rem3A_1008, %select_n3A_1007 : i32
    %select_n3A_1018 = arith.select %and3A_1016, %add3A_1017, %rem3A_1008 : i32
    %mul3A_1019 = arith.constant 128 : i32
    %mul3A_1020 = arith.muli %select_n3A_1018, %mul3A_1019 : i32
    %add3A_1021 = arith.addi %mul3A_1002, %mul3A_1020 : i32
    %dma_start3A_1022 = arith.constant 0 : i32
    %dma_start3A_1023 = tpu.memref_slice %arg6[%add3A_1021, %dma_start3A_1022] : memref<205824x128xf32, #tpu.memory_space<hbm>> -> memref<128x128xf32, #tpu.memory_space<hbm>>
    %dma_start3A_1024 = arith.constant 0 : i32
    %dma_start3A_1025 = tpu.memref_slice %arg6[%add3A_1021, %dma_start3A_1024] : memref<205824x128xf32, #tpu.memory_space<hbm>> -> memref<128x128xf32, #tpu.memory_space<hbm>>
    tpu.enqueue_dma source(%arg16 : memref<128x128xf32, #tpu.memory_space<vmem>>) target(%dma_start3A_1025 : memref<128x128xf32, #tpu.memory_space<hbm>>) target_semaphore(%arg30 : memref<!tpu.dma_semaphore, #tpu.memory_space<semaphore_mem>>)
    %dma_wait3A_1026 = arith.constant 0 : i32
    %dma_wait3A_1027 = tpu.memref_slice %arg6[%add3A_950, %dma_wait3A_1026] : memref<205824x128xf32, #tpu.memory_space<hbm>> -> memref<128x128xf32, #tpu.memory_space<hbm>>
    %dma_wait3A_1028 = arith.constant 0 : i32
    %dma_wait3A_1029 = tpu.memref_slice %arg6[%add3A_950, %dma_wait3A_1028] : memref<205824x128xf32, #tpu.memory_space<hbm>> -> memref<128x128xf32, #tpu.memory_space<hbm>>
    tpu.wait_dma2 semaphore(%arg29 : memref<!tpu.dma_semaphore, #tpu.memory_space<semaphore_mem>>) src(%arg15 : memref<128x128xf32, #tpu.memory_space<vmem>>) dst(%dma_wait3A_1029 : memref<128x128xf32, #tpu.memory_space<hbm>>)
    %dma_start3A_1030 = arith.constant 19 : i32
    %dma_start3A_1031 = arith.constant 0 : i32
    %dma_start3A_1032 = tpu.memref_slice %arg7[%dma_start3A_1030, %dma_start3A_1031] : memref<56x128xi32, #tpu.memory_space<vmem>> -> memref<1x128xi32, #tpu.memory_space<vmem>>
    %dma_start3A_1033 = tpu.memref_squeeze %dma_start3A_1032 : memref<1x128xi32, #tpu.memory_space<vmem>> -> memref<128xi32, #tpu.memory_space<vmem>>
    %dma_start3A_1034 = arith.constant 0 : i32
    %dma_start3A_1035 = arith.constant 0 : i32
    %dma_start3A_1036 = tpu.memref_slice %arg5[%dma_start3A_1034, %dma_start3A_1035] : memref<204800x128xf32, #tpu.memory_space<hbm>> -> memref<204800x128xf32, #tpu.memory_space<hbm>>
    tpu.enqueue_indirect_dma source(%dma_start3A_1036 : memref<204800x128xf32, #tpu.memory_space<hbm>>) target(%arg15 : memref<128x128xf32, #tpu.memory_space<vmem>>) offsets(%dma_start3A_1033 : memref<128xi32, #tpu.memory_space<vmem>>) semaphore(%arg22 : memref<!tpu.dma_semaphore, #tpu.memory_space<semaphore_mem>>)
    %dma_wait3A_1037 = arith.constant 14 : i32
    %dma_wait3A_1038 = arith.constant 0 : i32
    %dma_wait3A_1039 = tpu.memref_slice %arg7[%dma_wait3A_1037, %dma_wait3A_1038] : memref<56x128xi32, #tpu.memory_space<vmem>> -> memref<1x128xi32, #tpu.memory_space<vmem>>
    %dma_wait3A_1040 = tpu.memref_squeeze %dma_wait3A_1039 : memref<1x128xi32, #tpu.memory_space<vmem>> -> memref<128xi32, #tpu.memory_space<vmem>>
    %dma_wait3A_1041 = arith.constant 0 : i32
    %dma_wait3A_1042 = arith.constant 0 : i32
    %dma_wait3A_1043 = tpu.memref_slice %arg5[%dma_wait3A_1041, %dma_wait3A_1042] : memref<204800x128xf32, #tpu.memory_space<hbm>> -> memref<204800x128xf32, #tpu.memory_space<hbm>>
    tpu.wait_indirect_dma semaphore(%arg17 : memref<!tpu.dma_semaphore, #tpu.memory_space<semaphore_mem>>) src(%dma_wait3A_1043 : memref<204800x128xf32, #tpu.memory_space<hbm>>) dst(%arg10 : memref<128x128xf32, #tpu.memory_space<vmem>>)
    %add3A_1044 = arith.constant 14 : i32
    %add3A_1045 = arith.addi %mul3A_2, %add3A_1044 : i32
    %jit3A_1046 = arith.constant 8 : i32
    %div3A_1047 = arith.divsi %add3A_1045, %jit3A_1046 : i32
    %sign3A_1048 = arith.constant 0 : i32
    %sign3A_1049 = arith.cmpi sgt, %add3A_1045, %sign3A_1048 : i32
    %sign3A_1050 = arith.extui %sign3A_1049 : i1 to i32
    %sign3A_1051 = arith.constant 0 : i32
    %sign3A_1052 = arith.cmpi slt, %add3A_1045, %sign3A_1051 : i32
    %sign3A_1053 = arith.extui %sign3A_1052 : i1 to i32
    %sign3A_1054 = arith.subi %sign3A_1050, %sign3A_1053 : i32
    %sign3A_1055 = arith.constant 0 : i32
    %sign3A_1056 = arith.cmpi sgt, %jit3A_1046, %sign3A_1055 : i32
    %sign3A_1057 = arith.extui %sign3A_1056 : i1 to i32
    %sign3A_1058 = arith.constant 0 : i32
    %sign3A_1059 = arith.cmpi slt, %jit3A_1046, %sign3A_1058 : i32
    %sign3A_1060 = arith.extui %sign3A_1059 : i1 to i32
    %sign3A_1061 = arith.subi %sign3A_1057, %sign3A_1060 : i32
    %ne3A_1062 = arith.cmpi ne, %sign3A_1054, %sign3A_1061 : i32
    %rem3A_1063 = arith.remsi %add3A_1045, %jit3A_1046 : i32
    %ne3A_1064 = arith.constant 0 : i32
    %ne3A_1065 = arith.cmpi ne, %rem3A_1063, %ne3A_1064 : i32
    %and3A_1066 = arith.andi %ne3A_1062, %ne3A_1065 : i1
    %sub3A_1067 = arith.constant 1 : i32
    %sub3A_1068 = arith.subi %div3A_1047, %sub3A_1067 : i32
    %select_n3A_1069 = arith.select %and3A_1066, %sub3A_1068, %div3A_1047 : i32
    %add3A_1070 = arith.constant 1 : i32
    %add3A_1071 = arith.addi %add3A_1070, %select_n3A_1069 : i32
    %mul3A_1072 = arith.constant 1024 : i32
    %mul3A_1073 = arith.muli %add3A_1071, %mul3A_1072 : i32
    %jit3A_1074 = arith.constant 8 : i32
    %eq3A_1075 = arith.constant 0 : i32
    %eq3A_1076 = arith.cmpi eq, %jit3A_1074, %eq3A_1075 : i32
    %jit3A_1077 = arith.constant 1 : i32
    %select_n3A_1078 = arith.select %eq3A_1076, %jit3A_1077, %jit3A_1074 : i32
    %rem3A_1079 = arith.remsi %add3A_1045, %select_n3A_1078 : i32
    %ne3A_1080 = arith.constant 0 : i32
    %ne3A_1081 = arith.cmpi ne, %rem3A_1079, %ne3A_1080 : i32
    %lt3A_1082 = arith.constant 0 : i32
    %lt3A_1083 = arith.cmpi slt, %rem3A_1079, %lt3A_1082 : i32
    %lt3A_1084 = arith.constant 0 : i32
    %lt3A_1085 = arith.cmpi slt, %select_n3A_1078, %lt3A_1084 : i32
    %ne3A_1086 = arith.xori %lt3A_1083, %lt3A_1085 : i1
    %and3A_1087 = arith.andi %ne3A_1086, %ne3A_1081 : i1
    %add3A_1088 = arith.addi %rem3A_1079, %select_n3A_1078 : i32
    %select_n3A_1089 = arith.select %and3A_1087, %add3A_1088, %rem3A_1079 : i32
    %mul3A_1090 = arith.constant 128 : i32
    %mul3A_1091 = arith.muli %select_n3A_1089, %mul3A_1090 : i32
    %add3A_1092 = arith.addi %mul3A_1073, %mul3A_1091 : i32
    %dma_start3A_1093 = arith.constant 0 : i32
    %dma_start3A_1094 = tpu.memref_slice %arg6[%add3A_1092, %dma_start3A_1093] : memref<205824x128xf32, #tpu.memory_space<hbm>> -> memref<128x128xf32, #tpu.memory_space<hbm>>
    %dma_start3A_1095 = arith.constant 0 : i32
    %dma_start3A_1096 = tpu.memref_slice %arg6[%add3A_1092, %dma_start3A_1095] : memref<205824x128xf32, #tpu.memory_space<hbm>> -> memref<128x128xf32, #tpu.memory_space<hbm>>
    tpu.enqueue_dma source(%arg10 : memref<128x128xf32, #tpu.memory_space<vmem>>) target(%dma_start3A_1096 : memref<128x128xf32, #tpu.memory_space<hbm>>) target_semaphore(%arg24 : memref<!tpu.dma_semaphore, #tpu.memory_space<semaphore_mem>>)
    %dma_wait3A_1097 = arith.constant 0 : i32
    %dma_wait3A_1098 = tpu.memref_slice %arg6[%add3A_1021, %dma_wait3A_1097] : memref<205824x128xf32, #tpu.memory_space<hbm>> -> memref<128x128xf32, #tpu.memory_space<hbm>>
    %dma_wait3A_1099 = arith.constant 0 : i32
    %dma_wait3A_1100 = tpu.memref_slice %arg6[%add3A_1021, %dma_wait3A_1099] : memref<205824x128xf32, #tpu.memory_space<hbm>> -> memref<128x128xf32, #tpu.memory_space<hbm>>
    tpu.wait_dma2 semaphore(%arg30 : memref<!tpu.dma_semaphore, #tpu.memory_space<semaphore_mem>>) src(%arg16 : memref<128x128xf32, #tpu.memory_space<vmem>>) dst(%dma_wait3A_1100 : memref<128x128xf32, #tpu.memory_space<hbm>>)
    %dma_start3A_1101 = arith.constant 20 : i32
    %dma_start3A_1102 = arith.constant 0 : i32
    %dma_start3A_1103 = tpu.memref_slice %arg7[%dma_start3A_1101, %dma_start3A_1102] : memref<56x128xi32, #tpu.memory_space<vmem>> -> memref<1x128xi32, #tpu.memory_space<vmem>>
    %dma_start3A_1104 = tpu.memref_squeeze %dma_start3A_1103 : memref<1x128xi32, #tpu.memory_space<vmem>> -> memref<128xi32, #tpu.memory_space<vmem>>
    %dma_start3A_1105 = arith.constant 0 : i32
    %dma_start3A_1106 = arith.constant 0 : i32
    %dma_start3A_1107 = tpu.memref_slice %arg5[%dma_start3A_1105, %dma_start3A_1106] : memref<204800x128xf32, #tpu.memory_space<hbm>> -> memref<204800x128xf32, #tpu.memory_space<hbm>>
    tpu.enqueue_indirect_dma source(%dma_start3A_1107 : memref<204800x128xf32, #tpu.memory_space<hbm>>) target(%arg16 : memref<128x128xf32, #tpu.memory_space<vmem>>) offsets(%dma_start3A_1104 : memref<128xi32, #tpu.memory_space<vmem>>) semaphore(%arg23 : memref<!tpu.dma_semaphore, #tpu.memory_space<semaphore_mem>>)
    %dma_wait3A_1108 = arith.constant 15 : i32
    %dma_wait3A_1109 = arith.constant 0 : i32
    %dma_wait3A_1110 = tpu.memref_slice %arg7[%dma_wait3A_1108, %dma_wait3A_1109] : memref<56x128xi32, #tpu.memory_space<vmem>> -> memref<1x128xi32, #tpu.memory_space<vmem>>
    %dma_wait3A_1111 = tpu.memref_squeeze %dma_wait3A_1110 : memref<1x128xi32, #tpu.memory_space<vmem>> -> memref<128xi32, #tpu.memory_space<vmem>>
    %dma_wait3A_1112 = arith.constant 0 : i32
    %dma_wait3A_1113 = arith.constant 0 : i32
    %dma_wait3A_1114 = tpu.memref_slice %arg5[%dma_wait3A_1112, %dma_wait3A_1113] : memref<204800x128xf32, #tpu.memory_space<hbm>> -> memref<204800x128xf32, #tpu.memory_space<hbm>>
    tpu.wait_indirect_dma semaphore(%arg18 : memref<!tpu.dma_semaphore, #tpu.memory_space<semaphore_mem>>) src(%dma_wait3A_1114 : memref<204800x128xf32, #tpu.memory_space<hbm>>) dst(%arg11 : memref<128x128xf32, #tpu.memory_space<vmem>>)
    %add3A_1115 = arith.constant 15 : i32
    %add3A_1116 = arith.addi %mul3A_2, %add3A_1115 : i32
    %jit3A_1117 = arith.constant 8 : i32
    %div3A_1118 = arith.divsi %add3A_1116, %jit3A_1117 : i32
    %sign3A_1119 = arith.constant 0 : i32
    %sign3A_1120 = arith.cmpi sgt, %add3A_1116, %sign3A_1119 : i32
    %sign3A_1121 = arith.extui %sign3A_1120 : i1 to i32
    %sign3A_1122 = arith.constant 0 : i32
    %sign3A_1123 = arith.cmpi slt, %add3A_1116, %sign3A_1122 : i32
    %sign3A_1124 = arith.extui %sign3A_1123 : i1 to i32
    %sign3A_1125 = arith.subi %sign3A_1121, %sign3A_1124 : i32
    %sign3A_1126 = arith.constant 0 : i32
    %sign3A_1127 = arith.cmpi sgt, %jit3A_1117, %sign3A_1126 : i32
    %sign3A_1128 = arith.extui %sign3A_1127 : i1 to i32
    %sign3A_1129 = arith.constant 0 : i32
    %sign3A_1130 = arith.cmpi slt, %jit3A_1117, %sign3A_1129 : i32
    %sign3A_1131 = arith.extui %sign3A_1130 : i1 to i32
    %sign3A_1132 = arith.subi %sign3A_1128, %sign3A_1131 : i32
    %ne3A_1133 = arith.cmpi ne, %sign3A_1125, %sign3A_1132 : i32
    %rem3A_1134 = arith.remsi %add3A_1116, %jit3A_1117 : i32
    %ne3A_1135 = arith.constant 0 : i32
    %ne3A_1136 = arith.cmpi ne, %rem3A_1134, %ne3A_1135 : i32
    %and3A_1137 = arith.andi %ne3A_1133, %ne3A_1136 : i1
    %sub3A_1138 = arith.constant 1 : i32
    %sub3A_1139 = arith.subi %div3A_1118, %sub3A_1138 : i32
    %select_n3A_1140 = arith.select %and3A_1137, %sub3A_1139, %div3A_1118 : i32
    %add3A_1141 = arith.constant 1 : i32
    %add3A_1142 = arith.addi %add3A_1141, %select_n3A_1140 : i32
    %mul3A_1143 = arith.constant 1024 : i32
    %mul3A_1144 = arith.muli %add3A_1142, %mul3A_1143 : i32
    %jit3A_1145 = arith.constant 8 : i32
    %eq3A_1146 = arith.constant 0 : i32
    %eq3A_1147 = arith.cmpi eq, %jit3A_1145, %eq3A_1146 : i32
    %jit3A_1148 = arith.constant 1 : i32
    %select_n3A_1149 = arith.select %eq3A_1147, %jit3A_1148, %jit3A_1145 : i32
    %rem3A_1150 = arith.remsi %add3A_1116, %select_n3A_1149 : i32
    %ne3A_1151 = arith.constant 0 : i32
    %ne3A_1152 = arith.cmpi ne, %rem3A_1150, %ne3A_1151 : i32
    %lt3A_1153 = arith.constant 0 : i32
    %lt3A_1154 = arith.cmpi slt, %rem3A_1150, %lt3A_1153 : i32
    %lt3A_1155 = arith.constant 0 : i32
    %lt3A_1156 = arith.cmpi slt, %select_n3A_1149, %lt3A_1155 : i32
    %ne3A_1157 = arith.xori %lt3A_1154, %lt3A_1156 : i1
    %and3A_1158 = arith.andi %ne3A_1157, %ne3A_1152 : i1
    %add3A_1159 = arith.addi %rem3A_1150, %select_n3A_1149 : i32
    %select_n3A_1160 = arith.select %and3A_1158, %add3A_1159, %rem3A_1150 : i32
    %mul3A_1161 = arith.constant 128 : i32
    %mul3A_1162 = arith.muli %select_n3A_1160, %mul3A_1161 : i32
    %add3A_1163 = arith.addi %mul3A_1144, %mul3A_1162 : i32
    %dma_start3A_1164 = arith.constant 0 : i32
    %dma_start3A_1165 = tpu.memref_slice %arg6[%add3A_1163, %dma_start3A_1164] : memref<205824x128xf32, #tpu.memory_space<hbm>> -> memref<128x128xf32, #tpu.memory_space<hbm>>
    %dma_start3A_1166 = arith.constant 0 : i32
    %dma_start3A_1167 = tpu.memref_slice %arg6[%add3A_1163, %dma_start3A_1166] : memref<205824x128xf32, #tpu.memory_space<hbm>> -> memref<128x128xf32, #tpu.memory_space<hbm>>
    tpu.enqueue_dma source(%arg11 : memref<128x128xf32, #tpu.memory_space<vmem>>) target(%dma_start3A_1167 : memref<128x128xf32, #tpu.memory_space<hbm>>) target_semaphore(%arg25 : memref<!tpu.dma_semaphore, #tpu.memory_space<semaphore_mem>>)
    %dma_wait3A_1168 = arith.constant 0 : i32
    %dma_wait3A_1169 = tpu.memref_slice %arg6[%add3A_1092, %dma_wait3A_1168] : memref<205824x128xf32, #tpu.memory_space<hbm>> -> memref<128x128xf32, #tpu.memory_space<hbm>>
    %dma_wait3A_1170 = arith.constant 0 : i32
    %dma_wait3A_1171 = tpu.memref_slice %arg6[%add3A_1092, %dma_wait3A_1170] : memref<205824x128xf32, #tpu.memory_space<hbm>> -> memref<128x128xf32, #tpu.memory_space<hbm>>
    tpu.wait_dma2 semaphore(%arg24 : memref<!tpu.dma_semaphore, #tpu.memory_space<semaphore_mem>>) src(%arg10 : memref<128x128xf32, #tpu.memory_space<vmem>>) dst(%dma_wait3A_1171 : memref<128x128xf32, #tpu.memory_space<hbm>>)
    %dma_start3A_1172 = arith.constant 21 : i32
    %dma_start3A_1173 = arith.constant 0 : i32
    %dma_start3A_1174 = tpu.memref_slice %arg7[%dma_start3A_1172, %dma_start3A_1173] : memref<56x128xi32, #tpu.memory_space<vmem>> -> memref<1x128xi32, #tpu.memory_space<vmem>>
    %dma_start3A_1175 = tpu.memref_squeeze %dma_start3A_1174 : memref<1x128xi32, #tpu.memory_space<vmem>> -> memref<128xi32, #tpu.memory_space<vmem>>
    %dma_start3A_1176 = arith.constant 0 : i32
    %dma_start3A_1177 = arith.constant 0 : i32
    %dma_start3A_1178 = tpu.memref_slice %arg5[%dma_start3A_1176, %dma_start3A_1177] : memref<204800x128xf32, #tpu.memory_space<hbm>> -> memref<204800x128xf32, #tpu.memory_space<hbm>>
    tpu.enqueue_indirect_dma source(%dma_start3A_1178 : memref<204800x128xf32, #tpu.memory_space<hbm>>) target(%arg10 : memref<128x128xf32, #tpu.memory_space<vmem>>) offsets(%dma_start3A_1175 : memref<128xi32, #tpu.memory_space<vmem>>) semaphore(%arg17 : memref<!tpu.dma_semaphore, #tpu.memory_space<semaphore_mem>>)
    %dma_wait3A_1179 = arith.constant 16 : i32
    %dma_wait3A_1180 = arith.constant 0 : i32
    %dma_wait3A_1181 = tpu.memref_slice %arg7[%dma_wait3A_1179, %dma_wait3A_1180] : memref<56x128xi32, #tpu.memory_space<vmem>> -> memref<1x128xi32, #tpu.memory_space<vmem>>
    %dma_wait3A_1182 = tpu.memref_squeeze %dma_wait3A_1181 : memref<1x128xi32, #tpu.memory_space<vmem>> -> memref<128xi32, #tpu.memory_space<vmem>>
    %dma_wait3A_1183 = arith.constant 0 : i32
    %dma_wait3A_1184 = arith.constant 0 : i32
    %dma_wait3A_1185 = tpu.memref_slice %arg5[%dma_wait3A_1183, %dma_wait3A_1184] : memref<204800x128xf32, #tpu.memory_space<hbm>> -> memref<204800x128xf32, #tpu.memory_space<hbm>>
    tpu.wait_indirect_dma semaphore(%arg19 : memref<!tpu.dma_semaphore, #tpu.memory_space<semaphore_mem>>) src(%dma_wait3A_1185 : memref<204800x128xf32, #tpu.memory_space<hbm>>) dst(%arg12 : memref<128x128xf32, #tpu.memory_space<vmem>>)
    %add3A_1186 = arith.constant 16 : i32
    %add3A_1187 = arith.addi %mul3A_2, %add3A_1186 : i32
    %jit3A_1188 = arith.constant 8 : i32
    %div3A_1189 = arith.divsi %add3A_1187, %jit3A_1188 : i32
    %sign3A_1190 = arith.constant 0 : i32
    %sign3A_1191 = arith.cmpi sgt, %add3A_1187, %sign3A_1190 : i32
    %sign3A_1192 = arith.extui %sign3A_1191 : i1 to i32
    %sign3A_1193 = arith.constant 0 : i32
    %sign3A_1194 = arith.cmpi slt, %add3A_1187, %sign3A_1193 : i32
    %sign3A_1195 = arith.extui %sign3A_1194 : i1 to i32
    %sign3A_1196 = arith.subi %sign3A_1192, %sign3A_1195 : i32
    %sign3A_1197 = arith.constant 0 : i32
    %sign3A_1198 = arith.cmpi sgt, %jit3A_1188, %sign3A_1197 : i32
    %sign3A_1199 = arith.extui %sign3A_1198 : i1 to i32
    %sign3A_1200 = arith.constant 0 : i32
    %sign3A_1201 = arith.cmpi slt, %jit3A_1188, %sign3A_1200 : i32
    %sign3A_1202 = arith.extui %sign3A_1201 : i1 to i32
    %sign3A_1203 = arith.subi %sign3A_1199, %sign3A_1202 : i32
    %ne3A_1204 = arith.cmpi ne, %sign3A_1196, %sign3A_1203 : i32
    %rem3A_1205 = arith.remsi %add3A_1187, %jit3A_1188 : i32
    %ne3A_1206 = arith.constant 0 : i32
    %ne3A_1207 = arith.cmpi ne, %rem3A_1205, %ne3A_1206 : i32
    %and3A_1208 = arith.andi %ne3A_1204, %ne3A_1207 : i1
    %sub3A_1209 = arith.constant 1 : i32
    %sub3A_1210 = arith.subi %div3A_1189, %sub3A_1209 : i32
    %select_n3A_1211 = arith.select %and3A_1208, %sub3A_1210, %div3A_1189 : i32
    %add3A_1212 = arith.constant 1 : i32
    %add3A_1213 = arith.addi %add3A_1212, %select_n3A_1211 : i32
    %mul3A_1214 = arith.constant 1024 : i32
    %mul3A_1215 = arith.muli %add3A_1213, %mul3A_1214 : i32
    %jit3A_1216 = arith.constant 8 : i32
    %eq3A_1217 = arith.constant 0 : i32
    %eq3A_1218 = arith.cmpi eq, %jit3A_1216, %eq3A_1217 : i32
    %jit3A_1219 = arith.constant 1 : i32
    %select_n3A_1220 = arith.select %eq3A_1218, %jit3A_1219, %jit3A_1216 : i32
    %rem3A_1221 = arith.remsi %add3A_1187, %select_n3A_1220 : i32
    %ne3A_1222 = arith.constant 0 : i32
    %ne3A_1223 = arith.cmpi ne, %rem3A_1221, %ne3A_1222 : i32
    %lt3A_1224 = arith.constant 0 : i32
    %lt3A_1225 = arith.cmpi slt, %rem3A_1221, %lt3A_1224 : i32
    %lt3A_1226 = arith.constant 0 : i32
    %lt3A_1227 = arith.cmpi slt, %select_n3A_1220, %lt3A_1226 : i32
    %ne3A_1228 = arith.xori %lt3A_1225, %lt3A_1227 : i1
    %and3A_1229 = arith.andi %ne3A_1228, %ne3A_1223 : i1
    %add3A_1230 = arith.addi %rem3A_1221, %select_n3A_1220 : i32
    %select_n3A_1231 = arith.select %and3A_1229, %add3A_1230, %rem3A_1221 : i32
    %mul3A_1232 = arith.constant 128 : i32
    %mul3A_1233 = arith.muli %select_n3A_1231, %mul3A_1232 : i32
    %add3A_1234 = arith.addi %mul3A_1215, %mul3A_1233 : i32
    %dma_start3A_1235 = arith.constant 0 : i32
    %dma_start3A_1236 = tpu.memref_slice %arg6[%add3A_1234, %dma_start3A_1235] : memref<205824x128xf32, #tpu.memory_space<hbm>> -> memref<128x128xf32, #tpu.memory_space<hbm>>
    %dma_start3A_1237 = arith.constant 0 : i32
    %dma_start3A_1238 = tpu.memref_slice %arg6[%add3A_1234, %dma_start3A_1237] : memref<205824x128xf32, #tpu.memory_space<hbm>> -> memref<128x128xf32, #tpu.memory_space<hbm>>
    tpu.enqueue_dma source(%arg12 : memref<128x128xf32, #tpu.memory_space<vmem>>) target(%dma_start3A_1238 : memref<128x128xf32, #tpu.memory_space<hbm>>) target_semaphore(%arg26 : memref<!tpu.dma_semaphore, #tpu.memory_space<semaphore_mem>>)
    %dma_wait3A_1239 = arith.constant 0 : i32
    %dma_wait3A_1240 = tpu.memref_slice %arg6[%add3A_1163, %dma_wait3A_1239] : memref<205824x128xf32, #tpu.memory_space<hbm>> -> memref<128x128xf32, #tpu.memory_space<hbm>>
    %dma_wait3A_1241 = arith.constant 0 : i32
    %dma_wait3A_1242 = tpu.memref_slice %arg6[%add3A_1163, %dma_wait3A_1241] : memref<205824x128xf32, #tpu.memory_space<hbm>> -> memref<128x128xf32, #tpu.memory_space<hbm>>
    tpu.wait_dma2 semaphore(%arg25 : memref<!tpu.dma_semaphore, #tpu.memory_space<semaphore_mem>>) src(%arg11 : memref<128x128xf32, #tpu.memory_space<vmem>>) dst(%dma_wait3A_1242 : memref<128x128xf32, #tpu.memory_space<hbm>>)
    %dma_start3A_1243 = arith.constant 22 : i32
    %dma_start3A_1244 = arith.constant 0 : i32
    %dma_start3A_1245 = tpu.memref_slice %arg7[%dma_start3A_1243, %dma_start3A_1244] : memref<56x128xi32, #tpu.memory_space<vmem>> -> memref<1x128xi32, #tpu.memory_space<vmem>>
    %dma_start3A_1246 = tpu.memref_squeeze %dma_start3A_1245 : memref<1x128xi32, #tpu.memory_space<vmem>> -> memref<128xi32, #tpu.memory_space<vmem>>
    %dma_start3A_1247 = arith.constant 0 : i32
    %dma_start3A_1248 = arith.constant 0 : i32
    %dma_start3A_1249 = tpu.memref_slice %arg5[%dma_start3A_1247, %dma_start3A_1248] : memref<204800x128xf32, #tpu.memory_space<hbm>> -> memref<204800x128xf32, #tpu.memory_space<hbm>>
    tpu.enqueue_indirect_dma source(%dma_start3A_1249 : memref<204800x128xf32, #tpu.memory_space<hbm>>) target(%arg11 : memref<128x128xf32, #tpu.memory_space<vmem>>) offsets(%dma_start3A_1246 : memref<128xi32, #tpu.memory_space<vmem>>) semaphore(%arg18 : memref<!tpu.dma_semaphore, #tpu.memory_space<semaphore_mem>>)
    %dma_wait3A_1250 = arith.constant 17 : i32
    %dma_wait3A_1251 = arith.constant 0 : i32
    %dma_wait3A_1252 = tpu.memref_slice %arg7[%dma_wait3A_1250, %dma_wait3A_1251] : memref<56x128xi32, #tpu.memory_space<vmem>> -> memref<1x128xi32, #tpu.memory_space<vmem>>
    %dma_wait3A_1253 = tpu.memref_squeeze %dma_wait3A_1252 : memref<1x128xi32, #tpu.memory_space<vmem>> -> memref<128xi32, #tpu.memory_space<vmem>>
    %dma_wait3A_1254 = arith.constant 0 : i32
    %dma_wait3A_1255 = arith.constant 0 : i32
    %dma_wait3A_1256 = tpu.memref_slice %arg5[%dma_wait3A_1254, %dma_wait3A_1255] : memref<204800x128xf32, #tpu.memory_space<hbm>> -> memref<204800x128xf32, #tpu.memory_space<hbm>>
    tpu.wait_indirect_dma semaphore(%arg20 : memref<!tpu.dma_semaphore, #tpu.memory_space<semaphore_mem>>) src(%dma_wait3A_1256 : memref<204800x128xf32, #tpu.memory_space<hbm>>) dst(%arg13 : memref<128x128xf32, #tpu.memory_space<vmem>>)
    %add3A_1257 = arith.constant 17 : i32
    %add3A_1258 = arith.addi %mul3A_2, %add3A_1257 : i32
    %jit3A_1259 = arith.constant 8 : i32
    %div3A_1260 = arith.divsi %add3A_1258, %jit3A_1259 : i32
    %sign3A_1261 = arith.constant 0 : i32
    %sign3A_1262 = arith.cmpi sgt, %add3A_1258, %sign3A_1261 : i32
    %sign3A_1263 = arith.extui %sign3A_1262 : i1 to i32
    %sign3A_1264 = arith.constant 0 : i32
    %sign3A_1265 = arith.cmpi slt, %add3A_1258, %sign3A_1264 : i32
    %sign3A_1266 = arith.extui %sign3A_1265 : i1 to i32
    %sign3A_1267 = arith.subi %sign3A_1263, %sign3A_1266 : i32
    %sign3A_1268 = arith.constant 0 : i32
    %sign3A_1269 = arith.cmpi sgt, %jit3A_1259, %sign3A_1268 : i32
    %sign3A_1270 = arith.extui %sign3A_1269 : i1 to i32
    %sign3A_1271 = arith.constant 0 : i32
    %sign3A_1272 = arith.cmpi slt, %jit3A_1259, %sign3A_1271 : i32
    %sign3A_1273 = arith.extui %sign3A_1272 : i1 to i32
    %sign3A_1274 = arith.subi %sign3A_1270, %sign3A_1273 : i32
    %ne3A_1275 = arith.cmpi ne, %sign3A_1267, %sign3A_1274 : i32
    %rem3A_1276 = arith.remsi %add3A_1258, %jit3A_1259 : i32
    %ne3A_1277 = arith.constant 0 : i32
    %ne3A_1278 = arith.cmpi ne, %rem3A_1276, %ne3A_1277 : i32
    %and3A_1279 = arith.andi %ne3A_1275, %ne3A_1278 : i1
    %sub3A_1280 = arith.constant 1 : i32
    %sub3A_1281 = arith.subi %div3A_1260, %sub3A_1280 : i32
    %select_n3A_1282 = arith.select %and3A_1279, %sub3A_1281, %div3A_1260 : i32
    %add3A_1283 = arith.constant 1 : i32
    %add3A_1284 = arith.addi %add3A_1283, %select_n3A_1282 : i32
    %mul3A_1285 = arith.constant 1024 : i32
    %mul3A_1286 = arith.muli %add3A_1284, %mul3A_1285 : i32
    %jit3A_1287 = arith.constant 8 : i32
    %eq3A_1288 = arith.constant 0 : i32
    %eq3A_1289 = arith.cmpi eq, %jit3A_1287, %eq3A_1288 : i32
    %jit3A_1290 = arith.constant 1 : i32
    %select_n3A_1291 = arith.select %eq3A_1289, %jit3A_1290, %jit3A_1287 : i32
    %rem3A_1292 = arith.remsi %add3A_1258, %select_n3A_1291 : i32
    %ne3A_1293 = arith.constant 0 : i32
    %ne3A_1294 = arith.cmpi ne, %rem3A_1292, %ne3A_1293 : i32
    %lt3A_1295 = arith.constant 0 : i32
    %lt3A_1296 = arith.cmpi slt, %rem3A_1292, %lt3A_1295 : i32
    %lt3A_1297 = arith.constant 0 : i32
    %lt3A_1298 = arith.cmpi slt, %select_n3A_1291, %lt3A_1297 : i32
    %ne3A_1299 = arith.xori %lt3A_1296, %lt3A_1298 : i1
    %and3A_1300 = arith.andi %ne3A_1299, %ne3A_1294 : i1
    %add3A_1301 = arith.addi %rem3A_1292, %select_n3A_1291 : i32
    %select_n3A_1302 = arith.select %and3A_1300, %add3A_1301, %rem3A_1292 : i32
    %mul3A_1303 = arith.constant 128 : i32
    %mul3A_1304 = arith.muli %select_n3A_1302, %mul3A_1303 : i32
    %add3A_1305 = arith.addi %mul3A_1286, %mul3A_1304 : i32
    %dma_start3A_1306 = arith.constant 0 : i32
    %dma_start3A_1307 = tpu.memref_slice %arg6[%add3A_1305, %dma_start3A_1306] : memref<205824x128xf32, #tpu.memory_space<hbm>> -> memref<128x128xf32, #tpu.memory_space<hbm>>
    %dma_start3A_1308 = arith.constant 0 : i32
    %dma_start3A_1309 = tpu.memref_slice %arg6[%add3A_1305, %dma_start3A_1308] : memref<205824x128xf32, #tpu.memory_space<hbm>> -> memref<128x128xf32, #tpu.memory_space<hbm>>
    tpu.enqueue_dma source(%arg13 : memref<128x128xf32, #tpu.memory_space<vmem>>) target(%dma_start3A_1309 : memref<128x128xf32, #tpu.memory_space<hbm>>) target_semaphore(%arg27 : memref<!tpu.dma_semaphore, #tpu.memory_space<semaphore_mem>>)
    %dma_wait3A_1310 = arith.constant 0 : i32
    %dma_wait3A_1311 = tpu.memref_slice %arg6[%add3A_1234, %dma_wait3A_1310] : memref<205824x128xf32, #tpu.memory_space<hbm>> -> memref<128x128xf32, #tpu.memory_space<hbm>>
    %dma_wait3A_1312 = arith.constant 0 : i32
    %dma_wait3A_1313 = tpu.memref_slice %arg6[%add3A_1234, %dma_wait3A_1312] : memref<205824x128xf32, #tpu.memory_space<hbm>> -> memref<128x128xf32, #tpu.memory_space<hbm>>
    tpu.wait_dma2 semaphore(%arg26 : memref<!tpu.dma_semaphore, #tpu.memory_space<semaphore_mem>>) src(%arg12 : memref<128x128xf32, #tpu.memory_space<vmem>>) dst(%dma_wait3A_1313 : memref<128x128xf32, #tpu.memory_space<hbm>>)
    %dma_start3A_1314 = arith.constant 23 : i32
    %dma_start3A_1315 = arith.constant 0 : i32
    %dma_start3A_1316 = tpu.memref_slice %arg7[%dma_start3A_1314, %dma_start3A_1315] : memref<56x128xi32, #tpu.memory_space<vmem>> -> memref<1x128xi32, #tpu.memory_space<vmem>>
    %dma_start3A_1317 = tpu.memref_squeeze %dma_start3A_1316 : memref<1x128xi32, #tpu.memory_space<vmem>> -> memref<128xi32, #tpu.memory_space<vmem>>
    %dma_start3A_1318 = arith.constant 0 : i32
    %dma_start3A_1319 = arith.constant 0 : i32
    %dma_start3A_1320 = tpu.memref_slice %arg5[%dma_start3A_1318, %dma_start3A_1319] : memref<204800x128xf32, #tpu.memory_space<hbm>> -> memref<204800x128xf32, #tpu.memory_space<hbm>>
    tpu.enqueue_indirect_dma source(%dma_start3A_1320 : memref<204800x128xf32, #tpu.memory_space<hbm>>) target(%arg12 : memref<128x128xf32, #tpu.memory_space<vmem>>) offsets(%dma_start3A_1317 : memref<128xi32, #tpu.memory_space<vmem>>) semaphore(%arg19 : memref<!tpu.dma_semaphore, #tpu.memory_space<semaphore_mem>>)
    %dma_wait3A_1321 = arith.constant 18 : i32
    %dma_wait3A_1322 = arith.constant 0 : i32
    %dma_wait3A_1323 = tpu.memref_slice %arg7[%dma_wait3A_1321, %dma_wait3A_1322] : memref<56x128xi32, #tpu.memory_space<vmem>> -> memref<1x128xi32, #tpu.memory_space<vmem>>
    %dma_wait3A_1324 = tpu.memref_squeeze %dma_wait3A_1323 : memref<1x128xi32, #tpu.memory_space<vmem>> -> memref<128xi32, #tpu.memory_space<vmem>>
    %dma_wait3A_1325 = arith.constant 0 : i32
    %dma_wait3A_1326 = arith.constant 0 : i32
    %dma_wait3A_1327 = tpu.memref_slice %arg5[%dma_wait3A_1325, %dma_wait3A_1326] : memref<204800x128xf32, #tpu.memory_space<hbm>> -> memref<204800x128xf32, #tpu.memory_space<hbm>>
    tpu.wait_indirect_dma semaphore(%arg21 : memref<!tpu.dma_semaphore, #tpu.memory_space<semaphore_mem>>) src(%dma_wait3A_1327 : memref<204800x128xf32, #tpu.memory_space<hbm>>) dst(%arg14 : memref<128x128xf32, #tpu.memory_space<vmem>>)
    %add3A_1328 = arith.constant 18 : i32
    %add3A_1329 = arith.addi %mul3A_2, %add3A_1328 : i32
    %jit3A_1330 = arith.constant 8 : i32
    %div3A_1331 = arith.divsi %add3A_1329, %jit3A_1330 : i32
    %sign3A_1332 = arith.constant 0 : i32
    %sign3A_1333 = arith.cmpi sgt, %add3A_1329, %sign3A_1332 : i32
    %sign3A_1334 = arith.extui %sign3A_1333 : i1 to i32
    %sign3A_1335 = arith.constant 0 : i32
    %sign3A_1336 = arith.cmpi slt, %add3A_1329, %sign3A_1335 : i32
    %sign3A_1337 = arith.extui %sign3A_1336 : i1 to i32
    %sign3A_1338 = arith.subi %sign3A_1334, %sign3A_1337 : i32
    %sign3A_1339 = arith.constant 0 : i32
    %sign3A_1340 = arith.cmpi sgt, %jit3A_1330, %sign3A_1339 : i32
    %sign3A_1341 = arith.extui %sign3A_1340 : i1 to i32
    %sign3A_1342 = arith.constant 0 : i32
    %sign3A_1343 = arith.cmpi slt, %jit3A_1330, %sign3A_1342 : i32
    %sign3A_1344 = arith.extui %sign3A_1343 : i1 to i32
    %sign3A_1345 = arith.subi %sign3A_1341, %sign3A_1344 : i32
    %ne3A_1346 = arith.cmpi ne, %sign3A_1338, %sign3A_1345 : i32
    %rem3A_1347 = arith.remsi %add3A_1329, %jit3A_1330 : i32
    %ne3A_1348 = arith.constant 0 : i32
    %ne3A_1349 = arith.cmpi ne, %rem3A_1347, %ne3A_1348 : i32
    %and3A_1350 = arith.andi %ne3A_1346, %ne3A_1349 : i1
    %sub3A_1351 = arith.constant 1 : i32
    %sub3A_1352 = arith.subi %div3A_1331, %sub3A_1351 : i32
    %select_n3A_1353 = arith.select %and3A_1350, %sub3A_1352, %div3A_1331 : i32
    %add3A_1354 = arith.constant 1 : i32
    %add3A_1355 = arith.addi %add3A_1354, %select_n3A_1353 : i32
    %mul3A_1356 = arith.constant 1024 : i32
    %mul3A_1357 = arith.muli %add3A_1355, %mul3A_1356 : i32
    %jit3A_1358 = arith.constant 8 : i32
    %eq3A_1359 = arith.constant 0 : i32
    %eq3A_1360 = arith.cmpi eq, %jit3A_1358, %eq3A_1359 : i32
    %jit3A_1361 = arith.constant 1 : i32
    %select_n3A_1362 = arith.select %eq3A_1360, %jit3A_1361, %jit3A_1358 : i32
    %rem3A_1363 = arith.remsi %add3A_1329, %select_n3A_1362 : i32
    %ne3A_1364 = arith.constant 0 : i32
    %ne3A_1365 = arith.cmpi ne, %rem3A_1363, %ne3A_1364 : i32
    %lt3A_1366 = arith.constant 0 : i32
    %lt3A_1367 = arith.cmpi slt, %rem3A_1363, %lt3A_1366 : i32
    %lt3A_1368 = arith.constant 0 : i32
    %lt3A_1369 = arith.cmpi slt, %select_n3A_1362, %lt3A_1368 : i32
    %ne3A_1370 = arith.xori %lt3A_1367, %lt3A_1369 : i1
    %and3A_1371 = arith.andi %ne3A_1370, %ne3A_1365 : i1
    %add3A_1372 = arith.addi %rem3A_1363, %select_n3A_1362 : i32
    %select_n3A_1373 = arith.select %and3A_1371, %add3A_1372, %rem3A_1363 : i32
    %mul3A_1374 = arith.constant 128 : i32
    %mul3A_1375 = arith.muli %select_n3A_1373, %mul3A_1374 : i32
    %add3A_1376 = arith.addi %mul3A_1357, %mul3A_1375 : i32
    %dma_start3A_1377 = arith.constant 0 : i32
    %dma_start3A_1378 = tpu.memref_slice %arg6[%add3A_1376, %dma_start3A_1377] : memref<205824x128xf32, #tpu.memory_space<hbm>> -> memref<128x128xf32, #tpu.memory_space<hbm>>
    %dma_start3A_1379 = arith.constant 0 : i32
    %dma_start3A_1380 = tpu.memref_slice %arg6[%add3A_1376, %dma_start3A_1379] : memref<205824x128xf32, #tpu.memory_space<hbm>> -> memref<128x128xf32, #tpu.memory_space<hbm>>
    tpu.enqueue_dma source(%arg14 : memref<128x128xf32, #tpu.memory_space<vmem>>) target(%dma_start3A_1380 : memref<128x128xf32, #tpu.memory_space<hbm>>) target_semaphore(%arg28 : memref<!tpu.dma_semaphore, #tpu.memory_space<semaphore_mem>>)
    %dma_wait3A_1381 = arith.constant 0 : i32
    %dma_wait3A_1382 = tpu.memref_slice %arg6[%add3A_1305, %dma_wait3A_1381] : memref<205824x128xf32, #tpu.memory_space<hbm>> -> memref<128x128xf32, #tpu.memory_space<hbm>>
    %dma_wait3A_1383 = arith.constant 0 : i32
    %dma_wait3A_1384 = tpu.memref_slice %arg6[%add3A_1305, %dma_wait3A_1383] : memref<205824x128xf32, #tpu.memory_space<hbm>> -> memref<128x128xf32, #tpu.memory_space<hbm>>
    tpu.wait_dma2 semaphore(%arg27 : memref<!tpu.dma_semaphore, #tpu.memory_space<semaphore_mem>>) src(%arg13 : memref<128x128xf32, #tpu.memory_space<vmem>>) dst(%dma_wait3A_1384 : memref<128x128xf32, #tpu.memory_space<hbm>>)
    %dma_start3A_1385 = arith.constant 24 : i32
    %dma_start3A_1386 = arith.constant 0 : i32
    %dma_start3A_1387 = tpu.memref_slice %arg7[%dma_start3A_1385, %dma_start3A_1386] : memref<56x128xi32, #tpu.memory_space<vmem>> -> memref<1x128xi32, #tpu.memory_space<vmem>>
    %dma_start3A_1388 = tpu.memref_squeeze %dma_start3A_1387 : memref<1x128xi32, #tpu.memory_space<vmem>> -> memref<128xi32, #tpu.memory_space<vmem>>
    %dma_start3A_1389 = arith.constant 0 : i32
    %dma_start3A_1390 = arith.constant 0 : i32
    %dma_start3A_1391 = tpu.memref_slice %arg5[%dma_start3A_1389, %dma_start3A_1390] : memref<204800x128xf32, #tpu.memory_space<hbm>> -> memref<204800x128xf32, #tpu.memory_space<hbm>>
    tpu.enqueue_indirect_dma source(%dma_start3A_1391 : memref<204800x128xf32, #tpu.memory_space<hbm>>) target(%arg13 : memref<128x128xf32, #tpu.memory_space<vmem>>) offsets(%dma_start3A_1388 : memref<128xi32, #tpu.memory_space<vmem>>) semaphore(%arg20 : memref<!tpu.dma_semaphore, #tpu.memory_space<semaphore_mem>>)
    %dma_wait3A_1392 = arith.constant 19 : i32
    %dma_wait3A_1393 = arith.constant 0 : i32
    %dma_wait3A_1394 = tpu.memref_slice %arg7[%dma_wait3A_1392, %dma_wait3A_1393] : memref<56x128xi32, #tpu.memory_space<vmem>> -> memref<1x128xi32, #tpu.memory_space<vmem>>
    %dma_wait3A_1395 = tpu.memref_squeeze %dma_wait3A_1394 : memref<1x128xi32, #tpu.memory_space<vmem>> -> memref<128xi32, #tpu.memory_space<vmem>>
    %dma_wait3A_1396 = arith.constant 0 : i32
    %dma_wait3A_1397 = arith.constant 0 : i32
    %dma_wait3A_1398 = tpu.memref_slice %arg5[%dma_wait3A_1396, %dma_wait3A_1397] : memref<204800x128xf32, #tpu.memory_space<hbm>> -> memref<204800x128xf32, #tpu.memory_space<hbm>>
    tpu.wait_indirect_dma semaphore(%arg22 : memref<!tpu.dma_semaphore, #tpu.memory_space<semaphore_mem>>) src(%dma_wait3A_1398 : memref<204800x128xf32, #tpu.memory_space<hbm>>) dst(%arg15 : memref<128x128xf32, #tpu.memory_space<vmem>>)
    %add3A_1399 = arith.constant 19 : i32
    %add3A_1400 = arith.addi %mul3A_2, %add3A_1399 : i32
    %jit3A_1401 = arith.constant 8 : i32
    %div3A_1402 = arith.divsi %add3A_1400, %jit3A_1401 : i32
    %sign3A_1403 = arith.constant 0 : i32
    %sign3A_1404 = arith.cmpi sgt, %add3A_1400, %sign3A_1403 : i32
    %sign3A_1405 = arith.extui %sign3A_1404 : i1 to i32
    %sign3A_1406 = arith.constant 0 : i32
    %sign3A_1407 = arith.cmpi slt, %add3A_1400, %sign3A_1406 : i32
    %sign3A_1408 = arith.extui %sign3A_1407 : i1 to i32
    %sign3A_1409 = arith.subi %sign3A_1405, %sign3A_1408 : i32
    %sign3A_1410 = arith.constant 0 : i32
    %sign3A_1411 = arith.cmpi sgt, %jit3A_1401, %sign3A_1410 : i32
    %sign3A_1412 = arith.extui %sign3A_1411 : i1 to i32
    %sign3A_1413 = arith.constant 0 : i32
    %sign3A_1414 = arith.cmpi slt, %jit3A_1401, %sign3A_1413 : i32
    %sign3A_1415 = arith.extui %sign3A_1414 : i1 to i32
    %sign3A_1416 = arith.subi %sign3A_1412, %sign3A_1415 : i32
    %ne3A_1417 = arith.cmpi ne, %sign3A_1409, %sign3A_1416 : i32
    %rem3A_1418 = arith.remsi %add3A_1400, %jit3A_1401 : i32
    %ne3A_1419 = arith.constant 0 : i32
    %ne3A_1420 = arith.cmpi ne, %rem3A_1418, %ne3A_1419 : i32
    %and3A_1421 = arith.andi %ne3A_1417, %ne3A_1420 : i1
    %sub3A_1422 = arith.constant 1 : i32
    %sub3A_1423 = arith.subi %div3A_1402, %sub3A_1422 : i32
    %select_n3A_1424 = arith.select %and3A_1421, %sub3A_1423, %div3A_1402 : i32
    %add3A_1425 = arith.constant 1 : i32
    %add3A_1426 = arith.addi %add3A_1425, %select_n3A_1424 : i32
    %mul3A_1427 = arith.constant 1024 : i32
    %mul3A_1428 = arith.muli %add3A_1426, %mul3A_1427 : i32
    %jit3A_1429 = arith.constant 8 : i32
    %eq3A_1430 = arith.constant 0 : i32
    %eq3A_1431 = arith.cmpi eq, %jit3A_1429, %eq3A_1430 : i32
    %jit3A_1432 = arith.constant 1 : i32
    %select_n3A_1433 = arith.select %eq3A_1431, %jit3A_1432, %jit3A_1429 : i32
    %rem3A_1434 = arith.remsi %add3A_1400, %select_n3A_1433 : i32
    %ne3A_1435 = arith.constant 0 : i32
    %ne3A_1436 = arith.cmpi ne, %rem3A_1434, %ne3A_1435 : i32
    %lt3A_1437 = arith.constant 0 : i32
    %lt3A_1438 = arith.cmpi slt, %rem3A_1434, %lt3A_1437 : i32
    %lt3A_1439 = arith.constant 0 : i32
    %lt3A_1440 = arith.cmpi slt, %select_n3A_1433, %lt3A_1439 : i32
    %ne3A_1441 = arith.xori %lt3A_1438, %lt3A_1440 : i1
    %and3A_1442 = arith.andi %ne3A_1441, %ne3A_1436 : i1
    %add3A_1443 = arith.addi %rem3A_1434, %select_n3A_1433 : i32
    %select_n3A_1444 = arith.select %and3A_1442, %add3A_1443, %rem3A_1434 : i32
    %mul3A_1445 = arith.constant 128 : i32
    %mul3A_1446 = arith.muli %select_n3A_1444, %mul3A_1445 : i32
    %add3A_1447 = arith.addi %mul3A_1428, %mul3A_1446 : i32
    %dma_start3A_1448 = arith.constant 0 : i32
    %dma_start3A_1449 = tpu.memref_slice %arg6[%add3A_1447, %dma_start3A_1448] : memref<205824x128xf32, #tpu.memory_space<hbm>> -> memref<128x128xf32, #tpu.memory_space<hbm>>
    %dma_start3A_1450 = arith.constant 0 : i32
    %dma_start3A_1451 = tpu.memref_slice %arg6[%add3A_1447, %dma_start3A_1450] : memref<205824x128xf32, #tpu.memory_space<hbm>> -> memref<128x128xf32, #tpu.memory_space<hbm>>
    tpu.enqueue_dma source(%arg15 : memref<128x128xf32, #tpu.memory_space<vmem>>) target(%dma_start3A_1451 : memref<128x128xf32, #tpu.memory_space<hbm>>) target_semaphore(%arg29 : memref<!tpu.dma_semaphore, #tpu.memory_space<semaphore_mem>>)
    %dma_wait3A_1452 = arith.constant 0 : i32
    %dma_wait3A_1453 = tpu.memref_slice %arg6[%add3A_1376, %dma_wait3A_1452] : memref<205824x128xf32, #tpu.memory_space<hbm>> -> memref<128x128xf32, #tpu.memory_space<hbm>>
    %dma_wait3A_1454 = arith.constant 0 : i32
    %dma_wait3A_1455 = tpu.memref_slice %arg6[%add3A_1376, %dma_wait3A_1454] : memref<205824x128xf32, #tpu.memory_space<hbm>> -> memref<128x128xf32, #tpu.memory_space<hbm>>
    tpu.wait_dma2 semaphore(%arg28 : memref<!tpu.dma_semaphore, #tpu.memory_space<semaphore_mem>>) src(%arg14 : memref<128x128xf32, #tpu.memory_space<vmem>>) dst(%dma_wait3A_1455 : memref<128x128xf32, #tpu.memory_space<hbm>>)
    %dma_start3A_1456 = arith.constant 25 : i32
    %dma_start3A_1457 = arith.constant 0 : i32
    %dma_start3A_1458 = tpu.memref_slice %arg7[%dma_start3A_1456, %dma_start3A_1457] : memref<56x128xi32, #tpu.memory_space<vmem>> -> memref<1x128xi32, #tpu.memory_space<vmem>>
    %dma_start3A_1459 = tpu.memref_squeeze %dma_start3A_1458 : memref<1x128xi32, #tpu.memory_space<vmem>> -> memref<128xi32, #tpu.memory_space<vmem>>
    %dma_start3A_1460 = arith.constant 0 : i32
    %dma_start3A_1461 = arith.constant 0 : i32
    %dma_start3A_1462 = tpu.memref_slice %arg5[%dma_start3A_1460, %dma_start3A_1461] : memref<204800x128xf32, #tpu.memory_space<hbm>> -> memref<204800x128xf32, #tpu.memory_space<hbm>>
    tpu.enqueue_indirect_dma source(%dma_start3A_1462 : memref<204800x128xf32, #tpu.memory_space<hbm>>) target(%arg14 : memref<128x128xf32, #tpu.memory_space<vmem>>) offsets(%dma_start3A_1459 : memref<128xi32, #tpu.memory_space<vmem>>) semaphore(%arg21 : memref<!tpu.dma_semaphore, #tpu.memory_space<semaphore_mem>>)
    %dma_wait3A_1463 = arith.constant 20 : i32
    %dma_wait3A_1464 = arith.constant 0 : i32
    %dma_wait3A_1465 = tpu.memref_slice %arg7[%dma_wait3A_1463, %dma_wait3A_1464] : memref<56x128xi32, #tpu.memory_space<vmem>> -> memref<1x128xi32, #tpu.memory_space<vmem>>
    %dma_wait3A_1466 = tpu.memref_squeeze %dma_wait3A_1465 : memref<1x128xi32, #tpu.memory_space<vmem>> -> memref<128xi32, #tpu.memory_space<vmem>>
    %dma_wait3A_1467 = arith.constant 0 : i32
    %dma_wait3A_1468 = arith.constant 0 : i32
    %dma_wait3A_1469 = tpu.memref_slice %arg5[%dma_wait3A_1467, %dma_wait3A_1468] : memref<204800x128xf32, #tpu.memory_space<hbm>> -> memref<204800x128xf32, #tpu.memory_space<hbm>>
    tpu.wait_indirect_dma semaphore(%arg23 : memref<!tpu.dma_semaphore, #tpu.memory_space<semaphore_mem>>) src(%dma_wait3A_1469 : memref<204800x128xf32, #tpu.memory_space<hbm>>) dst(%arg16 : memref<128x128xf32, #tpu.memory_space<vmem>>)
    %add3A_1470 = arith.constant 20 : i32
    %add3A_1471 = arith.addi %mul3A_2, %add3A_1470 : i32
    %jit3A_1472 = arith.constant 8 : i32
    %div3A_1473 = arith.divsi %add3A_1471, %jit3A_1472 : i32
    %sign3A_1474 = arith.constant 0 : i32
    %sign3A_1475 = arith.cmpi sgt, %add3A_1471, %sign3A_1474 : i32
    %sign3A_1476 = arith.extui %sign3A_1475 : i1 to i32
    %sign3A_1477 = arith.constant 0 : i32
    %sign3A_1478 = arith.cmpi slt, %add3A_1471, %sign3A_1477 : i32
    %sign3A_1479 = arith.extui %sign3A_1478 : i1 to i32
    %sign3A_1480 = arith.subi %sign3A_1476, %sign3A_1479 : i32
    %sign3A_1481 = arith.constant 0 : i32
    %sign3A_1482 = arith.cmpi sgt, %jit3A_1472, %sign3A_1481 : i32
    %sign3A_1483 = arith.extui %sign3A_1482 : i1 to i32
    %sign3A_1484 = arith.constant 0 : i32
    %sign3A_1485 = arith.cmpi slt, %jit3A_1472, %sign3A_1484 : i32
    %sign3A_1486 = arith.extui %sign3A_1485 : i1 to i32
    %sign3A_1487 = arith.subi %sign3A_1483, %sign3A_1486 : i32
    %ne3A_1488 = arith.cmpi ne, %sign3A_1480, %sign3A_1487 : i32
    %rem3A_1489 = arith.remsi %add3A_1471, %jit3A_1472 : i32
    %ne3A_1490 = arith.constant 0 : i32
    %ne3A_1491 = arith.cmpi ne, %rem3A_1489, %ne3A_1490 : i32
    %and3A_1492 = arith.andi %ne3A_1488, %ne3A_1491 : i1
    %sub3A_1493 = arith.constant 1 : i32
    %sub3A_1494 = arith.subi %div3A_1473, %sub3A_1493 : i32
    %select_n3A_1495 = arith.select %and3A_1492, %sub3A_1494, %div3A_1473 : i32
    %add3A_1496 = arith.constant 1 : i32
    %add3A_1497 = arith.addi %add3A_1496, %select_n3A_1495 : i32
    %mul3A_1498 = arith.constant 1024 : i32
    %mul3A_1499 = arith.muli %add3A_1497, %mul3A_1498 : i32
    %jit3A_1500 = arith.constant 8 : i32
    %eq3A_1501 = arith.constant 0 : i32
    %eq3A_1502 = arith.cmpi eq, %jit3A_1500, %eq3A_1501 : i32
    %jit3A_1503 = arith.constant 1 : i32
    %select_n3A_1504 = arith.select %eq3A_1502, %jit3A_1503, %jit3A_1500 : i32
    %rem3A_1505 = arith.remsi %add3A_1471, %select_n3A_1504 : i32
    %ne3A_1506 = arith.constant 0 : i32
    %ne3A_1507 = arith.cmpi ne, %rem3A_1505, %ne3A_1506 : i32
    %lt3A_1508 = arith.constant 0 : i32
    %lt3A_1509 = arith.cmpi slt, %rem3A_1505, %lt3A_1508 : i32
    %lt3A_1510 = arith.constant 0 : i32
    %lt3A_1511 = arith.cmpi slt, %select_n3A_1504, %lt3A_1510 : i32
    %ne3A_1512 = arith.xori %lt3A_1509, %lt3A_1511 : i1
    %and3A_1513 = arith.andi %ne3A_1512, %ne3A_1507 : i1
    %add3A_1514 = arith.addi %rem3A_1505, %select_n3A_1504 : i32
    %select_n3A_1515 = arith.select %and3A_1513, %add3A_1514, %rem3A_1505 : i32
    %mul3A_1516 = arith.constant 128 : i32
    %mul3A_1517 = arith.muli %select_n3A_1515, %mul3A_1516 : i32
    %add3A_1518 = arith.addi %mul3A_1499, %mul3A_1517 : i32
    %dma_start3A_1519 = arith.constant 0 : i32
    %dma_start3A_1520 = tpu.memref_slice %arg6[%add3A_1518, %dma_start3A_1519] : memref<205824x128xf32, #tpu.memory_space<hbm>> -> memref<128x128xf32, #tpu.memory_space<hbm>>
    %dma_start3A_1521 = arith.constant 0 : i32
    %dma_start3A_1522 = tpu.memref_slice %arg6[%add3A_1518, %dma_start3A_1521] : memref<205824x128xf32, #tpu.memory_space<hbm>> -> memref<128x128xf32, #tpu.memory_space<hbm>>
    tpu.enqueue_dma source(%arg16 : memref<128x128xf32, #tpu.memory_space<vmem>>) target(%dma_start3A_1522 : memref<128x128xf32, #tpu.memory_space<hbm>>) target_semaphore(%arg30 : memref<!tpu.dma_semaphore, #tpu.memory_space<semaphore_mem>>)
    %dma_wait3A_1523 = arith.constant 0 : i32
    %dma_wait3A_1524 = tpu.memref_slice %arg6[%add3A_1447, %dma_wait3A_1523] : memref<205824x128xf32, #tpu.memory_space<hbm>> -> memref<128x128xf32, #tpu.memory_space<hbm>>
    %dma_wait3A_1525 = arith.constant 0 : i32
    %dma_wait3A_1526 = tpu.memref_slice %arg6[%add3A_1447, %dma_wait3A_1525] : memref<205824x128xf32, #tpu.memory_space<hbm>> -> memref<128x128xf32, #tpu.memory_space<hbm>>
    tpu.wait_dma2 semaphore(%arg29 : memref<!tpu.dma_semaphore, #tpu.memory_space<semaphore_mem>>) src(%arg15 : memref<128x128xf32, #tpu.memory_space<vmem>>) dst(%dma_wait3A_1526 : memref<128x128xf32, #tpu.memory_space<hbm>>)
    %dma_start3A_1527 = arith.constant 26 : i32
    %dma_start3A_1528 = arith.constant 0 : i32
    %dma_start3A_1529 = tpu.memref_slice %arg7[%dma_start3A_1527, %dma_start3A_1528] : memref<56x128xi32, #tpu.memory_space<vmem>> -> memref<1x128xi32, #tpu.memory_space<vmem>>
    %dma_start3A_1530 = tpu.memref_squeeze %dma_start3A_1529 : memref<1x128xi32, #tpu.memory_space<vmem>> -> memref<128xi32, #tpu.memory_space<vmem>>
    %dma_start3A_1531 = arith.constant 0 : i32
    %dma_start3A_1532 = arith.constant 0 : i32
    %dma_start3A_1533 = tpu.memref_slice %arg5[%dma_start3A_1531, %dma_start3A_1532] : memref<204800x128xf32, #tpu.memory_space<hbm>> -> memref<204800x128xf32, #tpu.memory_space<hbm>>
    tpu.enqueue_indirect_dma source(%dma_start3A_1533 : memref<204800x128xf32, #tpu.memory_space<hbm>>) target(%arg15 : memref<128x128xf32, #tpu.memory_space<vmem>>) offsets(%dma_start3A_1530 : memref<128xi32, #tpu.memory_space<vmem>>) semaphore(%arg22 : memref<!tpu.dma_semaphore, #tpu.memory_space<semaphore_mem>>)
    %dma_wait3A_1534 = arith.constant 21 : i32
    %dma_wait3A_1535 = arith.constant 0 : i32
    %dma_wait3A_1536 = tpu.memref_slice %arg7[%dma_wait3A_1534, %dma_wait3A_1535] : memref<56x128xi32, #tpu.memory_space<vmem>> -> memref<1x128xi32, #tpu.memory_space<vmem>>
    %dma_wait3A_1537 = tpu.memref_squeeze %dma_wait3A_1536 : memref<1x128xi32, #tpu.memory_space<vmem>> -> memref<128xi32, #tpu.memory_space<vmem>>
    %dma_wait3A_1538 = arith.constant 0 : i32
    %dma_wait3A_1539 = arith.constant 0 : i32
    %dma_wait3A_1540 = tpu.memref_slice %arg5[%dma_wait3A_1538, %dma_wait3A_1539] : memref<204800x128xf32, #tpu.memory_space<hbm>> -> memref<204800x128xf32, #tpu.memory_space<hbm>>
    tpu.wait_indirect_dma semaphore(%arg17 : memref<!tpu.dma_semaphore, #tpu.memory_space<semaphore_mem>>) src(%dma_wait3A_1540 : memref<204800x128xf32, #tpu.memory_space<hbm>>) dst(%arg10 : memref<128x128xf32, #tpu.memory_space<vmem>>)
    %add3A_1541 = arith.constant 21 : i32
    %add3A_1542 = arith.addi %mul3A_2, %add3A_1541 : i32
    %jit3A_1543 = arith.constant 8 : i32
    %div3A_1544 = arith.divsi %add3A_1542, %jit3A_1543 : i32
    %sign3A_1545 = arith.constant 0 : i32
    %sign3A_1546 = arith.cmpi sgt, %add3A_1542, %sign3A_1545 : i32
    %sign3A_1547 = arith.extui %sign3A_1546 : i1 to i32
    %sign3A_1548 = arith.constant 0 : i32
    %sign3A_1549 = arith.cmpi slt, %add3A_1542, %sign3A_1548 : i32
    %sign3A_1550 = arith.extui %sign3A_1549 : i1 to i32
    %sign3A_1551 = arith.subi %sign3A_1547, %sign3A_1550 : i32
    %sign3A_1552 = arith.constant 0 : i32
    %sign3A_1553 = arith.cmpi sgt, %jit3A_1543, %sign3A_1552 : i32
    %sign3A_1554 = arith.extui %sign3A_1553 : i1 to i32
    %sign3A_1555 = arith.constant 0 : i32
    %sign3A_1556 = arith.cmpi slt, %jit3A_1543, %sign3A_1555 : i32
    %sign3A_1557 = arith.extui %sign3A_1556 : i1 to i32
    %sign3A_1558 = arith.subi %sign3A_1554, %sign3A_1557 : i32
    %ne3A_1559 = arith.cmpi ne, %sign3A_1551, %sign3A_1558 : i32
    %rem3A_1560 = arith.remsi %add3A_1542, %jit3A_1543 : i32
    %ne3A_1561 = arith.constant 0 : i32
    %ne3A_1562 = arith.cmpi ne, %rem3A_1560, %ne3A_1561 : i32
    %and3A_1563 = arith.andi %ne3A_1559, %ne3A_1562 : i1
    %sub3A_1564 = arith.constant 1 : i32
    %sub3A_1565 = arith.subi %div3A_1544, %sub3A_1564 : i32
    %select_n3A_1566 = arith.select %and3A_1563, %sub3A_1565, %div3A_1544 : i32
    %add3A_1567 = arith.constant 1 : i32
    %add3A_1568 = arith.addi %add3A_1567, %select_n3A_1566 : i32
    %mul3A_1569 = arith.constant 1024 : i32
    %mul3A_1570 = arith.muli %add3A_1568, %mul3A_1569 : i32
    %jit3A_1571 = arith.constant 8 : i32
    %eq3A_1572 = arith.constant 0 : i32
    %eq3A_1573 = arith.cmpi eq, %jit3A_1571, %eq3A_1572 : i32
    %jit3A_1574 = arith.constant 1 : i32
    %select_n3A_1575 = arith.select %eq3A_1573, %jit3A_1574, %jit3A_1571 : i32
    %rem3A_1576 = arith.remsi %add3A_1542, %select_n3A_1575 : i32
    %ne3A_1577 = arith.constant 0 : i32
    %ne3A_1578 = arith.cmpi ne, %rem3A_1576, %ne3A_1577 : i32
    %lt3A_1579 = arith.constant 0 : i32
    %lt3A_1580 = arith.cmpi slt, %rem3A_1576, %lt3A_1579 : i32
    %lt3A_1581 = arith.constant 0 : i32
    %lt3A_1582 = arith.cmpi slt, %select_n3A_1575, %lt3A_1581 : i32
    %ne3A_1583 = arith.xori %lt3A_1580, %lt3A_1582 : i1
    %and3A_1584 = arith.andi %ne3A_1583, %ne3A_1578 : i1
    %add3A_1585 = arith.addi %rem3A_1576, %select_n3A_1575 : i32
    %select_n3A_1586 = arith.select %and3A_1584, %add3A_1585, %rem3A_1576 : i32
    %mul3A_1587 = arith.constant 128 : i32
    %mul3A_1588 = arith.muli %select_n3A_1586, %mul3A_1587 : i32
    %add3A_1589 = arith.addi %mul3A_1570, %mul3A_1588 : i32
    %dma_start3A_1590 = arith.constant 0 : i32
    %dma_start3A_1591 = tpu.memref_slice %arg6[%add3A_1589, %dma_start3A_1590] : memref<205824x128xf32, #tpu.memory_space<hbm>> -> memref<128x128xf32, #tpu.memory_space<hbm>>
    %dma_start3A_1592 = arith.constant 0 : i32
    %dma_start3A_1593 = tpu.memref_slice %arg6[%add3A_1589, %dma_start3A_1592] : memref<205824x128xf32, #tpu.memory_space<hbm>> -> memref<128x128xf32, #tpu.memory_space<hbm>>
    tpu.enqueue_dma source(%arg10 : memref<128x128xf32, #tpu.memory_space<vmem>>) target(%dma_start3A_1593 : memref<128x128xf32, #tpu.memory_space<hbm>>) target_semaphore(%arg24 : memref<!tpu.dma_semaphore, #tpu.memory_space<semaphore_mem>>)
    %dma_wait3A_1594 = arith.constant 0 : i32
    %dma_wait3A_1595 = tpu.memref_slice %arg6[%add3A_1518, %dma_wait3A_1594] : memref<205824x128xf32, #tpu.memory_space<hbm>> -> memref<128x128xf32, #tpu.memory_space<hbm>>
    %dma_wait3A_1596 = arith.constant 0 : i32
    %dma_wait3A_1597 = tpu.memref_slice %arg6[%add3A_1518, %dma_wait3A_1596] : memref<205824x128xf32, #tpu.memory_space<hbm>> -> memref<128x128xf32, #tpu.memory_space<hbm>>
    tpu.wait_dma2 semaphore(%arg30 : memref<!tpu.dma_semaphore, #tpu.memory_space<semaphore_mem>>) src(%arg16 : memref<128x128xf32, #tpu.memory_space<vmem>>) dst(%dma_wait3A_1597 : memref<128x128xf32, #tpu.memory_space<hbm>>)
    %dma_start3A_1598 = arith.constant 27 : i32
    %dma_start3A_1599 = arith.constant 0 : i32
    %dma_start3A_1600 = tpu.memref_slice %arg7[%dma_start3A_1598, %dma_start3A_1599] : memref<56x128xi32, #tpu.memory_space<vmem>> -> memref<1x128xi32, #tpu.memory_space<vmem>>
    %dma_start3A_1601 = tpu.memref_squeeze %dma_start3A_1600 : memref<1x128xi32, #tpu.memory_space<vmem>> -> memref<128xi32, #tpu.memory_space<vmem>>
    %dma_start3A_1602 = arith.constant 0 : i32
    %dma_start3A_1603 = arith.constant 0 : i32
    %dma_start3A_1604 = tpu.memref_slice %arg5[%dma_start3A_1602, %dma_start3A_1603] : memref<204800x128xf32, #tpu.memory_space<hbm>> -> memref<204800x128xf32, #tpu.memory_space<hbm>>
    tpu.enqueue_indirect_dma source(%dma_start3A_1604 : memref<204800x128xf32, #tpu.memory_space<hbm>>) target(%arg16 : memref<128x128xf32, #tpu.memory_space<vmem>>) offsets(%dma_start3A_1601 : memref<128xi32, #tpu.memory_space<vmem>>) semaphore(%arg23 : memref<!tpu.dma_semaphore, #tpu.memory_space<semaphore_mem>>)
    %dma_wait3A_1605 = arith.constant 22 : i32
    %dma_wait3A_1606 = arith.constant 0 : i32
    %dma_wait3A_1607 = tpu.memref_slice %arg7[%dma_wait3A_1605, %dma_wait3A_1606] : memref<56x128xi32, #tpu.memory_space<vmem>> -> memref<1x128xi32, #tpu.memory_space<vmem>>
    %dma_wait3A_1608 = tpu.memref_squeeze %dma_wait3A_1607 : memref<1x128xi32, #tpu.memory_space<vmem>> -> memref<128xi32, #tpu.memory_space<vmem>>
    %dma_wait3A_1609 = arith.constant 0 : i32
    %dma_wait3A_1610 = arith.constant 0 : i32
    %dma_wait3A_1611 = tpu.memref_slice %arg5[%dma_wait3A_1609, %dma_wait3A_1610] : memref<204800x128xf32, #tpu.memory_space<hbm>> -> memref<204800x128xf32, #tpu.memory_space<hbm>>
    tpu.wait_indirect_dma semaphore(%arg18 : memref<!tpu.dma_semaphore, #tpu.memory_space<semaphore_mem>>) src(%dma_wait3A_1611 : memref<204800x128xf32, #tpu.memory_space<hbm>>) dst(%arg11 : memref<128x128xf32, #tpu.memory_space<vmem>>)
    %add3A_1612 = arith.constant 22 : i32
    %add3A_1613 = arith.addi %mul3A_2, %add3A_1612 : i32
    %jit3A_1614 = arith.constant 8 : i32
    %div3A_1615 = arith.divsi %add3A_1613, %jit3A_1614 : i32
    %sign3A_1616 = arith.constant 0 : i32
    %sign3A_1617 = arith.cmpi sgt, %add3A_1613, %sign3A_1616 : i32
    %sign3A_1618 = arith.extui %sign3A_1617 : i1 to i32
    %sign3A_1619 = arith.constant 0 : i32
    %sign3A_1620 = arith.cmpi slt, %add3A_1613, %sign3A_1619 : i32
    %sign3A_1621 = arith.extui %sign3A_1620 : i1 to i32
    %sign3A_1622 = arith.subi %sign3A_1618, %sign3A_1621 : i32
    %sign3A_1623 = arith.constant 0 : i32
    %sign3A_1624 = arith.cmpi sgt, %jit3A_1614, %sign3A_1623 : i32
    %sign3A_1625 = arith.extui %sign3A_1624 : i1 to i32
    %sign3A_1626 = arith.constant 0 : i32
    %sign3A_1627 = arith.cmpi slt, %jit3A_1614, %sign3A_1626 : i32
    %sign3A_1628 = arith.extui %sign3A_1627 : i1 to i32
    %sign3A_1629 = arith.subi %sign3A_1625, %sign3A_1628 : i32
    %ne3A_1630 = arith.cmpi ne, %sign3A_1622, %sign3A_1629 : i32
    %rem3A_1631 = arith.remsi %add3A_1613, %jit3A_1614 : i32
    %ne3A_1632 = arith.constant 0 : i32
    %ne3A_1633 = arith.cmpi ne, %rem3A_1631, %ne3A_1632 : i32
    %and3A_1634 = arith.andi %ne3A_1630, %ne3A_1633 : i1
    %sub3A_1635 = arith.constant 1 : i32
    %sub3A_1636 = arith.subi %div3A_1615, %sub3A_1635 : i32
    %select_n3A_1637 = arith.select %and3A_1634, %sub3A_1636, %div3A_1615 : i32
    %add3A_1638 = arith.constant 1 : i32
    %add3A_1639 = arith.addi %add3A_1638, %select_n3A_1637 : i32
    %mul3A_1640 = arith.constant 1024 : i32
    %mul3A_1641 = arith.muli %add3A_1639, %mul3A_1640 : i32
    %jit3A_1642 = arith.constant 8 : i32
    %eq3A_1643 = arith.constant 0 : i32
    %eq3A_1644 = arith.cmpi eq, %jit3A_1642, %eq3A_1643 : i32
    %jit3A_1645 = arith.constant 1 : i32
    %select_n3A_1646 = arith.select %eq3A_1644, %jit3A_1645, %jit3A_1642 : i32
    %rem3A_1647 = arith.remsi %add3A_1613, %select_n3A_1646 : i32
    %ne3A_1648 = arith.constant 0 : i32
    %ne3A_1649 = arith.cmpi ne, %rem3A_1647, %ne3A_1648 : i32
    %lt3A_1650 = arith.constant 0 : i32
    %lt3A_1651 = arith.cmpi slt, %rem3A_1647, %lt3A_1650 : i32
    %lt3A_1652 = arith.constant 0 : i32
    %lt3A_1653 = arith.cmpi slt, %select_n3A_1646, %lt3A_1652 : i32
    %ne3A_1654 = arith.xori %lt3A_1651, %lt3A_1653 : i1
    %and3A_1655 = arith.andi %ne3A_1654, %ne3A_1649 : i1
    %add3A_1656 = arith.addi %rem3A_1647, %select_n3A_1646 : i32
    %select_n3A_1657 = arith.select %and3A_1655, %add3A_1656, %rem3A_1647 : i32
    %mul3A_1658 = arith.constant 128 : i32
    %mul3A_1659 = arith.muli %select_n3A_1657, %mul3A_1658 : i32
    %add3A_1660 = arith.addi %mul3A_1641, %mul3A_1659 : i32
    %dma_start3A_1661 = arith.constant 0 : i32
    %dma_start3A_1662 = tpu.memref_slice %arg6[%add3A_1660, %dma_start3A_1661] : memref<205824x128xf32, #tpu.memory_space<hbm>> -> memref<128x128xf32, #tpu.memory_space<hbm>>
    %dma_start3A_1663 = arith.constant 0 : i32
    %dma_start3A_1664 = tpu.memref_slice %arg6[%add3A_1660, %dma_start3A_1663] : memref<205824x128xf32, #tpu.memory_space<hbm>> -> memref<128x128xf32, #tpu.memory_space<hbm>>
    tpu.enqueue_dma source(%arg11 : memref<128x128xf32, #tpu.memory_space<vmem>>) target(%dma_start3A_1664 : memref<128x128xf32, #tpu.memory_space<hbm>>) target_semaphore(%arg25 : memref<!tpu.dma_semaphore, #tpu.memory_space<semaphore_mem>>)
    %dma_wait3A_1665 = arith.constant 0 : i32
    %dma_wait3A_1666 = tpu.memref_slice %arg6[%add3A_1589, %dma_wait3A_1665] : memref<205824x128xf32, #tpu.memory_space<hbm>> -> memref<128x128xf32, #tpu.memory_space<hbm>>
    %dma_wait3A_1667 = arith.constant 0 : i32
    %dma_wait3A_1668 = tpu.memref_slice %arg6[%add3A_1589, %dma_wait3A_1667] : memref<205824x128xf32, #tpu.memory_space<hbm>> -> memref<128x128xf32, #tpu.memory_space<hbm>>
    tpu.wait_dma2 semaphore(%arg24 : memref<!tpu.dma_semaphore, #tpu.memory_space<semaphore_mem>>) src(%arg10 : memref<128x128xf32, #tpu.memory_space<vmem>>) dst(%dma_wait3A_1668 : memref<128x128xf32, #tpu.memory_space<hbm>>)
    %dma_start3A_1669 = arith.constant 28 : i32
    %dma_start3A_1670 = arith.constant 0 : i32
    %dma_start3A_1671 = tpu.memref_slice %arg7[%dma_start3A_1669, %dma_start3A_1670] : memref<56x128xi32, #tpu.memory_space<vmem>> -> memref<1x128xi32, #tpu.memory_space<vmem>>
    %dma_start3A_1672 = tpu.memref_squeeze %dma_start3A_1671 : memref<1x128xi32, #tpu.memory_space<vmem>> -> memref<128xi32, #tpu.memory_space<vmem>>
    %dma_start3A_1673 = arith.constant 0 : i32
    %dma_start3A_1674 = arith.constant 0 : i32
    %dma_start3A_1675 = tpu.memref_slice %arg5[%dma_start3A_1673, %dma_start3A_1674] : memref<204800x128xf32, #tpu.memory_space<hbm>> -> memref<204800x128xf32, #tpu.memory_space<hbm>>
    tpu.enqueue_indirect_dma source(%dma_start3A_1675 : memref<204800x128xf32, #tpu.memory_space<hbm>>) target(%arg10 : memref<128x128xf32, #tpu.memory_space<vmem>>) offsets(%dma_start3A_1672 : memref<128xi32, #tpu.memory_space<vmem>>) semaphore(%arg17 : memref<!tpu.dma_semaphore, #tpu.memory_space<semaphore_mem>>)
    %dma_wait3A_1676 = arith.constant 23 : i32
    %dma_wait3A_1677 = arith.constant 0 : i32
    %dma_wait3A_1678 = tpu.memref_slice %arg7[%dma_wait3A_1676, %dma_wait3A_1677] : memref<56x128xi32, #tpu.memory_space<vmem>> -> memref<1x128xi32, #tpu.memory_space<vmem>>
    %dma_wait3A_1679 = tpu.memref_squeeze %dma_wait3A_1678 : memref<1x128xi32, #tpu.memory_space<vmem>> -> memref<128xi32, #tpu.memory_space<vmem>>
    %dma_wait3A_1680 = arith.constant 0 : i32
    %dma_wait3A_1681 = arith.constant 0 : i32
    %dma_wait3A_1682 = tpu.memref_slice %arg5[%dma_wait3A_1680, %dma_wait3A_1681] : memref<204800x128xf32, #tpu.memory_space<hbm>> -> memref<204800x128xf32, #tpu.memory_space<hbm>>
    tpu.wait_indirect_dma semaphore(%arg19 : memref<!tpu.dma_semaphore, #tpu.memory_space<semaphore_mem>>) src(%dma_wait3A_1682 : memref<204800x128xf32, #tpu.memory_space<hbm>>) dst(%arg12 : memref<128x128xf32, #tpu.memory_space<vmem>>)
    %add3A_1683 = arith.constant 23 : i32
    %add3A_1684 = arith.addi %mul3A_2, %add3A_1683 : i32
    %jit3A_1685 = arith.constant 8 : i32
    %div3A_1686 = arith.divsi %add3A_1684, %jit3A_1685 : i32
    %sign3A_1687 = arith.constant 0 : i32
    %sign3A_1688 = arith.cmpi sgt, %add3A_1684, %sign3A_1687 : i32
    %sign3A_1689 = arith.extui %sign3A_1688 : i1 to i32
    %sign3A_1690 = arith.constant 0 : i32
    %sign3A_1691 = arith.cmpi slt, %add3A_1684, %sign3A_1690 : i32
    %sign3A_1692 = arith.extui %sign3A_1691 : i1 to i32
    %sign3A_1693 = arith.subi %sign3A_1689, %sign3A_1692 : i32
    %sign3A_1694 = arith.constant 0 : i32
    %sign3A_1695 = arith.cmpi sgt, %jit3A_1685, %sign3A_1694 : i32
    %sign3A_1696 = arith.extui %sign3A_1695 : i1 to i32
    %sign3A_1697 = arith.constant 0 : i32
    %sign3A_1698 = arith.cmpi slt, %jit3A_1685, %sign3A_1697 : i32
    %sign3A_1699 = arith.extui %sign3A_1698 : i1 to i32
    %sign3A_1700 = arith.subi %sign3A_1696, %sign3A_1699 : i32
    %ne3A_1701 = arith.cmpi ne, %sign3A_1693, %sign3A_1700 : i32
    %rem3A_1702 = arith.remsi %add3A_1684, %jit3A_1685 : i32
    %ne3A_1703 = arith.constant 0 : i32
    %ne3A_1704 = arith.cmpi ne, %rem3A_1702, %ne3A_1703 : i32
    %and3A_1705 = arith.andi %ne3A_1701, %ne3A_1704 : i1
    %sub3A_1706 = arith.constant 1 : i32
    %sub3A_1707 = arith.subi %div3A_1686, %sub3A_1706 : i32
    %select_n3A_1708 = arith.select %and3A_1705, %sub3A_1707, %div3A_1686 : i32
    %add3A_1709 = arith.constant 1 : i32
    %add3A_1710 = arith.addi %add3A_1709, %select_n3A_1708 : i32
    %mul3A_1711 = arith.constant 1024 : i32
    %mul3A_1712 = arith.muli %add3A_1710, %mul3A_1711 : i32
    %jit3A_1713 = arith.constant 8 : i32
    %eq3A_1714 = arith.constant 0 : i32
    %eq3A_1715 = arith.cmpi eq, %jit3A_1713, %eq3A_1714 : i32
    %jit3A_1716 = arith.constant 1 : i32
    %select_n3A_1717 = arith.select %eq3A_1715, %jit3A_1716, %jit3A_1713 : i32
    %rem3A_1718 = arith.remsi %add3A_1684, %select_n3A_1717 : i32
    %ne3A_1719 = arith.constant 0 : i32
    %ne3A_1720 = arith.cmpi ne, %rem3A_1718, %ne3A_1719 : i32
    %lt3A_1721 = arith.constant 0 : i32
    %lt3A_1722 = arith.cmpi slt, %rem3A_1718, %lt3A_1721 : i32
    %lt3A_1723 = arith.constant 0 : i32
    %lt3A_1724 = arith.cmpi slt, %select_n3A_1717, %lt3A_1723 : i32
    %ne3A_1725 = arith.xori %lt3A_1722, %lt3A_1724 : i1
    %and3A_1726 = arith.andi %ne3A_1725, %ne3A_1720 : i1
    %add3A_1727 = arith.addi %rem3A_1718, %select_n3A_1717 : i32
    %select_n3A_1728 = arith.select %and3A_1726, %add3A_1727, %rem3A_1718 : i32
    %mul3A_1729 = arith.constant 128 : i32
    %mul3A_1730 = arith.muli %select_n3A_1728, %mul3A_1729 : i32
    %add3A_1731 = arith.addi %mul3A_1712, %mul3A_1730 : i32
    %dma_start3A_1732 = arith.constant 0 : i32
    %dma_start3A_1733 = tpu.memref_slice %arg6[%add3A_1731, %dma_start3A_1732] : memref<205824x128xf32, #tpu.memory_space<hbm>> -> memref<128x128xf32, #tpu.memory_space<hbm>>
    %dma_start3A_1734 = arith.constant 0 : i32
    %dma_start3A_1735 = tpu.memref_slice %arg6[%add3A_1731, %dma_start3A_1734] : memref<205824x128xf32, #tpu.memory_space<hbm>> -> memref<128x128xf32, #tpu.memory_space<hbm>>
    tpu.enqueue_dma source(%arg12 : memref<128x128xf32, #tpu.memory_space<vmem>>) target(%dma_start3A_1735 : memref<128x128xf32, #tpu.memory_space<hbm>>) target_semaphore(%arg26 : memref<!tpu.dma_semaphore, #tpu.memory_space<semaphore_mem>>)
    %dma_wait3A_1736 = arith.constant 0 : i32
    %dma_wait3A_1737 = tpu.memref_slice %arg6[%add3A_1660, %dma_wait3A_1736] : memref<205824x128xf32, #tpu.memory_space<hbm>> -> memref<128x128xf32, #tpu.memory_space<hbm>>
    %dma_wait3A_1738 = arith.constant 0 : i32
    %dma_wait3A_1739 = tpu.memref_slice %arg6[%add3A_1660, %dma_wait3A_1738] : memref<205824x128xf32, #tpu.memory_space<hbm>> -> memref<128x128xf32, #tpu.memory_space<hbm>>
    tpu.wait_dma2 semaphore(%arg25 : memref<!tpu.dma_semaphore, #tpu.memory_space<semaphore_mem>>) src(%arg11 : memref<128x128xf32, #tpu.memory_space<vmem>>) dst(%dma_wait3A_1739 : memref<128x128xf32, #tpu.memory_space<hbm>>)
    %dma_start3A_1740 = arith.constant 29 : i32
    %dma_start3A_1741 = arith.constant 0 : i32
    %dma_start3A_1742 = tpu.memref_slice %arg7[%dma_start3A_1740, %dma_start3A_1741] : memref<56x128xi32, #tpu.memory_space<vmem>> -> memref<1x128xi32, #tpu.memory_space<vmem>>
    %dma_start3A_1743 = tpu.memref_squeeze %dma_start3A_1742 : memref<1x128xi32, #tpu.memory_space<vmem>> -> memref<128xi32, #tpu.memory_space<vmem>>
    %dma_start3A_1744 = arith.constant 0 : i32
    %dma_start3A_1745 = arith.constant 0 : i32
    %dma_start3A_1746 = tpu.memref_slice %arg5[%dma_start3A_1744, %dma_start3A_1745] : memref<204800x128xf32, #tpu.memory_space<hbm>> -> memref<204800x128xf32, #tpu.memory_space<hbm>>
    tpu.enqueue_indirect_dma source(%dma_start3A_1746 : memref<204800x128xf32, #tpu.memory_space<hbm>>) target(%arg11 : memref<128x128xf32, #tpu.memory_space<vmem>>) offsets(%dma_start3A_1743 : memref<128xi32, #tpu.memory_space<vmem>>) semaphore(%arg18 : memref<!tpu.dma_semaphore, #tpu.memory_space<semaphore_mem>>)
    %dma_wait3A_1747 = arith.constant 24 : i32
    %dma_wait3A_1748 = arith.constant 0 : i32
    %dma_wait3A_1749 = tpu.memref_slice %arg7[%dma_wait3A_1747, %dma_wait3A_1748] : memref<56x128xi32, #tpu.memory_space<vmem>> -> memref<1x128xi32, #tpu.memory_space<vmem>>
    %dma_wait3A_1750 = tpu.memref_squeeze %dma_wait3A_1749 : memref<1x128xi32, #tpu.memory_space<vmem>> -> memref<128xi32, #tpu.memory_space<vmem>>
    %dma_wait3A_1751 = arith.constant 0 : i32
    %dma_wait3A_1752 = arith.constant 0 : i32
    %dma_wait3A_1753 = tpu.memref_slice %arg5[%dma_wait3A_1751, %dma_wait3A_1752] : memref<204800x128xf32, #tpu.memory_space<hbm>> -> memref<204800x128xf32, #tpu.memory_space<hbm>>
    tpu.wait_indirect_dma semaphore(%arg20 : memref<!tpu.dma_semaphore, #tpu.memory_space<semaphore_mem>>) src(%dma_wait3A_1753 : memref<204800x128xf32, #tpu.memory_space<hbm>>) dst(%arg13 : memref<128x128xf32, #tpu.memory_space<vmem>>)
    %add3A_1754 = arith.constant 24 : i32
    %add3A_1755 = arith.addi %mul3A_2, %add3A_1754 : i32
    %jit3A_1756 = arith.constant 8 : i32
    %div3A_1757 = arith.divsi %add3A_1755, %jit3A_1756 : i32
    %sign3A_1758 = arith.constant 0 : i32
    %sign3A_1759 = arith.cmpi sgt, %add3A_1755, %sign3A_1758 : i32
    %sign3A_1760 = arith.extui %sign3A_1759 : i1 to i32
    %sign3A_1761 = arith.constant 0 : i32
    %sign3A_1762 = arith.cmpi slt, %add3A_1755, %sign3A_1761 : i32
    %sign3A_1763 = arith.extui %sign3A_1762 : i1 to i32
    %sign3A_1764 = arith.subi %sign3A_1760, %sign3A_1763 : i32
    %sign3A_1765 = arith.constant 0 : i32
    %sign3A_1766 = arith.cmpi sgt, %jit3A_1756, %sign3A_1765 : i32
    %sign3A_1767 = arith.extui %sign3A_1766 : i1 to i32
    %sign3A_1768 = arith.constant 0 : i32
    %sign3A_1769 = arith.cmpi slt, %jit3A_1756, %sign3A_1768 : i32
    %sign3A_1770 = arith.extui %sign3A_1769 : i1 to i32
    %sign3A_1771 = arith.subi %sign3A_1767, %sign3A_1770 : i32
    %ne3A_1772 = arith.cmpi ne, %sign3A_1764, %sign3A_1771 : i32
    %rem3A_1773 = arith.remsi %add3A_1755, %jit3A_1756 : i32
    %ne3A_1774 = arith.constant 0 : i32
    %ne3A_1775 = arith.cmpi ne, %rem3A_1773, %ne3A_1774 : i32
    %and3A_1776 = arith.andi %ne3A_1772, %ne3A_1775 : i1
    %sub3A_1777 = arith.constant 1 : i32
    %sub3A_1778 = arith.subi %div3A_1757, %sub3A_1777 : i32
    %select_n3A_1779 = arith.select %and3A_1776, %sub3A_1778, %div3A_1757 : i32
    %add3A_1780 = arith.constant 1 : i32
    %add3A_1781 = arith.addi %add3A_1780, %select_n3A_1779 : i32
    %mul3A_1782 = arith.constant 1024 : i32
    %mul3A_1783 = arith.muli %add3A_1781, %mul3A_1782 : i32
    %jit3A_1784 = arith.constant 8 : i32
    %eq3A_1785 = arith.constant 0 : i32
    %eq3A_1786 = arith.cmpi eq, %jit3A_1784, %eq3A_1785 : i32
    %jit3A_1787 = arith.constant 1 : i32
    %select_n3A_1788 = arith.select %eq3A_1786, %jit3A_1787, %jit3A_1784 : i32
    %rem3A_1789 = arith.remsi %add3A_1755, %select_n3A_1788 : i32
    %ne3A_1790 = arith.constant 0 : i32
    %ne3A_1791 = arith.cmpi ne, %rem3A_1789, %ne3A_1790 : i32
    %lt3A_1792 = arith.constant 0 : i32
    %lt3A_1793 = arith.cmpi slt, %rem3A_1789, %lt3A_1792 : i32
    %lt3A_1794 = arith.constant 0 : i32
    %lt3A_1795 = arith.cmpi slt, %select_n3A_1788, %lt3A_1794 : i32
    %ne3A_1796 = arith.xori %lt3A_1793, %lt3A_1795 : i1
    %and3A_1797 = arith.andi %ne3A_1796, %ne3A_1791 : i1
    %add3A_1798 = arith.addi %rem3A_1789, %select_n3A_1788 : i32
    %select_n3A_1799 = arith.select %and3A_1797, %add3A_1798, %rem3A_1789 : i32
    %mul3A_1800 = arith.constant 128 : i32
    %mul3A_1801 = arith.muli %select_n3A_1799, %mul3A_1800 : i32
    %add3A_1802 = arith.addi %mul3A_1783, %mul3A_1801 : i32
    %dma_start3A_1803 = arith.constant 0 : i32
    %dma_start3A_1804 = tpu.memref_slice %arg6[%add3A_1802, %dma_start3A_1803] : memref<205824x128xf32, #tpu.memory_space<hbm>> -> memref<128x128xf32, #tpu.memory_space<hbm>>
    %dma_start3A_1805 = arith.constant 0 : i32
    %dma_start3A_1806 = tpu.memref_slice %arg6[%add3A_1802, %dma_start3A_1805] : memref<205824x128xf32, #tpu.memory_space<hbm>> -> memref<128x128xf32, #tpu.memory_space<hbm>>
    tpu.enqueue_dma source(%arg13 : memref<128x128xf32, #tpu.memory_space<vmem>>) target(%dma_start3A_1806 : memref<128x128xf32, #tpu.memory_space<hbm>>) target_semaphore(%arg27 : memref<!tpu.dma_semaphore, #tpu.memory_space<semaphore_mem>>)
    %dma_wait3A_1807 = arith.constant 0 : i32
    %dma_wait3A_1808 = tpu.memref_slice %arg6[%add3A_1731, %dma_wait3A_1807] : memref<205824x128xf32, #tpu.memory_space<hbm>> -> memref<128x128xf32, #tpu.memory_space<hbm>>
    %dma_wait3A_1809 = arith.constant 0 : i32
    %dma_wait3A_1810 = tpu.memref_slice %arg6[%add3A_1731, %dma_wait3A_1809] : memref<205824x128xf32, #tpu.memory_space<hbm>> -> memref<128x128xf32, #tpu.memory_space<hbm>>
    tpu.wait_dma2 semaphore(%arg26 : memref<!tpu.dma_semaphore, #tpu.memory_space<semaphore_mem>>) src(%arg12 : memref<128x128xf32, #tpu.memory_space<vmem>>) dst(%dma_wait3A_1810 : memref<128x128xf32, #tpu.memory_space<hbm>>)
    %dma_start3A_1811 = arith.constant 30 : i32
    %dma_start3A_1812 = arith.constant 0 : i32
    %dma_start3A_1813 = tpu.memref_slice %arg7[%dma_start3A_1811, %dma_start3A_1812] : memref<56x128xi32, #tpu.memory_space<vmem>> -> memref<1x128xi32, #tpu.memory_space<vmem>>
    %dma_start3A_1814 = tpu.memref_squeeze %dma_start3A_1813 : memref<1x128xi32, #tpu.memory_space<vmem>> -> memref<128xi32, #tpu.memory_space<vmem>>
    %dma_start3A_1815 = arith.constant 0 : i32
    %dma_start3A_1816 = arith.constant 0 : i32
    %dma_start3A_1817 = tpu.memref_slice %arg5[%dma_start3A_1815, %dma_start3A_1816] : memref<204800x128xf32, #tpu.memory_space<hbm>> -> memref<204800x128xf32, #tpu.memory_space<hbm>>
    tpu.enqueue_indirect_dma source(%dma_start3A_1817 : memref<204800x128xf32, #tpu.memory_space<hbm>>) target(%arg12 : memref<128x128xf32, #tpu.memory_space<vmem>>) offsets(%dma_start3A_1814 : memref<128xi32, #tpu.memory_space<vmem>>) semaphore(%arg19 : memref<!tpu.dma_semaphore, #tpu.memory_space<semaphore_mem>>)
    %dma_wait3A_1818 = arith.constant 25 : i32
    %dma_wait3A_1819 = arith.constant 0 : i32
    %dma_wait3A_1820 = tpu.memref_slice %arg7[%dma_wait3A_1818, %dma_wait3A_1819] : memref<56x128xi32, #tpu.memory_space<vmem>> -> memref<1x128xi32, #tpu.memory_space<vmem>>
    %dma_wait3A_1821 = tpu.memref_squeeze %dma_wait3A_1820 : memref<1x128xi32, #tpu.memory_space<vmem>> -> memref<128xi32, #tpu.memory_space<vmem>>
    %dma_wait3A_1822 = arith.constant 0 : i32
    %dma_wait3A_1823 = arith.constant 0 : i32
    %dma_wait3A_1824 = tpu.memref_slice %arg5[%dma_wait3A_1822, %dma_wait3A_1823] : memref<204800x128xf32, #tpu.memory_space<hbm>> -> memref<204800x128xf32, #tpu.memory_space<hbm>>
    tpu.wait_indirect_dma semaphore(%arg21 : memref<!tpu.dma_semaphore, #tpu.memory_space<semaphore_mem>>) src(%dma_wait3A_1824 : memref<204800x128xf32, #tpu.memory_space<hbm>>) dst(%arg14 : memref<128x128xf32, #tpu.memory_space<vmem>>)
    %add3A_1825 = arith.constant 25 : i32
    %add3A_1826 = arith.addi %mul3A_2, %add3A_1825 : i32
    %jit3A_1827 = arith.constant 8 : i32
    %div3A_1828 = arith.divsi %add3A_1826, %jit3A_1827 : i32
    %sign3A_1829 = arith.constant 0 : i32
    %sign3A_1830 = arith.cmpi sgt, %add3A_1826, %sign3A_1829 : i32
    %sign3A_1831 = arith.extui %sign3A_1830 : i1 to i32
    %sign3A_1832 = arith.constant 0 : i32
    %sign3A_1833 = arith.cmpi slt, %add3A_1826, %sign3A_1832 : i32
    %sign3A_1834 = arith.extui %sign3A_1833 : i1 to i32
    %sign3A_1835 = arith.subi %sign3A_1831, %sign3A_1834 : i32
    %sign3A_1836 = arith.constant 0 : i32
    %sign3A_1837 = arith.cmpi sgt, %jit3A_1827, %sign3A_1836 : i32
    %sign3A_1838 = arith.extui %sign3A_1837 : i1 to i32
    %sign3A_1839 = arith.constant 0 : i32
    %sign3A_1840 = arith.cmpi slt, %jit3A_1827, %sign3A_1839 : i32
    %sign3A_1841 = arith.extui %sign3A_1840 : i1 to i32
    %sign3A_1842 = arith.subi %sign3A_1838, %sign3A_1841 : i32
    %ne3A_1843 = arith.cmpi ne, %sign3A_1835, %sign3A_1842 : i32
    %rem3A_1844 = arith.remsi %add3A_1826, %jit3A_1827 : i32
    %ne3A_1845 = arith.constant 0 : i32
    %ne3A_1846 = arith.cmpi ne, %rem3A_1844, %ne3A_1845 : i32
    %and3A_1847 = arith.andi %ne3A_1843, %ne3A_1846 : i1
    %sub3A_1848 = arith.constant 1 : i32
    %sub3A_1849 = arith.subi %div3A_1828, %sub3A_1848 : i32
    %select_n3A_1850 = arith.select %and3A_1847, %sub3A_1849, %div3A_1828 : i32
    %add3A_1851 = arith.constant 1 : i32
    %add3A_1852 = arith.addi %add3A_1851, %select_n3A_1850 : i32
    %mul3A_1853 = arith.constant 1024 : i32
    %mul3A_1854 = arith.muli %add3A_1852, %mul3A_1853 : i32
    %jit3A_1855 = arith.constant 8 : i32
    %eq3A_1856 = arith.constant 0 : i32
    %eq3A_1857 = arith.cmpi eq, %jit3A_1855, %eq3A_1856 : i32
    %jit3A_1858 = arith.constant 1 : i32
    %select_n3A_1859 = arith.select %eq3A_1857, %jit3A_1858, %jit3A_1855 : i32
    %rem3A_1860 = arith.remsi %add3A_1826, %select_n3A_1859 : i32
    %ne3A_1861 = arith.constant 0 : i32
    %ne3A_1862 = arith.cmpi ne, %rem3A_1860, %ne3A_1861 : i32
    %lt3A_1863 = arith.constant 0 : i32
    %lt3A_1864 = arith.cmpi slt, %rem3A_1860, %lt3A_1863 : i32
    %lt3A_1865 = arith.constant 0 : i32
    %lt3A_1866 = arith.cmpi slt, %select_n3A_1859, %lt3A_1865 : i32
    %ne3A_1867 = arith.xori %lt3A_1864, %lt3A_1866 : i1
    %and3A_1868 = arith.andi %ne3A_1867, %ne3A_1862 : i1
    %add3A_1869 = arith.addi %rem3A_1860, %select_n3A_1859 : i32
    %select_n3A_1870 = arith.select %and3A_1868, %add3A_1869, %rem3A_1860 : i32
    %mul3A_1871 = arith.constant 128 : i32
    %mul3A_1872 = arith.muli %select_n3A_1870, %mul3A_1871 : i32
    %add3A_1873 = arith.addi %mul3A_1854, %mul3A_1872 : i32
    %dma_start3A_1874 = arith.constant 0 : i32
    %dma_start3A_1875 = tpu.memref_slice %arg6[%add3A_1873, %dma_start3A_1874] : memref<205824x128xf32, #tpu.memory_space<hbm>> -> memref<128x128xf32, #tpu.memory_space<hbm>>
    %dma_start3A_1876 = arith.constant 0 : i32
    %dma_start3A_1877 = tpu.memref_slice %arg6[%add3A_1873, %dma_start3A_1876] : memref<205824x128xf32, #tpu.memory_space<hbm>> -> memref<128x128xf32, #tpu.memory_space<hbm>>
    tpu.enqueue_dma source(%arg14 : memref<128x128xf32, #tpu.memory_space<vmem>>) target(%dma_start3A_1877 : memref<128x128xf32, #tpu.memory_space<hbm>>) target_semaphore(%arg28 : memref<!tpu.dma_semaphore, #tpu.memory_space<semaphore_mem>>)
    %dma_wait3A_1878 = arith.constant 0 : i32
    %dma_wait3A_1879 = tpu.memref_slice %arg6[%add3A_1802, %dma_wait3A_1878] : memref<205824x128xf32, #tpu.memory_space<hbm>> -> memref<128x128xf32, #tpu.memory_space<hbm>>
    %dma_wait3A_1880 = arith.constant 0 : i32
    %dma_wait3A_1881 = tpu.memref_slice %arg6[%add3A_1802, %dma_wait3A_1880] : memref<205824x128xf32, #tpu.memory_space<hbm>> -> memref<128x128xf32, #tpu.memory_space<hbm>>
    tpu.wait_dma2 semaphore(%arg27 : memref<!tpu.dma_semaphore, #tpu.memory_space<semaphore_mem>>) src(%arg13 : memref<128x128xf32, #tpu.memory_space<vmem>>) dst(%dma_wait3A_1881 : memref<128x128xf32, #tpu.memory_space<hbm>>)
    %dma_start3A_1882 = arith.constant 31 : i32
    %dma_start3A_1883 = arith.constant 0 : i32
    %dma_start3A_1884 = tpu.memref_slice %arg7[%dma_start3A_1882, %dma_start3A_1883] : memref<56x128xi32, #tpu.memory_space<vmem>> -> memref<1x128xi32, #tpu.memory_space<vmem>>
    %dma_start3A_1885 = tpu.memref_squeeze %dma_start3A_1884 : memref<1x128xi32, #tpu.memory_space<vmem>> -> memref<128xi32, #tpu.memory_space<vmem>>
    %dma_start3A_1886 = arith.constant 0 : i32
    %dma_start3A_1887 = arith.constant 0 : i32
    %dma_start3A_1888 = tpu.memref_slice %arg5[%dma_start3A_1886, %dma_start3A_1887] : memref<204800x128xf32, #tpu.memory_space<hbm>> -> memref<204800x128xf32, #tpu.memory_space<hbm>>
    tpu.enqueue_indirect_dma source(%dma_start3A_1888 : memref<204800x128xf32, #tpu.memory_space<hbm>>) target(%arg13 : memref<128x128xf32, #tpu.memory_space<vmem>>) offsets(%dma_start3A_1885 : memref<128xi32, #tpu.memory_space<vmem>>) semaphore(%arg20 : memref<!tpu.dma_semaphore, #tpu.memory_space<semaphore_mem>>)
    %dma_wait3A_1889 = arith.constant 26 : i32
    %dma_wait3A_1890 = arith.constant 0 : i32
    %dma_wait3A_1891 = tpu.memref_slice %arg7[%dma_wait3A_1889, %dma_wait3A_1890] : memref<56x128xi32, #tpu.memory_space<vmem>> -> memref<1x128xi32, #tpu.memory_space<vmem>>
    %dma_wait3A_1892 = tpu.memref_squeeze %dma_wait3A_1891 : memref<1x128xi32, #tpu.memory_space<vmem>> -> memref<128xi32, #tpu.memory_space<vmem>>
    %dma_wait3A_1893 = arith.constant 0 : i32
    %dma_wait3A_1894 = arith.constant 0 : i32
    %dma_wait3A_1895 = tpu.memref_slice %arg5[%dma_wait3A_1893, %dma_wait3A_1894] : memref<204800x128xf32, #tpu.memory_space<hbm>> -> memref<204800x128xf32, #tpu.memory_space<hbm>>
    tpu.wait_indirect_dma semaphore(%arg22 : memref<!tpu.dma_semaphore, #tpu.memory_space<semaphore_mem>>) src(%dma_wait3A_1895 : memref<204800x128xf32, #tpu.memory_space<hbm>>) dst(%arg15 : memref<128x128xf32, #tpu.memory_space<vmem>>)
    %add3A_1896 = arith.constant 26 : i32
    %add3A_1897 = arith.addi %mul3A_2, %add3A_1896 : i32
    %jit3A_1898 = arith.constant 8 : i32
    %div3A_1899 = arith.divsi %add3A_1897, %jit3A_1898 : i32
    %sign3A_1900 = arith.constant 0 : i32
    %sign3A_1901 = arith.cmpi sgt, %add3A_1897, %sign3A_1900 : i32
    %sign3A_1902 = arith.extui %sign3A_1901 : i1 to i32
    %sign3A_1903 = arith.constant 0 : i32
    %sign3A_1904 = arith.cmpi slt, %add3A_1897, %sign3A_1903 : i32
    %sign3A_1905 = arith.extui %sign3A_1904 : i1 to i32
    %sign3A_1906 = arith.subi %sign3A_1902, %sign3A_1905 : i32
    %sign3A_1907 = arith.constant 0 : i32
    %sign3A_1908 = arith.cmpi sgt, %jit3A_1898, %sign3A_1907 : i32
    %sign3A_1909 = arith.extui %sign3A_1908 : i1 to i32
    %sign3A_1910 = arith.constant 0 : i32
    %sign3A_1911 = arith.cmpi slt, %jit3A_1898, %sign3A_1910 : i32
    %sign3A_1912 = arith.extui %sign3A_1911 : i1 to i32
    %sign3A_1913 = arith.subi %sign3A_1909, %sign3A_1912 : i32
    %ne3A_1914 = arith.cmpi ne, %sign3A_1906, %sign3A_1913 : i32
    %rem3A_1915 = arith.remsi %add3A_1897, %jit3A_1898 : i32
    %ne3A_1916 = arith.constant 0 : i32
    %ne3A_1917 = arith.cmpi ne, %rem3A_1915, %ne3A_1916 : i32
    %and3A_1918 = arith.andi %ne3A_1914, %ne3A_1917 : i1
    %sub3A_1919 = arith.constant 1 : i32
    %sub3A_1920 = arith.subi %div3A_1899, %sub3A_1919 : i32
    %select_n3A_1921 = arith.select %and3A_1918, %sub3A_1920, %div3A_1899 : i32
    %add3A_1922 = arith.constant 1 : i32
    %add3A_1923 = arith.addi %add3A_1922, %select_n3A_1921 : i32
    %mul3A_1924 = arith.constant 1024 : i32
    %mul3A_1925 = arith.muli %add3A_1923, %mul3A_1924 : i32
    %jit3A_1926 = arith.constant 8 : i32
    %eq3A_1927 = arith.constant 0 : i32
    %eq3A_1928 = arith.cmpi eq, %jit3A_1926, %eq3A_1927 : i32
    %jit3A_1929 = arith.constant 1 : i32
    %select_n3A_1930 = arith.select %eq3A_1928, %jit3A_1929, %jit3A_1926 : i32
    %rem3A_1931 = arith.remsi %add3A_1897, %select_n3A_1930 : i32
    %ne3A_1932 = arith.constant 0 : i32
    %ne3A_1933 = arith.cmpi ne, %rem3A_1931, %ne3A_1932 : i32
    %lt3A_1934 = arith.constant 0 : i32
    %lt3A_1935 = arith.cmpi slt, %rem3A_1931, %lt3A_1934 : i32
    %lt3A_1936 = arith.constant 0 : i32
    %lt3A_1937 = arith.cmpi slt, %select_n3A_1930, %lt3A_1936 : i32
    %ne3A_1938 = arith.xori %lt3A_1935, %lt3A_1937 : i1
    %and3A_1939 = arith.andi %ne3A_1938, %ne3A_1933 : i1
    %add3A_1940 = arith.addi %rem3A_1931, %select_n3A_1930 : i32
    %select_n3A_1941 = arith.select %and3A_1939, %add3A_1940, %rem3A_1931 : i32
    %mul3A_1942 = arith.constant 128 : i32
    %mul3A_1943 = arith.muli %select_n3A_1941, %mul3A_1942 : i32
    %add3A_1944 = arith.addi %mul3A_1925, %mul3A_1943 : i32
    %dma_start3A_1945 = arith.constant 0 : i32
    %dma_start3A_1946 = tpu.memref_slice %arg6[%add3A_1944, %dma_start3A_1945] : memref<205824x128xf32, #tpu.memory_space<hbm>> -> memref<128x128xf32, #tpu.memory_space<hbm>>
    %dma_start3A_1947 = arith.constant 0 : i32
    %dma_start3A_1948 = tpu.memref_slice %arg6[%add3A_1944, %dma_start3A_1947] : memref<205824x128xf32, #tpu.memory_space<hbm>> -> memref<128x128xf32, #tpu.memory_space<hbm>>
    tpu.enqueue_dma source(%arg15 : memref<128x128xf32, #tpu.memory_space<vmem>>) target(%dma_start3A_1948 : memref<128x128xf32, #tpu.memory_space<hbm>>) target_semaphore(%arg29 : memref<!tpu.dma_semaphore, #tpu.memory_space<semaphore_mem>>)
    %dma_wait3A_1949 = arith.constant 0 : i32
    %dma_wait3A_1950 = tpu.memref_slice %arg6[%add3A_1873, %dma_wait3A_1949] : memref<205824x128xf32, #tpu.memory_space<hbm>> -> memref<128x128xf32, #tpu.memory_space<hbm>>
    %dma_wait3A_1951 = arith.constant 0 : i32
    %dma_wait3A_1952 = tpu.memref_slice %arg6[%add3A_1873, %dma_wait3A_1951] : memref<205824x128xf32, #tpu.memory_space<hbm>> -> memref<128x128xf32, #tpu.memory_space<hbm>>
    tpu.wait_dma2 semaphore(%arg28 : memref<!tpu.dma_semaphore, #tpu.memory_space<semaphore_mem>>) src(%arg14 : memref<128x128xf32, #tpu.memory_space<vmem>>) dst(%dma_wait3A_1952 : memref<128x128xf32, #tpu.memory_space<hbm>>)
    %dma_start3A_1953 = arith.constant 32 : i32
    %dma_start3A_1954 = arith.constant 0 : i32
    %dma_start3A_1955 = tpu.memref_slice %arg7[%dma_start3A_1953, %dma_start3A_1954] : memref<56x128xi32, #tpu.memory_space<vmem>> -> memref<1x128xi32, #tpu.memory_space<vmem>>
    %dma_start3A_1956 = tpu.memref_squeeze %dma_start3A_1955 : memref<1x128xi32, #tpu.memory_space<vmem>> -> memref<128xi32, #tpu.memory_space<vmem>>
    %dma_start3A_1957 = arith.constant 0 : i32
    %dma_start3A_1958 = arith.constant 0 : i32
    %dma_start3A_1959 = tpu.memref_slice %arg5[%dma_start3A_1957, %dma_start3A_1958] : memref<204800x128xf32, #tpu.memory_space<hbm>> -> memref<204800x128xf32, #tpu.memory_space<hbm>>
    tpu.enqueue_indirect_dma source(%dma_start3A_1959 : memref<204800x128xf32, #tpu.memory_space<hbm>>) target(%arg14 : memref<128x128xf32, #tpu.memory_space<vmem>>) offsets(%dma_start3A_1956 : memref<128xi32, #tpu.memory_space<vmem>>) semaphore(%arg21 : memref<!tpu.dma_semaphore, #tpu.memory_space<semaphore_mem>>)
    %dma_wait3A_1960 = arith.constant 27 : i32
    %dma_wait3A_1961 = arith.constant 0 : i32
    %dma_wait3A_1962 = tpu.memref_slice %arg7[%dma_wait3A_1960, %dma_wait3A_1961] : memref<56x128xi32, #tpu.memory_space<vmem>> -> memref<1x128xi32, #tpu.memory_space<vmem>>
    %dma_wait3A_1963 = tpu.memref_squeeze %dma_wait3A_1962 : memref<1x128xi32, #tpu.memory_space<vmem>> -> memref<128xi32, #tpu.memory_space<vmem>>
    %dma_wait3A_1964 = arith.constant 0 : i32
    %dma_wait3A_1965 = arith.constant 0 : i32
    %dma_wait3A_1966 = tpu.memref_slice %arg5[%dma_wait3A_1964, %dma_wait3A_1965] : memref<204800x128xf32, #tpu.memory_space<hbm>> -> memref<204800x128xf32, #tpu.memory_space<hbm>>
    tpu.wait_indirect_dma semaphore(%arg23 : memref<!tpu.dma_semaphore, #tpu.memory_space<semaphore_mem>>) src(%dma_wait3A_1966 : memref<204800x128xf32, #tpu.memory_space<hbm>>) dst(%arg16 : memref<128x128xf32, #tpu.memory_space<vmem>>)
    %add3A_1967 = arith.constant 27 : i32
    %add3A_1968 = arith.addi %mul3A_2, %add3A_1967 : i32
    %jit3A_1969 = arith.constant 8 : i32
    %div3A_1970 = arith.divsi %add3A_1968, %jit3A_1969 : i32
    %sign3A_1971 = arith.constant 0 : i32
    %sign3A_1972 = arith.cmpi sgt, %add3A_1968, %sign3A_1971 : i32
    %sign3A_1973 = arith.extui %sign3A_1972 : i1 to i32
    %sign3A_1974 = arith.constant 0 : i32
    %sign3A_1975 = arith.cmpi slt, %add3A_1968, %sign3A_1974 : i32
    %sign3A_1976 = arith.extui %sign3A_1975 : i1 to i32
    %sign3A_1977 = arith.subi %sign3A_1973, %sign3A_1976 : i32
    %sign3A_1978 = arith.constant 0 : i32
    %sign3A_1979 = arith.cmpi sgt, %jit3A_1969, %sign3A_1978 : i32
    %sign3A_1980 = arith.extui %sign3A_1979 : i1 to i32
    %sign3A_1981 = arith.constant 0 : i32
    %sign3A_1982 = arith.cmpi slt, %jit3A_1969, %sign3A_1981 : i32
    %sign3A_1983 = arith.extui %sign3A_1982 : i1 to i32
    %sign3A_1984 = arith.subi %sign3A_1980, %sign3A_1983 : i32
    %ne3A_1985 = arith.cmpi ne, %sign3A_1977, %sign3A_1984 : i32
    %rem3A_1986 = arith.remsi %add3A_1968, %jit3A_1969 : i32
    %ne3A_1987 = arith.constant 0 : i32
    %ne3A_1988 = arith.cmpi ne, %rem3A_1986, %ne3A_1987 : i32
    %and3A_1989 = arith.andi %ne3A_1985, %ne3A_1988 : i1
    %sub3A_1990 = arith.constant 1 : i32
    %sub3A_1991 = arith.subi %div3A_1970, %sub3A_1990 : i32
    %select_n3A_1992 = arith.select %and3A_1989, %sub3A_1991, %div3A_1970 : i32
    %add3A_1993 = arith.constant 1 : i32
    %add3A_1994 = arith.addi %add3A_1993, %select_n3A_1992 : i32
    %mul3A_1995 = arith.constant 1024 : i32
    %mul3A_1996 = arith.muli %add3A_1994, %mul3A_1995 : i32
    %jit3A_1997 = arith.constant 8 : i32
    %eq3A_1998 = arith.constant 0 : i32
    %eq3A_1999 = arith.cmpi eq, %jit3A_1997, %eq3A_1998 : i32
    %jit3A_2000 = arith.constant 1 : i32
    %select_n3A_2001 = arith.select %eq3A_1999, %jit3A_2000, %jit3A_1997 : i32
    %rem3A_2002 = arith.remsi %add3A_1968, %select_n3A_2001 : i32
    %ne3A_2003 = arith.constant 0 : i32
    %ne3A_2004 = arith.cmpi ne, %rem3A_2002, %ne3A_2003 : i32
    %lt3A_2005 = arith.constant 0 : i32
    %lt3A_2006 = arith.cmpi slt, %rem3A_2002, %lt3A_2005 : i32
    %lt3A_2007 = arith.constant 0 : i32
    %lt3A_2008 = arith.cmpi slt, %select_n3A_2001, %lt3A_2007 : i32
    %ne3A_2009 = arith.xori %lt3A_2006, %lt3A_2008 : i1
    %and3A_2010 = arith.andi %ne3A_2009, %ne3A_2004 : i1
    %add3A_2011 = arith.addi %rem3A_2002, %select_n3A_2001 : i32
    %select_n3A_2012 = arith.select %and3A_2010, %add3A_2011, %rem3A_2002 : i32
    %mul3A_2013 = arith.constant 128 : i32
    %mul3A_2014 = arith.muli %select_n3A_2012, %mul3A_2013 : i32
    %add3A_2015 = arith.addi %mul3A_1996, %mul3A_2014 : i32
    %dma_start3A_2016 = arith.constant 0 : i32
    %dma_start3A_2017 = tpu.memref_slice %arg6[%add3A_2015, %dma_start3A_2016] : memref<205824x128xf32, #tpu.memory_space<hbm>> -> memref<128x128xf32, #tpu.memory_space<hbm>>
    %dma_start3A_2018 = arith.constant 0 : i32
    %dma_start3A_2019 = tpu.memref_slice %arg6[%add3A_2015, %dma_start3A_2018] : memref<205824x128xf32, #tpu.memory_space<hbm>> -> memref<128x128xf32, #tpu.memory_space<hbm>>
    tpu.enqueue_dma source(%arg16 : memref<128x128xf32, #tpu.memory_space<vmem>>) target(%dma_start3A_2019 : memref<128x128xf32, #tpu.memory_space<hbm>>) target_semaphore(%arg30 : memref<!tpu.dma_semaphore, #tpu.memory_space<semaphore_mem>>)
    %dma_wait3A_2020 = arith.constant 0 : i32
    %dma_wait3A_2021 = tpu.memref_slice %arg6[%add3A_1944, %dma_wait3A_2020] : memref<205824x128xf32, #tpu.memory_space<hbm>> -> memref<128x128xf32, #tpu.memory_space<hbm>>
    %dma_wait3A_2022 = arith.constant 0 : i32
    %dma_wait3A_2023 = tpu.memref_slice %arg6[%add3A_1944, %dma_wait3A_2022] : memref<205824x128xf32, #tpu.memory_space<hbm>> -> memref<128x128xf32, #tpu.memory_space<hbm>>
    tpu.wait_dma2 semaphore(%arg29 : memref<!tpu.dma_semaphore, #tpu.memory_space<semaphore_mem>>) src(%arg15 : memref<128x128xf32, #tpu.memory_space<vmem>>) dst(%dma_wait3A_2023 : memref<128x128xf32, #tpu.memory_space<hbm>>)
    %dma_start3A_2024 = arith.constant 33 : i32
    %dma_start3A_2025 = arith.constant 0 : i32
    %dma_start3A_2026 = tpu.memref_slice %arg7[%dma_start3A_2024, %dma_start3A_2025] : memref<56x128xi32, #tpu.memory_space<vmem>> -> memref<1x128xi32, #tpu.memory_space<vmem>>
    %dma_start3A_2027 = tpu.memref_squeeze %dma_start3A_2026 : memref<1x128xi32, #tpu.memory_space<vmem>> -> memref<128xi32, #tpu.memory_space<vmem>>
    %dma_start3A_2028 = arith.constant 0 : i32
    %dma_start3A_2029 = arith.constant 0 : i32
    %dma_start3A_2030 = tpu.memref_slice %arg5[%dma_start3A_2028, %dma_start3A_2029] : memref<204800x128xf32, #tpu.memory_space<hbm>> -> memref<204800x128xf32, #tpu.memory_space<hbm>>
    tpu.enqueue_indirect_dma source(%dma_start3A_2030 : memref<204800x128xf32, #tpu.memory_space<hbm>>) target(%arg15 : memref<128x128xf32, #tpu.memory_space<vmem>>) offsets(%dma_start3A_2027 : memref<128xi32, #tpu.memory_space<vmem>>) semaphore(%arg22 : memref<!tpu.dma_semaphore, #tpu.memory_space<semaphore_mem>>)
    %dma_wait3A_2031 = arith.constant 28 : i32
    %dma_wait3A_2032 = arith.constant 0 : i32
    %dma_wait3A_2033 = tpu.memref_slice %arg7[%dma_wait3A_2031, %dma_wait3A_2032] : memref<56x128xi32, #tpu.memory_space<vmem>> -> memref<1x128xi32, #tpu.memory_space<vmem>>
    %dma_wait3A_2034 = tpu.memref_squeeze %dma_wait3A_2033 : memref<1x128xi32, #tpu.memory_space<vmem>> -> memref<128xi32, #tpu.memory_space<vmem>>
    %dma_wait3A_2035 = arith.constant 0 : i32
    %dma_wait3A_2036 = arith.constant 0 : i32
    %dma_wait3A_2037 = tpu.memref_slice %arg5[%dma_wait3A_2035, %dma_wait3A_2036] : memref<204800x128xf32, #tpu.memory_space<hbm>> -> memref<204800x128xf32, #tpu.memory_space<hbm>>
    tpu.wait_indirect_dma semaphore(%arg17 : memref<!tpu.dma_semaphore, #tpu.memory_space<semaphore_mem>>) src(%dma_wait3A_2037 : memref<204800x128xf32, #tpu.memory_space<hbm>>) dst(%arg10 : memref<128x128xf32, #tpu.memory_space<vmem>>)
    %add3A_2038 = arith.constant 28 : i32
    %add3A_2039 = arith.addi %mul3A_2, %add3A_2038 : i32
    %jit3A_2040 = arith.constant 8 : i32
    %div3A_2041 = arith.divsi %add3A_2039, %jit3A_2040 : i32
    %sign3A_2042 = arith.constant 0 : i32
    %sign3A_2043 = arith.cmpi sgt, %add3A_2039, %sign3A_2042 : i32
    %sign3A_2044 = arith.extui %sign3A_2043 : i1 to i32
    %sign3A_2045 = arith.constant 0 : i32
    %sign3A_2046 = arith.cmpi slt, %add3A_2039, %sign3A_2045 : i32
    %sign3A_2047 = arith.extui %sign3A_2046 : i1 to i32
    %sign3A_2048 = arith.subi %sign3A_2044, %sign3A_2047 : i32
    %sign3A_2049 = arith.constant 0 : i32
    %sign3A_2050 = arith.cmpi sgt, %jit3A_2040, %sign3A_2049 : i32
    %sign3A_2051 = arith.extui %sign3A_2050 : i1 to i32
    %sign3A_2052 = arith.constant 0 : i32
    %sign3A_2053 = arith.cmpi slt, %jit3A_2040, %sign3A_2052 : i32
    %sign3A_2054 = arith.extui %sign3A_2053 : i1 to i32
    %sign3A_2055 = arith.subi %sign3A_2051, %sign3A_2054 : i32
    %ne3A_2056 = arith.cmpi ne, %sign3A_2048, %sign3A_2055 : i32
    %rem3A_2057 = arith.remsi %add3A_2039, %jit3A_2040 : i32
    %ne3A_2058 = arith.constant 0 : i32
    %ne3A_2059 = arith.cmpi ne, %rem3A_2057, %ne3A_2058 : i32
    %and3A_2060 = arith.andi %ne3A_2056, %ne3A_2059 : i1
    %sub3A_2061 = arith.constant 1 : i32
    %sub3A_2062 = arith.subi %div3A_2041, %sub3A_2061 : i32
    %select_n3A_2063 = arith.select %and3A_2060, %sub3A_2062, %div3A_2041 : i32
    %add3A_2064 = arith.constant 1 : i32
    %add3A_2065 = arith.addi %add3A_2064, %select_n3A_2063 : i32
    %mul3A_2066 = arith.constant 1024 : i32
    %mul3A_2067 = arith.muli %add3A_2065, %mul3A_2066 : i32
    %jit3A_2068 = arith.constant 8 : i32
    %eq3A_2069 = arith.constant 0 : i32
    %eq3A_2070 = arith.cmpi eq, %jit3A_2068, %eq3A_2069 : i32
    %jit3A_2071 = arith.constant 1 : i32
    %select_n3A_2072 = arith.select %eq3A_2070, %jit3A_2071, %jit3A_2068 : i32
    %rem3A_2073 = arith.remsi %add3A_2039, %select_n3A_2072 : i32
    %ne3A_2074 = arith.constant 0 : i32
    %ne3A_2075 = arith.cmpi ne, %rem3A_2073, %ne3A_2074 : i32
    %lt3A_2076 = arith.constant 0 : i32
    %lt3A_2077 = arith.cmpi slt, %rem3A_2073, %lt3A_2076 : i32
    %lt3A_2078 = arith.constant 0 : i32
    %lt3A_2079 = arith.cmpi slt, %select_n3A_2072, %lt3A_2078 : i32
    %ne3A_2080 = arith.xori %lt3A_2077, %lt3A_2079 : i1
    %and3A_2081 = arith.andi %ne3A_2080, %ne3A_2075 : i1
    %add3A_2082 = arith.addi %rem3A_2073, %select_n3A_2072 : i32
    %select_n3A_2083 = arith.select %and3A_2081, %add3A_2082, %rem3A_2073 : i32
    %mul3A_2084 = arith.constant 128 : i32
    %mul3A_2085 = arith.muli %select_n3A_2083, %mul3A_2084 : i32
    %add3A_2086 = arith.addi %mul3A_2067, %mul3A_2085 : i32
    %dma_start3A_2087 = arith.constant 0 : i32
    %dma_start3A_2088 = tpu.memref_slice %arg6[%add3A_2086, %dma_start3A_2087] : memref<205824x128xf32, #tpu.memory_space<hbm>> -> memref<128x128xf32, #tpu.memory_space<hbm>>
    %dma_start3A_2089 = arith.constant 0 : i32
    %dma_start3A_2090 = tpu.memref_slice %arg6[%add3A_2086, %dma_start3A_2089] : memref<205824x128xf32, #tpu.memory_space<hbm>> -> memref<128x128xf32, #tpu.memory_space<hbm>>
    tpu.enqueue_dma source(%arg10 : memref<128x128xf32, #tpu.memory_space<vmem>>) target(%dma_start3A_2090 : memref<128x128xf32, #tpu.memory_space<hbm>>) target_semaphore(%arg24 : memref<!tpu.dma_semaphore, #tpu.memory_space<semaphore_mem>>)
    %dma_wait3A_2091 = arith.constant 0 : i32
    %dma_wait3A_2092 = tpu.memref_slice %arg6[%add3A_2015, %dma_wait3A_2091] : memref<205824x128xf32, #tpu.memory_space<hbm>> -> memref<128x128xf32, #tpu.memory_space<hbm>>
    %dma_wait3A_2093 = arith.constant 0 : i32
    %dma_wait3A_2094 = tpu.memref_slice %arg6[%add3A_2015, %dma_wait3A_2093] : memref<205824x128xf32, #tpu.memory_space<hbm>> -> memref<128x128xf32, #tpu.memory_space<hbm>>
    tpu.wait_dma2 semaphore(%arg30 : memref<!tpu.dma_semaphore, #tpu.memory_space<semaphore_mem>>) src(%arg16 : memref<128x128xf32, #tpu.memory_space<vmem>>) dst(%dma_wait3A_2094 : memref<128x128xf32, #tpu.memory_space<hbm>>)
    %dma_start3A_2095 = arith.constant 34 : i32
    %dma_start3A_2096 = arith.constant 0 : i32
    %dma_start3A_2097 = tpu.memref_slice %arg7[%dma_start3A_2095, %dma_start3A_2096] : memref<56x128xi32, #tpu.memory_space<vmem>> -> memref<1x128xi32, #tpu.memory_space<vmem>>
    %dma_start3A_2098 = tpu.memref_squeeze %dma_start3A_2097 : memref<1x128xi32, #tpu.memory_space<vmem>> -> memref<128xi32, #tpu.memory_space<vmem>>
    %dma_start3A_2099 = arith.constant 0 : i32
    %dma_start3A_2100 = arith.constant 0 : i32
    %dma_start3A_2101 = tpu.memref_slice %arg5[%dma_start3A_2099, %dma_start3A_2100] : memref<204800x128xf32, #tpu.memory_space<hbm>> -> memref<204800x128xf32, #tpu.memory_space<hbm>>
    tpu.enqueue_indirect_dma source(%dma_start3A_2101 : memref<204800x128xf32, #tpu.memory_space<hbm>>) target(%arg16 : memref<128x128xf32, #tpu.memory_space<vmem>>) offsets(%dma_start3A_2098 : memref<128xi32, #tpu.memory_space<vmem>>) semaphore(%arg23 : memref<!tpu.dma_semaphore, #tpu.memory_space<semaphore_mem>>)
    %dma_wait3A_2102 = arith.constant 29 : i32
    %dma_wait3A_2103 = arith.constant 0 : i32
    %dma_wait3A_2104 = tpu.memref_slice %arg7[%dma_wait3A_2102, %dma_wait3A_2103] : memref<56x128xi32, #tpu.memory_space<vmem>> -> memref<1x128xi32, #tpu.memory_space<vmem>>
    %dma_wait3A_2105 = tpu.memref_squeeze %dma_wait3A_2104 : memref<1x128xi32, #tpu.memory_space<vmem>> -> memref<128xi32, #tpu.memory_space<vmem>>
    %dma_wait3A_2106 = arith.constant 0 : i32
    %dma_wait3A_2107 = arith.constant 0 : i32
    %dma_wait3A_2108 = tpu.memref_slice %arg5[%dma_wait3A_2106, %dma_wait3A_2107] : memref<204800x128xf32, #tpu.memory_space<hbm>> -> memref<204800x128xf32, #tpu.memory_space<hbm>>
    tpu.wait_indirect_dma semaphore(%arg18 : memref<!tpu.dma_semaphore, #tpu.memory_space<semaphore_mem>>) src(%dma_wait3A_2108 : memref<204800x128xf32, #tpu.memory_space<hbm>>) dst(%arg11 : memref<128x128xf32, #tpu.memory_space<vmem>>)
    %add3A_2109 = arith.constant 29 : i32
    %add3A_2110 = arith.addi %mul3A_2, %add3A_2109 : i32
    %jit3A_2111 = arith.constant 8 : i32
    %div3A_2112 = arith.divsi %add3A_2110, %jit3A_2111 : i32
    %sign3A_2113 = arith.constant 0 : i32
    %sign3A_2114 = arith.cmpi sgt, %add3A_2110, %sign3A_2113 : i32
    %sign3A_2115 = arith.extui %sign3A_2114 : i1 to i32
    %sign3A_2116 = arith.constant 0 : i32
    %sign3A_2117 = arith.cmpi slt, %add3A_2110, %sign3A_2116 : i32
    %sign3A_2118 = arith.extui %sign3A_2117 : i1 to i32
    %sign3A_2119 = arith.subi %sign3A_2115, %sign3A_2118 : i32
    %sign3A_2120 = arith.constant 0 : i32
    %sign3A_2121 = arith.cmpi sgt, %jit3A_2111, %sign3A_2120 : i32
    %sign3A_2122 = arith.extui %sign3A_2121 : i1 to i32
    %sign3A_2123 = arith.constant 0 : i32
    %sign3A_2124 = arith.cmpi slt, %jit3A_2111, %sign3A_2123 : i32
    %sign3A_2125 = arith.extui %sign3A_2124 : i1 to i32
    %sign3A_2126 = arith.subi %sign3A_2122, %sign3A_2125 : i32
    %ne3A_2127 = arith.cmpi ne, %sign3A_2119, %sign3A_2126 : i32
    %rem3A_2128 = arith.remsi %add3A_2110, %jit3A_2111 : i32
    %ne3A_2129 = arith.constant 0 : i32
    %ne3A_2130 = arith.cmpi ne, %rem3A_2128, %ne3A_2129 : i32
    %and3A_2131 = arith.andi %ne3A_2127, %ne3A_2130 : i1
    %sub3A_2132 = arith.constant 1 : i32
    %sub3A_2133 = arith.subi %div3A_2112, %sub3A_2132 : i32
    %select_n3A_2134 = arith.select %and3A_2131, %sub3A_2133, %div3A_2112 : i32
    %add3A_2135 = arith.constant 1 : i32
    %add3A_2136 = arith.addi %add3A_2135, %select_n3A_2134 : i32
    %mul3A_2137 = arith.constant 1024 : i32
    %mul3A_2138 = arith.muli %add3A_2136, %mul3A_2137 : i32
    %jit3A_2139 = arith.constant 8 : i32
    %eq3A_2140 = arith.constant 0 : i32
    %eq3A_2141 = arith.cmpi eq, %jit3A_2139, %eq3A_2140 : i32
    %jit3A_2142 = arith.constant 1 : i32
    %select_n3A_2143 = arith.select %eq3A_2141, %jit3A_2142, %jit3A_2139 : i32
    %rem3A_2144 = arith.remsi %add3A_2110, %select_n3A_2143 : i32
    %ne3A_2145 = arith.constant 0 : i32
    %ne3A_2146 = arith.cmpi ne, %rem3A_2144, %ne3A_2145 : i32
    %lt3A_2147 = arith.constant 0 : i32
    %lt3A_2148 = arith.cmpi slt, %rem3A_2144, %lt3A_2147 : i32
    %lt3A_2149 = arith.constant 0 : i32
    %lt3A_2150 = arith.cmpi slt, %select_n3A_2143, %lt3A_2149 : i32
    %ne3A_2151 = arith.xori %lt3A_2148, %lt3A_2150 : i1
    %and3A_2152 = arith.andi %ne3A_2151, %ne3A_2146 : i1
    %add3A_2153 = arith.addi %rem3A_2144, %select_n3A_2143 : i32
    %select_n3A_2154 = arith.select %and3A_2152, %add3A_2153, %rem3A_2144 : i32
    %mul3A_2155 = arith.constant 128 : i32
    %mul3A_2156 = arith.muli %select_n3A_2154, %mul3A_2155 : i32
    %add3A_2157 = arith.addi %mul3A_2138, %mul3A_2156 : i32
    %dma_start3A_2158 = arith.constant 0 : i32
    %dma_start3A_2159 = tpu.memref_slice %arg6[%add3A_2157, %dma_start3A_2158] : memref<205824x128xf32, #tpu.memory_space<hbm>> -> memref<128x128xf32, #tpu.memory_space<hbm>>
    %dma_start3A_2160 = arith.constant 0 : i32
    %dma_start3A_2161 = tpu.memref_slice %arg6[%add3A_2157, %dma_start3A_2160] : memref<205824x128xf32, #tpu.memory_space<hbm>> -> memref<128x128xf32, #tpu.memory_space<hbm>>
    tpu.enqueue_dma source(%arg11 : memref<128x128xf32, #tpu.memory_space<vmem>>) target(%dma_start3A_2161 : memref<128x128xf32, #tpu.memory_space<hbm>>) target_semaphore(%arg25 : memref<!tpu.dma_semaphore, #tpu.memory_space<semaphore_mem>>)
    %dma_wait3A_2162 = arith.constant 0 : i32
    %dma_wait3A_2163 = tpu.memref_slice %arg6[%add3A_2086, %dma_wait3A_2162] : memref<205824x128xf32, #tpu.memory_space<hbm>> -> memref<128x128xf32, #tpu.memory_space<hbm>>
    %dma_wait3A_2164 = arith.constant 0 : i32
    %dma_wait3A_2165 = tpu.memref_slice %arg6[%add3A_2086, %dma_wait3A_2164] : memref<205824x128xf32, #tpu.memory_space<hbm>> -> memref<128x128xf32, #tpu.memory_space<hbm>>
    tpu.wait_dma2 semaphore(%arg24 : memref<!tpu.dma_semaphore, #tpu.memory_space<semaphore_mem>>) src(%arg10 : memref<128x128xf32, #tpu.memory_space<vmem>>) dst(%dma_wait3A_2165 : memref<128x128xf32, #tpu.memory_space<hbm>>)
    %dma_start3A_2166 = arith.constant 35 : i32
    %dma_start3A_2167 = arith.constant 0 : i32
    %dma_start3A_2168 = tpu.memref_slice %arg7[%dma_start3A_2166, %dma_start3A_2167] : memref<56x128xi32, #tpu.memory_space<vmem>> -> memref<1x128xi32, #tpu.memory_space<vmem>>
    %dma_start3A_2169 = tpu.memref_squeeze %dma_start3A_2168 : memref<1x128xi32, #tpu.memory_space<vmem>> -> memref<128xi32, #tpu.memory_space<vmem>>
    %dma_start3A_2170 = arith.constant 0 : i32
    %dma_start3A_2171 = arith.constant 0 : i32
    %dma_start3A_2172 = tpu.memref_slice %arg5[%dma_start3A_2170, %dma_start3A_2171] : memref<204800x128xf32, #tpu.memory_space<hbm>> -> memref<204800x128xf32, #tpu.memory_space<hbm>>
    tpu.enqueue_indirect_dma source(%dma_start3A_2172 : memref<204800x128xf32, #tpu.memory_space<hbm>>) target(%arg10 : memref<128x128xf32, #tpu.memory_space<vmem>>) offsets(%dma_start3A_2169 : memref<128xi32, #tpu.memory_space<vmem>>) semaphore(%arg17 : memref<!tpu.dma_semaphore, #tpu.memory_space<semaphore_mem>>)
    %dma_wait3A_2173 = arith.constant 30 : i32
    %dma_wait3A_2174 = arith.constant 0 : i32
    %dma_wait3A_2175 = tpu.memref_slice %arg7[%dma_wait3A_2173, %dma_wait3A_2174] : memref<56x128xi32, #tpu.memory_space<vmem>> -> memref<1x128xi32, #tpu.memory_space<vmem>>
    %dma_wait3A_2176 = tpu.memref_squeeze %dma_wait3A_2175 : memref<1x128xi32, #tpu.memory_space<vmem>> -> memref<128xi32, #tpu.memory_space<vmem>>
    %dma_wait3A_2177 = arith.constant 0 : i32
    %dma_wait3A_2178 = arith.constant 0 : i32
    %dma_wait3A_2179 = tpu.memref_slice %arg5[%dma_wait3A_2177, %dma_wait3A_2178] : memref<204800x128xf32, #tpu.memory_space<hbm>> -> memref<204800x128xf32, #tpu.memory_space<hbm>>
    tpu.wait_indirect_dma semaphore(%arg19 : memref<!tpu.dma_semaphore, #tpu.memory_space<semaphore_mem>>) src(%dma_wait3A_2179 : memref<204800x128xf32, #tpu.memory_space<hbm>>) dst(%arg12 : memref<128x128xf32, #tpu.memory_space<vmem>>)
    %add3A_2180 = arith.constant 30 : i32
    %add3A_2181 = arith.addi %mul3A_2, %add3A_2180 : i32
    %jit3A_2182 = arith.constant 8 : i32
    %div3A_2183 = arith.divsi %add3A_2181, %jit3A_2182 : i32
    %sign3A_2184 = arith.constant 0 : i32
    %sign3A_2185 = arith.cmpi sgt, %add3A_2181, %sign3A_2184 : i32
    %sign3A_2186 = arith.extui %sign3A_2185 : i1 to i32
    %sign3A_2187 = arith.constant 0 : i32
    %sign3A_2188 = arith.cmpi slt, %add3A_2181, %sign3A_2187 : i32
    %sign3A_2189 = arith.extui %sign3A_2188 : i1 to i32
    %sign3A_2190 = arith.subi %sign3A_2186, %sign3A_2189 : i32
    %sign3A_2191 = arith.constant 0 : i32
    %sign3A_2192 = arith.cmpi sgt, %jit3A_2182, %sign3A_2191 : i32
    %sign3A_2193 = arith.extui %sign3A_2192 : i1 to i32
    %sign3A_2194 = arith.constant 0 : i32
    %sign3A_2195 = arith.cmpi slt, %jit3A_2182, %sign3A_2194 : i32
    %sign3A_2196 = arith.extui %sign3A_2195 : i1 to i32
    %sign3A_2197 = arith.subi %sign3A_2193, %sign3A_2196 : i32
    %ne3A_2198 = arith.cmpi ne, %sign3A_2190, %sign3A_2197 : i32
    %rem3A_2199 = arith.remsi %add3A_2181, %jit3A_2182 : i32
    %ne3A_2200 = arith.constant 0 : i32
    %ne3A_2201 = arith.cmpi ne, %rem3A_2199, %ne3A_2200 : i32
    %and3A_2202 = arith.andi %ne3A_2198, %ne3A_2201 : i1
    %sub3A_2203 = arith.constant 1 : i32
    %sub3A_2204 = arith.subi %div3A_2183, %sub3A_2203 : i32
    %select_n3A_2205 = arith.select %and3A_2202, %sub3A_2204, %div3A_2183 : i32
    %add3A_2206 = arith.constant 1 : i32
    %add3A_2207 = arith.addi %add3A_2206, %select_n3A_2205 : i32
    %mul3A_2208 = arith.constant 1024 : i32
    %mul3A_2209 = arith.muli %add3A_2207, %mul3A_2208 : i32
    %jit3A_2210 = arith.constant 8 : i32
    %eq3A_2211 = arith.constant 0 : i32
    %eq3A_2212 = arith.cmpi eq, %jit3A_2210, %eq3A_2211 : i32
    %jit3A_2213 = arith.constant 1 : i32
    %select_n3A_2214 = arith.select %eq3A_2212, %jit3A_2213, %jit3A_2210 : i32
    %rem3A_2215 = arith.remsi %add3A_2181, %select_n3A_2214 : i32
    %ne3A_2216 = arith.constant 0 : i32
    %ne3A_2217 = arith.cmpi ne, %rem3A_2215, %ne3A_2216 : i32
    %lt3A_2218 = arith.constant 0 : i32
    %lt3A_2219 = arith.cmpi slt, %rem3A_2215, %lt3A_2218 : i32
    %lt3A_2220 = arith.constant 0 : i32
    %lt3A_2221 = arith.cmpi slt, %select_n3A_2214, %lt3A_2220 : i32
    %ne3A_2222 = arith.xori %lt3A_2219, %lt3A_2221 : i1
    %and3A_2223 = arith.andi %ne3A_2222, %ne3A_2217 : i1
    %add3A_2224 = arith.addi %rem3A_2215, %select_n3A_2214 : i32
    %select_n3A_2225 = arith.select %and3A_2223, %add3A_2224, %rem3A_2215 : i32
    %mul3A_2226 = arith.constant 128 : i32
    %mul3A_2227 = arith.muli %select_n3A_2225, %mul3A_2226 : i32
    %add3A_2228 = arith.addi %mul3A_2209, %mul3A_2227 : i32
    %dma_start3A_2229 = arith.constant 0 : i32
    %dma_start3A_2230 = tpu.memref_slice %arg6[%add3A_2228, %dma_start3A_2229] : memref<205824x128xf32, #tpu.memory_space<hbm>> -> memref<128x128xf32, #tpu.memory_space<hbm>>
    %dma_start3A_2231 = arith.constant 0 : i32
    %dma_start3A_2232 = tpu.memref_slice %arg6[%add3A_2228, %dma_start3A_2231] : memref<205824x128xf32, #tpu.memory_space<hbm>> -> memref<128x128xf32, #tpu.memory_space<hbm>>
    tpu.enqueue_dma source(%arg12 : memref<128x128xf32, #tpu.memory_space<vmem>>) target(%dma_start3A_2232 : memref<128x128xf32, #tpu.memory_space<hbm>>) target_semaphore(%arg26 : memref<!tpu.dma_semaphore, #tpu.memory_space<semaphore_mem>>)
    %dma_wait3A_2233 = arith.constant 0 : i32
    %dma_wait3A_2234 = tpu.memref_slice %arg6[%add3A_2157, %dma_wait3A_2233] : memref<205824x128xf32, #tpu.memory_space<hbm>> -> memref<128x128xf32, #tpu.memory_space<hbm>>
    %dma_wait3A_2235 = arith.constant 0 : i32
    %dma_wait3A_2236 = tpu.memref_slice %arg6[%add3A_2157, %dma_wait3A_2235] : memref<205824x128xf32, #tpu.memory_space<hbm>> -> memref<128x128xf32, #tpu.memory_space<hbm>>
    tpu.wait_dma2 semaphore(%arg25 : memref<!tpu.dma_semaphore, #tpu.memory_space<semaphore_mem>>) src(%arg11 : memref<128x128xf32, #tpu.memory_space<vmem>>) dst(%dma_wait3A_2236 : memref<128x128xf32, #tpu.memory_space<hbm>>)
    %dma_start3A_2237 = arith.constant 36 : i32
    %dma_start3A_2238 = arith.constant 0 : i32
    %dma_start3A_2239 = tpu.memref_slice %arg7[%dma_start3A_2237, %dma_start3A_2238] : memref<56x128xi32, #tpu.memory_space<vmem>> -> memref<1x128xi32, #tpu.memory_space<vmem>>
    %dma_start3A_2240 = tpu.memref_squeeze %dma_start3A_2239 : memref<1x128xi32, #tpu.memory_space<vmem>> -> memref<128xi32, #tpu.memory_space<vmem>>
    %dma_start3A_2241 = arith.constant 0 : i32
    %dma_start3A_2242 = arith.constant 0 : i32
    %dma_start3A_2243 = tpu.memref_slice %arg5[%dma_start3A_2241, %dma_start3A_2242] : memref<204800x128xf32, #tpu.memory_space<hbm>> -> memref<204800x128xf32, #tpu.memory_space<hbm>>
    tpu.enqueue_indirect_dma source(%dma_start3A_2243 : memref<204800x128xf32, #tpu.memory_space<hbm>>) target(%arg11 : memref<128x128xf32, #tpu.memory_space<vmem>>) offsets(%dma_start3A_2240 : memref<128xi32, #tpu.memory_space<vmem>>) semaphore(%arg18 : memref<!tpu.dma_semaphore, #tpu.memory_space<semaphore_mem>>)
    %dma_wait3A_2244 = arith.constant 31 : i32
    %dma_wait3A_2245 = arith.constant 0 : i32
    %dma_wait3A_2246 = tpu.memref_slice %arg7[%dma_wait3A_2244, %dma_wait3A_2245] : memref<56x128xi32, #tpu.memory_space<vmem>> -> memref<1x128xi32, #tpu.memory_space<vmem>>
    %dma_wait3A_2247 = tpu.memref_squeeze %dma_wait3A_2246 : memref<1x128xi32, #tpu.memory_space<vmem>> -> memref<128xi32, #tpu.memory_space<vmem>>
    %dma_wait3A_2248 = arith.constant 0 : i32
    %dma_wait3A_2249 = arith.constant 0 : i32
    %dma_wait3A_2250 = tpu.memref_slice %arg5[%dma_wait3A_2248, %dma_wait3A_2249] : memref<204800x128xf32, #tpu.memory_space<hbm>> -> memref<204800x128xf32, #tpu.memory_space<hbm>>
    tpu.wait_indirect_dma semaphore(%arg20 : memref<!tpu.dma_semaphore, #tpu.memory_space<semaphore_mem>>) src(%dma_wait3A_2250 : memref<204800x128xf32, #tpu.memory_space<hbm>>) dst(%arg13 : memref<128x128xf32, #tpu.memory_space<vmem>>)
    %add3A_2251 = arith.constant 31 : i32
    %add3A_2252 = arith.addi %mul3A_2, %add3A_2251 : i32
    %jit3A_2253 = arith.constant 8 : i32
    %div3A_2254 = arith.divsi %add3A_2252, %jit3A_2253 : i32
    %sign3A_2255 = arith.constant 0 : i32
    %sign3A_2256 = arith.cmpi sgt, %add3A_2252, %sign3A_2255 : i32
    %sign3A_2257 = arith.extui %sign3A_2256 : i1 to i32
    %sign3A_2258 = arith.constant 0 : i32
    %sign3A_2259 = arith.cmpi slt, %add3A_2252, %sign3A_2258 : i32
    %sign3A_2260 = arith.extui %sign3A_2259 : i1 to i32
    %sign3A_2261 = arith.subi %sign3A_2257, %sign3A_2260 : i32
    %sign3A_2262 = arith.constant 0 : i32
    %sign3A_2263 = arith.cmpi sgt, %jit3A_2253, %sign3A_2262 : i32
    %sign3A_2264 = arith.extui %sign3A_2263 : i1 to i32
    %sign3A_2265 = arith.constant 0 : i32
    %sign3A_2266 = arith.cmpi slt, %jit3A_2253, %sign3A_2265 : i32
    %sign3A_2267 = arith.extui %sign3A_2266 : i1 to i32
    %sign3A_2268 = arith.subi %sign3A_2264, %sign3A_2267 : i32
    %ne3A_2269 = arith.cmpi ne, %sign3A_2261, %sign3A_2268 : i32
    %rem3A_2270 = arith.remsi %add3A_2252, %jit3A_2253 : i32
    %ne3A_2271 = arith.constant 0 : i32
    %ne3A_2272 = arith.cmpi ne, %rem3A_2270, %ne3A_2271 : i32
    %and3A_2273 = arith.andi %ne3A_2269, %ne3A_2272 : i1
    %sub3A_2274 = arith.constant 1 : i32
    %sub3A_2275 = arith.subi %div3A_2254, %sub3A_2274 : i32
    %select_n3A_2276 = arith.select %and3A_2273, %sub3A_2275, %div3A_2254 : i32
    %add3A_2277 = arith.constant 1 : i32
    %add3A_2278 = arith.addi %add3A_2277, %select_n3A_2276 : i32
    %mul3A_2279 = arith.constant 1024 : i32
    %mul3A_2280 = arith.muli %add3A_2278, %mul3A_2279 : i32
    %jit3A_2281 = arith.constant 8 : i32
    %eq3A_2282 = arith.constant 0 : i32
    %eq3A_2283 = arith.cmpi eq, %jit3A_2281, %eq3A_2282 : i32
    %jit3A_2284 = arith.constant 1 : i32
    %select_n3A_2285 = arith.select %eq3A_2283, %jit3A_2284, %jit3A_2281 : i32
    %rem3A_2286 = arith.remsi %add3A_2252, %select_n3A_2285 : i32
    %ne3A_2287 = arith.constant 0 : i32
    %ne3A_2288 = arith.cmpi ne, %rem3A_2286, %ne3A_2287 : i32
    %lt3A_2289 = arith.constant 0 : i32
    %lt3A_2290 = arith.cmpi slt, %rem3A_2286, %lt3A_2289 : i32
    %lt3A_2291 = arith.constant 0 : i32
    %lt3A_2292 = arith.cmpi slt, %select_n3A_2285, %lt3A_2291 : i32
    %ne3A_2293 = arith.xori %lt3A_2290, %lt3A_2292 : i1
    %and3A_2294 = arith.andi %ne3A_2293, %ne3A_2288 : i1
    %add3A_2295 = arith.addi %rem3A_2286, %select_n3A_2285 : i32
    %select_n3A_2296 = arith.select %and3A_2294, %add3A_2295, %rem3A_2286 : i32
    %mul3A_2297 = arith.constant 128 : i32
    %mul3A_2298 = arith.muli %select_n3A_2296, %mul3A_2297 : i32
    %add3A_2299 = arith.addi %mul3A_2280, %mul3A_2298 : i32
    %dma_start3A_2300 = arith.constant 0 : i32
    %dma_start3A_2301 = tpu.memref_slice %arg6[%add3A_2299, %dma_start3A_2300] : memref<205824x128xf32, #tpu.memory_space<hbm>> -> memref<128x128xf32, #tpu.memory_space<hbm>>
    %dma_start3A_2302 = arith.constant 0 : i32
    %dma_start3A_2303 = tpu.memref_slice %arg6[%add3A_2299, %dma_start3A_2302] : memref<205824x128xf32, #tpu.memory_space<hbm>> -> memref<128x128xf32, #tpu.memory_space<hbm>>
    tpu.enqueue_dma source(%arg13 : memref<128x128xf32, #tpu.memory_space<vmem>>) target(%dma_start3A_2303 : memref<128x128xf32, #tpu.memory_space<hbm>>) target_semaphore(%arg27 : memref<!tpu.dma_semaphore, #tpu.memory_space<semaphore_mem>>)
    %dma_wait3A_2304 = arith.constant 0 : i32
    %dma_wait3A_2305 = tpu.memref_slice %arg6[%add3A_2228, %dma_wait3A_2304] : memref<205824x128xf32, #tpu.memory_space<hbm>> -> memref<128x128xf32, #tpu.memory_space<hbm>>
    %dma_wait3A_2306 = arith.constant 0 : i32
    %dma_wait3A_2307 = tpu.memref_slice %arg6[%add3A_2228, %dma_wait3A_2306] : memref<205824x128xf32, #tpu.memory_space<hbm>> -> memref<128x128xf32, #tpu.memory_space<hbm>>
    tpu.wait_dma2 semaphore(%arg26 : memref<!tpu.dma_semaphore, #tpu.memory_space<semaphore_mem>>) src(%arg12 : memref<128x128xf32, #tpu.memory_space<vmem>>) dst(%dma_wait3A_2307 : memref<128x128xf32, #tpu.memory_space<hbm>>)
    %dma_start3A_2308 = arith.constant 37 : i32
    %dma_start3A_2309 = arith.constant 0 : i32
    %dma_start3A_2310 = tpu.memref_slice %arg7[%dma_start3A_2308, %dma_start3A_2309] : memref<56x128xi32, #tpu.memory_space<vmem>> -> memref<1x128xi32, #tpu.memory_space<vmem>>
    %dma_start3A_2311 = tpu.memref_squeeze %dma_start3A_2310 : memref<1x128xi32, #tpu.memory_space<vmem>> -> memref<128xi32, #tpu.memory_space<vmem>>
    %dma_start3A_2312 = arith.constant 0 : i32
    %dma_start3A_2313 = arith.constant 0 : i32
    %dma_start3A_2314 = tpu.memref_slice %arg5[%dma_start3A_2312, %dma_start3A_2313] : memref<204800x128xf32, #tpu.memory_space<hbm>> -> memref<204800x128xf32, #tpu.memory_space<hbm>>
    tpu.enqueue_indirect_dma source(%dma_start3A_2314 : memref<204800x128xf32, #tpu.memory_space<hbm>>) target(%arg12 : memref<128x128xf32, #tpu.memory_space<vmem>>) offsets(%dma_start3A_2311 : memref<128xi32, #tpu.memory_space<vmem>>) semaphore(%arg19 : memref<!tpu.dma_semaphore, #tpu.memory_space<semaphore_mem>>)
    %dma_wait3A_2315 = arith.constant 32 : i32
    %dma_wait3A_2316 = arith.constant 0 : i32
    %dma_wait3A_2317 = tpu.memref_slice %arg7[%dma_wait3A_2315, %dma_wait3A_2316] : memref<56x128xi32, #tpu.memory_space<vmem>> -> memref<1x128xi32, #tpu.memory_space<vmem>>
    %dma_wait3A_2318 = tpu.memref_squeeze %dma_wait3A_2317 : memref<1x128xi32, #tpu.memory_space<vmem>> -> memref<128xi32, #tpu.memory_space<vmem>>
    %dma_wait3A_2319 = arith.constant 0 : i32
    %dma_wait3A_2320 = arith.constant 0 : i32
    %dma_wait3A_2321 = tpu.memref_slice %arg5[%dma_wait3A_2319, %dma_wait3A_2320] : memref<204800x128xf32, #tpu.memory_space<hbm>> -> memref<204800x128xf32, #tpu.memory_space<hbm>>
    tpu.wait_indirect_dma semaphore(%arg21 : memref<!tpu.dma_semaphore, #tpu.memory_space<semaphore_mem>>) src(%dma_wait3A_2321 : memref<204800x128xf32, #tpu.memory_space<hbm>>) dst(%arg14 : memref<128x128xf32, #tpu.memory_space<vmem>>)
    %add3A_2322 = arith.constant 32 : i32
    %add3A_2323 = arith.addi %mul3A_2, %add3A_2322 : i32
    %jit3A_2324 = arith.constant 8 : i32
    %div3A_2325 = arith.divsi %add3A_2323, %jit3A_2324 : i32
    %sign3A_2326 = arith.constant 0 : i32
    %sign3A_2327 = arith.cmpi sgt, %add3A_2323, %sign3A_2326 : i32
    %sign3A_2328 = arith.extui %sign3A_2327 : i1 to i32
    %sign3A_2329 = arith.constant 0 : i32
    %sign3A_2330 = arith.cmpi slt, %add3A_2323, %sign3A_2329 : i32
    %sign3A_2331 = arith.extui %sign3A_2330 : i1 to i32
    %sign3A_2332 = arith.subi %sign3A_2328, %sign3A_2331 : i32
    %sign3A_2333 = arith.constant 0 : i32
    %sign3A_2334 = arith.cmpi sgt, %jit3A_2324, %sign3A_2333 : i32
    %sign3A_2335 = arith.extui %sign3A_2334 : i1 to i32
    %sign3A_2336 = arith.constant 0 : i32
    %sign3A_2337 = arith.cmpi slt, %jit3A_2324, %sign3A_2336 : i32
    %sign3A_2338 = arith.extui %sign3A_2337 : i1 to i32
    %sign3A_2339 = arith.subi %sign3A_2335, %sign3A_2338 : i32
    %ne3A_2340 = arith.cmpi ne, %sign3A_2332, %sign3A_2339 : i32
    %rem3A_2341 = arith.remsi %add3A_2323, %jit3A_2324 : i32
    %ne3A_2342 = arith.constant 0 : i32
    %ne3A_2343 = arith.cmpi ne, %rem3A_2341, %ne3A_2342 : i32
    %and3A_2344 = arith.andi %ne3A_2340, %ne3A_2343 : i1
    %sub3A_2345 = arith.constant 1 : i32
    %sub3A_2346 = arith.subi %div3A_2325, %sub3A_2345 : i32
    %select_n3A_2347 = arith.select %and3A_2344, %sub3A_2346, %div3A_2325 : i32
    %add3A_2348 = arith.constant 1 : i32
    %add3A_2349 = arith.addi %add3A_2348, %select_n3A_2347 : i32
    %mul3A_2350 = arith.constant 1024 : i32
    %mul3A_2351 = arith.muli %add3A_2349, %mul3A_2350 : i32
    %jit3A_2352 = arith.constant 8 : i32
    %eq3A_2353 = arith.constant 0 : i32
    %eq3A_2354 = arith.cmpi eq, %jit3A_2352, %eq3A_2353 : i32
    %jit3A_2355 = arith.constant 1 : i32
    %select_n3A_2356 = arith.select %eq3A_2354, %jit3A_2355, %jit3A_2352 : i32
    %rem3A_2357 = arith.remsi %add3A_2323, %select_n3A_2356 : i32
    %ne3A_2358 = arith.constant 0 : i32
    %ne3A_2359 = arith.cmpi ne, %rem3A_2357, %ne3A_2358 : i32
    %lt3A_2360 = arith.constant 0 : i32
    %lt3A_2361 = arith.cmpi slt, %rem3A_2357, %lt3A_2360 : i32
    %lt3A_2362 = arith.constant 0 : i32
    %lt3A_2363 = arith.cmpi slt, %select_n3A_2356, %lt3A_2362 : i32
    %ne3A_2364 = arith.xori %lt3A_2361, %lt3A_2363 : i1
    %and3A_2365 = arith.andi %ne3A_2364, %ne3A_2359 : i1
    %add3A_2366 = arith.addi %rem3A_2357, %select_n3A_2356 : i32
    %select_n3A_2367 = arith.select %and3A_2365, %add3A_2366, %rem3A_2357 : i32
    %mul3A_2368 = arith.constant 128 : i32
    %mul3A_2369 = arith.muli %select_n3A_2367, %mul3A_2368 : i32
    %add3A_2370 = arith.addi %mul3A_2351, %mul3A_2369 : i32
    %dma_start3A_2371 = arith.constant 0 : i32
    %dma_start3A_2372 = tpu.memref_slice %arg6[%add3A_2370, %dma_start3A_2371] : memref<205824x128xf32, #tpu.memory_space<hbm>> -> memref<128x128xf32, #tpu.memory_space<hbm>>
    %dma_start3A_2373 = arith.constant 0 : i32
    %dma_start3A_2374 = tpu.memref_slice %arg6[%add3A_2370, %dma_start3A_2373] : memref<205824x128xf32, #tpu.memory_space<hbm>> -> memref<128x128xf32, #tpu.memory_space<hbm>>
    tpu.enqueue_dma source(%arg14 : memref<128x128xf32, #tpu.memory_space<vmem>>) target(%dma_start3A_2374 : memref<128x128xf32, #tpu.memory_space<hbm>>) target_semaphore(%arg28 : memref<!tpu.dma_semaphore, #tpu.memory_space<semaphore_mem>>)
    %dma_wait3A_2375 = arith.constant 0 : i32
    %dma_wait3A_2376 = tpu.memref_slice %arg6[%add3A_2299, %dma_wait3A_2375] : memref<205824x128xf32, #tpu.memory_space<hbm>> -> memref<128x128xf32, #tpu.memory_space<hbm>>
    %dma_wait3A_2377 = arith.constant 0 : i32
    %dma_wait3A_2378 = tpu.memref_slice %arg6[%add3A_2299, %dma_wait3A_2377] : memref<205824x128xf32, #tpu.memory_space<hbm>> -> memref<128x128xf32, #tpu.memory_space<hbm>>
    tpu.wait_dma2 semaphore(%arg27 : memref<!tpu.dma_semaphore, #tpu.memory_space<semaphore_mem>>) src(%arg13 : memref<128x128xf32, #tpu.memory_space<vmem>>) dst(%dma_wait3A_2378 : memref<128x128xf32, #tpu.memory_space<hbm>>)
    %dma_start3A_2379 = arith.constant 38 : i32
    %dma_start3A_2380 = arith.constant 0 : i32
    %dma_start3A_2381 = tpu.memref_slice %arg7[%dma_start3A_2379, %dma_start3A_2380] : memref<56x128xi32, #tpu.memory_space<vmem>> -> memref<1x128xi32, #tpu.memory_space<vmem>>
    %dma_start3A_2382 = tpu.memref_squeeze %dma_start3A_2381 : memref<1x128xi32, #tpu.memory_space<vmem>> -> memref<128xi32, #tpu.memory_space<vmem>>
    %dma_start3A_2383 = arith.constant 0 : i32
    %dma_start3A_2384 = arith.constant 0 : i32
    %dma_start3A_2385 = tpu.memref_slice %arg5[%dma_start3A_2383, %dma_start3A_2384] : memref<204800x128xf32, #tpu.memory_space<hbm>> -> memref<204800x128xf32, #tpu.memory_space<hbm>>
    tpu.enqueue_indirect_dma source(%dma_start3A_2385 : memref<204800x128xf32, #tpu.memory_space<hbm>>) target(%arg13 : memref<128x128xf32, #tpu.memory_space<vmem>>) offsets(%dma_start3A_2382 : memref<128xi32, #tpu.memory_space<vmem>>) semaphore(%arg20 : memref<!tpu.dma_semaphore, #tpu.memory_space<semaphore_mem>>)
    %dma_wait3A_2386 = arith.constant 33 : i32
    %dma_wait3A_2387 = arith.constant 0 : i32
    %dma_wait3A_2388 = tpu.memref_slice %arg7[%dma_wait3A_2386, %dma_wait3A_2387] : memref<56x128xi32, #tpu.memory_space<vmem>> -> memref<1x128xi32, #tpu.memory_space<vmem>>
    %dma_wait3A_2389 = tpu.memref_squeeze %dma_wait3A_2388 : memref<1x128xi32, #tpu.memory_space<vmem>> -> memref<128xi32, #tpu.memory_space<vmem>>
    %dma_wait3A_2390 = arith.constant 0 : i32
    %dma_wait3A_2391 = arith.constant 0 : i32
    %dma_wait3A_2392 = tpu.memref_slice %arg5[%dma_wait3A_2390, %dma_wait3A_2391] : memref<204800x128xf32, #tpu.memory_space<hbm>> -> memref<204800x128xf32, #tpu.memory_space<hbm>>
    tpu.wait_indirect_dma semaphore(%arg22 : memref<!tpu.dma_semaphore, #tpu.memory_space<semaphore_mem>>) src(%dma_wait3A_2392 : memref<204800x128xf32, #tpu.memory_space<hbm>>) dst(%arg15 : memref<128x128xf32, #tpu.memory_space<vmem>>)
    %add3A_2393 = arith.constant 33 : i32
    %add3A_2394 = arith.addi %mul3A_2, %add3A_2393 : i32
    %jit3A_2395 = arith.constant 8 : i32
    %div3A_2396 = arith.divsi %add3A_2394, %jit3A_2395 : i32
    %sign3A_2397 = arith.constant 0 : i32
    %sign3A_2398 = arith.cmpi sgt, %add3A_2394, %sign3A_2397 : i32
    %sign3A_2399 = arith.extui %sign3A_2398 : i1 to i32
    %sign3A_2400 = arith.constant 0 : i32
    %sign3A_2401 = arith.cmpi slt, %add3A_2394, %sign3A_2400 : i32
    %sign3A_2402 = arith.extui %sign3A_2401 : i1 to i32
    %sign3A_2403 = arith.subi %sign3A_2399, %sign3A_2402 : i32
    %sign3A_2404 = arith.constant 0 : i32
    %sign3A_2405 = arith.cmpi sgt, %jit3A_2395, %sign3A_2404 : i32
    %sign3A_2406 = arith.extui %sign3A_2405 : i1 to i32
    %sign3A_2407 = arith.constant 0 : i32
    %sign3A_2408 = arith.cmpi slt, %jit3A_2395, %sign3A_2407 : i32
    %sign3A_2409 = arith.extui %sign3A_2408 : i1 to i32
    %sign3A_2410 = arith.subi %sign3A_2406, %sign3A_2409 : i32
    %ne3A_2411 = arith.cmpi ne, %sign3A_2403, %sign3A_2410 : i32
    %rem3A_2412 = arith.remsi %add3A_2394, %jit3A_2395 : i32
    %ne3A_2413 = arith.constant 0 : i32
    %ne3A_2414 = arith.cmpi ne, %rem3A_2412, %ne3A_2413 : i32
    %and3A_2415 = arith.andi %ne3A_2411, %ne3A_2414 : i1
    %sub3A_2416 = arith.constant 1 : i32
    %sub3A_2417 = arith.subi %div3A_2396, %sub3A_2416 : i32
    %select_n3A_2418 = arith.select %and3A_2415, %sub3A_2417, %div3A_2396 : i32
    %add3A_2419 = arith.constant 1 : i32
    %add3A_2420 = arith.addi %add3A_2419, %select_n3A_2418 : i32
    %mul3A_2421 = arith.constant 1024 : i32
    %mul3A_2422 = arith.muli %add3A_2420, %mul3A_2421 : i32
    %jit3A_2423 = arith.constant 8 : i32
    %eq3A_2424 = arith.constant 0 : i32
    %eq3A_2425 = arith.cmpi eq, %jit3A_2423, %eq3A_2424 : i32
    %jit3A_2426 = arith.constant 1 : i32
    %select_n3A_2427 = arith.select %eq3A_2425, %jit3A_2426, %jit3A_2423 : i32
    %rem3A_2428 = arith.remsi %add3A_2394, %select_n3A_2427 : i32
    %ne3A_2429 = arith.constant 0 : i32
    %ne3A_2430 = arith.cmpi ne, %rem3A_2428, %ne3A_2429 : i32
    %lt3A_2431 = arith.constant 0 : i32
    %lt3A_2432 = arith.cmpi slt, %rem3A_2428, %lt3A_2431 : i32
    %lt3A_2433 = arith.constant 0 : i32
    %lt3A_2434 = arith.cmpi slt, %select_n3A_2427, %lt3A_2433 : i32
    %ne3A_2435 = arith.xori %lt3A_2432, %lt3A_2434 : i1
    %and3A_2436 = arith.andi %ne3A_2435, %ne3A_2430 : i1
    %add3A_2437 = arith.addi %rem3A_2428, %select_n3A_2427 : i32
    %select_n3A_2438 = arith.select %and3A_2436, %add3A_2437, %rem3A_2428 : i32
    %mul3A_2439 = arith.constant 128 : i32
    %mul3A_2440 = arith.muli %select_n3A_2438, %mul3A_2439 : i32
    %add3A_2441 = arith.addi %mul3A_2422, %mul3A_2440 : i32
    %dma_start3A_2442 = arith.constant 0 : i32
    %dma_start3A_2443 = tpu.memref_slice %arg6[%add3A_2441, %dma_start3A_2442] : memref<205824x128xf32, #tpu.memory_space<hbm>> -> memref<128x128xf32, #tpu.memory_space<hbm>>
    %dma_start3A_2444 = arith.constant 0 : i32
    %dma_start3A_2445 = tpu.memref_slice %arg6[%add3A_2441, %dma_start3A_2444] : memref<205824x128xf32, #tpu.memory_space<hbm>> -> memref<128x128xf32, #tpu.memory_space<hbm>>
    tpu.enqueue_dma source(%arg15 : memref<128x128xf32, #tpu.memory_space<vmem>>) target(%dma_start3A_2445 : memref<128x128xf32, #tpu.memory_space<hbm>>) target_semaphore(%arg29 : memref<!tpu.dma_semaphore, #tpu.memory_space<semaphore_mem>>)
    %dma_wait3A_2446 = arith.constant 0 : i32
    %dma_wait3A_2447 = tpu.memref_slice %arg6[%add3A_2370, %dma_wait3A_2446] : memref<205824x128xf32, #tpu.memory_space<hbm>> -> memref<128x128xf32, #tpu.memory_space<hbm>>
    %dma_wait3A_2448 = arith.constant 0 : i32
    %dma_wait3A_2449 = tpu.memref_slice %arg6[%add3A_2370, %dma_wait3A_2448] : memref<205824x128xf32, #tpu.memory_space<hbm>> -> memref<128x128xf32, #tpu.memory_space<hbm>>
    tpu.wait_dma2 semaphore(%arg28 : memref<!tpu.dma_semaphore, #tpu.memory_space<semaphore_mem>>) src(%arg14 : memref<128x128xf32, #tpu.memory_space<vmem>>) dst(%dma_wait3A_2449 : memref<128x128xf32, #tpu.memory_space<hbm>>)
    %dma_start3A_2450 = arith.constant 39 : i32
    %dma_start3A_2451 = arith.constant 0 : i32
    %dma_start3A_2452 = tpu.memref_slice %arg7[%dma_start3A_2450, %dma_start3A_2451] : memref<56x128xi32, #tpu.memory_space<vmem>> -> memref<1x128xi32, #tpu.memory_space<vmem>>
    %dma_start3A_2453 = tpu.memref_squeeze %dma_start3A_2452 : memref<1x128xi32, #tpu.memory_space<vmem>> -> memref<128xi32, #tpu.memory_space<vmem>>
    %dma_start3A_2454 = arith.constant 0 : i32
    %dma_start3A_2455 = arith.constant 0 : i32
    %dma_start3A_2456 = tpu.memref_slice %arg5[%dma_start3A_2454, %dma_start3A_2455] : memref<204800x128xf32, #tpu.memory_space<hbm>> -> memref<204800x128xf32, #tpu.memory_space<hbm>>
    tpu.enqueue_indirect_dma source(%dma_start3A_2456 : memref<204800x128xf32, #tpu.memory_space<hbm>>) target(%arg14 : memref<128x128xf32, #tpu.memory_space<vmem>>) offsets(%dma_start3A_2453 : memref<128xi32, #tpu.memory_space<vmem>>) semaphore(%arg21 : memref<!tpu.dma_semaphore, #tpu.memory_space<semaphore_mem>>)
    %dma_wait3A_2457 = arith.constant 34 : i32
    %dma_wait3A_2458 = arith.constant 0 : i32
    %dma_wait3A_2459 = tpu.memref_slice %arg7[%dma_wait3A_2457, %dma_wait3A_2458] : memref<56x128xi32, #tpu.memory_space<vmem>> -> memref<1x128xi32, #tpu.memory_space<vmem>>
    %dma_wait3A_2460 = tpu.memref_squeeze %dma_wait3A_2459 : memref<1x128xi32, #tpu.memory_space<vmem>> -> memref<128xi32, #tpu.memory_space<vmem>>
    %dma_wait3A_2461 = arith.constant 0 : i32
    %dma_wait3A_2462 = arith.constant 0 : i32
    %dma_wait3A_2463 = tpu.memref_slice %arg5[%dma_wait3A_2461, %dma_wait3A_2462] : memref<204800x128xf32, #tpu.memory_space<hbm>> -> memref<204800x128xf32, #tpu.memory_space<hbm>>
    tpu.wait_indirect_dma semaphore(%arg23 : memref<!tpu.dma_semaphore, #tpu.memory_space<semaphore_mem>>) src(%dma_wait3A_2463 : memref<204800x128xf32, #tpu.memory_space<hbm>>) dst(%arg16 : memref<128x128xf32, #tpu.memory_space<vmem>>)
    %add3A_2464 = arith.constant 34 : i32
    %add3A_2465 = arith.addi %mul3A_2, %add3A_2464 : i32
    %jit3A_2466 = arith.constant 8 : i32
    %div3A_2467 = arith.divsi %add3A_2465, %jit3A_2466 : i32
    %sign3A_2468 = arith.constant 0 : i32
    %sign3A_2469 = arith.cmpi sgt, %add3A_2465, %sign3A_2468 : i32
    %sign3A_2470 = arith.extui %sign3A_2469 : i1 to i32
    %sign3A_2471 = arith.constant 0 : i32
    %sign3A_2472 = arith.cmpi slt, %add3A_2465, %sign3A_2471 : i32
    %sign3A_2473 = arith.extui %sign3A_2472 : i1 to i32
    %sign3A_2474 = arith.subi %sign3A_2470, %sign3A_2473 : i32
    %sign3A_2475 = arith.constant 0 : i32
    %sign3A_2476 = arith.cmpi sgt, %jit3A_2466, %sign3A_2475 : i32
    %sign3A_2477 = arith.extui %sign3A_2476 : i1 to i32
    %sign3A_2478 = arith.constant 0 : i32
    %sign3A_2479 = arith.cmpi slt, %jit3A_2466, %sign3A_2478 : i32
    %sign3A_2480 = arith.extui %sign3A_2479 : i1 to i32
    %sign3A_2481 = arith.subi %sign3A_2477, %sign3A_2480 : i32
    %ne3A_2482 = arith.cmpi ne, %sign3A_2474, %sign3A_2481 : i32
    %rem3A_2483 = arith.remsi %add3A_2465, %jit3A_2466 : i32
    %ne3A_2484 = arith.constant 0 : i32
    %ne3A_2485 = arith.cmpi ne, %rem3A_2483, %ne3A_2484 : i32
    %and3A_2486 = arith.andi %ne3A_2482, %ne3A_2485 : i1
    %sub3A_2487 = arith.constant 1 : i32
    %sub3A_2488 = arith.subi %div3A_2467, %sub3A_2487 : i32
    %select_n3A_2489 = arith.select %and3A_2486, %sub3A_2488, %div3A_2467 : i32
    %add3A_2490 = arith.constant 1 : i32
    %add3A_2491 = arith.addi %add3A_2490, %select_n3A_2489 : i32
    %mul3A_2492 = arith.constant 1024 : i32
    %mul3A_2493 = arith.muli %add3A_2491, %mul3A_2492 : i32
    %jit3A_2494 = arith.constant 8 : i32
    %eq3A_2495 = arith.constant 0 : i32
    %eq3A_2496 = arith.cmpi eq, %jit3A_2494, %eq3A_2495 : i32
    %jit3A_2497 = arith.constant 1 : i32
    %select_n3A_2498 = arith.select %eq3A_2496, %jit3A_2497, %jit3A_2494 : i32
    %rem3A_2499 = arith.remsi %add3A_2465, %select_n3A_2498 : i32
    %ne3A_2500 = arith.constant 0 : i32
    %ne3A_2501 = arith.cmpi ne, %rem3A_2499, %ne3A_2500 : i32
    %lt3A_2502 = arith.constant 0 : i32
    %lt3A_2503 = arith.cmpi slt, %rem3A_2499, %lt3A_2502 : i32
    %lt3A_2504 = arith.constant 0 : i32
    %lt3A_2505 = arith.cmpi slt, %select_n3A_2498, %lt3A_2504 : i32
    %ne3A_2506 = arith.xori %lt3A_2503, %lt3A_2505 : i1
    %and3A_2507 = arith.andi %ne3A_2506, %ne3A_2501 : i1
    %add3A_2508 = arith.addi %rem3A_2499, %select_n3A_2498 : i32
    %select_n3A_2509 = arith.select %and3A_2507, %add3A_2508, %rem3A_2499 : i32
    %mul3A_2510 = arith.constant 128 : i32
    %mul3A_2511 = arith.muli %select_n3A_2509, %mul3A_2510 : i32
    %add3A_2512 = arith.addi %mul3A_2493, %mul3A_2511 : i32
    %dma_start3A_2513 = arith.constant 0 : i32
    %dma_start3A_2514 = tpu.memref_slice %arg6[%add3A_2512, %dma_start3A_2513] : memref<205824x128xf32, #tpu.memory_space<hbm>> -> memref<128x128xf32, #tpu.memory_space<hbm>>
    %dma_start3A_2515 = arith.constant 0 : i32
    %dma_start3A_2516 = tpu.memref_slice %arg6[%add3A_2512, %dma_start3A_2515] : memref<205824x128xf32, #tpu.memory_space<hbm>> -> memref<128x128xf32, #tpu.memory_space<hbm>>
    tpu.enqueue_dma source(%arg16 : memref<128x128xf32, #tpu.memory_space<vmem>>) target(%dma_start3A_2516 : memref<128x128xf32, #tpu.memory_space<hbm>>) target_semaphore(%arg30 : memref<!tpu.dma_semaphore, #tpu.memory_space<semaphore_mem>>)
    %dma_wait3A_2517 = arith.constant 0 : i32
    %dma_wait3A_2518 = tpu.memref_slice %arg6[%add3A_2441, %dma_wait3A_2517] : memref<205824x128xf32, #tpu.memory_space<hbm>> -> memref<128x128xf32, #tpu.memory_space<hbm>>
    %dma_wait3A_2519 = arith.constant 0 : i32
    %dma_wait3A_2520 = tpu.memref_slice %arg6[%add3A_2441, %dma_wait3A_2519] : memref<205824x128xf32, #tpu.memory_space<hbm>> -> memref<128x128xf32, #tpu.memory_space<hbm>>
    tpu.wait_dma2 semaphore(%arg29 : memref<!tpu.dma_semaphore, #tpu.memory_space<semaphore_mem>>) src(%arg15 : memref<128x128xf32, #tpu.memory_space<vmem>>) dst(%dma_wait3A_2520 : memref<128x128xf32, #tpu.memory_space<hbm>>)
    %dma_start3A_2521 = arith.constant 40 : i32
    %dma_start3A_2522 = arith.constant 0 : i32
    %dma_start3A_2523 = tpu.memref_slice %arg7[%dma_start3A_2521, %dma_start3A_2522] : memref<56x128xi32, #tpu.memory_space<vmem>> -> memref<1x128xi32, #tpu.memory_space<vmem>>
    %dma_start3A_2524 = tpu.memref_squeeze %dma_start3A_2523 : memref<1x128xi32, #tpu.memory_space<vmem>> -> memref<128xi32, #tpu.memory_space<vmem>>
    %dma_start3A_2525 = arith.constant 0 : i32
    %dma_start3A_2526 = arith.constant 0 : i32
    %dma_start3A_2527 = tpu.memref_slice %arg5[%dma_start3A_2525, %dma_start3A_2526] : memref<204800x128xf32, #tpu.memory_space<hbm>> -> memref<204800x128xf32, #tpu.memory_space<hbm>>
    tpu.enqueue_indirect_dma source(%dma_start3A_2527 : memref<204800x128xf32, #tpu.memory_space<hbm>>) target(%arg15 : memref<128x128xf32, #tpu.memory_space<vmem>>) offsets(%dma_start3A_2524 : memref<128xi32, #tpu.memory_space<vmem>>) semaphore(%arg22 : memref<!tpu.dma_semaphore, #tpu.memory_space<semaphore_mem>>)
    %dma_wait3A_2528 = arith.constant 35 : i32
    %dma_wait3A_2529 = arith.constant 0 : i32
    %dma_wait3A_2530 = tpu.memref_slice %arg7[%dma_wait3A_2528, %dma_wait3A_2529] : memref<56x128xi32, #tpu.memory_space<vmem>> -> memref<1x128xi32, #tpu.memory_space<vmem>>
    %dma_wait3A_2531 = tpu.memref_squeeze %dma_wait3A_2530 : memref<1x128xi32, #tpu.memory_space<vmem>> -> memref<128xi32, #tpu.memory_space<vmem>>
    %dma_wait3A_2532 = arith.constant 0 : i32
    %dma_wait3A_2533 = arith.constant 0 : i32
    %dma_wait3A_2534 = tpu.memref_slice %arg5[%dma_wait3A_2532, %dma_wait3A_2533] : memref<204800x128xf32, #tpu.memory_space<hbm>> -> memref<204800x128xf32, #tpu.memory_space<hbm>>
    tpu.wait_indirect_dma semaphore(%arg17 : memref<!tpu.dma_semaphore, #tpu.memory_space<semaphore_mem>>) src(%dma_wait3A_2534 : memref<204800x128xf32, #tpu.memory_space<hbm>>) dst(%arg10 : memref<128x128xf32, #tpu.memory_space<vmem>>)
    %add3A_2535 = arith.constant 35 : i32
    %add3A_2536 = arith.addi %mul3A_2, %add3A_2535 : i32
    %jit3A_2537 = arith.constant 8 : i32
    %div3A_2538 = arith.divsi %add3A_2536, %jit3A_2537 : i32
    %sign3A_2539 = arith.constant 0 : i32
    %sign3A_2540 = arith.cmpi sgt, %add3A_2536, %sign3A_2539 : i32
    %sign3A_2541 = arith.extui %sign3A_2540 : i1 to i32
    %sign3A_2542 = arith.constant 0 : i32
    %sign3A_2543 = arith.cmpi slt, %add3A_2536, %sign3A_2542 : i32
    %sign3A_2544 = arith.extui %sign3A_2543 : i1 to i32
    %sign3A_2545 = arith.subi %sign3A_2541, %sign3A_2544 : i32
    %sign3A_2546 = arith.constant 0 : i32
    %sign3A_2547 = arith.cmpi sgt, %jit3A_2537, %sign3A_2546 : i32
    %sign3A_2548 = arith.extui %sign3A_2547 : i1 to i32
    %sign3A_2549 = arith.constant 0 : i32
    %sign3A_2550 = arith.cmpi slt, %jit3A_2537, %sign3A_2549 : i32
    %sign3A_2551 = arith.extui %sign3A_2550 : i1 to i32
    %sign3A_2552 = arith.subi %sign3A_2548, %sign3A_2551 : i32
    %ne3A_2553 = arith.cmpi ne, %sign3A_2545, %sign3A_2552 : i32
    %rem3A_2554 = arith.remsi %add3A_2536, %jit3A_2537 : i32
    %ne3A_2555 = arith.constant 0 : i32
    %ne3A_2556 = arith.cmpi ne, %rem3A_2554, %ne3A_2555 : i32
    %and3A_2557 = arith.andi %ne3A_2553, %ne3A_2556 : i1
    %sub3A_2558 = arith.constant 1 : i32
    %sub3A_2559 = arith.subi %div3A_2538, %sub3A_2558 : i32
    %select_n3A_2560 = arith.select %and3A_2557, %sub3A_2559, %div3A_2538 : i32
    %add3A_2561 = arith.constant 1 : i32
    %add3A_2562 = arith.addi %add3A_2561, %select_n3A_2560 : i32
    %mul3A_2563 = arith.constant 1024 : i32
    %mul3A_2564 = arith.muli %add3A_2562, %mul3A_2563 : i32
    %jit3A_2565 = arith.constant 8 : i32
    %eq3A_2566 = arith.constant 0 : i32
    %eq3A_2567 = arith.cmpi eq, %jit3A_2565, %eq3A_2566 : i32
    %jit3A_2568 = arith.constant 1 : i32
    %select_n3A_2569 = arith.select %eq3A_2567, %jit3A_2568, %jit3A_2565 : i32
    %rem3A_2570 = arith.remsi %add3A_2536, %select_n3A_2569 : i32
    %ne3A_2571 = arith.constant 0 : i32
    %ne3A_2572 = arith.cmpi ne, %rem3A_2570, %ne3A_2571 : i32
    %lt3A_2573 = arith.constant 0 : i32
    %lt3A_2574 = arith.cmpi slt, %rem3A_2570, %lt3A_2573 : i32
    %lt3A_2575 = arith.constant 0 : i32
    %lt3A_2576 = arith.cmpi slt, %select_n3A_2569, %lt3A_2575 : i32
    %ne3A_2577 = arith.xori %lt3A_2574, %lt3A_2576 : i1
    %and3A_2578 = arith.andi %ne3A_2577, %ne3A_2572 : i1
    %add3A_2579 = arith.addi %rem3A_2570, %select_n3A_2569 : i32
    %select_n3A_2580 = arith.select %and3A_2578, %add3A_2579, %rem3A_2570 : i32
    %mul3A_2581 = arith.constant 128 : i32
    %mul3A_2582 = arith.muli %select_n3A_2580, %mul3A_2581 : i32
    %add3A_2583 = arith.addi %mul3A_2564, %mul3A_2582 : i32
    %dma_start3A_2584 = arith.constant 0 : i32
    %dma_start3A_2585 = tpu.memref_slice %arg6[%add3A_2583, %dma_start3A_2584] : memref<205824x128xf32, #tpu.memory_space<hbm>> -> memref<128x128xf32, #tpu.memory_space<hbm>>
    %dma_start3A_2586 = arith.constant 0 : i32
    %dma_start3A_2587 = tpu.memref_slice %arg6[%add3A_2583, %dma_start3A_2586] : memref<205824x128xf32, #tpu.memory_space<hbm>> -> memref<128x128xf32, #tpu.memory_space<hbm>>
    tpu.enqueue_dma source(%arg10 : memref<128x128xf32, #tpu.memory_space<vmem>>) target(%dma_start3A_2587 : memref<128x128xf32, #tpu.memory_space<hbm>>) target_semaphore(%arg24 : memref<!tpu.dma_semaphore, #tpu.memory_space<semaphore_mem>>)
    %dma_wait3A_2588 = arith.constant 0 : i32
    %dma_wait3A_2589 = tpu.memref_slice %arg6[%add3A_2512, %dma_wait3A_2588] : memref<205824x128xf32, #tpu.memory_space<hbm>> -> memref<128x128xf32, #tpu.memory_space<hbm>>
    %dma_wait3A_2590 = arith.constant 0 : i32
    %dma_wait3A_2591 = tpu.memref_slice %arg6[%add3A_2512, %dma_wait3A_2590] : memref<205824x128xf32, #tpu.memory_space<hbm>> -> memref<128x128xf32, #tpu.memory_space<hbm>>
    tpu.wait_dma2 semaphore(%arg30 : memref<!tpu.dma_semaphore, #tpu.memory_space<semaphore_mem>>) src(%arg16 : memref<128x128xf32, #tpu.memory_space<vmem>>) dst(%dma_wait3A_2591 : memref<128x128xf32, #tpu.memory_space<hbm>>)
    %dma_start3A_2592 = arith.constant 41 : i32
    %dma_start3A_2593 = arith.constant 0 : i32
    %dma_start3A_2594 = tpu.memref_slice %arg7[%dma_start3A_2592, %dma_start3A_2593] : memref<56x128xi32, #tpu.memory_space<vmem>> -> memref<1x128xi32, #tpu.memory_space<vmem>>
    %dma_start3A_2595 = tpu.memref_squeeze %dma_start3A_2594 : memref<1x128xi32, #tpu.memory_space<vmem>> -> memref<128xi32, #tpu.memory_space<vmem>>
    %dma_start3A_2596 = arith.constant 0 : i32
    %dma_start3A_2597 = arith.constant 0 : i32
    %dma_start3A_2598 = tpu.memref_slice %arg5[%dma_start3A_2596, %dma_start3A_2597] : memref<204800x128xf32, #tpu.memory_space<hbm>> -> memref<204800x128xf32, #tpu.memory_space<hbm>>
    tpu.enqueue_indirect_dma source(%dma_start3A_2598 : memref<204800x128xf32, #tpu.memory_space<hbm>>) target(%arg16 : memref<128x128xf32, #tpu.memory_space<vmem>>) offsets(%dma_start3A_2595 : memref<128xi32, #tpu.memory_space<vmem>>) semaphore(%arg23 : memref<!tpu.dma_semaphore, #tpu.memory_space<semaphore_mem>>)
    %dma_wait3A_2599 = arith.constant 36 : i32
    %dma_wait3A_2600 = arith.constant 0 : i32
    %dma_wait3A_2601 = tpu.memref_slice %arg7[%dma_wait3A_2599, %dma_wait3A_2600] : memref<56x128xi32, #tpu.memory_space<vmem>> -> memref<1x128xi32, #tpu.memory_space<vmem>>
    %dma_wait3A_2602 = tpu.memref_squeeze %dma_wait3A_2601 : memref<1x128xi32, #tpu.memory_space<vmem>> -> memref<128xi32, #tpu.memory_space<vmem>>
    %dma_wait3A_2603 = arith.constant 0 : i32
    %dma_wait3A_2604 = arith.constant 0 : i32
    %dma_wait3A_2605 = tpu.memref_slice %arg5[%dma_wait3A_2603, %dma_wait3A_2604] : memref<204800x128xf32, #tpu.memory_space<hbm>> -> memref<204800x128xf32, #tpu.memory_space<hbm>>
    tpu.wait_indirect_dma semaphore(%arg18 : memref<!tpu.dma_semaphore, #tpu.memory_space<semaphore_mem>>) src(%dma_wait3A_2605 : memref<204800x128xf32, #tpu.memory_space<hbm>>) dst(%arg11 : memref<128x128xf32, #tpu.memory_space<vmem>>)
    %add3A_2606 = arith.constant 36 : i32
    %add3A_2607 = arith.addi %mul3A_2, %add3A_2606 : i32
    %jit3A_2608 = arith.constant 8 : i32
    %div3A_2609 = arith.divsi %add3A_2607, %jit3A_2608 : i32
    %sign3A_2610 = arith.constant 0 : i32
    %sign3A_2611 = arith.cmpi sgt, %add3A_2607, %sign3A_2610 : i32
    %sign3A_2612 = arith.extui %sign3A_2611 : i1 to i32
    %sign3A_2613 = arith.constant 0 : i32
    %sign3A_2614 = arith.cmpi slt, %add3A_2607, %sign3A_2613 : i32
    %sign3A_2615 = arith.extui %sign3A_2614 : i1 to i32
    %sign3A_2616 = arith.subi %sign3A_2612, %sign3A_2615 : i32
    %sign3A_2617 = arith.constant 0 : i32
    %sign3A_2618 = arith.cmpi sgt, %jit3A_2608, %sign3A_2617 : i32
    %sign3A_2619 = arith.extui %sign3A_2618 : i1 to i32
    %sign3A_2620 = arith.constant 0 : i32
    %sign3A_2621 = arith.cmpi slt, %jit3A_2608, %sign3A_2620 : i32
    %sign3A_2622 = arith.extui %sign3A_2621 : i1 to i32
    %sign3A_2623 = arith.subi %sign3A_2619, %sign3A_2622 : i32
    %ne3A_2624 = arith.cmpi ne, %sign3A_2616, %sign3A_2623 : i32
    %rem3A_2625 = arith.remsi %add3A_2607, %jit3A_2608 : i32
    %ne3A_2626 = arith.constant 0 : i32
    %ne3A_2627 = arith.cmpi ne, %rem3A_2625, %ne3A_2626 : i32
    %and3A_2628 = arith.andi %ne3A_2624, %ne3A_2627 : i1
    %sub3A_2629 = arith.constant 1 : i32
    %sub3A_2630 = arith.subi %div3A_2609, %sub3A_2629 : i32
    %select_n3A_2631 = arith.select %and3A_2628, %sub3A_2630, %div3A_2609 : i32
    %add3A_2632 = arith.constant 1 : i32
    %add3A_2633 = arith.addi %add3A_2632, %select_n3A_2631 : i32
    %mul3A_2634 = arith.constant 1024 : i32
    %mul3A_2635 = arith.muli %add3A_2633, %mul3A_2634 : i32
    %jit3A_2636 = arith.constant 8 : i32
    %eq3A_2637 = arith.constant 0 : i32
    %eq3A_2638 = arith.cmpi eq, %jit3A_2636, %eq3A_2637 : i32
    %jit3A_2639 = arith.constant 1 : i32
    %select_n3A_2640 = arith.select %eq3A_2638, %jit3A_2639, %jit3A_2636 : i32
    %rem3A_2641 = arith.remsi %add3A_2607, %select_n3A_2640 : i32
    %ne3A_2642 = arith.constant 0 : i32
    %ne3A_2643 = arith.cmpi ne, %rem3A_2641, %ne3A_2642 : i32
    %lt3A_2644 = arith.constant 0 : i32
    %lt3A_2645 = arith.cmpi slt, %rem3A_2641, %lt3A_2644 : i32
    %lt3A_2646 = arith.constant 0 : i32
    %lt3A_2647 = arith.cmpi slt, %select_n3A_2640, %lt3A_2646 : i32
    %ne3A_2648 = arith.xori %lt3A_2645, %lt3A_2647 : i1
    %and3A_2649 = arith.andi %ne3A_2648, %ne3A_2643 : i1
    %add3A_2650 = arith.addi %rem3A_2641, %select_n3A_2640 : i32
    %select_n3A_2651 = arith.select %and3A_2649, %add3A_2650, %rem3A_2641 : i32
    %mul3A_2652 = arith.constant 128 : i32
    %mul3A_2653 = arith.muli %select_n3A_2651, %mul3A_2652 : i32
    %add3A_2654 = arith.addi %mul3A_2635, %mul3A_2653 : i32
    %dma_start3A_2655 = arith.constant 0 : i32
    %dma_start3A_2656 = tpu.memref_slice %arg6[%add3A_2654, %dma_start3A_2655] : memref<205824x128xf32, #tpu.memory_space<hbm>> -> memref<128x128xf32, #tpu.memory_space<hbm>>
    %dma_start3A_2657 = arith.constant 0 : i32
    %dma_start3A_2658 = tpu.memref_slice %arg6[%add3A_2654, %dma_start3A_2657] : memref<205824x128xf32, #tpu.memory_space<hbm>> -> memref<128x128xf32, #tpu.memory_space<hbm>>
    tpu.enqueue_dma source(%arg11 : memref<128x128xf32, #tpu.memory_space<vmem>>) target(%dma_start3A_2658 : memref<128x128xf32, #tpu.memory_space<hbm>>) target_semaphore(%arg25 : memref<!tpu.dma_semaphore, #tpu.memory_space<semaphore_mem>>)
    %dma_wait3A_2659 = arith.constant 0 : i32
    %dma_wait3A_2660 = tpu.memref_slice %arg6[%add3A_2583, %dma_wait3A_2659] : memref<205824x128xf32, #tpu.memory_space<hbm>> -> memref<128x128xf32, #tpu.memory_space<hbm>>
    %dma_wait3A_2661 = arith.constant 0 : i32
    %dma_wait3A_2662 = tpu.memref_slice %arg6[%add3A_2583, %dma_wait3A_2661] : memref<205824x128xf32, #tpu.memory_space<hbm>> -> memref<128x128xf32, #tpu.memory_space<hbm>>
    tpu.wait_dma2 semaphore(%arg24 : memref<!tpu.dma_semaphore, #tpu.memory_space<semaphore_mem>>) src(%arg10 : memref<128x128xf32, #tpu.memory_space<vmem>>) dst(%dma_wait3A_2662 : memref<128x128xf32, #tpu.memory_space<hbm>>)
    %dma_start3A_2663 = arith.constant 42 : i32
    %dma_start3A_2664 = arith.constant 0 : i32
    %dma_start3A_2665 = tpu.memref_slice %arg7[%dma_start3A_2663, %dma_start3A_2664] : memref<56x128xi32, #tpu.memory_space<vmem>> -> memref<1x128xi32, #tpu.memory_space<vmem>>
    %dma_start3A_2666 = tpu.memref_squeeze %dma_start3A_2665 : memref<1x128xi32, #tpu.memory_space<vmem>> -> memref<128xi32, #tpu.memory_space<vmem>>
    %dma_start3A_2667 = arith.constant 0 : i32
    %dma_start3A_2668 = arith.constant 0 : i32
    %dma_start3A_2669 = tpu.memref_slice %arg5[%dma_start3A_2667, %dma_start3A_2668] : memref<204800x128xf32, #tpu.memory_space<hbm>> -> memref<204800x128xf32, #tpu.memory_space<hbm>>
    tpu.enqueue_indirect_dma source(%dma_start3A_2669 : memref<204800x128xf32, #tpu.memory_space<hbm>>) target(%arg10 : memref<128x128xf32, #tpu.memory_space<vmem>>) offsets(%dma_start3A_2666 : memref<128xi32, #tpu.memory_space<vmem>>) semaphore(%arg17 : memref<!tpu.dma_semaphore, #tpu.memory_space<semaphore_mem>>)
    %dma_wait3A_2670 = arith.constant 37 : i32
    %dma_wait3A_2671 = arith.constant 0 : i32
    %dma_wait3A_2672 = tpu.memref_slice %arg7[%dma_wait3A_2670, %dma_wait3A_2671] : memref<56x128xi32, #tpu.memory_space<vmem>> -> memref<1x128xi32, #tpu.memory_space<vmem>>
    %dma_wait3A_2673 = tpu.memref_squeeze %dma_wait3A_2672 : memref<1x128xi32, #tpu.memory_space<vmem>> -> memref<128xi32, #tpu.memory_space<vmem>>
    %dma_wait3A_2674 = arith.constant 0 : i32
    %dma_wait3A_2675 = arith.constant 0 : i32
    %dma_wait3A_2676 = tpu.memref_slice %arg5[%dma_wait3A_2674, %dma_wait3A_2675] : memref<204800x128xf32, #tpu.memory_space<hbm>> -> memref<204800x128xf32, #tpu.memory_space<hbm>>
    tpu.wait_indirect_dma semaphore(%arg19 : memref<!tpu.dma_semaphore, #tpu.memory_space<semaphore_mem>>) src(%dma_wait3A_2676 : memref<204800x128xf32, #tpu.memory_space<hbm>>) dst(%arg12 : memref<128x128xf32, #tpu.memory_space<vmem>>)
    %add3A_2677 = arith.constant 37 : i32
    %add3A_2678 = arith.addi %mul3A_2, %add3A_2677 : i32
    %jit3A_2679 = arith.constant 8 : i32
    %div3A_2680 = arith.divsi %add3A_2678, %jit3A_2679 : i32
    %sign3A_2681 = arith.constant 0 : i32
    %sign3A_2682 = arith.cmpi sgt, %add3A_2678, %sign3A_2681 : i32
    %sign3A_2683 = arith.extui %sign3A_2682 : i1 to i32
    %sign3A_2684 = arith.constant 0 : i32
    %sign3A_2685 = arith.cmpi slt, %add3A_2678, %sign3A_2684 : i32
    %sign3A_2686 = arith.extui %sign3A_2685 : i1 to i32
    %sign3A_2687 = arith.subi %sign3A_2683, %sign3A_2686 : i32
    %sign3A_2688 = arith.constant 0 : i32
    %sign3A_2689 = arith.cmpi sgt, %jit3A_2679, %sign3A_2688 : i32
    %sign3A_2690 = arith.extui %sign3A_2689 : i1 to i32
    %sign3A_2691 = arith.constant 0 : i32
    %sign3A_2692 = arith.cmpi slt, %jit3A_2679, %sign3A_2691 : i32
    %sign3A_2693 = arith.extui %sign3A_2692 : i1 to i32
    %sign3A_2694 = arith.subi %sign3A_2690, %sign3A_2693 : i32
    %ne3A_2695 = arith.cmpi ne, %sign3A_2687, %sign3A_2694 : i32
    %rem3A_2696 = arith.remsi %add3A_2678, %jit3A_2679 : i32
    %ne3A_2697 = arith.constant 0 : i32
    %ne3A_2698 = arith.cmpi ne, %rem3A_2696, %ne3A_2697 : i32
    %and3A_2699 = arith.andi %ne3A_2695, %ne3A_2698 : i1
    %sub3A_2700 = arith.constant 1 : i32
    %sub3A_2701 = arith.subi %div3A_2680, %sub3A_2700 : i32
    %select_n3A_2702 = arith.select %and3A_2699, %sub3A_2701, %div3A_2680 : i32
    %add3A_2703 = arith.constant 1 : i32
    %add3A_2704 = arith.addi %add3A_2703, %select_n3A_2702 : i32
    %mul3A_2705 = arith.constant 1024 : i32
    %mul3A_2706 = arith.muli %add3A_2704, %mul3A_2705 : i32
    %jit3A_2707 = arith.constant 8 : i32
    %eq3A_2708 = arith.constant 0 : i32
    %eq3A_2709 = arith.cmpi eq, %jit3A_2707, %eq3A_2708 : i32
    %jit3A_2710 = arith.constant 1 : i32
    %select_n3A_2711 = arith.select %eq3A_2709, %jit3A_2710, %jit3A_2707 : i32
    %rem3A_2712 = arith.remsi %add3A_2678, %select_n3A_2711 : i32
    %ne3A_2713 = arith.constant 0 : i32
    %ne3A_2714 = arith.cmpi ne, %rem3A_2712, %ne3A_2713 : i32
    %lt3A_2715 = arith.constant 0 : i32
    %lt3A_2716 = arith.cmpi slt, %rem3A_2712, %lt3A_2715 : i32
    %lt3A_2717 = arith.constant 0 : i32
    %lt3A_2718 = arith.cmpi slt, %select_n3A_2711, %lt3A_2717 : i32
    %ne3A_2719 = arith.xori %lt3A_2716, %lt3A_2718 : i1
    %and3A_2720 = arith.andi %ne3A_2719, %ne3A_2714 : i1
    %add3A_2721 = arith.addi %rem3A_2712, %select_n3A_2711 : i32
    %select_n3A_2722 = arith.select %and3A_2720, %add3A_2721, %rem3A_2712 : i32
    %mul3A_2723 = arith.constant 128 : i32
    %mul3A_2724 = arith.muli %select_n3A_2722, %mul3A_2723 : i32
    %add3A_2725 = arith.addi %mul3A_2706, %mul3A_2724 : i32
    %dma_start3A_2726 = arith.constant 0 : i32
    %dma_start3A_2727 = tpu.memref_slice %arg6[%add3A_2725, %dma_start3A_2726] : memref<205824x128xf32, #tpu.memory_space<hbm>> -> memref<128x128xf32, #tpu.memory_space<hbm>>
    %dma_start3A_2728 = arith.constant 0 : i32
    %dma_start3A_2729 = tpu.memref_slice %arg6[%add3A_2725, %dma_start3A_2728] : memref<205824x128xf32, #tpu.memory_space<hbm>> -> memref<128x128xf32, #tpu.memory_space<hbm>>
    tpu.enqueue_dma source(%arg12 : memref<128x128xf32, #tpu.memory_space<vmem>>) target(%dma_start3A_2729 : memref<128x128xf32, #tpu.memory_space<hbm>>) target_semaphore(%arg26 : memref<!tpu.dma_semaphore, #tpu.memory_space<semaphore_mem>>)
    %dma_wait3A_2730 = arith.constant 0 : i32
    %dma_wait3A_2731 = tpu.memref_slice %arg6[%add3A_2654, %dma_wait3A_2730] : memref<205824x128xf32, #tpu.memory_space<hbm>> -> memref<128x128xf32, #tpu.memory_space<hbm>>
    %dma_wait3A_2732 = arith.constant 0 : i32
    %dma_wait3A_2733 = tpu.memref_slice %arg6[%add3A_2654, %dma_wait3A_2732] : memref<205824x128xf32, #tpu.memory_space<hbm>> -> memref<128x128xf32, #tpu.memory_space<hbm>>
    tpu.wait_dma2 semaphore(%arg25 : memref<!tpu.dma_semaphore, #tpu.memory_space<semaphore_mem>>) src(%arg11 : memref<128x128xf32, #tpu.memory_space<vmem>>) dst(%dma_wait3A_2733 : memref<128x128xf32, #tpu.memory_space<hbm>>)
    %dma_start3A_2734 = arith.constant 43 : i32
    %dma_start3A_2735 = arith.constant 0 : i32
    %dma_start3A_2736 = tpu.memref_slice %arg7[%dma_start3A_2734, %dma_start3A_2735] : memref<56x128xi32, #tpu.memory_space<vmem>> -> memref<1x128xi32, #tpu.memory_space<vmem>>
    %dma_start3A_2737 = tpu.memref_squeeze %dma_start3A_2736 : memref<1x128xi32, #tpu.memory_space<vmem>> -> memref<128xi32, #tpu.memory_space<vmem>>
    %dma_start3A_2738 = arith.constant 0 : i32
    %dma_start3A_2739 = arith.constant 0 : i32
    %dma_start3A_2740 = tpu.memref_slice %arg5[%dma_start3A_2738, %dma_start3A_2739] : memref<204800x128xf32, #tpu.memory_space<hbm>> -> memref<204800x128xf32, #tpu.memory_space<hbm>>
    tpu.enqueue_indirect_dma source(%dma_start3A_2740 : memref<204800x128xf32, #tpu.memory_space<hbm>>) target(%arg11 : memref<128x128xf32, #tpu.memory_space<vmem>>) offsets(%dma_start3A_2737 : memref<128xi32, #tpu.memory_space<vmem>>) semaphore(%arg18 : memref<!tpu.dma_semaphore, #tpu.memory_space<semaphore_mem>>)
    %dma_wait3A_2741 = arith.constant 38 : i32
    %dma_wait3A_2742 = arith.constant 0 : i32
    %dma_wait3A_2743 = tpu.memref_slice %arg7[%dma_wait3A_2741, %dma_wait3A_2742] : memref<56x128xi32, #tpu.memory_space<vmem>> -> memref<1x128xi32, #tpu.memory_space<vmem>>
    %dma_wait3A_2744 = tpu.memref_squeeze %dma_wait3A_2743 : memref<1x128xi32, #tpu.memory_space<vmem>> -> memref<128xi32, #tpu.memory_space<vmem>>
    %dma_wait3A_2745 = arith.constant 0 : i32
    %dma_wait3A_2746 = arith.constant 0 : i32
    %dma_wait3A_2747 = tpu.memref_slice %arg5[%dma_wait3A_2745, %dma_wait3A_2746] : memref<204800x128xf32, #tpu.memory_space<hbm>> -> memref<204800x128xf32, #tpu.memory_space<hbm>>
    tpu.wait_indirect_dma semaphore(%arg20 : memref<!tpu.dma_semaphore, #tpu.memory_space<semaphore_mem>>) src(%dma_wait3A_2747 : memref<204800x128xf32, #tpu.memory_space<hbm>>) dst(%arg13 : memref<128x128xf32, #tpu.memory_space<vmem>>)
    %add3A_2748 = arith.constant 38 : i32
    %add3A_2749 = arith.addi %mul3A_2, %add3A_2748 : i32
    %jit3A_2750 = arith.constant 8 : i32
    %div3A_2751 = arith.divsi %add3A_2749, %jit3A_2750 : i32
    %sign3A_2752 = arith.constant 0 : i32
    %sign3A_2753 = arith.cmpi sgt, %add3A_2749, %sign3A_2752 : i32
    %sign3A_2754 = arith.extui %sign3A_2753 : i1 to i32
    %sign3A_2755 = arith.constant 0 : i32
    %sign3A_2756 = arith.cmpi slt, %add3A_2749, %sign3A_2755 : i32
    %sign3A_2757 = arith.extui %sign3A_2756 : i1 to i32
    %sign3A_2758 = arith.subi %sign3A_2754, %sign3A_2757 : i32
    %sign3A_2759 = arith.constant 0 : i32
    %sign3A_2760 = arith.cmpi sgt, %jit3A_2750, %sign3A_2759 : i32
    %sign3A_2761 = arith.extui %sign3A_2760 : i1 to i32
    %sign3A_2762 = arith.constant 0 : i32
    %sign3A_2763 = arith.cmpi slt, %jit3A_2750, %sign3A_2762 : i32
    %sign3A_2764 = arith.extui %sign3A_2763 : i1 to i32
    %sign3A_2765 = arith.subi %sign3A_2761, %sign3A_2764 : i32
    %ne3A_2766 = arith.cmpi ne, %sign3A_2758, %sign3A_2765 : i32
    %rem3A_2767 = arith.remsi %add3A_2749, %jit3A_2750 : i32
    %ne3A_2768 = arith.constant 0 : i32
    %ne3A_2769 = arith.cmpi ne, %rem3A_2767, %ne3A_2768 : i32
    %and3A_2770 = arith.andi %ne3A_2766, %ne3A_2769 : i1
    %sub3A_2771 = arith.constant 1 : i32
    %sub3A_2772 = arith.subi %div3A_2751, %sub3A_2771 : i32
    %select_n3A_2773 = arith.select %and3A_2770, %sub3A_2772, %div3A_2751 : i32
    %add3A_2774 = arith.constant 1 : i32
    %add3A_2775 = arith.addi %add3A_2774, %select_n3A_2773 : i32
    %mul3A_2776 = arith.constant 1024 : i32
    %mul3A_2777 = arith.muli %add3A_2775, %mul3A_2776 : i32
    %jit3A_2778 = arith.constant 8 : i32
    %eq3A_2779 = arith.constant 0 : i32
    %eq3A_2780 = arith.cmpi eq, %jit3A_2778, %eq3A_2779 : i32
    %jit3A_2781 = arith.constant 1 : i32
    %select_n3A_2782 = arith.select %eq3A_2780, %jit3A_2781, %jit3A_2778 : i32
    %rem3A_2783 = arith.remsi %add3A_2749, %select_n3A_2782 : i32
    %ne3A_2784 = arith.constant 0 : i32
    %ne3A_2785 = arith.cmpi ne, %rem3A_2783, %ne3A_2784 : i32
    %lt3A_2786 = arith.constant 0 : i32
    %lt3A_2787 = arith.cmpi slt, %rem3A_2783, %lt3A_2786 : i32
    %lt3A_2788 = arith.constant 0 : i32
    %lt3A_2789 = arith.cmpi slt, %select_n3A_2782, %lt3A_2788 : i32
    %ne3A_2790 = arith.xori %lt3A_2787, %lt3A_2789 : i1
    %and3A_2791 = arith.andi %ne3A_2790, %ne3A_2785 : i1
    %add3A_2792 = arith.addi %rem3A_2783, %select_n3A_2782 : i32
    %select_n3A_2793 = arith.select %and3A_2791, %add3A_2792, %rem3A_2783 : i32
    %mul3A_2794 = arith.constant 128 : i32
    %mul3A_2795 = arith.muli %select_n3A_2793, %mul3A_2794 : i32
    %add3A_2796 = arith.addi %mul3A_2777, %mul3A_2795 : i32
    %dma_start3A_2797 = arith.constant 0 : i32
    %dma_start3A_2798 = tpu.memref_slice %arg6[%add3A_2796, %dma_start3A_2797] : memref<205824x128xf32, #tpu.memory_space<hbm>> -> memref<128x128xf32, #tpu.memory_space<hbm>>
    %dma_start3A_2799 = arith.constant 0 : i32
    %dma_start3A_2800 = tpu.memref_slice %arg6[%add3A_2796, %dma_start3A_2799] : memref<205824x128xf32, #tpu.memory_space<hbm>> -> memref<128x128xf32, #tpu.memory_space<hbm>>
    tpu.enqueue_dma source(%arg13 : memref<128x128xf32, #tpu.memory_space<vmem>>) target(%dma_start3A_2800 : memref<128x128xf32, #tpu.memory_space<hbm>>) target_semaphore(%arg27 : memref<!tpu.dma_semaphore, #tpu.memory_space<semaphore_mem>>)
    %dma_wait3A_2801 = arith.constant 0 : i32
    %dma_wait3A_2802 = tpu.memref_slice %arg6[%add3A_2725, %dma_wait3A_2801] : memref<205824x128xf32, #tpu.memory_space<hbm>> -> memref<128x128xf32, #tpu.memory_space<hbm>>
    %dma_wait3A_2803 = arith.constant 0 : i32
    %dma_wait3A_2804 = tpu.memref_slice %arg6[%add3A_2725, %dma_wait3A_2803] : memref<205824x128xf32, #tpu.memory_space<hbm>> -> memref<128x128xf32, #tpu.memory_space<hbm>>
    tpu.wait_dma2 semaphore(%arg26 : memref<!tpu.dma_semaphore, #tpu.memory_space<semaphore_mem>>) src(%arg12 : memref<128x128xf32, #tpu.memory_space<vmem>>) dst(%dma_wait3A_2804 : memref<128x128xf32, #tpu.memory_space<hbm>>)
    %dma_start3A_2805 = arith.constant 44 : i32
    %dma_start3A_2806 = arith.constant 0 : i32
    %dma_start3A_2807 = tpu.memref_slice %arg7[%dma_start3A_2805, %dma_start3A_2806] : memref<56x128xi32, #tpu.memory_space<vmem>> -> memref<1x128xi32, #tpu.memory_space<vmem>>
    %dma_start3A_2808 = tpu.memref_squeeze %dma_start3A_2807 : memref<1x128xi32, #tpu.memory_space<vmem>> -> memref<128xi32, #tpu.memory_space<vmem>>
    %dma_start3A_2809 = arith.constant 0 : i32
    %dma_start3A_2810 = arith.constant 0 : i32
    %dma_start3A_2811 = tpu.memref_slice %arg5[%dma_start3A_2809, %dma_start3A_2810] : memref<204800x128xf32, #tpu.memory_space<hbm>> -> memref<204800x128xf32, #tpu.memory_space<hbm>>
    tpu.enqueue_indirect_dma source(%dma_start3A_2811 : memref<204800x128xf32, #tpu.memory_space<hbm>>) target(%arg12 : memref<128x128xf32, #tpu.memory_space<vmem>>) offsets(%dma_start3A_2808 : memref<128xi32, #tpu.memory_space<vmem>>) semaphore(%arg19 : memref<!tpu.dma_semaphore, #tpu.memory_space<semaphore_mem>>)
    %dma_wait3A_2812 = arith.constant 39 : i32
    %dma_wait3A_2813 = arith.constant 0 : i32
    %dma_wait3A_2814 = tpu.memref_slice %arg7[%dma_wait3A_2812, %dma_wait3A_2813] : memref<56x128xi32, #tpu.memory_space<vmem>> -> memref<1x128xi32, #tpu.memory_space<vmem>>
    %dma_wait3A_2815 = tpu.memref_squeeze %dma_wait3A_2814 : memref<1x128xi32, #tpu.memory_space<vmem>> -> memref<128xi32, #tpu.memory_space<vmem>>
    %dma_wait3A_2816 = arith.constant 0 : i32
    %dma_wait3A_2817 = arith.constant 0 : i32
    %dma_wait3A_2818 = tpu.memref_slice %arg5[%dma_wait3A_2816, %dma_wait3A_2817] : memref<204800x128xf32, #tpu.memory_space<hbm>> -> memref<204800x128xf32, #tpu.memory_space<hbm>>
    tpu.wait_indirect_dma semaphore(%arg21 : memref<!tpu.dma_semaphore, #tpu.memory_space<semaphore_mem>>) src(%dma_wait3A_2818 : memref<204800x128xf32, #tpu.memory_space<hbm>>) dst(%arg14 : memref<128x128xf32, #tpu.memory_space<vmem>>)
    %add3A_2819 = arith.constant 39 : i32
    %add3A_2820 = arith.addi %mul3A_2, %add3A_2819 : i32
    %jit3A_2821 = arith.constant 8 : i32
    %div3A_2822 = arith.divsi %add3A_2820, %jit3A_2821 : i32
    %sign3A_2823 = arith.constant 0 : i32
    %sign3A_2824 = arith.cmpi sgt, %add3A_2820, %sign3A_2823 : i32
    %sign3A_2825 = arith.extui %sign3A_2824 : i1 to i32
    %sign3A_2826 = arith.constant 0 : i32
    %sign3A_2827 = arith.cmpi slt, %add3A_2820, %sign3A_2826 : i32
    %sign3A_2828 = arith.extui %sign3A_2827 : i1 to i32
    %sign3A_2829 = arith.subi %sign3A_2825, %sign3A_2828 : i32
    %sign3A_2830 = arith.constant 0 : i32
    %sign3A_2831 = arith.cmpi sgt, %jit3A_2821, %sign3A_2830 : i32
    %sign3A_2832 = arith.extui %sign3A_2831 : i1 to i32
    %sign3A_2833 = arith.constant 0 : i32
    %sign3A_2834 = arith.cmpi slt, %jit3A_2821, %sign3A_2833 : i32
    %sign3A_2835 = arith.extui %sign3A_2834 : i1 to i32
    %sign3A_2836 = arith.subi %sign3A_2832, %sign3A_2835 : i32
    %ne3A_2837 = arith.cmpi ne, %sign3A_2829, %sign3A_2836 : i32
    %rem3A_2838 = arith.remsi %add3A_2820, %jit3A_2821 : i32
    %ne3A_2839 = arith.constant 0 : i32
    %ne3A_2840 = arith.cmpi ne, %rem3A_2838, %ne3A_2839 : i32
    %and3A_2841 = arith.andi %ne3A_2837, %ne3A_2840 : i1
    %sub3A_2842 = arith.constant 1 : i32
    %sub3A_2843 = arith.subi %div3A_2822, %sub3A_2842 : i32
    %select_n3A_2844 = arith.select %and3A_2841, %sub3A_2843, %div3A_2822 : i32
    %add3A_2845 = arith.constant 1 : i32
    %add3A_2846 = arith.addi %add3A_2845, %select_n3A_2844 : i32
    %mul3A_2847 = arith.constant 1024 : i32
    %mul3A_2848 = arith.muli %add3A_2846, %mul3A_2847 : i32
    %jit3A_2849 = arith.constant 8 : i32
    %eq3A_2850 = arith.constant 0 : i32
    %eq3A_2851 = arith.cmpi eq, %jit3A_2849, %eq3A_2850 : i32
    %jit3A_2852 = arith.constant 1 : i32
    %select_n3A_2853 = arith.select %eq3A_2851, %jit3A_2852, %jit3A_2849 : i32
    %rem3A_2854 = arith.remsi %add3A_2820, %select_n3A_2853 : i32
    %ne3A_2855 = arith.constant 0 : i32
    %ne3A_2856 = arith.cmpi ne, %rem3A_2854, %ne3A_2855 : i32
    %lt3A_2857 = arith.constant 0 : i32
    %lt3A_2858 = arith.cmpi slt, %rem3A_2854, %lt3A_2857 : i32
    %lt3A_2859 = arith.constant 0 : i32
    %lt3A_2860 = arith.cmpi slt, %select_n3A_2853, %lt3A_2859 : i32
    %ne3A_2861 = arith.xori %lt3A_2858, %lt3A_2860 : i1
    %and3A_2862 = arith.andi %ne3A_2861, %ne3A_2856 : i1
    %add3A_2863 = arith.addi %rem3A_2854, %select_n3A_2853 : i32
    %select_n3A_2864 = arith.select %and3A_2862, %add3A_2863, %rem3A_2854 : i32
    %mul3A_2865 = arith.constant 128 : i32
    %mul3A_2866 = arith.muli %select_n3A_2864, %mul3A_2865 : i32
    %add3A_2867 = arith.addi %mul3A_2848, %mul3A_2866 : i32
    %dma_start3A_2868 = arith.constant 0 : i32
    %dma_start3A_2869 = tpu.memref_slice %arg6[%add3A_2867, %dma_start3A_2868] : memref<205824x128xf32, #tpu.memory_space<hbm>> -> memref<128x128xf32, #tpu.memory_space<hbm>>
    %dma_start3A_2870 = arith.constant 0 : i32
    %dma_start3A_2871 = tpu.memref_slice %arg6[%add3A_2867, %dma_start3A_2870] : memref<205824x128xf32, #tpu.memory_space<hbm>> -> memref<128x128xf32, #tpu.memory_space<hbm>>
    tpu.enqueue_dma source(%arg14 : memref<128x128xf32, #tpu.memory_space<vmem>>) target(%dma_start3A_2871 : memref<128x128xf32, #tpu.memory_space<hbm>>) target_semaphore(%arg28 : memref<!tpu.dma_semaphore, #tpu.memory_space<semaphore_mem>>)
    %dma_wait3A_2872 = arith.constant 0 : i32
    %dma_wait3A_2873 = tpu.memref_slice %arg6[%add3A_2796, %dma_wait3A_2872] : memref<205824x128xf32, #tpu.memory_space<hbm>> -> memref<128x128xf32, #tpu.memory_space<hbm>>
    %dma_wait3A_2874 = arith.constant 0 : i32
    %dma_wait3A_2875 = tpu.memref_slice %arg6[%add3A_2796, %dma_wait3A_2874] : memref<205824x128xf32, #tpu.memory_space<hbm>> -> memref<128x128xf32, #tpu.memory_space<hbm>>
    tpu.wait_dma2 semaphore(%arg27 : memref<!tpu.dma_semaphore, #tpu.memory_space<semaphore_mem>>) src(%arg13 : memref<128x128xf32, #tpu.memory_space<vmem>>) dst(%dma_wait3A_2875 : memref<128x128xf32, #tpu.memory_space<hbm>>)
    %dma_start3A_2876 = arith.constant 45 : i32
    %dma_start3A_2877 = arith.constant 0 : i32
    %dma_start3A_2878 = tpu.memref_slice %arg7[%dma_start3A_2876, %dma_start3A_2877] : memref<56x128xi32, #tpu.memory_space<vmem>> -> memref<1x128xi32, #tpu.memory_space<vmem>>
    %dma_start3A_2879 = tpu.memref_squeeze %dma_start3A_2878 : memref<1x128xi32, #tpu.memory_space<vmem>> -> memref<128xi32, #tpu.memory_space<vmem>>
    %dma_start3A_2880 = arith.constant 0 : i32
    %dma_start3A_2881 = arith.constant 0 : i32
    %dma_start3A_2882 = tpu.memref_slice %arg5[%dma_start3A_2880, %dma_start3A_2881] : memref<204800x128xf32, #tpu.memory_space<hbm>> -> memref<204800x128xf32, #tpu.memory_space<hbm>>
    tpu.enqueue_indirect_dma source(%dma_start3A_2882 : memref<204800x128xf32, #tpu.memory_space<hbm>>) target(%arg13 : memref<128x128xf32, #tpu.memory_space<vmem>>) offsets(%dma_start3A_2879 : memref<128xi32, #tpu.memory_space<vmem>>) semaphore(%arg20 : memref<!tpu.dma_semaphore, #tpu.memory_space<semaphore_mem>>)
    %dma_wait3A_2883 = arith.constant 40 : i32
    %dma_wait3A_2884 = arith.constant 0 : i32
    %dma_wait3A_2885 = tpu.memref_slice %arg7[%dma_wait3A_2883, %dma_wait3A_2884] : memref<56x128xi32, #tpu.memory_space<vmem>> -> memref<1x128xi32, #tpu.memory_space<vmem>>
    %dma_wait3A_2886 = tpu.memref_squeeze %dma_wait3A_2885 : memref<1x128xi32, #tpu.memory_space<vmem>> -> memref<128xi32, #tpu.memory_space<vmem>>
    %dma_wait3A_2887 = arith.constant 0 : i32
    %dma_wait3A_2888 = arith.constant 0 : i32
    %dma_wait3A_2889 = tpu.memref_slice %arg5[%dma_wait3A_2887, %dma_wait3A_2888] : memref<204800x128xf32, #tpu.memory_space<hbm>> -> memref<204800x128xf32, #tpu.memory_space<hbm>>
    tpu.wait_indirect_dma semaphore(%arg22 : memref<!tpu.dma_semaphore, #tpu.memory_space<semaphore_mem>>) src(%dma_wait3A_2889 : memref<204800x128xf32, #tpu.memory_space<hbm>>) dst(%arg15 : memref<128x128xf32, #tpu.memory_space<vmem>>)
    %add3A_2890 = arith.constant 40 : i32
    %add3A_2891 = arith.addi %mul3A_2, %add3A_2890 : i32
    %jit3A_2892 = arith.constant 8 : i32
    %div3A_2893 = arith.divsi %add3A_2891, %jit3A_2892 : i32
    %sign3A_2894 = arith.constant 0 : i32
    %sign3A_2895 = arith.cmpi sgt, %add3A_2891, %sign3A_2894 : i32
    %sign3A_2896 = arith.extui %sign3A_2895 : i1 to i32
    %sign3A_2897 = arith.constant 0 : i32
    %sign3A_2898 = arith.cmpi slt, %add3A_2891, %sign3A_2897 : i32
    %sign3A_2899 = arith.extui %sign3A_2898 : i1 to i32
    %sign3A_2900 = arith.subi %sign3A_2896, %sign3A_2899 : i32
    %sign3A_2901 = arith.constant 0 : i32
    %sign3A_2902 = arith.cmpi sgt, %jit3A_2892, %sign3A_2901 : i32
    %sign3A_2903 = arith.extui %sign3A_2902 : i1 to i32
    %sign3A_2904 = arith.constant 0 : i32
    %sign3A_2905 = arith.cmpi slt, %jit3A_2892, %sign3A_2904 : i32
    %sign3A_2906 = arith.extui %sign3A_2905 : i1 to i32
    %sign3A_2907 = arith.subi %sign3A_2903, %sign3A_2906 : i32
    %ne3A_2908 = arith.cmpi ne, %sign3A_2900, %sign3A_2907 : i32
    %rem3A_2909 = arith.remsi %add3A_2891, %jit3A_2892 : i32
    %ne3A_2910 = arith.constant 0 : i32
    %ne3A_2911 = arith.cmpi ne, %rem3A_2909, %ne3A_2910 : i32
    %and3A_2912 = arith.andi %ne3A_2908, %ne3A_2911 : i1
    %sub3A_2913 = arith.constant 1 : i32
    %sub3A_2914 = arith.subi %div3A_2893, %sub3A_2913 : i32
    %select_n3A_2915 = arith.select %and3A_2912, %sub3A_2914, %div3A_2893 : i32
    %add3A_2916 = arith.constant 1 : i32
    %add3A_2917 = arith.addi %add3A_2916, %select_n3A_2915 : i32
    %mul3A_2918 = arith.constant 1024 : i32
    %mul3A_2919 = arith.muli %add3A_2917, %mul3A_2918 : i32
    %jit3A_2920 = arith.constant 8 : i32
    %eq3A_2921 = arith.constant 0 : i32
    %eq3A_2922 = arith.cmpi eq, %jit3A_2920, %eq3A_2921 : i32
    %jit3A_2923 = arith.constant 1 : i32
    %select_n3A_2924 = arith.select %eq3A_2922, %jit3A_2923, %jit3A_2920 : i32
    %rem3A_2925 = arith.remsi %add3A_2891, %select_n3A_2924 : i32
    %ne3A_2926 = arith.constant 0 : i32
    %ne3A_2927 = arith.cmpi ne, %rem3A_2925, %ne3A_2926 : i32
    %lt3A_2928 = arith.constant 0 : i32
    %lt3A_2929 = arith.cmpi slt, %rem3A_2925, %lt3A_2928 : i32
    %lt3A_2930 = arith.constant 0 : i32
    %lt3A_2931 = arith.cmpi slt, %select_n3A_2924, %lt3A_2930 : i32
    %ne3A_2932 = arith.xori %lt3A_2929, %lt3A_2931 : i1
    %and3A_2933 = arith.andi %ne3A_2932, %ne3A_2927 : i1
    %add3A_2934 = arith.addi %rem3A_2925, %select_n3A_2924 : i32
    %select_n3A_2935 = arith.select %and3A_2933, %add3A_2934, %rem3A_2925 : i32
    %mul3A_2936 = arith.constant 128 : i32
    %mul3A_2937 = arith.muli %select_n3A_2935, %mul3A_2936 : i32
    %add3A_2938 = arith.addi %mul3A_2919, %mul3A_2937 : i32
    %dma_start3A_2939 = arith.constant 0 : i32
    %dma_start3A_2940 = tpu.memref_slice %arg6[%add3A_2938, %dma_start3A_2939] : memref<205824x128xf32, #tpu.memory_space<hbm>> -> memref<128x128xf32, #tpu.memory_space<hbm>>
    %dma_start3A_2941 = arith.constant 0 : i32
    %dma_start3A_2942 = tpu.memref_slice %arg6[%add3A_2938, %dma_start3A_2941] : memref<205824x128xf32, #tpu.memory_space<hbm>> -> memref<128x128xf32, #tpu.memory_space<hbm>>
    tpu.enqueue_dma source(%arg15 : memref<128x128xf32, #tpu.memory_space<vmem>>) target(%dma_start3A_2942 : memref<128x128xf32, #tpu.memory_space<hbm>>) target_semaphore(%arg29 : memref<!tpu.dma_semaphore, #tpu.memory_space<semaphore_mem>>)
    %dma_wait3A_2943 = arith.constant 0 : i32
    %dma_wait3A_2944 = tpu.memref_slice %arg6[%add3A_2867, %dma_wait3A_2943] : memref<205824x128xf32, #tpu.memory_space<hbm>> -> memref<128x128xf32, #tpu.memory_space<hbm>>
    %dma_wait3A_2945 = arith.constant 0 : i32
    %dma_wait3A_2946 = tpu.memref_slice %arg6[%add3A_2867, %dma_wait3A_2945] : memref<205824x128xf32, #tpu.memory_space<hbm>> -> memref<128x128xf32, #tpu.memory_space<hbm>>
    tpu.wait_dma2 semaphore(%arg28 : memref<!tpu.dma_semaphore, #tpu.memory_space<semaphore_mem>>) src(%arg14 : memref<128x128xf32, #tpu.memory_space<vmem>>) dst(%dma_wait3A_2946 : memref<128x128xf32, #tpu.memory_space<hbm>>)
    %dma_start3A_2947 = arith.constant 46 : i32
    %dma_start3A_2948 = arith.constant 0 : i32
    %dma_start3A_2949 = tpu.memref_slice %arg7[%dma_start3A_2947, %dma_start3A_2948] : memref<56x128xi32, #tpu.memory_space<vmem>> -> memref<1x128xi32, #tpu.memory_space<vmem>>
    %dma_start3A_2950 = tpu.memref_squeeze %dma_start3A_2949 : memref<1x128xi32, #tpu.memory_space<vmem>> -> memref<128xi32, #tpu.memory_space<vmem>>
    %dma_start3A_2951 = arith.constant 0 : i32
    %dma_start3A_2952 = arith.constant 0 : i32
    %dma_start3A_2953 = tpu.memref_slice %arg5[%dma_start3A_2951, %dma_start3A_2952] : memref<204800x128xf32, #tpu.memory_space<hbm>> -> memref<204800x128xf32, #tpu.memory_space<hbm>>
    tpu.enqueue_indirect_dma source(%dma_start3A_2953 : memref<204800x128xf32, #tpu.memory_space<hbm>>) target(%arg14 : memref<128x128xf32, #tpu.memory_space<vmem>>) offsets(%dma_start3A_2950 : memref<128xi32, #tpu.memory_space<vmem>>) semaphore(%arg21 : memref<!tpu.dma_semaphore, #tpu.memory_space<semaphore_mem>>)
    %dma_wait3A_2954 = arith.constant 41 : i32
    %dma_wait3A_2955 = arith.constant 0 : i32
    %dma_wait3A_2956 = tpu.memref_slice %arg7[%dma_wait3A_2954, %dma_wait3A_2955] : memref<56x128xi32, #tpu.memory_space<vmem>> -> memref<1x128xi32, #tpu.memory_space<vmem>>
    %dma_wait3A_2957 = tpu.memref_squeeze %dma_wait3A_2956 : memref<1x128xi32, #tpu.memory_space<vmem>> -> memref<128xi32, #tpu.memory_space<vmem>>
    %dma_wait3A_2958 = arith.constant 0 : i32
    %dma_wait3A_2959 = arith.constant 0 : i32
    %dma_wait3A_2960 = tpu.memref_slice %arg5[%dma_wait3A_2958, %dma_wait3A_2959] : memref<204800x128xf32, #tpu.memory_space<hbm>> -> memref<204800x128xf32, #tpu.memory_space<hbm>>
    tpu.wait_indirect_dma semaphore(%arg23 : memref<!tpu.dma_semaphore, #tpu.memory_space<semaphore_mem>>) src(%dma_wait3A_2960 : memref<204800x128xf32, #tpu.memory_space<hbm>>) dst(%arg16 : memref<128x128xf32, #tpu.memory_space<vmem>>)
    %add3A_2961 = arith.constant 41 : i32
    %add3A_2962 = arith.addi %mul3A_2, %add3A_2961 : i32
    %jit3A_2963 = arith.constant 8 : i32
    %div3A_2964 = arith.divsi %add3A_2962, %jit3A_2963 : i32
    %sign3A_2965 = arith.constant 0 : i32
    %sign3A_2966 = arith.cmpi sgt, %add3A_2962, %sign3A_2965 : i32
    %sign3A_2967 = arith.extui %sign3A_2966 : i1 to i32
    %sign3A_2968 = arith.constant 0 : i32
    %sign3A_2969 = arith.cmpi slt, %add3A_2962, %sign3A_2968 : i32
    %sign3A_2970 = arith.extui %sign3A_2969 : i1 to i32
    %sign3A_2971 = arith.subi %sign3A_2967, %sign3A_2970 : i32
    %sign3A_2972 = arith.constant 0 : i32
    %sign3A_2973 = arith.cmpi sgt, %jit3A_2963, %sign3A_2972 : i32
    %sign3A_2974 = arith.extui %sign3A_2973 : i1 to i32
    %sign3A_2975 = arith.constant 0 : i32
    %sign3A_2976 = arith.cmpi slt, %jit3A_2963, %sign3A_2975 : i32
    %sign3A_2977 = arith.extui %sign3A_2976 : i1 to i32
    %sign3A_2978 = arith.subi %sign3A_2974, %sign3A_2977 : i32
    %ne3A_2979 = arith.cmpi ne, %sign3A_2971, %sign3A_2978 : i32
    %rem3A_2980 = arith.remsi %add3A_2962, %jit3A_2963 : i32
    %ne3A_2981 = arith.constant 0 : i32
    %ne3A_2982 = arith.cmpi ne, %rem3A_2980, %ne3A_2981 : i32
    %and3A_2983 = arith.andi %ne3A_2979, %ne3A_2982 : i1
    %sub3A_2984 = arith.constant 1 : i32
    %sub3A_2985 = arith.subi %div3A_2964, %sub3A_2984 : i32
    %select_n3A_2986 = arith.select %and3A_2983, %sub3A_2985, %div3A_2964 : i32
    %add3A_2987 = arith.constant 1 : i32
    %add3A_2988 = arith.addi %add3A_2987, %select_n3A_2986 : i32
    %mul3A_2989 = arith.constant 1024 : i32
    %mul3A_2990 = arith.muli %add3A_2988, %mul3A_2989 : i32
    %jit3A_2991 = arith.constant 8 : i32
    %eq3A_2992 = arith.constant 0 : i32
    %eq3A_2993 = arith.cmpi eq, %jit3A_2991, %eq3A_2992 : i32
    %jit3A_2994 = arith.constant 1 : i32
    %select_n3A_2995 = arith.select %eq3A_2993, %jit3A_2994, %jit3A_2991 : i32
    %rem3A_2996 = arith.remsi %add3A_2962, %select_n3A_2995 : i32
    %ne3A_2997 = arith.constant 0 : i32
    %ne3A_2998 = arith.cmpi ne, %rem3A_2996, %ne3A_2997 : i32
    %lt3A_2999 = arith.constant 0 : i32
    %lt3A_3000 = arith.cmpi slt, %rem3A_2996, %lt3A_2999 : i32
    %lt3A_3001 = arith.constant 0 : i32
    %lt3A_3002 = arith.cmpi slt, %select_n3A_2995, %lt3A_3001 : i32
    %ne3A_3003 = arith.xori %lt3A_3000, %lt3A_3002 : i1
    %and3A_3004 = arith.andi %ne3A_3003, %ne3A_2998 : i1
    %add3A_3005 = arith.addi %rem3A_2996, %select_n3A_2995 : i32
    %select_n3A_3006 = arith.select %and3A_3004, %add3A_3005, %rem3A_2996 : i32
    %mul3A_3007 = arith.constant 128 : i32
    %mul3A_3008 = arith.muli %select_n3A_3006, %mul3A_3007 : i32
    %add3A_3009 = arith.addi %mul3A_2990, %mul3A_3008 : i32
    %dma_start3A_3010 = arith.constant 0 : i32
    %dma_start3A_3011 = tpu.memref_slice %arg6[%add3A_3009, %dma_start3A_3010] : memref<205824x128xf32, #tpu.memory_space<hbm>> -> memref<128x128xf32, #tpu.memory_space<hbm>>
    %dma_start3A_3012 = arith.constant 0 : i32
    %dma_start3A_3013 = tpu.memref_slice %arg6[%add3A_3009, %dma_start3A_3012] : memref<205824x128xf32, #tpu.memory_space<hbm>> -> memref<128x128xf32, #tpu.memory_space<hbm>>
    tpu.enqueue_dma source(%arg16 : memref<128x128xf32, #tpu.memory_space<vmem>>) target(%dma_start3A_3013 : memref<128x128xf32, #tpu.memory_space<hbm>>) target_semaphore(%arg30 : memref<!tpu.dma_semaphore, #tpu.memory_space<semaphore_mem>>)
    %dma_wait3A_3014 = arith.constant 0 : i32
    %dma_wait3A_3015 = tpu.memref_slice %arg6[%add3A_2938, %dma_wait3A_3014] : memref<205824x128xf32, #tpu.memory_space<hbm>> -> memref<128x128xf32, #tpu.memory_space<hbm>>
    %dma_wait3A_3016 = arith.constant 0 : i32
    %dma_wait3A_3017 = tpu.memref_slice %arg6[%add3A_2938, %dma_wait3A_3016] : memref<205824x128xf32, #tpu.memory_space<hbm>> -> memref<128x128xf32, #tpu.memory_space<hbm>>
    tpu.wait_dma2 semaphore(%arg29 : memref<!tpu.dma_semaphore, #tpu.memory_space<semaphore_mem>>) src(%arg15 : memref<128x128xf32, #tpu.memory_space<vmem>>) dst(%dma_wait3A_3017 : memref<128x128xf32, #tpu.memory_space<hbm>>)
    %dma_start3A_3018 = arith.constant 47 : i32
    %dma_start3A_3019 = arith.constant 0 : i32
    %dma_start3A_3020 = tpu.memref_slice %arg7[%dma_start3A_3018, %dma_start3A_3019] : memref<56x128xi32, #tpu.memory_space<vmem>> -> memref<1x128xi32, #tpu.memory_space<vmem>>
    %dma_start3A_3021 = tpu.memref_squeeze %dma_start3A_3020 : memref<1x128xi32, #tpu.memory_space<vmem>> -> memref<128xi32, #tpu.memory_space<vmem>>
    %dma_start3A_3022 = arith.constant 0 : i32
    %dma_start3A_3023 = arith.constant 0 : i32
    %dma_start3A_3024 = tpu.memref_slice %arg5[%dma_start3A_3022, %dma_start3A_3023] : memref<204800x128xf32, #tpu.memory_space<hbm>> -> memref<204800x128xf32, #tpu.memory_space<hbm>>
    tpu.enqueue_indirect_dma source(%dma_start3A_3024 : memref<204800x128xf32, #tpu.memory_space<hbm>>) target(%arg15 : memref<128x128xf32, #tpu.memory_space<vmem>>) offsets(%dma_start3A_3021 : memref<128xi32, #tpu.memory_space<vmem>>) semaphore(%arg22 : memref<!tpu.dma_semaphore, #tpu.memory_space<semaphore_mem>>)
    %dma_wait3A_3025 = arith.constant 42 : i32
    %dma_wait3A_3026 = arith.constant 0 : i32
    %dma_wait3A_3027 = tpu.memref_slice %arg7[%dma_wait3A_3025, %dma_wait3A_3026] : memref<56x128xi32, #tpu.memory_space<vmem>> -> memref<1x128xi32, #tpu.memory_space<vmem>>
    %dma_wait3A_3028 = tpu.memref_squeeze %dma_wait3A_3027 : memref<1x128xi32, #tpu.memory_space<vmem>> -> memref<128xi32, #tpu.memory_space<vmem>>
    %dma_wait3A_3029 = arith.constant 0 : i32
    %dma_wait3A_3030 = arith.constant 0 : i32
    %dma_wait3A_3031 = tpu.memref_slice %arg5[%dma_wait3A_3029, %dma_wait3A_3030] : memref<204800x128xf32, #tpu.memory_space<hbm>> -> memref<204800x128xf32, #tpu.memory_space<hbm>>
    tpu.wait_indirect_dma semaphore(%arg17 : memref<!tpu.dma_semaphore, #tpu.memory_space<semaphore_mem>>) src(%dma_wait3A_3031 : memref<204800x128xf32, #tpu.memory_space<hbm>>) dst(%arg10 : memref<128x128xf32, #tpu.memory_space<vmem>>)
    %add3A_3032 = arith.constant 42 : i32
    %add3A_3033 = arith.addi %mul3A_2, %add3A_3032 : i32
    %jit3A_3034 = arith.constant 8 : i32
    %div3A_3035 = arith.divsi %add3A_3033, %jit3A_3034 : i32
    %sign3A_3036 = arith.constant 0 : i32
    %sign3A_3037 = arith.cmpi sgt, %add3A_3033, %sign3A_3036 : i32
    %sign3A_3038 = arith.extui %sign3A_3037 : i1 to i32
    %sign3A_3039 = arith.constant 0 : i32
    %sign3A_3040 = arith.cmpi slt, %add3A_3033, %sign3A_3039 : i32
    %sign3A_3041 = arith.extui %sign3A_3040 : i1 to i32
    %sign3A_3042 = arith.subi %sign3A_3038, %sign3A_3041 : i32
    %sign3A_3043 = arith.constant 0 : i32
    %sign3A_3044 = arith.cmpi sgt, %jit3A_3034, %sign3A_3043 : i32
    %sign3A_3045 = arith.extui %sign3A_3044 : i1 to i32
    %sign3A_3046 = arith.constant 0 : i32
    %sign3A_3047 = arith.cmpi slt, %jit3A_3034, %sign3A_3046 : i32
    %sign3A_3048 = arith.extui %sign3A_3047 : i1 to i32
    %sign3A_3049 = arith.subi %sign3A_3045, %sign3A_3048 : i32
    %ne3A_3050 = arith.cmpi ne, %sign3A_3042, %sign3A_3049 : i32
    %rem3A_3051 = arith.remsi %add3A_3033, %jit3A_3034 : i32
    %ne3A_3052 = arith.constant 0 : i32
    %ne3A_3053 = arith.cmpi ne, %rem3A_3051, %ne3A_3052 : i32
    %and3A_3054 = arith.andi %ne3A_3050, %ne3A_3053 : i1
    %sub3A_3055 = arith.constant 1 : i32
    %sub3A_3056 = arith.subi %div3A_3035, %sub3A_3055 : i32
    %select_n3A_3057 = arith.select %and3A_3054, %sub3A_3056, %div3A_3035 : i32
    %add3A_3058 = arith.constant 1 : i32
    %add3A_3059 = arith.addi %add3A_3058, %select_n3A_3057 : i32
    %mul3A_3060 = arith.constant 1024 : i32
    %mul3A_3061 = arith.muli %add3A_3059, %mul3A_3060 : i32
    %jit3A_3062 = arith.constant 8 : i32
    %eq3A_3063 = arith.constant 0 : i32
    %eq3A_3064 = arith.cmpi eq, %jit3A_3062, %eq3A_3063 : i32
    %jit3A_3065 = arith.constant 1 : i32
    %select_n3A_3066 = arith.select %eq3A_3064, %jit3A_3065, %jit3A_3062 : i32
    %rem3A_3067 = arith.remsi %add3A_3033, %select_n3A_3066 : i32
    %ne3A_3068 = arith.constant 0 : i32
    %ne3A_3069 = arith.cmpi ne, %rem3A_3067, %ne3A_3068 : i32
    %lt3A_3070 = arith.constant 0 : i32
    %lt3A_3071 = arith.cmpi slt, %rem3A_3067, %lt3A_3070 : i32
    %lt3A_3072 = arith.constant 0 : i32
    %lt3A_3073 = arith.cmpi slt, %select_n3A_3066, %lt3A_3072 : i32
    %ne3A_3074 = arith.xori %lt3A_3071, %lt3A_3073 : i1
    %and3A_3075 = arith.andi %ne3A_3074, %ne3A_3069 : i1
    %add3A_3076 = arith.addi %rem3A_3067, %select_n3A_3066 : i32
    %select_n3A_3077 = arith.select %and3A_3075, %add3A_3076, %rem3A_3067 : i32
    %mul3A_3078 = arith.constant 128 : i32
    %mul3A_3079 = arith.muli %select_n3A_3077, %mul3A_3078 : i32
    %add3A_3080 = arith.addi %mul3A_3061, %mul3A_3079 : i32
    %dma_start3A_3081 = arith.constant 0 : i32
    %dma_start3A_3082 = tpu.memref_slice %arg6[%add3A_3080, %dma_start3A_3081] : memref<205824x128xf32, #tpu.memory_space<hbm>> -> memref<128x128xf32, #tpu.memory_space<hbm>>
    %dma_start3A_3083 = arith.constant 0 : i32
    %dma_start3A_3084 = tpu.memref_slice %arg6[%add3A_3080, %dma_start3A_3083] : memref<205824x128xf32, #tpu.memory_space<hbm>> -> memref<128x128xf32, #tpu.memory_space<hbm>>
    tpu.enqueue_dma source(%arg10 : memref<128x128xf32, #tpu.memory_space<vmem>>) target(%dma_start3A_3084 : memref<128x128xf32, #tpu.memory_space<hbm>>) target_semaphore(%arg24 : memref<!tpu.dma_semaphore, #tpu.memory_space<semaphore_mem>>)
    %dma_wait3A_3085 = arith.constant 0 : i32
    %dma_wait3A_3086 = tpu.memref_slice %arg6[%add3A_3009, %dma_wait3A_3085] : memref<205824x128xf32, #tpu.memory_space<hbm>> -> memref<128x128xf32, #tpu.memory_space<hbm>>
    %dma_wait3A_3087 = arith.constant 0 : i32
    %dma_wait3A_3088 = tpu.memref_slice %arg6[%add3A_3009, %dma_wait3A_3087] : memref<205824x128xf32, #tpu.memory_space<hbm>> -> memref<128x128xf32, #tpu.memory_space<hbm>>
    tpu.wait_dma2 semaphore(%arg30 : memref<!tpu.dma_semaphore, #tpu.memory_space<semaphore_mem>>) src(%arg16 : memref<128x128xf32, #tpu.memory_space<vmem>>) dst(%dma_wait3A_3088 : memref<128x128xf32, #tpu.memory_space<hbm>>)
    %dma_start3A_3089 = arith.constant 48 : i32
    %dma_start3A_3090 = arith.constant 0 : i32
    %dma_start3A_3091 = tpu.memref_slice %arg7[%dma_start3A_3089, %dma_start3A_3090] : memref<56x128xi32, #tpu.memory_space<vmem>> -> memref<1x128xi32, #tpu.memory_space<vmem>>
    %dma_start3A_3092 = tpu.memref_squeeze %dma_start3A_3091 : memref<1x128xi32, #tpu.memory_space<vmem>> -> memref<128xi32, #tpu.memory_space<vmem>>
    %dma_start3A_3093 = arith.constant 0 : i32
    %dma_start3A_3094 = arith.constant 0 : i32
    %dma_start3A_3095 = tpu.memref_slice %arg5[%dma_start3A_3093, %dma_start3A_3094] : memref<204800x128xf32, #tpu.memory_space<hbm>> -> memref<204800x128xf32, #tpu.memory_space<hbm>>
    tpu.enqueue_indirect_dma source(%dma_start3A_3095 : memref<204800x128xf32, #tpu.memory_space<hbm>>) target(%arg16 : memref<128x128xf32, #tpu.memory_space<vmem>>) offsets(%dma_start3A_3092 : memref<128xi32, #tpu.memory_space<vmem>>) semaphore(%arg23 : memref<!tpu.dma_semaphore, #tpu.memory_space<semaphore_mem>>)
    %dma_wait3A_3096 = arith.constant 43 : i32
    %dma_wait3A_3097 = arith.constant 0 : i32
    %dma_wait3A_3098 = tpu.memref_slice %arg7[%dma_wait3A_3096, %dma_wait3A_3097] : memref<56x128xi32, #tpu.memory_space<vmem>> -> memref<1x128xi32, #tpu.memory_space<vmem>>
    %dma_wait3A_3099 = tpu.memref_squeeze %dma_wait3A_3098 : memref<1x128xi32, #tpu.memory_space<vmem>> -> memref<128xi32, #tpu.memory_space<vmem>>
    %dma_wait3A_3100 = arith.constant 0 : i32
    %dma_wait3A_3101 = arith.constant 0 : i32
    %dma_wait3A_3102 = tpu.memref_slice %arg5[%dma_wait3A_3100, %dma_wait3A_3101] : memref<204800x128xf32, #tpu.memory_space<hbm>> -> memref<204800x128xf32, #tpu.memory_space<hbm>>
    tpu.wait_indirect_dma semaphore(%arg18 : memref<!tpu.dma_semaphore, #tpu.memory_space<semaphore_mem>>) src(%dma_wait3A_3102 : memref<204800x128xf32, #tpu.memory_space<hbm>>) dst(%arg11 : memref<128x128xf32, #tpu.memory_space<vmem>>)
    %add3A_3103 = arith.constant 43 : i32
    %add3A_3104 = arith.addi %mul3A_2, %add3A_3103 : i32
    %jit3A_3105 = arith.constant 8 : i32
    %div3A_3106 = arith.divsi %add3A_3104, %jit3A_3105 : i32
    %sign3A_3107 = arith.constant 0 : i32
    %sign3A_3108 = arith.cmpi sgt, %add3A_3104, %sign3A_3107 : i32
    %sign3A_3109 = arith.extui %sign3A_3108 : i1 to i32
    %sign3A_3110 = arith.constant 0 : i32
    %sign3A_3111 = arith.cmpi slt, %add3A_3104, %sign3A_3110 : i32
    %sign3A_3112 = arith.extui %sign3A_3111 : i1 to i32
    %sign3A_3113 = arith.subi %sign3A_3109, %sign3A_3112 : i32
    %sign3A_3114 = arith.constant 0 : i32
    %sign3A_3115 = arith.cmpi sgt, %jit3A_3105, %sign3A_3114 : i32
    %sign3A_3116 = arith.extui %sign3A_3115 : i1 to i32
    %sign3A_3117 = arith.constant 0 : i32
    %sign3A_3118 = arith.cmpi slt, %jit3A_3105, %sign3A_3117 : i32
    %sign3A_3119 = arith.extui %sign3A_3118 : i1 to i32
    %sign3A_3120 = arith.subi %sign3A_3116, %sign3A_3119 : i32
    %ne3A_3121 = arith.cmpi ne, %sign3A_3113, %sign3A_3120 : i32
    %rem3A_3122 = arith.remsi %add3A_3104, %jit3A_3105 : i32
    %ne3A_3123 = arith.constant 0 : i32
    %ne3A_3124 = arith.cmpi ne, %rem3A_3122, %ne3A_3123 : i32
    %and3A_3125 = arith.andi %ne3A_3121, %ne3A_3124 : i1
    %sub3A_3126 = arith.constant 1 : i32
    %sub3A_3127 = arith.subi %div3A_3106, %sub3A_3126 : i32
    %select_n3A_3128 = arith.select %and3A_3125, %sub3A_3127, %div3A_3106 : i32
    %add3A_3129 = arith.constant 1 : i32
    %add3A_3130 = arith.addi %add3A_3129, %select_n3A_3128 : i32
    %mul3A_3131 = arith.constant 1024 : i32
    %mul3A_3132 = arith.muli %add3A_3130, %mul3A_3131 : i32
    %jit3A_3133 = arith.constant 8 : i32
    %eq3A_3134 = arith.constant 0 : i32
    %eq3A_3135 = arith.cmpi eq, %jit3A_3133, %eq3A_3134 : i32
    %jit3A_3136 = arith.constant 1 : i32
    %select_n3A_3137 = arith.select %eq3A_3135, %jit3A_3136, %jit3A_3133 : i32
    %rem3A_3138 = arith.remsi %add3A_3104, %select_n3A_3137 : i32
    %ne3A_3139 = arith.constant 0 : i32
    %ne3A_3140 = arith.cmpi ne, %rem3A_3138, %ne3A_3139 : i32
    %lt3A_3141 = arith.constant 0 : i32
    %lt3A_3142 = arith.cmpi slt, %rem3A_3138, %lt3A_3141 : i32
    %lt3A_3143 = arith.constant 0 : i32
    %lt3A_3144 = arith.cmpi slt, %select_n3A_3137, %lt3A_3143 : i32
    %ne3A_3145 = arith.xori %lt3A_3142, %lt3A_3144 : i1
    %and3A_3146 = arith.andi %ne3A_3145, %ne3A_3140 : i1
    %add3A_3147 = arith.addi %rem3A_3138, %select_n3A_3137 : i32
    %select_n3A_3148 = arith.select %and3A_3146, %add3A_3147, %rem3A_3138 : i32
    %mul3A_3149 = arith.constant 128 : i32
    %mul3A_3150 = arith.muli %select_n3A_3148, %mul3A_3149 : i32
    %add3A_3151 = arith.addi %mul3A_3132, %mul3A_3150 : i32
    %dma_start3A_3152 = arith.constant 0 : i32
    %dma_start3A_3153 = tpu.memref_slice %arg6[%add3A_3151, %dma_start3A_3152] : memref<205824x128xf32, #tpu.memory_space<hbm>> -> memref<128x128xf32, #tpu.memory_space<hbm>>
    %dma_start3A_3154 = arith.constant 0 : i32
    %dma_start3A_3155 = tpu.memref_slice %arg6[%add3A_3151, %dma_start3A_3154] : memref<205824x128xf32, #tpu.memory_space<hbm>> -> memref<128x128xf32, #tpu.memory_space<hbm>>
    tpu.enqueue_dma source(%arg11 : memref<128x128xf32, #tpu.memory_space<vmem>>) target(%dma_start3A_3155 : memref<128x128xf32, #tpu.memory_space<hbm>>) target_semaphore(%arg25 : memref<!tpu.dma_semaphore, #tpu.memory_space<semaphore_mem>>)
    %dma_wait3A_3156 = arith.constant 0 : i32
    %dma_wait3A_3157 = tpu.memref_slice %arg6[%add3A_3080, %dma_wait3A_3156] : memref<205824x128xf32, #tpu.memory_space<hbm>> -> memref<128x128xf32, #tpu.memory_space<hbm>>
    %dma_wait3A_3158 = arith.constant 0 : i32
    %dma_wait3A_3159 = tpu.memref_slice %arg6[%add3A_3080, %dma_wait3A_3158] : memref<205824x128xf32, #tpu.memory_space<hbm>> -> memref<128x128xf32, #tpu.memory_space<hbm>>
    tpu.wait_dma2 semaphore(%arg24 : memref<!tpu.dma_semaphore, #tpu.memory_space<semaphore_mem>>) src(%arg10 : memref<128x128xf32, #tpu.memory_space<vmem>>) dst(%dma_wait3A_3159 : memref<128x128xf32, #tpu.memory_space<hbm>>)
    %dma_start3A_3160 = arith.constant 49 : i32
    %dma_start3A_3161 = arith.constant 0 : i32
    %dma_start3A_3162 = tpu.memref_slice %arg7[%dma_start3A_3160, %dma_start3A_3161] : memref<56x128xi32, #tpu.memory_space<vmem>> -> memref<1x128xi32, #tpu.memory_space<vmem>>
    %dma_start3A_3163 = tpu.memref_squeeze %dma_start3A_3162 : memref<1x128xi32, #tpu.memory_space<vmem>> -> memref<128xi32, #tpu.memory_space<vmem>>
    %dma_start3A_3164 = arith.constant 0 : i32
    %dma_start3A_3165 = arith.constant 0 : i32
    %dma_start3A_3166 = tpu.memref_slice %arg5[%dma_start3A_3164, %dma_start3A_3165] : memref<204800x128xf32, #tpu.memory_space<hbm>> -> memref<204800x128xf32, #tpu.memory_space<hbm>>
    tpu.enqueue_indirect_dma source(%dma_start3A_3166 : memref<204800x128xf32, #tpu.memory_space<hbm>>) target(%arg10 : memref<128x128xf32, #tpu.memory_space<vmem>>) offsets(%dma_start3A_3163 : memref<128xi32, #tpu.memory_space<vmem>>) semaphore(%arg17 : memref<!tpu.dma_semaphore, #tpu.memory_space<semaphore_mem>>)
    %dma_wait3A_3167 = arith.constant 44 : i32
    %dma_wait3A_3168 = arith.constant 0 : i32
    %dma_wait3A_3169 = tpu.memref_slice %arg7[%dma_wait3A_3167, %dma_wait3A_3168] : memref<56x128xi32, #tpu.memory_space<vmem>> -> memref<1x128xi32, #tpu.memory_space<vmem>>
    %dma_wait3A_3170 = tpu.memref_squeeze %dma_wait3A_3169 : memref<1x128xi32, #tpu.memory_space<vmem>> -> memref<128xi32, #tpu.memory_space<vmem>>
    %dma_wait3A_3171 = arith.constant 0 : i32
    %dma_wait3A_3172 = arith.constant 0 : i32
    %dma_wait3A_3173 = tpu.memref_slice %arg5[%dma_wait3A_3171, %dma_wait3A_3172] : memref<204800x128xf32, #tpu.memory_space<hbm>> -> memref<204800x128xf32, #tpu.memory_space<hbm>>
    tpu.wait_indirect_dma semaphore(%arg19 : memref<!tpu.dma_semaphore, #tpu.memory_space<semaphore_mem>>) src(%dma_wait3A_3173 : memref<204800x128xf32, #tpu.memory_space<hbm>>) dst(%arg12 : memref<128x128xf32, #tpu.memory_space<vmem>>)
    %add3A_3174 = arith.constant 44 : i32
    %add3A_3175 = arith.addi %mul3A_2, %add3A_3174 : i32
    %jit3A_3176 = arith.constant 8 : i32
    %div3A_3177 = arith.divsi %add3A_3175, %jit3A_3176 : i32
    %sign3A_3178 = arith.constant 0 : i32
    %sign3A_3179 = arith.cmpi sgt, %add3A_3175, %sign3A_3178 : i32
    %sign3A_3180 = arith.extui %sign3A_3179 : i1 to i32
    %sign3A_3181 = arith.constant 0 : i32
    %sign3A_3182 = arith.cmpi slt, %add3A_3175, %sign3A_3181 : i32
    %sign3A_3183 = arith.extui %sign3A_3182 : i1 to i32
    %sign3A_3184 = arith.subi %sign3A_3180, %sign3A_3183 : i32
    %sign3A_3185 = arith.constant 0 : i32
    %sign3A_3186 = arith.cmpi sgt, %jit3A_3176, %sign3A_3185 : i32
    %sign3A_3187 = arith.extui %sign3A_3186 : i1 to i32
    %sign3A_3188 = arith.constant 0 : i32
    %sign3A_3189 = arith.cmpi slt, %jit3A_3176, %sign3A_3188 : i32
    %sign3A_3190 = arith.extui %sign3A_3189 : i1 to i32
    %sign3A_3191 = arith.subi %sign3A_3187, %sign3A_3190 : i32
    %ne3A_3192 = arith.cmpi ne, %sign3A_3184, %sign3A_3191 : i32
    %rem3A_3193 = arith.remsi %add3A_3175, %jit3A_3176 : i32
    %ne3A_3194 = arith.constant 0 : i32
    %ne3A_3195 = arith.cmpi ne, %rem3A_3193, %ne3A_3194 : i32
    %and3A_3196 = arith.andi %ne3A_3192, %ne3A_3195 : i1
    %sub3A_3197 = arith.constant 1 : i32
    %sub3A_3198 = arith.subi %div3A_3177, %sub3A_3197 : i32
    %select_n3A_3199 = arith.select %and3A_3196, %sub3A_3198, %div3A_3177 : i32
    %add3A_3200 = arith.constant 1 : i32
    %add3A_3201 = arith.addi %add3A_3200, %select_n3A_3199 : i32
    %mul3A_3202 = arith.constant 1024 : i32
    %mul3A_3203 = arith.muli %add3A_3201, %mul3A_3202 : i32
    %jit3A_3204 = arith.constant 8 : i32
    %eq3A_3205 = arith.constant 0 : i32
    %eq3A_3206 = arith.cmpi eq, %jit3A_3204, %eq3A_3205 : i32
    %jit3A_3207 = arith.constant 1 : i32
    %select_n3A_3208 = arith.select %eq3A_3206, %jit3A_3207, %jit3A_3204 : i32
    %rem3A_3209 = arith.remsi %add3A_3175, %select_n3A_3208 : i32
    %ne3A_3210 = arith.constant 0 : i32
    %ne3A_3211 = arith.cmpi ne, %rem3A_3209, %ne3A_3210 : i32
    %lt3A_3212 = arith.constant 0 : i32
    %lt3A_3213 = arith.cmpi slt, %rem3A_3209, %lt3A_3212 : i32
    %lt3A_3214 = arith.constant 0 : i32
    %lt3A_3215 = arith.cmpi slt, %select_n3A_3208, %lt3A_3214 : i32
    %ne3A_3216 = arith.xori %lt3A_3213, %lt3A_3215 : i1
    %and3A_3217 = arith.andi %ne3A_3216, %ne3A_3211 : i1
    %add3A_3218 = arith.addi %rem3A_3209, %select_n3A_3208 : i32
    %select_n3A_3219 = arith.select %and3A_3217, %add3A_3218, %rem3A_3209 : i32
    %mul3A_3220 = arith.constant 128 : i32
    %mul3A_3221 = arith.muli %select_n3A_3219, %mul3A_3220 : i32
    %add3A_3222 = arith.addi %mul3A_3203, %mul3A_3221 : i32
    %dma_start3A_3223 = arith.constant 0 : i32
    %dma_start3A_3224 = tpu.memref_slice %arg6[%add3A_3222, %dma_start3A_3223] : memref<205824x128xf32, #tpu.memory_space<hbm>> -> memref<128x128xf32, #tpu.memory_space<hbm>>
    %dma_start3A_3225 = arith.constant 0 : i32
    %dma_start3A_3226 = tpu.memref_slice %arg6[%add3A_3222, %dma_start3A_3225] : memref<205824x128xf32, #tpu.memory_space<hbm>> -> memref<128x128xf32, #tpu.memory_space<hbm>>
    tpu.enqueue_dma source(%arg12 : memref<128x128xf32, #tpu.memory_space<vmem>>) target(%dma_start3A_3226 : memref<128x128xf32, #tpu.memory_space<hbm>>) target_semaphore(%arg26 : memref<!tpu.dma_semaphore, #tpu.memory_space<semaphore_mem>>)
    %dma_wait3A_3227 = arith.constant 45 : i32
    %dma_wait3A_3228 = arith.constant 0 : i32
    %dma_wait3A_3229 = tpu.memref_slice %arg7[%dma_wait3A_3227, %dma_wait3A_3228] : memref<56x128xi32, #tpu.memory_space<vmem>> -> memref<1x128xi32, #tpu.memory_space<vmem>>
    %dma_wait3A_3230 = tpu.memref_squeeze %dma_wait3A_3229 : memref<1x128xi32, #tpu.memory_space<vmem>> -> memref<128xi32, #tpu.memory_space<vmem>>
    %dma_wait3A_3231 = arith.constant 0 : i32
    %dma_wait3A_3232 = arith.constant 0 : i32
    %dma_wait3A_3233 = tpu.memref_slice %arg5[%dma_wait3A_3231, %dma_wait3A_3232] : memref<204800x128xf32, #tpu.memory_space<hbm>> -> memref<204800x128xf32, #tpu.memory_space<hbm>>
    tpu.wait_indirect_dma semaphore(%arg20 : memref<!tpu.dma_semaphore, #tpu.memory_space<semaphore_mem>>) src(%dma_wait3A_3233 : memref<204800x128xf32, #tpu.memory_space<hbm>>) dst(%arg13 : memref<128x128xf32, #tpu.memory_space<vmem>>)
    %add3A_3234 = arith.constant 45 : i32
    %add3A_3235 = arith.addi %mul3A_2, %add3A_3234 : i32
    %jit3A_3236 = arith.constant 8 : i32
    %div3A_3237 = arith.divsi %add3A_3235, %jit3A_3236 : i32
    %sign3A_3238 = arith.constant 0 : i32
    %sign3A_3239 = arith.cmpi sgt, %add3A_3235, %sign3A_3238 : i32
    %sign3A_3240 = arith.extui %sign3A_3239 : i1 to i32
    %sign3A_3241 = arith.constant 0 : i32
    %sign3A_3242 = arith.cmpi slt, %add3A_3235, %sign3A_3241 : i32
    %sign3A_3243 = arith.extui %sign3A_3242 : i1 to i32
    %sign3A_3244 = arith.subi %sign3A_3240, %sign3A_3243 : i32
    %sign3A_3245 = arith.constant 0 : i32
    %sign3A_3246 = arith.cmpi sgt, %jit3A_3236, %sign3A_3245 : i32
    %sign3A_3247 = arith.extui %sign3A_3246 : i1 to i32
    %sign3A_3248 = arith.constant 0 : i32
    %sign3A_3249 = arith.cmpi slt, %jit3A_3236, %sign3A_3248 : i32
    %sign3A_3250 = arith.extui %sign3A_3249 : i1 to i32
    %sign3A_3251 = arith.subi %sign3A_3247, %sign3A_3250 : i32
    %ne3A_3252 = arith.cmpi ne, %sign3A_3244, %sign3A_3251 : i32
    %rem3A_3253 = arith.remsi %add3A_3235, %jit3A_3236 : i32
    %ne3A_3254 = arith.constant 0 : i32
    %ne3A_3255 = arith.cmpi ne, %rem3A_3253, %ne3A_3254 : i32
    %and3A_3256 = arith.andi %ne3A_3252, %ne3A_3255 : i1
    %sub3A_3257 = arith.constant 1 : i32
    %sub3A_3258 = arith.subi %div3A_3237, %sub3A_3257 : i32
    %select_n3A_3259 = arith.select %and3A_3256, %sub3A_3258, %div3A_3237 : i32
    %add3A_3260 = arith.constant 1 : i32
    %add3A_3261 = arith.addi %add3A_3260, %select_n3A_3259 : i32
    %mul3A_3262 = arith.constant 1024 : i32
    %mul3A_3263 = arith.muli %add3A_3261, %mul3A_3262 : i32
    %jit3A_3264 = arith.constant 8 : i32
    %eq3A_3265 = arith.constant 0 : i32
    %eq3A_3266 = arith.cmpi eq, %jit3A_3264, %eq3A_3265 : i32
    %jit3A_3267 = arith.constant 1 : i32
    %select_n3A_3268 = arith.select %eq3A_3266, %jit3A_3267, %jit3A_3264 : i32
    %rem3A_3269 = arith.remsi %add3A_3235, %select_n3A_3268 : i32
    %ne3A_3270 = arith.constant 0 : i32
    %ne3A_3271 = arith.cmpi ne, %rem3A_3269, %ne3A_3270 : i32
    %lt3A_3272 = arith.constant 0 : i32
    %lt3A_3273 = arith.cmpi slt, %rem3A_3269, %lt3A_3272 : i32
    %lt3A_3274 = arith.constant 0 : i32
    %lt3A_3275 = arith.cmpi slt, %select_n3A_3268, %lt3A_3274 : i32
    %ne3A_3276 = arith.xori %lt3A_3273, %lt3A_3275 : i1
    %and3A_3277 = arith.andi %ne3A_3276, %ne3A_3271 : i1
    %add3A_3278 = arith.addi %rem3A_3269, %select_n3A_3268 : i32
    %select_n3A_3279 = arith.select %and3A_3277, %add3A_3278, %rem3A_3269 : i32
    %mul3A_3280 = arith.constant 128 : i32
    %mul3A_3281 = arith.muli %select_n3A_3279, %mul3A_3280 : i32
    %add3A_3282 = arith.addi %mul3A_3263, %mul3A_3281 : i32
    %dma_start3A_3283 = arith.constant 0 : i32
    %dma_start3A_3284 = tpu.memref_slice %arg6[%add3A_3282, %dma_start3A_3283] : memref<205824x128xf32, #tpu.memory_space<hbm>> -> memref<128x128xf32, #tpu.memory_space<hbm>>
    %dma_start3A_3285 = arith.constant 0 : i32
    %dma_start3A_3286 = tpu.memref_slice %arg6[%add3A_3282, %dma_start3A_3285] : memref<205824x128xf32, #tpu.memory_space<hbm>> -> memref<128x128xf32, #tpu.memory_space<hbm>>
    tpu.enqueue_dma source(%arg13 : memref<128x128xf32, #tpu.memory_space<vmem>>) target(%dma_start3A_3286 : memref<128x128xf32, #tpu.memory_space<hbm>>) target_semaphore(%arg27 : memref<!tpu.dma_semaphore, #tpu.memory_space<semaphore_mem>>)
    %dma_wait3A_3287 = arith.constant 46 : i32
    %dma_wait3A_3288 = arith.constant 0 : i32
    %dma_wait3A_3289 = tpu.memref_slice %arg7[%dma_wait3A_3287, %dma_wait3A_3288] : memref<56x128xi32, #tpu.memory_space<vmem>> -> memref<1x128xi32, #tpu.memory_space<vmem>>
    %dma_wait3A_3290 = tpu.memref_squeeze %dma_wait3A_3289 : memref<1x128xi32, #tpu.memory_space<vmem>> -> memref<128xi32, #tpu.memory_space<vmem>>
    %dma_wait3A_3291 = arith.constant 0 : i32
    %dma_wait3A_3292 = arith.constant 0 : i32
    %dma_wait3A_3293 = tpu.memref_slice %arg5[%dma_wait3A_3291, %dma_wait3A_3292] : memref<204800x128xf32, #tpu.memory_space<hbm>> -> memref<204800x128xf32, #tpu.memory_space<hbm>>
    tpu.wait_indirect_dma semaphore(%arg21 : memref<!tpu.dma_semaphore, #tpu.memory_space<semaphore_mem>>) src(%dma_wait3A_3293 : memref<204800x128xf32, #tpu.memory_space<hbm>>) dst(%arg14 : memref<128x128xf32, #tpu.memory_space<vmem>>)
    %add3A_3294 = arith.constant 46 : i32
    %add3A_3295 = arith.addi %mul3A_2, %add3A_3294 : i32
    %jit3A_3296 = arith.constant 8 : i32
    %div3A_3297 = arith.divsi %add3A_3295, %jit3A_3296 : i32
    %sign3A_3298 = arith.constant 0 : i32
    %sign3A_3299 = arith.cmpi sgt, %add3A_3295, %sign3A_3298 : i32
    %sign3A_3300 = arith.extui %sign3A_3299 : i1 to i32
    %sign3A_3301 = arith.constant 0 : i32
    %sign3A_3302 = arith.cmpi slt, %add3A_3295, %sign3A_3301 : i32
    %sign3A_3303 = arith.extui %sign3A_3302 : i1 to i32
    %sign3A_3304 = arith.subi %sign3A_3300, %sign3A_3303 : i32
    %sign3A_3305 = arith.constant 0 : i32
    %sign3A_3306 = arith.cmpi sgt, %jit3A_3296, %sign3A_3305 : i32
    %sign3A_3307 = arith.extui %sign3A_3306 : i1 to i32
    %sign3A_3308 = arith.constant 0 : i32
    %sign3A_3309 = arith.cmpi slt, %jit3A_3296, %sign3A_3308 : i32
    %sign3A_3310 = arith.extui %sign3A_3309 : i1 to i32
    %sign3A_3311 = arith.subi %sign3A_3307, %sign3A_3310 : i32
    %ne3A_3312 = arith.cmpi ne, %sign3A_3304, %sign3A_3311 : i32
    %rem3A_3313 = arith.remsi %add3A_3295, %jit3A_3296 : i32
    %ne3A_3314 = arith.constant 0 : i32
    %ne3A_3315 = arith.cmpi ne, %rem3A_3313, %ne3A_3314 : i32
    %and3A_3316 = arith.andi %ne3A_3312, %ne3A_3315 : i1
    %sub3A_3317 = arith.constant 1 : i32
    %sub3A_3318 = arith.subi %div3A_3297, %sub3A_3317 : i32
    %select_n3A_3319 = arith.select %and3A_3316, %sub3A_3318, %div3A_3297 : i32
    %add3A_3320 = arith.constant 1 : i32
    %add3A_3321 = arith.addi %add3A_3320, %select_n3A_3319 : i32
    %mul3A_3322 = arith.constant 1024 : i32
    %mul3A_3323 = arith.muli %add3A_3321, %mul3A_3322 : i32
    %jit3A_3324 = arith.constant 8 : i32
    %eq3A_3325 = arith.constant 0 : i32
    %eq3A_3326 = arith.cmpi eq, %jit3A_3324, %eq3A_3325 : i32
    %jit3A_3327 = arith.constant 1 : i32
    %select_n3A_3328 = arith.select %eq3A_3326, %jit3A_3327, %jit3A_3324 : i32
    %rem3A_3329 = arith.remsi %add3A_3295, %select_n3A_3328 : i32
    %ne3A_3330 = arith.constant 0 : i32
    %ne3A_3331 = arith.cmpi ne, %rem3A_3329, %ne3A_3330 : i32
    %lt3A_3332 = arith.constant 0 : i32
    %lt3A_3333 = arith.cmpi slt, %rem3A_3329, %lt3A_3332 : i32
    %lt3A_3334 = arith.constant 0 : i32
    %lt3A_3335 = arith.cmpi slt, %select_n3A_3328, %lt3A_3334 : i32
    %ne3A_3336 = arith.xori %lt3A_3333, %lt3A_3335 : i1
    %and3A_3337 = arith.andi %ne3A_3336, %ne3A_3331 : i1
    %add3A_3338 = arith.addi %rem3A_3329, %select_n3A_3328 : i32
    %select_n3A_3339 = arith.select %and3A_3337, %add3A_3338, %rem3A_3329 : i32
    %mul3A_3340 = arith.constant 128 : i32
    %mul3A_3341 = arith.muli %select_n3A_3339, %mul3A_3340 : i32
    %add3A_3342 = arith.addi %mul3A_3323, %mul3A_3341 : i32
    %dma_start3A_3343 = arith.constant 0 : i32
    %dma_start3A_3344 = tpu.memref_slice %arg6[%add3A_3342, %dma_start3A_3343] : memref<205824x128xf32, #tpu.memory_space<hbm>> -> memref<128x128xf32, #tpu.memory_space<hbm>>
    %dma_start3A_3345 = arith.constant 0 : i32
    %dma_start3A_3346 = tpu.memref_slice %arg6[%add3A_3342, %dma_start3A_3345] : memref<205824x128xf32, #tpu.memory_space<hbm>> -> memref<128x128xf32, #tpu.memory_space<hbm>>
    tpu.enqueue_dma source(%arg14 : memref<128x128xf32, #tpu.memory_space<vmem>>) target(%dma_start3A_3346 : memref<128x128xf32, #tpu.memory_space<hbm>>) target_semaphore(%arg28 : memref<!tpu.dma_semaphore, #tpu.memory_space<semaphore_mem>>)
    %dma_wait3A_3347 = arith.constant 47 : i32
    %dma_wait3A_3348 = arith.constant 0 : i32
    %dma_wait3A_3349 = tpu.memref_slice %arg7[%dma_wait3A_3347, %dma_wait3A_3348] : memref<56x128xi32, #tpu.memory_space<vmem>> -> memref<1x128xi32, #tpu.memory_space<vmem>>
    %dma_wait3A_3350 = tpu.memref_squeeze %dma_wait3A_3349 : memref<1x128xi32, #tpu.memory_space<vmem>> -> memref<128xi32, #tpu.memory_space<vmem>>
    %dma_wait3A_3351 = arith.constant 0 : i32
    %dma_wait3A_3352 = arith.constant 0 : i32
    %dma_wait3A_3353 = tpu.memref_slice %arg5[%dma_wait3A_3351, %dma_wait3A_3352] : memref<204800x128xf32, #tpu.memory_space<hbm>> -> memref<204800x128xf32, #tpu.memory_space<hbm>>
    tpu.wait_indirect_dma semaphore(%arg22 : memref<!tpu.dma_semaphore, #tpu.memory_space<semaphore_mem>>) src(%dma_wait3A_3353 : memref<204800x128xf32, #tpu.memory_space<hbm>>) dst(%arg15 : memref<128x128xf32, #tpu.memory_space<vmem>>)
    %add3A_3354 = arith.constant 47 : i32
    %add3A_3355 = arith.addi %mul3A_2, %add3A_3354 : i32
    %jit3A_3356 = arith.constant 8 : i32
    %div3A_3357 = arith.divsi %add3A_3355, %jit3A_3356 : i32
    %sign3A_3358 = arith.constant 0 : i32
    %sign3A_3359 = arith.cmpi sgt, %add3A_3355, %sign3A_3358 : i32
    %sign3A_3360 = arith.extui %sign3A_3359 : i1 to i32
    %sign3A_3361 = arith.constant 0 : i32
    %sign3A_3362 = arith.cmpi slt, %add3A_3355, %sign3A_3361 : i32
    %sign3A_3363 = arith.extui %sign3A_3362 : i1 to i32
    %sign3A_3364 = arith.subi %sign3A_3360, %sign3A_3363 : i32
    %sign3A_3365 = arith.constant 0 : i32
    %sign3A_3366 = arith.cmpi sgt, %jit3A_3356, %sign3A_3365 : i32
    %sign3A_3367 = arith.extui %sign3A_3366 : i1 to i32
    %sign3A_3368 = arith.constant 0 : i32
    %sign3A_3369 = arith.cmpi slt, %jit3A_3356, %sign3A_3368 : i32
    %sign3A_3370 = arith.extui %sign3A_3369 : i1 to i32
    %sign3A_3371 = arith.subi %sign3A_3367, %sign3A_3370 : i32
    %ne3A_3372 = arith.cmpi ne, %sign3A_3364, %sign3A_3371 : i32
    %rem3A_3373 = arith.remsi %add3A_3355, %jit3A_3356 : i32
    %ne3A_3374 = arith.constant 0 : i32
    %ne3A_3375 = arith.cmpi ne, %rem3A_3373, %ne3A_3374 : i32
    %and3A_3376 = arith.andi %ne3A_3372, %ne3A_3375 : i1
    %sub3A_3377 = arith.constant 1 : i32
    %sub3A_3378 = arith.subi %div3A_3357, %sub3A_3377 : i32
    %select_n3A_3379 = arith.select %and3A_3376, %sub3A_3378, %div3A_3357 : i32
    %add3A_3380 = arith.constant 1 : i32
    %add3A_3381 = arith.addi %add3A_3380, %select_n3A_3379 : i32
    %mul3A_3382 = arith.constant 1024 : i32
    %mul3A_3383 = arith.muli %add3A_3381, %mul3A_3382 : i32
    %jit3A_3384 = arith.constant 8 : i32
    %eq3A_3385 = arith.constant 0 : i32
    %eq3A_3386 = arith.cmpi eq, %jit3A_3384, %eq3A_3385 : i32
    %jit3A_3387 = arith.constant 1 : i32
    %select_n3A_3388 = arith.select %eq3A_3386, %jit3A_3387, %jit3A_3384 : i32
    %rem3A_3389 = arith.remsi %add3A_3355, %select_n3A_3388 : i32
    %ne3A_3390 = arith.constant 0 : i32
    %ne3A_3391 = arith.cmpi ne, %rem3A_3389, %ne3A_3390 : i32
    %lt3A_3392 = arith.constant 0 : i32
    %lt3A_3393 = arith.cmpi slt, %rem3A_3389, %lt3A_3392 : i32
    %lt3A_3394 = arith.constant 0 : i32
    %lt3A_3395 = arith.cmpi slt, %select_n3A_3388, %lt3A_3394 : i32
    %ne3A_3396 = arith.xori %lt3A_3393, %lt3A_3395 : i1
    %and3A_3397 = arith.andi %ne3A_3396, %ne3A_3391 : i1
    %add3A_3398 = arith.addi %rem3A_3389, %select_n3A_3388 : i32
    %select_n3A_3399 = arith.select %and3A_3397, %add3A_3398, %rem3A_3389 : i32
    %mul3A_3400 = arith.constant 128 : i32
    %mul3A_3401 = arith.muli %select_n3A_3399, %mul3A_3400 : i32
    %add3A_3402 = arith.addi %mul3A_3383, %mul3A_3401 : i32
    %dma_start3A_3403 = arith.constant 0 : i32
    %dma_start3A_3404 = tpu.memref_slice %arg6[%add3A_3402, %dma_start3A_3403] : memref<205824x128xf32, #tpu.memory_space<hbm>> -> memref<128x128xf32, #tpu.memory_space<hbm>>
    %dma_start3A_3405 = arith.constant 0 : i32
    %dma_start3A_3406 = tpu.memref_slice %arg6[%add3A_3402, %dma_start3A_3405] : memref<205824x128xf32, #tpu.memory_space<hbm>> -> memref<128x128xf32, #tpu.memory_space<hbm>>
    tpu.enqueue_dma source(%arg15 : memref<128x128xf32, #tpu.memory_space<vmem>>) target(%dma_start3A_3406 : memref<128x128xf32, #tpu.memory_space<hbm>>) target_semaphore(%arg29 : memref<!tpu.dma_semaphore, #tpu.memory_space<semaphore_mem>>)
    %dma_wait3A_3407 = arith.constant 48 : i32
    %dma_wait3A_3408 = arith.constant 0 : i32
    %dma_wait3A_3409 = tpu.memref_slice %arg7[%dma_wait3A_3407, %dma_wait3A_3408] : memref<56x128xi32, #tpu.memory_space<vmem>> -> memref<1x128xi32, #tpu.memory_space<vmem>>
    %dma_wait3A_3410 = tpu.memref_squeeze %dma_wait3A_3409 : memref<1x128xi32, #tpu.memory_space<vmem>> -> memref<128xi32, #tpu.memory_space<vmem>>
    %dma_wait3A_3411 = arith.constant 0 : i32
    %dma_wait3A_3412 = arith.constant 0 : i32
    %dma_wait3A_3413 = tpu.memref_slice %arg5[%dma_wait3A_3411, %dma_wait3A_3412] : memref<204800x128xf32, #tpu.memory_space<hbm>> -> memref<204800x128xf32, #tpu.memory_space<hbm>>
    tpu.wait_indirect_dma semaphore(%arg23 : memref<!tpu.dma_semaphore, #tpu.memory_space<semaphore_mem>>) src(%dma_wait3A_3413 : memref<204800x128xf32, #tpu.memory_space<hbm>>) dst(%arg16 : memref<128x128xf32, #tpu.memory_space<vmem>>)
    %add3A_3414 = arith.constant 48 : i32
    %add3A_3415 = arith.addi %mul3A_2, %add3A_3414 : i32
    %jit3A_3416 = arith.constant 8 : i32
    %div3A_3417 = arith.divsi %add3A_3415, %jit3A_3416 : i32
    %sign3A_3418 = arith.constant 0 : i32
    %sign3A_3419 = arith.cmpi sgt, %add3A_3415, %sign3A_3418 : i32
    %sign3A_3420 = arith.extui %sign3A_3419 : i1 to i32
    %sign3A_3421 = arith.constant 0 : i32
    %sign3A_3422 = arith.cmpi slt, %add3A_3415, %sign3A_3421 : i32
    %sign3A_3423 = arith.extui %sign3A_3422 : i1 to i32
    %sign3A_3424 = arith.subi %sign3A_3420, %sign3A_3423 : i32
    %sign3A_3425 = arith.constant 0 : i32
    %sign3A_3426 = arith.cmpi sgt, %jit3A_3416, %sign3A_3425 : i32
    %sign3A_3427 = arith.extui %sign3A_3426 : i1 to i32
    %sign3A_3428 = arith.constant 0 : i32
    %sign3A_3429 = arith.cmpi slt, %jit3A_3416, %sign3A_3428 : i32
    %sign3A_3430 = arith.extui %sign3A_3429 : i1 to i32
    %sign3A_3431 = arith.subi %sign3A_3427, %sign3A_3430 : i32
    %ne3A_3432 = arith.cmpi ne, %sign3A_3424, %sign3A_3431 : i32
    %rem3A_3433 = arith.remsi %add3A_3415, %jit3A_3416 : i32
    %ne3A_3434 = arith.constant 0 : i32
    %ne3A_3435 = arith.cmpi ne, %rem3A_3433, %ne3A_3434 : i32
    %and3A_3436 = arith.andi %ne3A_3432, %ne3A_3435 : i1
    %sub3A_3437 = arith.constant 1 : i32
    %sub3A_3438 = arith.subi %div3A_3417, %sub3A_3437 : i32
    %select_n3A_3439 = arith.select %and3A_3436, %sub3A_3438, %div3A_3417 : i32
    %add3A_3440 = arith.constant 1 : i32
    %add3A_3441 = arith.addi %add3A_3440, %select_n3A_3439 : i32
    %mul3A_3442 = arith.constant 1024 : i32
    %mul3A_3443 = arith.muli %add3A_3441, %mul3A_3442 : i32
    %jit3A_3444 = arith.constant 8 : i32
    %eq3A_3445 = arith.constant 0 : i32
    %eq3A_3446 = arith.cmpi eq, %jit3A_3444, %eq3A_3445 : i32
    %jit3A_3447 = arith.constant 1 : i32
    %select_n3A_3448 = arith.select %eq3A_3446, %jit3A_3447, %jit3A_3444 : i32
    %rem3A_3449 = arith.remsi %add3A_3415, %select_n3A_3448 : i32
    %ne3A_3450 = arith.constant 0 : i32
    %ne3A_3451 = arith.cmpi ne, %rem3A_3449, %ne3A_3450 : i32
    %lt3A_3452 = arith.constant 0 : i32
    %lt3A_3453 = arith.cmpi slt, %rem3A_3449, %lt3A_3452 : i32
    %lt3A_3454 = arith.constant 0 : i32
    %lt3A_3455 = arith.cmpi slt, %select_n3A_3448, %lt3A_3454 : i32
    %ne3A_3456 = arith.xori %lt3A_3453, %lt3A_3455 : i1
    %and3A_3457 = arith.andi %ne3A_3456, %ne3A_3451 : i1
    %add3A_3458 = arith.addi %rem3A_3449, %select_n3A_3448 : i32
    %select_n3A_3459 = arith.select %and3A_3457, %add3A_3458, %rem3A_3449 : i32
    %mul3A_3460 = arith.constant 128 : i32
    %mul3A_3461 = arith.muli %select_n3A_3459, %mul3A_3460 : i32
    %add3A_3462 = arith.addi %mul3A_3443, %mul3A_3461 : i32
    %dma_start3A_3463 = arith.constant 0 : i32
    %dma_start3A_3464 = tpu.memref_slice %arg6[%add3A_3462, %dma_start3A_3463] : memref<205824x128xf32, #tpu.memory_space<hbm>> -> memref<128x128xf32, #tpu.memory_space<hbm>>
    %dma_start3A_3465 = arith.constant 0 : i32
    %dma_start3A_3466 = tpu.memref_slice %arg6[%add3A_3462, %dma_start3A_3465] : memref<205824x128xf32, #tpu.memory_space<hbm>> -> memref<128x128xf32, #tpu.memory_space<hbm>>
    tpu.enqueue_dma source(%arg16 : memref<128x128xf32, #tpu.memory_space<vmem>>) target(%dma_start3A_3466 : memref<128x128xf32, #tpu.memory_space<hbm>>) target_semaphore(%arg30 : memref<!tpu.dma_semaphore, #tpu.memory_space<semaphore_mem>>)
    %dma_wait3A_3467 = arith.constant 49 : i32
    %dma_wait3A_3468 = arith.constant 0 : i32
    %dma_wait3A_3469 = tpu.memref_slice %arg7[%dma_wait3A_3467, %dma_wait3A_3468] : memref<56x128xi32, #tpu.memory_space<vmem>> -> memref<1x128xi32, #tpu.memory_space<vmem>>
    %dma_wait3A_3470 = tpu.memref_squeeze %dma_wait3A_3469 : memref<1x128xi32, #tpu.memory_space<vmem>> -> memref<128xi32, #tpu.memory_space<vmem>>
    %dma_wait3A_3471 = arith.constant 0 : i32
    %dma_wait3A_3472 = arith.constant 0 : i32
    %dma_wait3A_3473 = tpu.memref_slice %arg5[%dma_wait3A_3471, %dma_wait3A_3472] : memref<204800x128xf32, #tpu.memory_space<hbm>> -> memref<204800x128xf32, #tpu.memory_space<hbm>>
    tpu.wait_indirect_dma semaphore(%arg17 : memref<!tpu.dma_semaphore, #tpu.memory_space<semaphore_mem>>) src(%dma_wait3A_3473 : memref<204800x128xf32, #tpu.memory_space<hbm>>) dst(%arg10 : memref<128x128xf32, #tpu.memory_space<vmem>>)
    %add3A_3474 = arith.constant 49 : i32
    %add3A_3475 = arith.addi %mul3A_2, %add3A_3474 : i32
    %jit3A_3476 = arith.constant 8 : i32
    %div3A_3477 = arith.divsi %add3A_3475, %jit3A_3476 : i32
    %sign3A_3478 = arith.constant 0 : i32
    %sign3A_3479 = arith.cmpi sgt, %add3A_3475, %sign3A_3478 : i32
    %sign3A_3480 = arith.extui %sign3A_3479 : i1 to i32
    %sign3A_3481 = arith.constant 0 : i32
    %sign3A_3482 = arith.cmpi slt, %add3A_3475, %sign3A_3481 : i32
    %sign3A_3483 = arith.extui %sign3A_3482 : i1 to i32
    %sign3A_3484 = arith.subi %sign3A_3480, %sign3A_3483 : i32
    %sign3A_3485 = arith.constant 0 : i32
    %sign3A_3486 = arith.cmpi sgt, %jit3A_3476, %sign3A_3485 : i32
    %sign3A_3487 = arith.extui %sign3A_3486 : i1 to i32
    %sign3A_3488 = arith.constant 0 : i32
    %sign3A_3489 = arith.cmpi slt, %jit3A_3476, %sign3A_3488 : i32
    %sign3A_3490 = arith.extui %sign3A_3489 : i1 to i32
    %sign3A_3491 = arith.subi %sign3A_3487, %sign3A_3490 : i32
    %ne3A_3492 = arith.cmpi ne, %sign3A_3484, %sign3A_3491 : i32
    %rem3A_3493 = arith.remsi %add3A_3475, %jit3A_3476 : i32
    %ne3A_3494 = arith.constant 0 : i32
    %ne3A_3495 = arith.cmpi ne, %rem3A_3493, %ne3A_3494 : i32
    %and3A_3496 = arith.andi %ne3A_3492, %ne3A_3495 : i1
    %sub3A_3497 = arith.constant 1 : i32
    %sub3A_3498 = arith.subi %div3A_3477, %sub3A_3497 : i32
    %select_n3A_3499 = arith.select %and3A_3496, %sub3A_3498, %div3A_3477 : i32
    %add3A_3500 = arith.constant 1 : i32
    %add3A_3501 = arith.addi %add3A_3500, %select_n3A_3499 : i32
    %mul3A_3502 = arith.constant 1024 : i32
    %mul3A_3503 = arith.muli %add3A_3501, %mul3A_3502 : i32
    %jit3A_3504 = arith.constant 8 : i32
    %eq3A_3505 = arith.constant 0 : i32
    %eq3A_3506 = arith.cmpi eq, %jit3A_3504, %eq3A_3505 : i32
    %jit3A_3507 = arith.constant 1 : i32
    %select_n3A_3508 = arith.select %eq3A_3506, %jit3A_3507, %jit3A_3504 : i32
    %rem3A_3509 = arith.remsi %add3A_3475, %select_n3A_3508 : i32
    %ne3A_3510 = arith.constant 0 : i32
    %ne3A_3511 = arith.cmpi ne, %rem3A_3509, %ne3A_3510 : i32
    %lt3A_3512 = arith.constant 0 : i32
    %lt3A_3513 = arith.cmpi slt, %rem3A_3509, %lt3A_3512 : i32
    %lt3A_3514 = arith.constant 0 : i32
    %lt3A_3515 = arith.cmpi slt, %select_n3A_3508, %lt3A_3514 : i32
    %ne3A_3516 = arith.xori %lt3A_3513, %lt3A_3515 : i1
    %and3A_3517 = arith.andi %ne3A_3516, %ne3A_3511 : i1
    %add3A_3518 = arith.addi %rem3A_3509, %select_n3A_3508 : i32
    %select_n3A_3519 = arith.select %and3A_3517, %add3A_3518, %rem3A_3509 : i32
    %mul3A_3520 = arith.constant 128 : i32
    %mul3A_3521 = arith.muli %select_n3A_3519, %mul3A_3520 : i32
    %add3A_3522 = arith.addi %mul3A_3503, %mul3A_3521 : i32
    %dma_start3A_3523 = arith.constant 0 : i32
    %dma_start3A_3524 = tpu.memref_slice %arg6[%add3A_3522, %dma_start3A_3523] : memref<205824x128xf32, #tpu.memory_space<hbm>> -> memref<128x128xf32, #tpu.memory_space<hbm>>
    %dma_start3A_3525 = arith.constant 0 : i32
    %dma_start3A_3526 = tpu.memref_slice %arg6[%add3A_3522, %dma_start3A_3525] : memref<205824x128xf32, #tpu.memory_space<hbm>> -> memref<128x128xf32, #tpu.memory_space<hbm>>
    tpu.enqueue_dma source(%arg10 : memref<128x128xf32, #tpu.memory_space<vmem>>) target(%dma_start3A_3526 : memref<128x128xf32, #tpu.memory_space<hbm>>) target_semaphore(%arg24 : memref<!tpu.dma_semaphore, #tpu.memory_space<semaphore_mem>>)
    %dma_wait3A_3527 = arith.constant 0 : i32
    %dma_wait3A_3528 = tpu.memref_slice %arg6[%add3A_3151, %dma_wait3A_3527] : memref<205824x128xf32, #tpu.memory_space<hbm>> -> memref<128x128xf32, #tpu.memory_space<hbm>>
    %dma_wait3A_3529 = arith.constant 0 : i32
    %dma_wait3A_3530 = tpu.memref_slice %arg6[%add3A_3151, %dma_wait3A_3529] : memref<205824x128xf32, #tpu.memory_space<hbm>> -> memref<128x128xf32, #tpu.memory_space<hbm>>
    tpu.wait_dma2 semaphore(%arg25 : memref<!tpu.dma_semaphore, #tpu.memory_space<semaphore_mem>>) src(%arg11 : memref<128x128xf32, #tpu.memory_space<vmem>>) dst(%dma_wait3A_3530 : memref<128x128xf32, #tpu.memory_space<hbm>>)
    %dma_wait3A_3531 = arith.constant 0 : i32
    %dma_wait3A_3532 = tpu.memref_slice %arg6[%add3A_3222, %dma_wait3A_3531] : memref<205824x128xf32, #tpu.memory_space<hbm>> -> memref<128x128xf32, #tpu.memory_space<hbm>>
    %dma_wait3A_3533 = arith.constant 0 : i32
    %dma_wait3A_3534 = tpu.memref_slice %arg6[%add3A_3222, %dma_wait3A_3533] : memref<205824x128xf32, #tpu.memory_space<hbm>> -> memref<128x128xf32, #tpu.memory_space<hbm>>
    tpu.wait_dma2 semaphore(%arg26 : memref<!tpu.dma_semaphore, #tpu.memory_space<semaphore_mem>>) src(%arg12 : memref<128x128xf32, #tpu.memory_space<vmem>>) dst(%dma_wait3A_3534 : memref<128x128xf32, #tpu.memory_space<hbm>>)
    %dma_wait3A_3535 = arith.constant 0 : i32
    %dma_wait3A_3536 = tpu.memref_slice %arg6[%add3A_3282, %dma_wait3A_3535] : memref<205824x128xf32, #tpu.memory_space<hbm>> -> memref<128x128xf32, #tpu.memory_space<hbm>>
    %dma_wait3A_3537 = arith.constant 0 : i32
    %dma_wait3A_3538 = tpu.memref_slice %arg6[%add3A_3282, %dma_wait3A_3537] : memref<205824x128xf32, #tpu.memory_space<hbm>> -> memref<128x128xf32, #tpu.memory_space<hbm>>
    tpu.wait_dma2 semaphore(%arg27 : memref<!tpu.dma_semaphore, #tpu.memory_space<semaphore_mem>>) src(%arg13 : memref<128x128xf32, #tpu.memory_space<vmem>>) dst(%dma_wait3A_3538 : memref<128x128xf32, #tpu.memory_space<hbm>>)
    %dma_wait3A_3539 = arith.constant 0 : i32
    %dma_wait3A_3540 = tpu.memref_slice %arg6[%add3A_3342, %dma_wait3A_3539] : memref<205824x128xf32, #tpu.memory_space<hbm>> -> memref<128x128xf32, #tpu.memory_space<hbm>>
    %dma_wait3A_3541 = arith.constant 0 : i32
    %dma_wait3A_3542 = tpu.memref_slice %arg6[%add3A_3342, %dma_wait3A_3541] : memref<205824x128xf32, #tpu.memory_space<hbm>> -> memref<128x128xf32, #tpu.memory_space<hbm>>
    tpu.wait_dma2 semaphore(%arg28 : memref<!tpu.dma_semaphore, #tpu.memory_space<semaphore_mem>>) src(%arg14 : memref<128x128xf32, #tpu.memory_space<vmem>>) dst(%dma_wait3A_3542 : memref<128x128xf32, #tpu.memory_space<hbm>>)
    %dma_wait3A_3543 = arith.constant 0 : i32
    %dma_wait3A_3544 = tpu.memref_slice %arg6[%add3A_3402, %dma_wait3A_3543] : memref<205824x128xf32, #tpu.memory_space<hbm>> -> memref<128x128xf32, #tpu.memory_space<hbm>>
    %dma_wait3A_3545 = arith.constant 0 : i32
    %dma_wait3A_3546 = tpu.memref_slice %arg6[%add3A_3402, %dma_wait3A_3545] : memref<205824x128xf32, #tpu.memory_space<hbm>> -> memref<128x128xf32, #tpu.memory_space<hbm>>
    tpu.wait_dma2 semaphore(%arg29 : memref<!tpu.dma_semaphore, #tpu.memory_space<semaphore_mem>>) src(%arg15 : memref<128x128xf32, #tpu.memory_space<vmem>>) dst(%dma_wait3A_3546 : memref<128x128xf32, #tpu.memory_space<hbm>>)
    %dma_wait3A_3547 = arith.constant 0 : i32
    %dma_wait3A_3548 = tpu.memref_slice %arg6[%add3A_3462, %dma_wait3A_3547] : memref<205824x128xf32, #tpu.memory_space<hbm>> -> memref<128x128xf32, #tpu.memory_space<hbm>>
    %dma_wait3A_3549 = arith.constant 0 : i32
    %dma_wait3A_3550 = tpu.memref_slice %arg6[%add3A_3462, %dma_wait3A_3549] : memref<205824x128xf32, #tpu.memory_space<hbm>> -> memref<128x128xf32, #tpu.memory_space<hbm>>
    tpu.wait_dma2 semaphore(%arg30 : memref<!tpu.dma_semaphore, #tpu.memory_space<semaphore_mem>>) src(%arg16 : memref<128x128xf32, #tpu.memory_space<vmem>>) dst(%dma_wait3A_3550 : memref<128x128xf32, #tpu.memory_space<hbm>>)
    %dma_wait3A_3551 = arith.constant 0 : i32
    %dma_wait3A_3552 = tpu.memref_slice %arg6[%add3A_3522, %dma_wait3A_3551] : memref<205824x128xf32, #tpu.memory_space<hbm>> -> memref<128x128xf32, #tpu.memory_space<hbm>>
    %dma_wait3A_3553 = arith.constant 0 : i32
    %dma_wait3A_3554 = tpu.memref_slice %arg6[%add3A_3522, %dma_wait3A_3553] : memref<205824x128xf32, #tpu.memory_space<hbm>> -> memref<128x128xf32, #tpu.memory_space<hbm>>
    tpu.wait_dma2 semaphore(%arg24 : memref<!tpu.dma_semaphore, #tpu.memory_space<semaphore_mem>>) src(%arg10 : memref<128x128xf32, #tpu.memory_space<vmem>>) dst(%dma_wait3A_3554 : memref<128x128xf32, #tpu.memory_space<hbm>>)
    %dma_wait3A_3555 = arith.constant 0 : i32
    %dma_wait3A_3556 = tpu.memref_slice %arg6[%mul3A_10, %dma_wait3A_3555] : memref<205824x128xf32, #tpu.memory_space<hbm>> -> memref<32x128xf32, #tpu.memory_space<hbm>>
    %dma_wait3A_3557 = arith.constant 0 : i32
    %dma_wait3A_3558 = tpu.memref_slice %arg6[%mul3A_10, %dma_wait3A_3557] : memref<205824x128xf32, #tpu.memory_space<hbm>> -> memref<32x128xf32, #tpu.memory_space<hbm>>
    tpu.wait_dma2 semaphore(%arg31 : memref<!tpu.dma_semaphore, #tpu.memory_space<semaphore_mem>>) src(%arg9 : memref<32x128xf32, #tpu.memory_space<vmem>>) dst(%dma_wait3A_3558 : memref<32x128xf32, #tpu.memory_space<hbm>>)
    return
  }
}

</mosaic_0001>

<sc_bundles>
// kernel: _run.3.cloned.1.call-start
scs
__scs_entry_jumppad:
0x0: {  	(pc) =	sbr.rel $0x88, $3  }
0x1: {  	(tag) =	ssettag $0x0;
	lr =	simm.s32 $0x1  }
0x2: {  	[smem:$0x3F9D] =	sst lr;
	_ =	strace $0xD0000000  }
0x3: {  	_ = 	snop  }
0x4: {  	_ = 	snop  }
0x5: {  	_ = 	snop  }
0x6: {  	_ = 	snop  }
0x7: {  	_ = 	snop  }
__scs_overlays_trampoline_lowered:
0x8: {  	[smem:$0x3FAC] =	sst s0  }
0x9: {  	[smem:$0x3FAD] =	sst s1  }
0xa: {  	[smem:$0x3FAE] =	sst s2  }
0xb: {  	[smem:$0x3FAF] =	sst s3  }
0xc: {  	[smem:$0x3FB0] =	sst s4  }
0xd: {  	[smem:$0x3FB1] =	sst s5  }
0xe: {  	[smem:$0x3FB2] =	sst s6  }
0xf: {  	[smem:$0x3FB3] =	sst s7  }
0x10: {  	[smem:$0x3FB4] =	sst s8  }
0x11: {  	[smem:$0x3FB5] =	sst s9;
	s0 =	simm.s32 @!p0 $0x0  }
0x12: {  	s1 =	sld [smem:$0x3F9B];
	s0 =	simm.s32 @p0 $0x1  }
0x13: {  	[smem:$0x3FB6] =	sst s0;
	s0 =	simm.s32 @!p1 $0x0  }
0x14: {  	s2 =	sld [smem:$0x3F9A];
	s0 =	simm.s32 @p1 $0x1  }
0x15: {  	[smem:$0x3FB7] =	sst s0;
	s0 =	simm.s32 @!p2 $0x0  }
0x16: {  	s3 =	sld [smem:$0x3FDB];
	s0 =	simm.s32 @p2 $0x1  }
0x17: {  	s4 =	simm.s32 $0x1BF5;
	[smem:$0x3FB9] =	sst s0  }
0x18: {  	s0 =	sld [smem:$0x3F9C];
	_ =	swait.ge [sflag:s4], $0x0  }
0x19: {  	s7 =	sld [smem:$0x3F9D]  }
0x1a: {  	s8 =	sadd.s32 $0xFFFFE003, lr  }
0x1b: {  	s9 =	sadd.s32 $0xFFFFFEF7, lr;
	s5 =	simm.s32 $0xFFFFFFFF;
	p2 =	slt.u32 s8, $0xFFFFF086  }
0x1c: {  	p1 =	slt.u32 s9, $0xF7A;
	s5 =	simm.s32 @!p2 $0x0  }
0x1d: {  	s5 =	simm.s32 @p1 $0x1;
	p0 =	seq.s32 s7, s2  }
0x1e: {  	s7 =	smul.u32 @!p0 $0xF7A, s2;
	p2 =	seq.s32 @!p0 s5, $0x0  }
0x1f: {  	s9 =	smul.u32 $0xF7A, s1;
	s8 =	simm.s32 @!p0 $0x1BF5;
	p2 =	por !p2, p0  }
0x20: {  	[sflag:s8] =	ssyncset.s32 @!p0 $0xFFFFF086;
	s6 =	sadd.s32 @!p0 s3, s7;
	s7 =	simm.s32 @!p0 $0x108  }
0x21: {  	s3 =	sadd.s32 s3, s9;
	s6 =	sadd.s32 @!p0 $0x88, s6;
	s7 =	simm.s32 @p2 $0x1082  }
0x22: {  	[simem:s7], [sflag:s8] =	dma.local @!p0 [hbm:s6], $0xF7A  }
0x23: {  	s9 =	sor.u32 $0xD0000000, s2;
	s6 =	simm.s32 $0x108;
	_ =	swait.ge @!p0 [sflag:s8], $0x0  }
0x24: {  	s3 =	sadd.s32 $0x88, s3;
	s6 =	simm.s32 @!p1 $0x1082;
	[sflag:s4] =	ssyncset.s32 $0xFFFFF086  }
0x25: {  	[simem:s6], [sflag:s4] =	dma.local [hbm:s3], $0xF7A  }
0x26: {  	[smem:$0x3F9D] =	sst s1;
	(tag) =	ssettag s2;
	_ =	strace s9  }
0x27: {  	s1 =	sld [smem:$0x3FAD]  }
0x28: {  	s2 =	sld [smem:$0x3FAE]  }
0x29: {  	s4 =	sld [smem:$0x3FB0]  }
0x2a: {  	p0 =	seq.s32 s5, $0x0;
	s5 =	sld [smem:$0x3FB1]  }
0x2b: {  	s6 =	sld [smem:$0x3FB2]  }
0x2c: {  	s7 =	sld [smem:$0x3FB3]  }
0x2d: {  	s3 =	simm.s32 $0x108;
	s8 =	sld [smem:$0x3FB4]  }
0x2e: {  	s3 =	simm.s32 @!p0 $0x1082;
	s9 =	sld [smem:$0x3FB5]  }
0x2f: {  	lr =	sadd.s32 s0, s3;
	s0 =	sld [smem:$0x3FAC]  }
0x30: {  	s3 =	sld [smem:$0x3FAF]  }
0x31: {  	[smem:$0x3FB8] =	sst s10  }
0x32: {  	s10 =	sld [smem:$0x3FB6];
	_ =	sdelay $0x3  }
0x33: {  	p0 =	seq.s32 s10, $0x1;
	s10 =	sld [smem:$0x3FB8];
	_ =	sdelay $0x3  }
0x34: {  	[smem:$0x3FB8] =	sst s10  }
0x35: {  	s10 =	sld [smem:$0x3FB7];
	_ =	sdelay $0x3  }
0x36: {  	p1 =	seq.s32 s10, $0x1;
	s10 =	sld [smem:$0x3FB8];
	_ =	sdelay $0x3  }
0x37: {  	[smem:$0x3FB8] =	sst s10  }
0x38: {  	s10 =	sld [smem:$0x3FB9]  }
0x39: {  	_ = 	snop;
	(pc) =	sbr.ind lr, $3  }
0x3a: {  	_ = 	snop  }
0x3b: {  	_ = 	snop  }
0x3c: {  	p2 =	seq.s32 s10, $0x1;
	s10 =	sld [smem:$0x3FB8]  }
0x3d: {  	_ =	shalt  }
0x3e: {  	_ =	shalt  }
0x3f: {  	_ =	shalt  }
0x40: {  	_ =	shalt  }
0x41: {  	_ =	shalt  }
0x42: {  	_ =	shalt  }
0x43: {  	_ =	shalt  }
0x44: {  	_ =	shalt  }
0x45: {  	_ =	shalt  }
0x46: {  	_ =	shalt  }
0x47: {  	_ =	shalt  }
0x48: {  	_ =	shalt  }
0x49: {  	_ =	shalt  }
0x4a: {  	_ =	shalt  }
0x4b: {  	_ =	shalt  }
0x4c: {  	_ =	shalt  }
0x4d: {  	_ =	shalt  }
0x4e: {  	_ =	shalt  }
0x4f: {  	_ =	shalt  }
0x50: {  	_ =	shalt  }
0x51: {  	_ =	shalt  }
0x52: {  	_ =	shalt  }
0x53: {  	_ =	shalt  }
0x54: {  	_ =	shalt  }
0x55: {  	_ =	shalt  }
0x56: {  	_ =	shalt  }
0x57: {  	_ =	shalt  }
0x58: {  	_ =	shalt  }
0x59: {  	_ =	shalt  }
0x5a: {  	_ =	shalt  }
0x5b: {  	_ =	shalt  }
0x5c: {  	_ =	shalt  }
0x5d: {  	_ =	shalt  }
0x5e: {  	_ =	shalt  }
0x5f: {  	_ =	shalt  }
0x60: {  	_ =	shalt  }
0x61: {  	_ =	shalt  }
0x62: {  	_ =	shalt  }
0x63: {  	_ =	shalt  }
0x64: {  	_ =	shalt  }
0x65: {  	_ =	shalt  }
0x66: {  	_ =	shalt  }
0x67: {  	_ =	shalt  }
0x68: {  	_ =	shalt  }
0x69: {  	_ =	shalt  }
0x6a: {  	_ =	shalt  }
0x6b: {  	_ =	shalt  }
0x6c: {  	_ =	shalt  }
0x6d: {  	_ =	shalt  }
0x6e: {  	_ =	shalt  }
0x6f: {  	_ =	shalt  }
0x70: {  	_ =	shalt  }
0x71: {  	_ =	shalt  }
0x72: {  	_ =	shalt  }
0x73: {  	_ =	shalt  }
0x74: {  	_ =	shalt  }
0x75: {  	_ =	shalt  }
0x76: {  	_ =	shalt  }
0x77: {  	_ =	shalt  }
0x78: {  	_ =	shalt  }
0x79: {  	_ =	shalt  }
0x7a: {  	_ =	shalt  }
0x7b: {  	_ =	shalt  }
0x7c: {  	_ =	shalt  }
0x7d: {  	_ =	shalt  }
0x7e: {  	_ =	shalt  }
0x7f: {  	_ =	shalt  }
0x80: {  	_ =	shalt  }
0x81: {  	_ =	shalt  }
0x82: {  	_ =	shalt  }
0x83: {  	_ =	shalt  }
0x84: {  	_ =	shalt  }
0x85: {  	_ =	shalt  }
0x86: {  	_ =	shalt  }
0x87: {  	_ =	shalt  }
.Lfunc_end0:
.L_simem_size_0:
called_computation_lowered:
.L_overlay_start_0:
0x88: {  	s2 =	sld [smem:$0x3FD9]  }
0x89: {  	s3 =	sld [smem:$0x3FFE];
	_ =	sdelay $0x1  }
0x8a: {  	s1 =	srdreg.scid  }
0x8b: {  	s0 =	sand.u32 $0x1, s1  }
0x8c: {  	s18 =	sshll.u32 s0, $0xA;
	s2 =	sadd.s32 s3, s2  }
0x8d: {  	s2 =	sadd.s32 s2, s18  }
0x8e: {  	[smem:$0x3FC4] =	sst s2  }
0x8f: {  	_ = 	snop  }
0x90: {  	s2 =	sld [smem:$0x3FC9]  }
0x91: {  	s19 =	sld [smem:$0x3FC8]  }
0x92: {  	s4 =	sld [smem:$0x3FC7]  }
0x93: {  	s5 =	sld [smem:$0x3FC6]  }
0x94: {  	s6 =	sld [smem:$0x3FD0];
	(tm) =	ssettm $0x1  }
0x95: {  	s7 =	sld [smem:$0x3FFB];
	_ =	sdelay $0x3  }
0x96: {  	_ =	strace s7  }
0x97: {  	s7 =	sld [smem:$0x3FFC];
	_ =	sdelay $0x3  }
0x98: {  	_ =	strace s7  }
0x99: {  	s7 =	sld [smem:$0x3FFD];
	_ =	sdelay $0x3  }
0x9a: {  	_ =	strace s7  }
0x9b: {  	_ =	strace $0x8FFFFFFF  }
0x9c: {  	s20 =	sld [smem:$0x3FDB];
	_ =	sdelay $0x1  }
0x9d: {  	s8 =	simm.s32 $_scs_section_size  }
0x9e: {  	s9 =	simm.s32 $_size__tile_overlayer_lowered;
	s10 =	simm.s32 $_tile_overlayer_lowered  }
0x9f: {  	s23 =	simm.s32 $0x1BFF;
	s22 =	sshll.u32 s10, $0x1;
	s7 =	sadd.s32 s8, s20  }
0xa0: {  	s11 =	simm.s32 $0x0;
	s21 =	sshll.u32 s9, $0x1;
	s9 =	sadd.s32 s22, s7  }
0xa1: {  	[timem:s11], [sflag:s23] =	dma.local [hbm:s9], s21  }
0xa2: {  	_ =	swait.ge [sflag:s23], s21  }
0xa3: {  	s8 =	ssub.s32 $0x0, s21;
	[sflag:s23] =	ssyncset.done $0x0  }
0xa4: {  	[sflag:s23] =	ssyncadd.s32 s8;
	_ =	sdelay $0x1  }
0xa5: {  	s24 =	simm.s32 $0x1B8B  }
0xa6: {  	_ =	swait.ge [sflag:s24], $0x1  }
0xa7: {  	[sflag:s24] =	ssyncset.done $0x0  }
0xa8: {  	s25 =	simm.s32 $0x1B8E;
	[sflag:s24] =	ssyncadd.s32 $0xFFFFFFFF  }
0xa9: {  	s26 =	simm.s32 $execute0_lowered;
	[smem:$0x3FD2] =	sst s25  }
0xaa: {  	s8 =	sshll.u32 s26, $0x1;
	_ =	strace $0x80000046;
	[dreg:$0x1] =	wrdreg $0xFFFFFFFF  }
0xab: {  	s28 =	simm.s32 $_size_execute0_lowered;
	s7 =	sadd.s32 s7, s8;
	[dreg:$0x0] =	wrdreg $0x0  }
0xac: {  	s8 =	sshll.u32 s28, $0x1;
	[dreg:$0x2] =	wrdreg s7  }
0xad: {  	[dreg:$0x3] =	wrdreg s8  }
0xae: {  	[dreg:$0x4] =	wrdreg $0xC0  }
0xaf: {  	_ =	task [dreg:s11], $0x5FFFF  }
0xb0: {  	[dreg:$0x1] =	wrdreg $0xFFFFFFFF  }
0xb1: {  	[dreg:$0x0] =	wrdreg $0x60  }
0xb2: {  	[dreg:$0x2] =	wrdreg s2  }
0xb3: {  	[dreg:$0x3] =	wrdreg s19  }
0xb4: {  	[dreg:$0x4] =	wrdreg s4  }
0xb5: {  	[dreg:$0x5] =	wrdreg s5  }
0xb6: {  	[dreg:$0x6] =	wrdreg s6  }
0xb7: {  	[dreg:$0x7] =	wrdreg $0x9  }
0xb8: {  	_ =	task.clear_ibuf [dreg:s11], $0x8FFFF;
	_ =	strace $0x90000046  }
0xb9: {  	s29 =	simm.s32 $0x9;
	_ =	strace $0x80000048  }
0xba: {  	_ =	swait.ge [sflag:s29], $0x1  }
0xbb: {  	[sflag:s29] =	ssyncadd.s32 $0xFFFFFFFF  }
0xbc: {  	_ =	strace $0x90000048  }
0xbd: {  	_ =	sfence  }
0xbe: {  	s30 =	sld [smem:$0x0];
	_ =	sdelay $0x2  }
0xbf: {  	s31 =	sshll.u32 s1, $0xD;
	s1 =	sshrl.u32 s1, $0x2  }
0xc0: {  	s3 =	sand.u32 $0x4000, s31;
	s1 =	sadd.s32 s1, s30  }
0xc1: {  	s0 =	sor.u32 s3, s0;
	s1 =	sshll.u32 s1, $0x11  }
0xc2: {  	s0 =	sor.u32 s1, s0  }
0xc3: {  	s0 =	sadd.s32 $0x8F2B, s0  }
0xc4: {  	[sflag:s0] =	ssyncadd.remote.s32 $0x1  }
0xc5: {  	_ =	sfence.sel $0xFFFF  }
0xc6: {  	[dreg:$0x0] =	wrdreg $0xFFFFFFFF;
	(pc) =	sbr.abs _section_cstart, $3  }
0xc7: {  	[dreg:$0x1] =	wrdreg $0xFFFFFFFF  }
0xc8: {  	_ =	task.clear_ibuf [dreg:s11], $0x2FFFF;
	_ =	strace $0x9FFFFFFF  }
0xc9: {  	(tm) =	ssettm $0x7FFFFFFF  }
tec
execute0_lowered:
.L_overlay_start_1:
0x0: {  	(tag) =	ssettag $0x1  }
0x1: {  	s7 =	rddreg [dreg:$0x0]  }
0x2: {  	s6 =	rddreg [dreg:$0x1]  }
0x3: {  	s0 =	rddreg [dreg:$0x2];
	s1 =	srdreg.scid  }
0x4: {  	s18 =	stileid.u32;
	s3 =	rddreg [dreg:$0x3]  }
0x5: {  	s4 =	rddreg [dreg:$0x4];
	s1 =	sand.u32 $0x1, s1;
	s2 =	sshll.u32 s18, $0x1  }
0x6: {  	s30 =	rddreg [dreg:$0x5];
	s8 =	sor.u32 s1, s2  }
0x7: {  	[dreg:$0x6] =	wrdreg s0;
	s2 =	simm.s32 $0x0;
	s5 =	smul.u32 $0xC8000, s8  }
0x8: {  	[smem:$0x7FF] =	sst s2;
	s9 =	sshll.u32 s8, $0xF;
	s10 =	sshll.u32 s8, $0x2  }
0x9: {  	s19 =	sshll.u32 s8, $0x9;
	s8 =	smul.u32 $0x380, s8;
	s9 =	sand.u32 $0x18000, s9  }
0xa: {  	_ =	strace $0x80000047;
	s10 =	sadd.s32 s6, s10;
	s11 =	sand.u32 $0x1FE0000, s5  }
0xb: {  	[dreg:$0x7] =	wrdreg s10;
	s7 =	sadd.s32 s7, s8;
	s23 =	sadd.s32 $0x28000, s5  }
0xc: {  	s25 =	sadd.s32 $0x2C000, s5;
	s26 =	sadd.s32 $0x30000, s5;
	s12 =	sadd.s32 $0x3C000, s5  }
0xd: {  	s18 =	sadd.s32 $0x44000, s5;
	s6 =	sor.u32 s9, s11;
	s9 =	sadd.s32 s4, s19  }
0xe: {  	[dreg:$0x9] =	wrdreg s7;
	s24 =	sshrl.u32 s23, $0x3;
	s8 =	sshrl.u32 s25, $0x3  }
0xf: {  	s0 =	sshrl.u32 s26, $0x3;
	s14 =	sshrl.u32 s12, $0x3;
	s19 =	sadd.s32 $0x48000, s5  }
0x10: {  	s23 =	sadd.s32 $0x4C000, s5;
	s25 =	sadd.s32 $0x50000, s5;
	s26 =	sadd.s32 $0x54000, s5  }
0x11: {  	s11 =	sadd.s32 $0x20000, s6;
	[dreg:$0x8] =	wrdreg s9;
	s7 =	sadd.s32 s4, s24  }
0x12: {  	s28 =	sadd.s32 s4, s8;
	s8 =	sadd.s32 s4, s0;
	s9 =	sadd.s32 $0x34000, s5  }
0x13: {  	s15 =	sadd.s32 s4, s14;
	s16 =	sadd.s32 $0x40000, s6;
	s24 =	sshrl.u32 s23, $0x3  }
0x14: {  	s0 =	sshrl.u32 s26, $0x3;
	s12 =	sadd.s32 $0x60000, s6;
	[dreg:$0xb] =	wrdreg s7  }
0x15: {  	s23 =	sadd.s32 $0x70000, s5;
	s26 =	sadd.s32 $0x78000, s5;
	[dreg:$0xc] =	wrdreg s28  }
0x16: {  	s20 =	sshrl.u32 s11, $0x3;
	[dreg:$0xd] =	wrdreg s8;
	s10 =	sshrl.u32 s9, $0x3  }
0x17: {  	s11 =	sadd.s32 $0x38000, s5;
	[dreg:$0x10] =	wrdreg s15;
	s17 =	sshrl.u32 s16, $0x3  }
0x18: {  	s9 =	sadd.s32 $0x58000, s5;
	s14 =	sshrl.u32 s12, $0x3;
	s16 =	sadd.s32 $0x64000, s5  }
0x19: {  	s12 =	sadd.s32 $0x84000, s5;
	s21 =	sadd.s32 s4, s20;
	s7 =	sadd.s32 s4, s10  }
0x1a: {  	s8 =	sshrl.u32 s11, $0x3;
	s10 =	sshrl.u32 s9, $0x3;
	s11 =	sadd.s32 $0x5C000, s5  }
0x1b: {  	s15 =	sadd.s32 s4, s14;
	s9 =	sadd.s32 $0x7C000, s5;
	s14 =	sshrl.u32 s12, $0x3  }
0x1c: {  	s12 =	sadd.s32 $0xA8000, s5;
	[smem:$0x7B1] =	sst s21;
	s22 =	sadd.s32 $0x800, s21  }
0x1d: {  	[dreg:$0xe] =	wrdreg s7;
	s13 =	sadd.s32 s4, s8;
	s7 =	sadd.s32 s4, s17  }
0x1e: {  	s8 =	sshrl.u32 s18, $0x3;
	s21 =	sshrl.u32 s19, $0x3;
	[dreg:$0x19] =	wrdreg s15  }
0x1f: {  	s17 =	sshrl.u32 s16, $0x3;
	s18 =	sadd.s32 $0x68000, s5;
	[dreg:$0xa] =	wrdreg s22  }
0x20: {  	s19 =	sadd.s32 $0x6C000, s5;
	s15 =	sadd.s32 s4, s14;
	[dreg:$0xf] =	wrdreg s13  }
0x21: {  	s16 =	sadd.s32 $0x88000, s5;
	s14 =	sshrl.u32 s12, $0x3;
	[dreg:$0x11] =	wrdreg s7  }
0x22: {  	s20 =	sadd.s32 s4, s8;
	s22 =	sadd.s32 s4, s21;
	s7 =	sadd.s32 s4, s24  }
0x23: {  	s8 =	sshrl.u32 s25, $0x3;
	s21 =	sshrl.u32 s19, $0x3;
	[smem:$0x7B4] =	sst s15  }
0x24: {  	s24 =	sshrl.u32 s23, $0x3;
	s25 =	sadd.s32 $0x74000, s5;
	[dreg:$0x12] =	wrdreg s20  }
0x25: {  	s19 =	sadd.s32 $0x90000, s5;
	s23 =	sadd.s32 $0x94000, s5;
	[dreg:$0x13] =	wrdreg s22  }
0x26: {  	s15 =	sadd.s32 s4, s14;
	[dreg:$0x14] =	wrdreg s7;
	s28 =	sadd.s32 s4, s8  }
0x27: {  	s8 =	sadd.s32 s4, s0;
	s7 =	sadd.s32 s4, s10;
	s22 =	sadd.s32 s4, s21  }
0x28: {  	s0 =	sshrl.u32 s26, $0x3;
	s10 =	sshrl.u32 s9, $0x3;
	[smem:$0x7BD] =	sst s15  }
0x29: {  	s21 =	sshrl.u32 s19, $0x3;
	s26 =	sadd.s32 $0x9C000, s5;
	[dreg:$0x15] =	wrdreg s28  }
0x2a: {  	s9 =	sadd.s32 $0xA0000, s6;
	s19 =	sadd.s32 $0xB4000, s5;
	[dreg:$0x16] =	wrdreg s8  }
0x2b: {  	s8 =	sshrl.u32 s11, $0x3;
	[dreg:$0x17] =	wrdreg s7;
	s7 =	sadd.s32 s4, s17  }
0x2c: {  	[dreg:$0x1c] =	wrdreg s22;
	s11 =	sadd.s32 $0x80000, s6;
	s17 =	sshrl.u32 s16, $0x3  }
0x2d: {  	s22 =	sadd.s32 s4, s21;
	s16 =	sadd.s32 $0xAC000, s5;
	[dreg:$0x1a] =	wrdreg s7  }
0x2e: {  	s21 =	sshrl.u32 s19, $0x3;
	s13 =	sadd.s32 s4, s8;
	[smem:$0x7B7] =	sst s22  }
0x2f: {  	s8 =	sshrl.u32 s18, $0x3;
	s7 =	sadd.s32 s4, s24;
	[dreg:$0x18] =	wrdreg s13  }
0x30: {  	s18 =	sadd.s32 $0x8C000, s5;
	s22 =	sadd.s32 s4, s21;
	[dreg:$0x1d] =	wrdreg s7  }
0x31: {  	s24 =	sshrl.u32 s23, $0x3;
	s20 =	sadd.s32 s4, s8;
	[smem:$0x7C0] =	sst s22  }
0x32: {  	s8 =	sshrl.u32 s25, $0x3;
	s7 =	sadd.s32 s4, s10;
	[dreg:$0x1b] =	wrdreg s20  }
0x33: {  	s10 =	sshrl.u32 s9, $0x3;
	s28 =	sadd.s32 s4, s8;
	[smem:$0x7B2] =	sst s7  }
0x34: {  	s8 =	sadd.s32 s4, s0;
	s7 =	sadd.s32 s4, s17;
	[dreg:$0x1e] =	wrdreg s28  }
0x35: {  	s0 =	sshrl.u32 s26, $0x3;
	s26 =	sadd.s32 $0xC0000, s6;
	[dreg:$0x1f] =	wrdreg s8  }
0x36: {  	s8 =	sshrl.u32 s11, $0x3;
	[smem:$0x7B5] =	sst s7;
	s7 =	sadd.s32 s4, s24  }
0x37: {  	s6 =	sadd.s32 $0xE0000, s6;
	s13 =	sadd.s32 s4, s8;
	[smem:$0x7B8] =	sst s7  }
0x38: {  	s6 =	sshrl.u32 s6, $0x3;
	s7 =	sadd.s32 s4, s10;
	[smem:$0x7B3] =	sst s13  }
0x39: {  	s8 =	sshrl.u32 s18, $0x3;
	s6 =	sadd.s32 s4, s6;
	[smem:$0x7BB] =	sst s7  }
0x3a: {  	s17 =	sshrl.u32 s16, $0x3;
	s20 =	sadd.s32 s4, s8;
	[smem:$0x7CB] =	sst s6  }
0x3b: {  	s25 =	sadd.s32 $0x98000, s5;
	s7 =	sadd.s32 s4, s17;
	[smem:$0x7B6] =	sst s20  }
0x3c: {  	s8 =	sshrl.u32 s25, $0x3;
	s6 =	simm.s32 $0x280;
	[smem:$0x7BE] =	sst s7  }
0x3d: {  	s23 =	sadd.s32 $0xB8000, s5;
	s28 =	sadd.s32 s4, s8;
	[smem:$0x7D1] =	sst s6  }
0x3e: {  	s24 =	sshrl.u32 s23, $0x3;
	s8 =	sadd.s32 s4, s0;
	[smem:$0x7B9] =	sst s28  }
0x3f: {  	s11 =	sadd.s32 $0xA4000, s5;
	s7 =	sadd.s32 s4, s24;
	[smem:$0x7BA] =	sst s8  }
0x40: {  	s0 =	sshrl.u32 s26, $0x3;
	s26 =	simm.s32 $0x20;
	[smem:$0x7C1] =	sst s7  }
0x41: {  	s10 =	sadd.s32 $0xC4000, s5;
	s9 =	sadd.s32 s4, s0;
	[smem:$0x7CD] =	sst s26  }
0x42: {  	s8 =	sshrl.u32 s11, $0x3;
	s0 =	simm.s32 $0x180;
	[smem:$0x7C3] =	sst s9  }
0x43: {  	s11 =	sshrl.u32 s10, $0x3;
	s10 =	simm.s32 $0x480;
	[smem:$0x7CF] =	sst s0  }
0x44: {  	s26 =	simm.s32 $0xC80;
	[smem:$0x7D5] =	sst s10  }
0x45: {  	s13 =	sadd.s32 s4, s8;
	[smem:$0x7E5] =	sst s26  }
0x46: {  	s18 =	sadd.s32 $0xB0000, s5;
	s7 =	sadd.s32 s4, s11;
	[smem:$0x7BC] =	sst s13  }
0x47: {  	s17 =	sadd.s32 $0xD0000, s5;
	s9 =	simm.s32 $0x400;
	[smem:$0x7C4] =	sst s7  }
0x48: {  	s8 =	sshrl.u32 s18, $0x3;
	s11 =	simm.s32 $0x500;
	[smem:$0x7D4] =	sst s9  }
0x49: {  	s18 =	sshrl.u32 s17, $0x3;
	s17 =	simm.s32 $0x800;
	[smem:$0x7D6] =	sst s11  }
0x4a: {  	s0 =	simm.s32 $0xD80;
	[smem:$0x7DC] =	sst s17  }
0x4b: {  	s10 =	simm.s32 $0x1000;
	[smem:$0x7E7] =	sst s0  }
0x4c: {  	s25 =	sadd.s32 $0xBC000, s5;
	s20 =	sadd.s32 s4, s8;
	[smem:$0x7EC] =	sst s10  }
0x4d: {  	s24 =	sadd.s32 $0xDC000, s5;
	s7 =	sadd.s32 s4, s18;
	[smem:$0x7BF] =	sst s20  }
0x4e: {  	s8 =	sshrl.u32 s25, $0x3;
	s18 =	simm.s32 $0x880;
	[smem:$0x7C7] =	sst s7  }
0x4f: {  	s25 =	sshrl.u32 s24, $0x3;
	s24 =	simm.s32 $0xB80;
	[smem:$0x7DD] =	sst s18  }
0x50: {  	s9 =	simm.s32 $0xF80;
	[smem:$0x7E3] =	sst s24  }
0x51: {  	s11 =	simm.s32 $0x1080;
	[smem:$0x7EB] =	sst s9  }
0x52: {  	s17 =	simm.s32 $0x1380;
	[smem:$0x7ED] =	sst s11  }
0x53: {  	s12 =	sadd.s32 $0xC8000, s5;
	s28 =	sadd.s32 s4, s8;
	[smem:$0x7F3] =	sst s17  }
0x54: {  	s13 =	sadd.s32 $0xCC000, s5;
	s7 =	sadd.s32 s4, s25;
	[smem:$0x7C2] =	sst s28  }
0x55: {  	s8 =	sshrl.u32 s12, $0x3;
	s12 =	simm.s32 $0x580;
	[smem:$0x7CA] =	sst s7  }
0x56: {  	s15 =	sshrl.u32 s13, $0x3;
	s13 =	simm.s32 $0x600;
	[smem:$0x7D7] =	sst s12  }
0x57: {  	s29 =	simm.s32 $0x10;
	s25 =	simm.s32 $0xC00;
	[smem:$0x7D8] =	sst s13  }
0x58: {  	s31 =	simm.s32 $0x1C80;
	s18 =	simm.s32 $0x1400;
	[smem:$0x7E4] =	sst s25  }
0x59: {  	p0 =	por $0x0, $0x0;
	s24 =	simm.s32 $0x1700;
	[smem:$0x7F4] =	sst s18  }
0x5a: {  	s1 =	ssub.s32 $0x2, s1;
	s14 =	sadd.s32 s4, s8;
	[smem:$0x7FA] =	sst s24  }
0x5b: {  	s19 =	sadd.s32 $0xD4000, s5;
	s16 =	sadd.s32 s4, s15;
	[smem:$0x7C5] =	sst s14  }
0x5c: {  	s6 =	sshrl.u32 s1, $0x1;
	s28 =	simm.s32 $0x100;
	[smem:$0x7C6] =	sst s16  }
0x5d: {  	s1 =	ssub.s32 s1, s6;
	s7 =	simm.s32 $0x300;
	[smem:$0x7CE] =	sst s28  }
0x5e: {  	s20 =	sadd.s32 $0xD8000, s5;
	s15 =	simm.s32 $0x700;
	[smem:$0x7D2] =	sst s7  }
0x5f: {  	s8 =	sshrl.u32 s19, $0x3;
	s19 =	simm.s32 $0x900;
	[smem:$0x7DA] =	sst s15  }
0x60: {  	s22 =	sshrl.u32 s20, $0x3;
	s20 =	simm.s32 $0x980;
	[smem:$0x7DE] =	sst s19  }
0x61: {  	s6 =	simm.s32 $0x8;
	s12 =	simm.s32 $0x1100;
	[smem:$0x7DF] =	sst s20  }
0x62: {  	s1 =	smax.u32 s1, $0x1;
	s13 =	simm.s32 $0x1180;
	[smem:$0x7EE] =	sst s12  }
0x63: {  	s26 =	simm.s32 $0x2;
	s25 =	simm.s32 $0x1800;
	[smem:$0x7EF] =	sst s13  }
0x64: {  	s5 =	sadd.s32 $0xE4000, s5;
	s21 =	sadd.s32 s4, s8;
	[smem:$0x7FC] =	sst s25  }
0x65: {  	s5 =	sshrl.u32 s5, $0x3;
	s23 =	sadd.s32 s4, s22;
	[smem:$0x7C8] =	sst s21  }
0x66: {  	s10 =	simm.s32 $0x80;
	s4 =	sadd.s32 s4, s5;
	[smem:$0x7C9] =	sst s23  }
0x67: {  	p1 =	sne.s32 s1, $0x1;
	s5 =	simm.s32 $0x200;
	[smem:$0x7CC] =	sst s4  }
0x68: {  	s0 =	sadd.s32 $0xFFFFFFFF, s1;
	s8 =	simm.s32 $0x380;
	[smem:$0x7D0] =	sst s5  }
0x69: {  	s11 =	simm.s32 $0x12C80;
	s14 =	simm.s32 $0x680;
	[smem:$0x7D3] =	sst s8  }
0x6a: {  	s9 =	simm.s32 $0x16C80;
	s16 =	simm.s32 $0x780;
	[smem:$0x7D9] =	sst s14  }
0x6b: {  	s17 =	simm.s32 $0xD;
	s22 =	simm.s32 $0xA80;
	[smem:$0x7DB] =	sst s16  }
0x6c: {  	s24 =	simm.s32 $0x5;
	s28 =	simm.s32 $0xD00;
	[smem:$0x7E1] =	sst s22  }
0x6d: {  	s18 =	simm.s32 $0xC;
	s7 =	simm.s32 $0xE80;
	[smem:$0x7E6] =	sst s28  }
0x6e: {  	s15 =	simm.s32 $0x1280;
	s20 =	simm.s32 $0x6C80;
	[smem:$0x7E9] =	sst s7  }
0x6f: {  	s12 =	simm.s32 $0xEC80;
	s19 =	simm.s32 $0x1480;
	[smem:$0x7F1] =	sst s15  }
0x70: {  	s13 =	simm.s32 $0x1680;
	s25 =	simm.s32 $0x6;
	[smem:$0x7F5] =	sst s19  }
0x71: {  	s21 =	simm.s32 $0xA00;
	s23 =	simm.s32 $0xB00;
	[smem:$0x7F9] =	sst s13  }
0x72: {  	s5 =	simm.s32 $0xE00;
	s8 =	simm.s32 $0xF00;
	[smem:$0x7E0] =	sst s21  }
0x73: {  	s4 =	simm.s32 $0xF;
	s14 =	simm.s32 $0x1200;
	[smem:$0x7E2] =	sst s23  }
0x74: {  	s16 =	simm.s32 $0x1300;
	s22 =	simm.s32 $0x1580;
	[smem:$0x7E8] =	sst s5  }
0x75: {  	s7 =	simm.s32 $0x1;
	s15 =	simm.s32 $0x1780;
	[smem:$0x7EA] =	sst s8  }
0x76: {  	s13 =	simm.s32 $0x9;
	s28 =	simm.s32 $0x1880;
	[smem:$0x7F0] =	sst s14  }
0x77: {  	s19 =	simm.s32 $0xB;
	s5 =	simm.s32 $0x2C80;
	[smem:$0x7F2] =	sst s16  }
.Ltmp0:
0x78: {  	s14 =	simm.s32 $0xAC80;
	[smem:$0x7F7] =	sst s22;
	(pc) =	sbr.rel @!p1 .LBB2_5-.Ltmp0, $4  }
0x79: {  	s21 =	simm.s32 $0x1500;
	s8 =	simm.s32 $0x1AC80;
	[smem:$0x7FB] =	sst s15  }
0x7a: {  	s23 =	simm.s32 $0x1600;
	s22 =	simm.s32 $0x3;
	[smem:$0x7FD] =	sst s28  }
0x7b: {  	s16 =	simm.s32 $0xA;
	s15 =	simm.s32 $0xE;
	[smem:$0x7F6] =	sst s21  }
0x7c: {  	[smem:$0x7F8] =	sst s23;
	s23 =	simm.s32 $0x4;
	s21 =	simm.s32 $0x7  }
0x7d: {  	s1 =	rddreg [dreg:$0x7];
	s28 =	simm.s32 $0x1C00  }
0x7e: {  	[tilespmem:s28], [sflag:$0x10] =	stream.linear.gather [hbm4b:s1+s2], $0x20, $0x38;
	[tilespmem:$0x1EC80] =	vst v63  }
0x7f: {  	_ =	swait.ge [sflag:s29], $0x20  }
0x80: {  	s1 =	sld [smem:$0x7CD]  }
0x81: {  	[sflag:s29] =	ssyncset.done $0x0  }
0x82: {  	s30 =	smov.u32 s0;
	s0 =	rddreg [dreg:$0x6];
	[sflag:s29] =	ssyncadd.s32 $0xFFFFFFE0  }
0x83: {  	[tilespmem:s31], [sflag:$0xF] =	stream.indirect.gather [hbm4b:s0+s1], $0x80, s28, s1, $0xb8;
	[tilespmem:$0x1EC80] =	vst v63  }
0x84: {  	_ =	swait.ge [sflag:s4], $0x1000  }
0x85: {  	[sflag:s4] =	ssyncset.done $0x0  }
0x86: {  	s1 =	rddreg [dreg:$0x8];
	[sflag:s4] =	ssyncadd.s32 $0xFFFFF000  }
0x87: {  	[hbm4b:s1+s2] =	stream.linear.scatter [tilespmem:s31], [sflag:$0xF], $0x1000, $0x38;
	[tilespmem:$0x1EC80] =	vst v63  }
0x88: {  	s28 =	rddreg [dreg:$0x9]  }
0x89: {  	[tilespmem:s2], [sflag:$0x10] =	stream.linear.gather [hbm4b:s28+s2], $0x1C00, $0x38;
	[tilespmem:$0x1EC80] =	vst v63  }
0x8a: {  	_ =	swait.ge [sflag:s29], $0x1C00  }
0x8b: {  	[sflag:s29] =	ssyncset.done $0x0  }
0x8c: {  	[sflag:s29] =	ssyncadd.s32 $0xFFFFE400  }
0x8d: {  	[tilespmem:s5], [sflag:$0x1] =	stream.indirect.gather [hbm4b:s3+s10], $0x80, s2, s10, $0xb8;
	[tilespmem:$0x1EC80] =	vst v63  }
0x8e: {  	s28 =	sld [smem:$0x7CE]  }
0x8f: {  	[tilespmem:s20], [sflag:$0x2] =	stream.indirect.gather [hbm4b:s3+s10], $0x80, s10, s10, $0xb8;
	[tilespmem:$0x1EC80] =	vst v63  }
0x90: {  	s1 =	sld [smem:$0x7CF]  }
0x91: {  	[tilespmem:s14], [sflag:$0x3] =	stream.indirect.gather [hbm4b:s3+s10], $0x80, s28, s10, $0xb8;
	[tilespmem:$0x1EC80] =	vst v63  }
0x92: {  	s28 =	sld [smem:$0x7D0]  }
0x93: {  	[tilespmem:s12], [sflag:$0x4] =	stream.indirect.gather [hbm4b:s3+s10], $0x80, s1, s10, $0xb8;
	[tilespmem:$0x1EC80] =	vst v63  }
0x94: {  	s1 =	sld [smem:$0x7D1]  }
0x95: {  	[tilespmem:s11], [sflag:$0x5] =	stream.indirect.gather [hbm4b:s3+s10], $0x80, s28, s10, $0xb8;
	[tilespmem:$0x1EC80] =	vst v63  }
0x96: {  	s28 =	sld [smem:$0x7D2]  }
0x97: {  	[tilespmem:s9], [sflag:$0x6] =	stream.indirect.gather [hbm4b:s3+s10], $0x80, s1, s10, $0xb8;
	[tilespmem:$0x1EC80] =	vst v63  }
0x98: {  	_ = 	snop  }
0x99: {  	[tilespmem:s8], [sflag:$0x7] =	stream.indirect.gather [hbm4b:s3+s10], $0x80, s28, s10, $0xb8;
	[tilespmem:$0x1EC80] =	vst v63  }
0x9a: {  	_ =	swait.ge [sflag:s7], $0x4000  }
0x9b: {  	s28 =	sld [smem:$0x7B1]  }
0x9c: {  	[sflag:s7] =	ssyncset.done $0x0  }
0x9d: {  	[sflag:s7] =	ssyncadd.s32 $0xFFFFC000  }
0x9e: {  	[hbm4b:s28+s2] =	stream.linear.scatter [tilespmem:s5], [sflag:$0x8], $0x4000, $0x38;
	[tilespmem:$0x1EC80] =	vst v63  }
0x9f: {  	_ =	swait.ge [sflag:s26], $0x4000  }
0xa0: {  	[sflag:s26] =	ssyncset.done $0x0  }
0xa1: {  	s1 =	rddreg [dreg:$0xa];
	[sflag:s26] =	ssyncadd.s32 $0xFFFFC000  }
0xa2: {  	[hbm4b:s1+s2] =	stream.linear.scatter [tilespmem:s20], [sflag:$0x9], $0x4000, $0x38;
	[tilespmem:$0x1EC80] =	vst v63  }
0xa3: {  	_ =	swait.ge [sflag:s6], $0x4000  }
0xa4: {  	s28 =	sld [smem:$0x7D3]  }
0xa5: {  	[sflag:s6] =	ssyncset.done $0x0  }
0xa6: {  	[sflag:s6] =	ssyncadd.s32 $0xFFFFC000  }
0xa7: {  	[tilespmem:s5], [sflag:$0x1] =	stream.indirect.gather [hbm4b:s3+s10], $0x80, s28, s10, $0xb8;
	[tilespmem:$0x1EC80] =	vst v63  }
0xa8: {  	_ =	swait.ge [sflag:s22], $0x4000  }
0xa9: {  	[sflag:s22] =	ssyncset.done $0x0  }
0xaa: {  	s1 =	rddreg [dreg:$0xb];
	[sflag:s22] =	ssyncadd.s32 $0xFFFFC000  }
0xab: {  	[hbm4b:s1+s2] =	stream.linear.scatter [tilespmem:s14], [sflag:$0xA], $0x4000, $0x38;
	[tilespmem:$0x1EC80] =	vst v63  }
0xac: {  	_ =	swait.ge [sflag:s13], $0x4000  }
0xad: {  	s28 =	sld [smem:$0x7D4]  }
0xae: {  	[sflag:s13] =	ssyncset.done $0x0  }
0xaf: {  	[sflag:s13] =	ssyncadd.s32 $0xFFFFC000  }
0xb0: {  	[tilespmem:s20], [sflag:$0x2] =	stream.indirect.gather [hbm4b:s3+s10], $0x80, s28, s10, $0xb8;
	[tilespmem:$0x1EC80] =	vst v63  }
0xb1: {  	_ =	swait.ge [sflag:s23], $0x4000  }
0xb2: {  	[sflag:s23] =	ssyncset.done $0x0  }
0xb3: {  	s1 =	rddreg [dreg:$0xc];
	[sflag:s23] =	ssyncadd.s32 $0xFFFFC000  }
0xb4: {  	[hbm4b:s1+s2] =	stream.linear.scatter [tilespmem:s12], [sflag:$0xB], $0x4000, $0x38;
	[tilespmem:$0x1EC80] =	vst v63  }
0xb5: {  	_ =	swait.ge [sflag:s16], $0x4000  }
0xb6: {  	s28 =	sld [smem:$0x7D5]  }
0xb7: {  	[sflag:s16] =	ssyncset.done $0x0  }
0xb8: {  	[sflag:s16] =	ssyncadd.s32 $0xFFFFC000  }
0xb9: {  	[tilespmem:s14], [sflag:$0x3] =	stream.indirect.gather [hbm4b:s3+s10], $0x80, s28, s10, $0xb8;
	[tilespmem:$0x1EC80] =	vst v63  }
0xba: {  	_ =	swait.ge [sflag:s24], $0x4000  }
0xbb: {  	[sflag:s24] =	ssyncset.done $0x0  }
0xbc: {  	s1 =	rddreg [dreg:$0xd];
	[sflag:s24] =	ssyncadd.s32 $0xFFFFC000  }
0xbd: {  	[hbm4b:s1+s2] =	stream.linear.scatter [tilespmem:s11], [sflag:$0xC], $0x4000, $0x38;
	[tilespmem:$0x1EC80] =	vst v63  }
0xbe: {  	_ =	swait.ge [sflag:s19], $0x4000  }
0xbf: {  	s28 =	sld [smem:$0x7D6]  }
0xc0: {  	[sflag:s19] =	ssyncset.done $0x0  }
0xc1: {  	[sflag:s19] =	ssyncadd.s32 $0xFFFFC000  }
0xc2: {  	[tilespmem:s12], [sflag:$0x4] =	stream.indirect.gather [hbm4b:s3+s10], $0x80, s28, s10, $0xb8;
	[tilespmem:$0x1EC80] =	vst v63  }
0xc3: {  	_ =	swait.ge [sflag:s25], $0x4000  }
0xc4: {  	[sflag:s25] =	ssyncset.done $0x0  }
0xc5: {  	s1 =	rddreg [dreg:$0xe];
	[sflag:s25] =	ssyncadd.s32 $0xFFFFC000  }
0xc6: {  	[hbm4b:s1+s2] =	stream.linear.scatter [tilespmem:s9], [sflag:$0xD], $0x4000, $0x38;
	[tilespmem:$0x1EC80] =	vst v63  }
0xc7: {  	_ =	swait.ge [sflag:s18], $0x4000  }
0xc8: {  	s28 =	sld [smem:$0x7D7]  }
0xc9: {  	[sflag:s18] =	ssyncset.done $0x0  }
0xca: {  	[sflag:s18] =	ssyncadd.s32 $0xFFFFC000  }
0xcb: {  	[tilespmem:s11], [sflag:$0x5] =	stream.indirect.gather [hbm4b:s3+s10], $0x80, s28, s10, $0xb8;
	[tilespmem:$0x1EC80] =	vst v63  }
0xcc: {  	_ =	swait.ge [sflag:s21], $0x4000  }
0xcd: {  	[sflag:s21] =	ssyncset.done $0x0  }
0xce: {  	s1 =	rddreg [dreg:$0xf];
	[sflag:s21] =	ssyncadd.s32 $0xFFFFC000  }
0xcf: {  	[hbm4b:s1+s2] =	stream.linear.scatter [tilespmem:s8], [sflag:$0xE], $0x4000, $0x38;
	[tilespmem:$0x1EC80] =	vst v63  }
0xd0: {  	_ =	swait.ge [sflag:s17], $0x4000  }
0xd1: {  	s28 =	sld [smem:$0x7D8]  }
0xd2: {  	[sflag:s17] =	ssyncset.done $0x0  }
0xd3: {  	[sflag:s17] =	ssyncadd.s32 $0xFFFFC000  }
0xd4: {  	[tilespmem:s9], [sflag:$0x6] =	stream.indirect.gather [hbm4b:s3+s10], $0x80, s28, s10, $0xb8;
	[tilespmem:$0x1EC80] =	vst v63  }
0xd5: {  	_ =	swait.ge [sflag:s7], $0x4000  }
0xd6: {  	[sflag:s7] =	ssyncset.done $0x0  }
0xd7: {  	s1 =	rddreg [dreg:$0x10];
	[sflag:s7] =	ssyncadd.s32 $0xFFFFC000  }
0xd8: {  	[hbm4b:s1+s2] =	stream.linear.scatter [tilespmem:s5], [sflag:$0x8], $0x4000, $0x38;
	[tilespmem:$0x1EC80] =	vst v63  }
0xd9: {  	_ =	swait.ge [sflag:s15], $0x4000  }
0xda: {  	s28 =	sld [smem:$0x7D9]  }
0xdb: {  	[sflag:s15] =	ssyncset.done $0x0  }
0xdc: {  	[sflag:s15] =	ssyncadd.s32 $0xFFFFC000  }
0xdd: {  	[tilespmem:s8], [sflag:$0x7] =	stream.indirect.gather [hbm4b:s3+s10], $0x80, s28, s10, $0xb8;
	[tilespmem:$0x1EC80] =	vst v63  }
0xde: {  	_ =	swait.ge [sflag:s26], $0x4000  }
0xdf: {  	[sflag:s26] =	ssyncset.done $0x0  }
0xe0: {  	s1 =	rddreg [dreg:$0x11];
	[sflag:s26] =	ssyncadd.s32 $0xFFFFC000  }
0xe1: {  	[hbm4b:s1+s2] =	stream.linear.scatter [tilespmem:s20], [sflag:$0x9], $0x4000, $0x38;
	[tilespmem:$0x1EC80] =	vst v63  }
0xe2: {  	_ =	swait.ge [sflag:s6], $0x4000  }
0xe3: {  	s28 =	sld [smem:$0x7DA]  }
0xe4: {  	[sflag:s6] =	ssyncset.done $0x0  }
0xe5: {  	[sflag:s6] =	ssyncadd.s32 $0xFFFFC000  }
0xe6: {  	[tilespmem:s5], [sflag:$0x1] =	stream.indirect.gather [hbm4b:s3+s10], $0x80, s28, s10, $0xb8;
	[tilespmem:$0x1EC80] =	vst v63  }
0xe7: {  	_ =	swait.ge [sflag:s22], $0x4000  }
0xe8: {  	[sflag:s22] =	ssyncset.done $0x0  }
0xe9: {  	s1 =	rddreg [dreg:$0x12];
	[sflag:s22] =	ssyncadd.s32 $0xFFFFC000  }
0xea: {  	[hbm4b:s1+s2] =	stream.linear.scatter [tilespmem:s14], [sflag:$0xA], $0x4000, $0x38;
	[tilespmem:$0x1EC80] =	vst v63  }
0xeb: {  	_ =	swait.ge [sflag:s13], $0x4000  }
0xec: {  	s28 =	sld [smem:$0x7DB]  }
0xed: {  	[sflag:s13] =	ssyncset.done $0x0  }
0xee: {  	[sflag:s13] =	ssyncadd.s32 $0xFFFFC000  }
0xef: {  	[tilespmem:s20], [sflag:$0x2] =	stream.indirect.gather [hbm4b:s3+s10], $0x80, s28, s10, $0xb8;
	[tilespmem:$0x1EC80] =	vst v63  }
0xf0: {  	_ =	swait.ge [sflag:s23], $0x4000  }
0xf1: {  	[sflag:s23] =	ssyncset.done $0x0  }
0xf2: {  	s1 =	rddreg [dreg:$0x13];
	[sflag:s23] =	ssyncadd.s32 $0xFFFFC000  }
0xf3: {  	[hbm4b:s1+s2] =	stream.linear.scatter [tilespmem:s12], [sflag:$0xB], $0x4000, $0x38;
	[tilespmem:$0x1EC80] =	vst v63  }
0xf4: {  	_ =	swait.ge [sflag:s16], $0x4000  }
0xf5: {  	s28 =	sld [smem:$0x7DC]  }
0xf6: {  	[sflag:s16] =	ssyncset.done $0x0  }
0xf7: {  	[sflag:s16] =	ssyncadd.s32 $0xFFFFC000  }
0xf8: {  	[tilespmem:s14], [sflag:$0x3] =	stream.indirect.gather [hbm4b:s3+s10], $0x80, s28, s10, $0xb8;
	[tilespmem:$0x1EC80] =	vst v63  }
0xf9: {  	_ =	swait.ge [sflag:s24], $0x4000  }
0xfa: {  	[sflag:s24] =	ssyncset.done $0x0  }
0xfb: {  	s1 =	rddreg [dreg:$0x14];
	[sflag:s24] =	ssyncadd.s32 $0xFFFFC000  }
0xfc: {  	[hbm4b:s1+s2] =	stream.linear.scatter [tilespmem:s11], [sflag:$0xC], $0x4000, $0x38;
	[tilespmem:$0x1EC80] =	vst v63  }
0xfd: {  	_ =	swait.ge [sflag:s19], $0x4000  }
0xfe: {  	s28 =	sld [smem:$0x7DD]  }
0xff: {  	[sflag:s19] =	ssyncset.done $0x0  }
0x100: {  	[sflag:s19] =	ssyncadd.s32 $0xFFFFC000  }
0x101: {  	[tilespmem:s12], [sflag:$0x4] =	stream.indirect.gather [hbm4b:s3+s10], $0x80, s28, s10, $0xb8;
	[tilespmem:$0x1EC80] =	vst v63  }
0x102: {  	_ =	swait.ge [sflag:s25], $0x4000  }
0x103: {  	[sflag:s25] =	ssyncset.done $0x0  }
0x104: {  	s1 =	rddreg [dreg:$0x15];
	[sflag:s25] =	ssyncadd.s32 $0xFFFFC000  }
0x105: {  	[hbm4b:s1+s2] =	stream.linear.scatter [tilespmem:s9], [sflag:$0xD], $0x4000, $0x38;
	[tilespmem:$0x1EC80] =	vst v63  }
0x106: {  	_ =	swait.ge [sflag:s18], $0x4000  }
0x107: {  	s28 =	sld [smem:$0x7DE]  }
0x108: {  	[sflag:s18] =	ssyncset.done $0x0  }
0x109: {  	[sflag:s18] =	ssyncadd.s32 $0xFFFFC000  }
0x10a: {  	[tilespmem:s11], [sflag:$0x5] =	stream.indirect.gather [hbm4b:s3+s10], $0x80, s28, s10, $0xb8;
	[tilespmem:$0x1EC80] =	vst v63  }
0x10b: {  	_ =	swait.ge [sflag:s21], $0x4000  }
0x10c: {  	[sflag:s21] =	ssyncset.done $0x0  }
0x10d: {  	s1 =	rddreg [dreg:$0x16];
	[sflag:s21] =	ssyncadd.s32 $0xFFFFC000  }
0x10e: {  	[hbm4b:s1+s2] =	stream.linear.scatter [tilespmem:s8], [sflag:$0xE], $0x4000, $0x38;
	[tilespmem:$0x1EC80] =	vst v63  }
0x10f: {  	_ =	swait.ge [sflag:s17], $0x4000  }
0x110: {  	s28 =	sld [smem:$0x7DF]  }
0x111: {  	[sflag:s17] =	ssyncset.done $0x0  }
0x112: {  	[sflag:s17] =	ssyncadd.s32 $0xFFFFC000  }
0x113: {  	[tilespmem:s9], [sflag:$0x6] =	stream.indirect.gather [hbm4b:s3+s10], $0x80, s28, s10, $0xb8;
	[tilespmem:$0x1EC80] =	vst v63  }
0x114: {  	_ =	swait.ge [sflag:s7], $0x4000  }
0x115: {  	[sflag:s7] =	ssyncset.done $0x0  }
0x116: {  	s1 =	rddreg [dreg:$0x17];
	[sflag:s7] =	ssyncadd.s32 $0xFFFFC000  }
0x117: {  	[hbm4b:s1+s2] =	stream.linear.scatter [tilespmem:s5], [sflag:$0x8], $0x4000, $0x38;
	[tilespmem:$0x1EC80] =	vst v63  }
0x118: {  	_ =	swait.ge [sflag:s15], $0x4000  }
0x119: {  	s28 =	sld [smem:$0x7E0]  }
0x11a: {  	[sflag:s15] =	ssyncset.done $0x0  }
0x11b: {  	[sflag:s15] =	ssyncadd.s32 $0xFFFFC000  }
0x11c: {  	[tilespmem:s8], [sflag:$0x7] =	stream.indirect.gather [hbm4b:s3+s10], $0x80, s28, s10, $0xb8;
	[tilespmem:$0x1EC80] =	vst v63  }
0x11d: {  	_ =	swait.ge [sflag:s26], $0x4000  }
0x11e: {  	[sflag:s26] =	ssyncset.done $0x0  }
0x11f: {  	s1 =	rddreg [dreg:$0x18];
	[sflag:s26] =	ssyncadd.s32 $0xFFFFC000  }
0x120: {  	[hbm4b:s1+s2] =	stream.linear.scatter [tilespmem:s20], [sflag:$0x9], $0x4000, $0x38;
	[tilespmem:$0x1EC80] =	vst v63  }
0x121: {  	_ =	swait.ge [sflag:s6], $0x4000  }
0x122: {  	s28 =	sld [smem:$0x7E1]  }
0x123: {  	[sflag:s6] =	ssyncset.done $0x0  }
0x124: {  	[sflag:s6] =	ssyncadd.s32 $0xFFFFC000  }
0x125: {  	[tilespmem:s5], [sflag:$0x1] =	stream.indirect.gather [hbm4b:s3+s10], $0x80, s28, s10, $0xb8;
	[tilespmem:$0x1EC80] =	vst v63  }
0x126: {  	_ =	swait.ge [sflag:s22], $0x4000  }
0x127: {  	[sflag:s22] =	ssyncset.done $0x0  }
0x128: {  	s1 =	rddreg [dreg:$0x19];
	[sflag:s22] =	ssyncadd.s32 $0xFFFFC000  }
0x129: {  	[hbm4b:s1+s2] =	stream.linear.scatter [tilespmem:s14], [sflag:$0xA], $0x4000, $0x38;
	[tilespmem:$0x1EC80] =	vst v63  }
0x12a: {  	_ =	swait.ge [sflag:s13], $0x4000  }
0x12b: {  	s28 =	sld [smem:$0x7E2]  }
0x12c: {  	[sflag:s13] =	ssyncset.done $0x0  }
0x12d: {  	[sflag:s13] =	ssyncadd.s32 $0xFFFFC000  }
0x12e: {  	[tilespmem:s20], [sflag:$0x2] =	stream.indirect.gather [hbm4b:s3+s10], $0x80, s28, s10, $0xb8;
	[tilespmem:$0x1EC80] =	vst v63  }
0x12f: {  	_ =	swait.ge [sflag:s23], $0x4000  }
0x130: {  	[sflag:s23] =	ssyncset.done $0x0  }
0x131: {  	s1 =	rddreg [dreg:$0x1a];
	[sflag:s23] =	ssyncadd.s32 $0xFFFFC000  }
0x132: {  	[hbm4b:s1+s2] =	stream.linear.scatter [tilespmem:s12], [sflag:$0xB], $0x4000, $0x38;
	[tilespmem:$0x1EC80] =	vst v63  }
0x133: {  	_ =	swait.ge [sflag:s16], $0x4000  }
0x134: {  	s28 =	sld [smem:$0x7E3]  }
0x135: {  	[sflag:s16] =	ssyncset.done $0x0  }
0x136: {  	[sflag:s16] =	ssyncadd.s32 $0xFFFFC000  }
0x137: {  	[tilespmem:s14], [sflag:$0x3] =	stream.indirect.gather [hbm4b:s3+s10], $0x80, s28, s10, $0xb8;
	[tilespmem:$0x1EC80] =	vst v63  }
0x138: {  	_ =	swait.ge [sflag:s24], $0x4000  }
0x139: {  	[sflag:s24] =	ssyncset.done $0x0  }
0x13a: {  	s1 =	rddreg [dreg:$0x1b];
	[sflag:s24] =	ssyncadd.s32 $0xFFFFC000  }
0x13b: {  	[hbm4b:s1+s2] =	stream.linear.scatter [tilespmem:s11], [sflag:$0xC], $0x4000, $0x38;
	[tilespmem:$0x1EC80] =	vst v63  }
0x13c: {  	_ =	swait.ge [sflag:s19], $0x4000  }
0x13d: {  	s28 =	sld [smem:$0x7E4]  }
0x13e: {  	[sflag:s19] =	ssyncset.done $0x0  }
0x13f: {  	[sflag:s19] =	ssyncadd.s32 $0xFFFFC000  }
0x140: {  	[tilespmem:s12], [sflag:$0x4] =	stream.indirect.gather [hbm4b:s3+s10], $0x80, s28, s10, $0xb8;
	[tilespmem:$0x1EC80] =	vst v63  }
0x141: {  	_ =	swait.ge [sflag:s25], $0x4000  }
0x142: {  	[sflag:s25] =	ssyncset.done $0x0  }
0x143: {  	s1 =	rddreg [dreg:$0x1c];
	[sflag:s25] =	ssyncadd.s32 $0xFFFFC000  }
0x144: {  	[hbm4b:s1+s2] =	stream.linear.scatter [tilespmem:s9], [sflag:$0xD], $0x4000, $0x38;
	[tilespmem:$0x1EC80] =	vst v63  }
0x145: {  	_ =	swait.ge [sflag:s18], $0x4000  }
0x146: {  	s28 =	sld [smem:$0x7E5]  }
0x147: {  	[sflag:s18] =	ssyncset.done $0x0  }
0x148: {  	[sflag:s18] =	ssyncadd.s32 $0xFFFFC000  }
0x149: {  	[tilespmem:s11], [sflag:$0x5] =	stream.indirect.gather [hbm4b:s3+s10], $0x80, s28, s10, $0xb8;
	[tilespmem:$0x1EC80] =	vst v63  }
0x14a: {  	_ =	swait.ge [sflag:s21], $0x4000  }
0x14b: {  	[sflag:s21] =	ssyncset.done $0x0  }
0x14c: {  	s1 =	rddreg [dreg:$0x1d];
	[sflag:s21] =	ssyncadd.s32 $0xFFFFC000  }
0x14d: {  	[hbm4b:s1+s2] =	stream.linear.scatter [tilespmem:s8], [sflag:$0xE], $0x4000, $0x38;
	[tilespmem:$0x1EC80] =	vst v63  }
0x14e: {  	_ =	swait.ge [sflag:s17], $0x4000  }
0x14f: {  	s28 =	sld [smem:$0x7E6]  }
0x150: {  	[sflag:s17] =	ssyncset.done $0x0  }
0x151: {  	[sflag:s17] =	ssyncadd.s32 $0xFFFFC000  }
0x152: {  	[tilespmem:s9], [sflag:$0x6] =	stream.indirect.gather [hbm4b:s3+s10], $0x80, s28, s10, $0xb8;
	[tilespmem:$0x1EC80] =	vst v63  }
0x153: {  	_ =	swait.ge [sflag:s7], $0x4000  }
0x154: {  	[sflag:s7] =	ssyncset.done $0x0  }
0x155: {  	s1 =	rddreg [dreg:$0x1e];
	[sflag:s7] =	ssyncadd.s32 $0xFFFFC000  }
0x156: {  	[hbm4b:s1+s2] =	stream.linear.scatter [tilespmem:s5], [sflag:$0x8], $0x4000, $0x38;
	[tilespmem:$0x1EC80] =	vst v63  }
0x157: {  	_ =	swait.ge [sflag:s15], $0x4000  }
0x158: {  	s28 =	sld [smem:$0x7E7]  }
0x159: {  	[sflag:s15] =	ssyncset.done $0x0  }
0x15a: {  	[sflag:s15] =	ssyncadd.s32 $0xFFFFC000  }
0x15b: {  	[tilespmem:s8], [sflag:$0x7] =	stream.indirect.gather [hbm4b:s3+s10], $0x80, s28, s10, $0xb8;
	[tilespmem:$0x1EC80] =	vst v63  }
0x15c: {  	_ =	swait.ge [sflag:s26], $0x4000  }
0x15d: {  	[sflag:s26] =	ssyncset.done $0x0  }
0x15e: {  	s1 =	rddreg [dreg:$0x1f];
	[sflag:s26] =	ssyncadd.s32 $0xFFFFC000  }
0x15f: {  	[hbm4b:s1+s2] =	stream.linear.scatter [tilespmem:s20], [sflag:$0x9], $0x4000, $0x38;
	[tilespmem:$0x1EC80] =	vst v63  }
0x160: {  	_ =	swait.ge [sflag:s6], $0x4000  }
0x161: {  	s28 =	sld [smem:$0x7E8]  }
0x162: {  	[sflag:s6] =	ssyncset.done $0x0  }
0x163: {  	[sflag:s6] =	ssyncadd.s32 $0xFFFFC000  }
0x164: {  	[tilespmem:s5], [sflag:$0x1] =	stream.indirect.gather [hbm4b:s3+s10], $0x80, s28, s10, $0xb8;
	[tilespmem:$0x1EC80] =	vst v63  }
0x165: {  	_ =	swait.ge [sflag:s22], $0x4000  }
0x166: {  	s1 =	sld [smem:$0x7B2]  }
0x167: {  	[sflag:s22] =	ssyncset.done $0x0  }
0x168: {  	[sflag:s22] =	ssyncadd.s32 $0xFFFFC000  }
0x169: {  	[hbm4b:s1+s2] =	stream.linear.scatter [tilespmem:s14], [sflag:$0xA], $0x4000, $0x38;
	[tilespmem:$0x1EC80] =	vst v63  }
0x16a: {  	_ =	swait.ge [sflag:s13], $0x4000  }
0x16b: {  	s28 =	sld [smem:$0x7E9]  }
0x16c: {  	[sflag:s13] =	ssyncset.done $0x0  }
0x16d: {  	[sflag:s13] =	ssyncadd.s32 $0xFFFFC000  }
0x16e: {  	[tilespmem:s20], [sflag:$0x2] =	stream.indirect.gather [hbm4b:s3+s10], $0x80, s28, s10, $0xb8;
	[tilespmem:$0x1EC80] =	vst v63  }
0x16f: {  	_ =	swait.ge [sflag:s23], $0x4000  }
0x170: {  	s1 =	sld [smem:$0x7B3]  }
0x171: {  	[sflag:s23] =	ssyncset.done $0x0  }
0x172: {  	[sflag:s23] =	ssyncadd.s32 $0xFFFFC000  }
0x173: {  	[hbm4b:s1+s2] =	stream.linear.scatter [tilespmem:s12], [sflag:$0xB], $0x4000, $0x38;
	[tilespmem:$0x1EC80] =	vst v63  }
0x174: {  	_ =	swait.ge [sflag:s16], $0x4000  }
0x175: {  	s28 =	sld [smem:$0x7EA]  }
0x176: {  	[sflag:s16] =	ssyncset.done $0x0  }
0x177: {  	[sflag:s16] =	ssyncadd.s32 $0xFFFFC000  }
0x178: {  	[tilespmem:s14], [sflag:$0x3] =	stream.indirect.gather [hbm4b:s3+s10], $0x80, s28, s10, $0xb8;
	[tilespmem:$0x1EC80] =	vst v63  }
0x179: {  	_ =	swait.ge [sflag:s24], $0x4000  }
0x17a: {  	s1 =	sld [smem:$0x7B4]  }
0x17b: {  	[sflag:s24] =	ssyncset.done $0x0  }
0x17c: {  	[sflag:s24] =	ssyncadd.s32 $0xFFFFC000  }
0x17d: {  	[hbm4b:s1+s2] =	stream.linear.scatter [tilespmem:s11], [sflag:$0xC], $0x4000, $0x38;
	[tilespmem:$0x1EC80] =	vst v63  }
0x17e: {  	_ =	swait.ge [sflag:s19], $0x4000  }
0x17f: {  	s28 =	sld [smem:$0x7EB]  }
0x180: {  	[sflag:s19] =	ssyncset.done $0x0  }
0x181: {  	[sflag:s19] =	ssyncadd.s32 $0xFFFFC000  }
0x182: {  	[tilespmem:s12], [sflag:$0x4] =	stream.indirect.gather [hbm4b:s3+s10], $0x80, s28, s10, $0xb8;
	[tilespmem:$0x1EC80] =	vst v63  }
0x183: {  	_ =	swait.ge [sflag:s25], $0x4000  }
0x184: {  	s1 =	sld [smem:$0x7B5]  }
0x185: {  	[sflag:s25] =	ssyncset.done $0x0  }
0x186: {  	[sflag:s25] =	ssyncadd.s32 $0xFFFFC000  }
0x187: {  	[hbm4b:s1+s2] =	stream.linear.scatter [tilespmem:s9], [sflag:$0xD], $0x4000, $0x38;
	[tilespmem:$0x1EC80] =	vst v63  }
0x188: {  	_ =	swait.ge [sflag:s18], $0x4000  }
0x189: {  	s28 =	sld [smem:$0x7EC]  }
0x18a: {  	[sflag:s18] =	ssyncset.done $0x0  }
0x18b: {  	[sflag:s18] =	ssyncadd.s32 $0xFFFFC000  }
0x18c: {  	[tilespmem:s11], [sflag:$0x5] =	stream.indirect.gather [hbm4b:s3+s10], $0x80, s28, s10, $0xb8;
	[tilespmem:$0x1EC80] =	vst v63  }
0x18d: {  	_ =	swait.ge [sflag:s21], $0x4000  }
0x18e: {  	s1 =	sld [smem:$0x7B6]  }
0x18f: {  	[sflag:s21] =	ssyncset.done $0x0  }
0x190: {  	[sflag:s21] =	ssyncadd.s32 $0xFFFFC000  }
0x191: {  	[hbm4b:s1+s2] =	stream.linear.scatter [tilespmem:s8], [sflag:$0xE], $0x4000, $0x38;
	[tilespmem:$0x1EC80] =	vst v63  }
0x192: {  	_ =	swait.ge [sflag:s17], $0x4000  }
0x193: {  	s28 =	sld [smem:$0x7ED]  }
0x194: {  	[sflag:s17] =	ssyncset.done $0x0  }
0x195: {  	[sflag:s17] =	ssyncadd.s32 $0xFFFFC000  }
0x196: {  	[tilespmem:s9], [sflag:$0x6] =	stream.indirect.gather [hbm4b:s3+s10], $0x80, s28, s10, $0xb8;
	[tilespmem:$0x1EC80] =	vst v63  }
0x197: {  	_ =	swait.ge [sflag:s7], $0x4000  }
0x198: {  	s1 =	sld [smem:$0x7B7]  }
0x199: {  	[sflag:s7] =	ssyncset.done $0x0  }
0x19a: {  	[sflag:s7] =	ssyncadd.s32 $0xFFFFC000  }
0x19b: {  	[hbm4b:s1+s2] =	stream.linear.scatter [tilespmem:s5], [sflag:$0x8], $0x4000, $0x38;
	[tilespmem:$0x1EC80] =	vst v63  }
0x19c: {  	_ =	swait.ge [sflag:s15], $0x4000  }
0x19d: {  	s28 =	sld [smem:$0x7EE]  }
0x19e: {  	[sflag:s15] =	ssyncset.done $0x0  }
0x19f: {  	[sflag:s15] =	ssyncadd.s32 $0xFFFFC000  }
0x1a0: {  	[tilespmem:s8], [sflag:$0x7] =	stream.indirect.gather [hbm4b:s3+s10], $0x80, s28, s10, $0xb8;
	[tilespmem:$0x1EC80] =	vst v63  }
0x1a1: {  	_ =	swait.ge [sflag:s26], $0x4000  }
0x1a2: {  	s1 =	sld [smem:$0x7B8]  }
0x1a3: {  	[sflag:s26] =	ssyncset.done $0x0  }
0x1a4: {  	[sflag:s26] =	ssyncadd.s32 $0xFFFFC000  }
0x1a5: {  	[hbm4b:s1+s2] =	stream.linear.scatter [tilespmem:s20], [sflag:$0x9], $0x4000, $0x38;
	[tilespmem:$0x1EC80] =	vst v63  }
0x1a6: {  	_ =	swait.ge [sflag:s6], $0x4000  }
0x1a7: {  	s28 =	sld [smem:$0x7EF]  }
0x1a8: {  	[sflag:s6] =	ssyncset.done $0x0  }
0x1a9: {  	[sflag:s6] =	ssyncadd.s32 $0xFFFFC000  }
0x1aa: {  	[tilespmem:s5], [sflag:$0x1] =	stream.indirect.gather [hbm4b:s3+s10], $0x80, s28, s10, $0xb8;
	[tilespmem:$0x1EC80] =	vst v63  }
0x1ab: {  	_ =	swait.ge [sflag:s22], $0x4000  }
0x1ac: {  	s1 =	sld [smem:$0x7B9]  }
0x1ad: {  	[sflag:s22] =	ssyncset.done $0x0  }
0x1ae: {  	[sflag:s22] =	ssyncadd.s32 $0xFFFFC000  }
0x1af: {  	[hbm4b:s1+s2] =	stream.linear.scatter [tilespmem:s14], [sflag:$0xA], $0x4000, $0x38;
	[tilespmem:$0x1EC80] =	vst v63  }
0x1b0: {  	_ =	swait.ge [sflag:s13], $0x4000  }
0x1b1: {  	s28 =	sld [smem:$0x7F0]  }
0x1b2: {  	[sflag:s13] =	ssyncset.done $0x0  }
0x1b3: {  	[sflag:s13] =	ssyncadd.s32 $0xFFFFC000  }
0x1b4: {  	[tilespmem:s20], [sflag:$0x2] =	stream.indirect.gather [hbm4b:s3+s10], $0x80, s28, s10, $0xb8;
	[tilespmem:$0x1EC80] =	vst v63  }
0x1b5: {  	_ =	swait.ge [sflag:s23], $0x4000  }
0x1b6: {  	s1 =	sld [smem:$0x7BA]  }
0x1b7: {  	[sflag:s23] =	ssyncset.done $0x0  }
0x1b8: {  	[sflag:s23] =	ssyncadd.s32 $0xFFFFC000  }
0x1b9: {  	[hbm4b:s1+s2] =	stream.linear.scatter [tilespmem:s12], [sflag:$0xB], $0x4000, $0x38;
	[tilespmem:$0x1EC80] =	vst v63  }
0x1ba: {  	_ =	swait.ge [sflag:s16], $0x4000  }
0x1bb: {  	s28 =	sld [smem:$0x7F1]  }
0x1bc: {  	[sflag:s16] =	ssyncset.done $0x0  }
0x1bd: {  	[sflag:s16] =	ssyncadd.s32 $0xFFFFC000  }
0x1be: {  	[tilespmem:s14], [sflag:$0x3] =	stream.indirect.gather [hbm4b:s3+s10], $0x80, s28, s10, $0xb8;
	[tilespmem:$0x1EC80] =	vst v63  }
0x1bf: {  	_ =	swait.ge [sflag:s24], $0x4000  }
0x1c0: {  	s1 =	sld [smem:$0x7BB]  }
0x1c1: {  	[sflag:s24] =	ssyncset.done $0x0  }
0x1c2: {  	[sflag:s24] =	ssyncadd.s32 $0xFFFFC000  }
0x1c3: {  	[hbm4b:s1+s2] =	stream.linear.scatter [tilespmem:s11], [sflag:$0xC], $0x4000, $0x38;
	[tilespmem:$0x1EC80] =	vst v63  }
0x1c4: {  	_ =	swait.ge [sflag:s19], $0x4000  }
0x1c5: {  	s28 =	sld [smem:$0x7F2]  }
0x1c6: {  	[sflag:s19] =	ssyncset.done $0x0  }
0x1c7: {  	[sflag:s19] =	ssyncadd.s32 $0xFFFFC000  }
0x1c8: {  	[tilespmem:s12], [sflag:$0x4] =	stream.indirect.gather [hbm4b:s3+s10], $0x80, s28, s10, $0xb8;
	[tilespmem:$0x1EC80] =	vst v63  }
0x1c9: {  	_ =	swait.ge [sflag:s25], $0x4000  }
0x1ca: {  	s1 =	sld [smem:$0x7BC]  }
0x1cb: {  	[sflag:s25] =	ssyncset.done $0x0  }
0x1cc: {  	[sflag:s25] =	ssyncadd.s32 $0xFFFFC000  }
0x1cd: {  	[hbm4b:s1+s2] =	stream.linear.scatter [tilespmem:s9], [sflag:$0xD], $0x4000, $0x38;
	[tilespmem:$0x1EC80] =	vst v63  }
0x1ce: {  	_ =	swait.ge [sflag:s18], $0x4000  }
0x1cf: {  	s28 =	sld [smem:$0x7F3]  }
0x1d0: {  	[sflag:s18] =	ssyncset.done $0x0  }
0x1d1: {  	[sflag:s18] =	ssyncadd.s32 $0xFFFFC000  }
0x1d2: {  	[tilespmem:s11], [sflag:$0x5] =	stream.indirect.gather [hbm4b:s3+s10], $0x80, s28, s10, $0xb8;
	[tilespmem:$0x1EC80] =	vst v63  }
0x1d3: {  	_ =	swait.ge [sflag:s21], $0x4000  }
0x1d4: {  	s1 =	sld [smem:$0x7BD]  }
0x1d5: {  	[sflag:s21] =	ssyncset.done $0x0  }
0x1d6: {  	[sflag:s21] =	ssyncadd.s32 $0xFFFFC000  }
0x1d7: {  	[hbm4b:s1+s2] =	stream.linear.scatter [tilespmem:s8], [sflag:$0xE], $0x4000, $0x38;
	[tilespmem:$0x1EC80] =	vst v63  }
0x1d8: {  	_ =	swait.ge [sflag:s17], $0x4000  }
0x1d9: {  	s28 =	sld [smem:$0x7F4]  }
0x1da: {  	[sflag:s17] =	ssyncset.done $0x0  }
0x1db: {  	[sflag:s17] =	ssyncadd.s32 $0xFFFFC000  }
0x1dc: {  	[tilespmem:s9], [sflag:$0x6] =	stream.indirect.gather [hbm4b:s3+s10], $0x80, s28, s10, $0xb8;
	[tilespmem:$0x1EC80] =	vst v63  }
0x1dd: {  	_ =	swait.ge [sflag:s7], $0x4000  }
0x1de: {  	s1 =	sld [smem:$0x7BE]  }
0x1df: {  	[sflag:s7] =	ssyncset.done $0x0  }
0x1e0: {  	[sflag:s7] =	ssyncadd.s32 $0xFFFFC000  }
0x1e1: {  	[hbm4b:s1+s2] =	stream.linear.scatter [tilespmem:s5], [sflag:$0x8], $0x4000, $0x38;
	[tilespmem:$0x1EC80] =	vst v63  }
0x1e2: {  	_ =	swait.ge [sflag:s15], $0x4000  }
0x1e3: {  	s28 =	sld [smem:$0x7F5]  }
0x1e4: {  	[sflag:s15] =	ssyncset.done $0x0  }
0x1e5: {  	[sflag:s15] =	ssyncadd.s32 $0xFFFFC000  }
0x1e6: {  	[tilespmem:s8], [sflag:$0x7] =	stream.indirect.gather [hbm4b:s3+s10], $0x80, s28, s10, $0xb8;
	[tilespmem:$0x1EC80] =	vst v63  }
0x1e7: {  	_ =	swait.ge [sflag:s26], $0x4000  }
0x1e8: {  	s1 =	sld [smem:$0x7BF]  }
0x1e9: {  	[sflag:s26] =	ssyncset.done $0x0  }
0x1ea: {  	[sflag:s26] =	ssyncadd.s32 $0xFFFFC000  }
0x1eb: {  	[hbm4b:s1+s2] =	stream.linear.scatter [tilespmem:s20], [sflag:$0x9], $0x4000, $0x38;
	[tilespmem:$0x1EC80] =	vst v63  }
0x1ec: {  	_ =	swait.ge [sflag:s6], $0x4000  }
0x1ed: {  	s28 =	sld [smem:$0x7F6]  }
0x1ee: {  	[sflag:s6] =	ssyncset.done $0x0  }
0x1ef: {  	[sflag:s6] =	ssyncadd.s32 $0xFFFFC000  }
0x1f0: {  	[tilespmem:s5], [sflag:$0x1] =	stream.indirect.gather [hbm4b:s3+s10], $0x80, s28, s10, $0xb8;
	[tilespmem:$0x1EC80] =	vst v63  }
0x1f1: {  	_ =	swait.ge [sflag:s22], $0x4000  }
0x1f2: {  	s1 =	sld [smem:$0x7C0]  }
0x1f3: {  	[sflag:s22] =	ssyncset.done $0x0  }
0x1f4: {  	[sflag:s22] =	ssyncadd.s32 $0xFFFFC000  }
0x1f5: {  	[hbm4b:s1+s2] =	stream.linear.scatter [tilespmem:s14], [sflag:$0xA], $0x4000, $0x38;
	[tilespmem:$0x1EC80] =	vst v63  }
0x1f6: {  	_ =	swait.ge [sflag:s13], $0x4000  }
0x1f7: {  	s28 =	sld [smem:$0x7F7]  }
0x1f8: {  	[sflag:s13] =	ssyncset.done $0x0  }
0x1f9: {  	[sflag:s13] =	ssyncadd.s32 $0xFFFFC000  }
0x1fa: {  	[tilespmem:s20], [sflag:$0x2] =	stream.indirect.gather [hbm4b:s3+s10], $0x80, s28, s10, $0xb8;
	[tilespmem:$0x1EC80] =	vst v63  }
0x1fb: {  	_ =	swait.ge [sflag:s23], $0x4000  }
0x1fc: {  	s1 =	sld [smem:$0x7C1]  }
0x1fd: {  	[sflag:s23] =	ssyncset.done $0x0  }
0x1fe: {  	[sflag:s23] =	ssyncadd.s32 $0xFFFFC000  }
0x1ff: {  	[hbm4b:s1+s2] =	stream.linear.scatter [tilespmem:s12], [sflag:$0xB], $0x4000, $0x38;
	[tilespmem:$0x1EC80] =	vst v63  }
0x200: {  	_ =	swait.ge [sflag:s16], $0x4000  }
0x201: {  	s28 =	sld [smem:$0x7F8]  }
0x202: {  	[sflag:s16] =	ssyncset.done $0x0  }
0x203: {  	[sflag:s16] =	ssyncadd.s32 $0xFFFFC000  }
0x204: {  	[tilespmem:s14], [sflag:$0x3] =	stream.indirect.gather [hbm4b:s3+s10], $0x80, s28, s10, $0xb8;
	[tilespmem:$0x1EC80] =	vst v63  }
0x205: {  	_ =	swait.ge [sflag:s24], $0x4000  }
0x206: {  	s1 =	sld [smem:$0x7C2]  }
0x207: {  	[sflag:s24] =	ssyncset.done $0x0  }
0x208: {  	[sflag:s24] =	ssyncadd.s32 $0xFFFFC000  }
0x209: {  	[hbm4b:s1+s2] =	stream.linear.scatter [tilespmem:s11], [sflag:$0xC], $0x4000, $0x38;
	[tilespmem:$0x1EC80] =	vst v63  }
0x20a: {  	_ =	swait.ge [sflag:s19], $0x4000  }
0x20b: {  	s28 =	sld [smem:$0x7F9]  }
0x20c: {  	[sflag:s19] =	ssyncset.done $0x0  }
0x20d: {  	[sflag:s19] =	ssyncadd.s32 $0xFFFFC000  }
0x20e: {  	[tilespmem:s12], [sflag:$0x4] =	stream.indirect.gather [hbm4b:s3+s10], $0x80, s28, s10, $0xb8;
	[tilespmem:$0x1EC80] =	vst v63  }
0x20f: {  	_ =	swait.ge [sflag:s25], $0x4000  }
0x210: {  	s1 =	sld [smem:$0x7C3]  }
0x211: {  	[sflag:s25] =	ssyncset.done $0x0  }
0x212: {  	[sflag:s25] =	ssyncadd.s32 $0xFFFFC000  }
0x213: {  	[hbm4b:s1+s2] =	stream.linear.scatter [tilespmem:s9], [sflag:$0xD], $0x4000, $0x38;
	[tilespmem:$0x1EC80] =	vst v63  }
0x214: {  	_ =	swait.ge [sflag:s18], $0x4000  }
0x215: {  	s28 =	sld [smem:$0x7FA]  }
0x216: {  	[sflag:s18] =	ssyncset.done $0x0  }
0x217: {  	[sflag:s18] =	ssyncadd.s32 $0xFFFFC000  }
0x218: {  	[tilespmem:s11], [sflag:$0x5] =	stream.indirect.gather [hbm4b:s3+s10], $0x80, s28, s10, $0xb8;
	[tilespmem:$0x1EC80] =	vst v63  }
0x219: {  	_ =	swait.ge [sflag:s21], $0x4000  }
0x21a: {  	s1 =	sld [smem:$0x7C4]  }
0x21b: {  	[sflag:s21] =	ssyncset.done $0x0  }
0x21c: {  	[sflag:s21] =	ssyncadd.s32 $0xFFFFC000  }
0x21d: {  	[hbm4b:s1+s2] =	stream.linear.scatter [tilespmem:s8], [sflag:$0xE], $0x4000, $0x38;
	[tilespmem:$0x1EC80] =	vst v63  }
0x21e: {  	_ =	swait.ge [sflag:s17], $0x4000  }
0x21f: {  	s28 =	sld [smem:$0x7FB]  }
0x220: {  	[sflag:s17] =	ssyncset.done $0x0  }
0x221: {  	[sflag:s17] =	ssyncadd.s32 $0xFFFFC000  }
0x222: {  	[tilespmem:s9], [sflag:$0x6] =	stream.indirect.gather [hbm4b:s3+s10], $0x80, s28, s10, $0xb8;
	[tilespmem:$0x1EC80] =	vst v63  }
0x223: {  	_ =	swait.ge [sflag:s7], $0x4000  }
0x224: {  	s1 =	sld [smem:$0x7C5]  }
0x225: {  	[sflag:s7] =	ssyncset.done $0x0  }
0x226: {  	[sflag:s7] =	ssyncadd.s32 $0xFFFFC000  }
0x227: {  	[hbm4b:s1+s2] =	stream.linear.scatter [tilespmem:s5], [sflag:$0x8], $0x4000, $0x38;
	[tilespmem:$0x1EC80] =	vst v63  }
0x228: {  	_ =	swait.ge [sflag:s15], $0x4000  }
0x229: {  	s28 =	sld [smem:$0x7FC]  }
0x22a: {  	[sflag:s15] =	ssyncset.done $0x0  }
0x22b: {  	[sflag:s15] =	ssyncadd.s32 $0xFFFFC000  }
0x22c: {  	[tilespmem:s8], [sflag:$0x7] =	stream.indirect.gather [hbm4b:s3+s10], $0x80, s28, s10, $0xb8;
	[tilespmem:$0x1EC80] =	vst v63  }
0x22d: {  	_ =	swait.ge [sflag:s26], $0x4000  }
0x22e: {  	s1 =	sld [smem:$0x7C6]  }
0x22f: {  	[sflag:s26] =	ssyncset.done $0x0  }
0x230: {  	[sflag:s26] =	ssyncadd.s32 $0xFFFFC000  }
0x231: {  	[hbm4b:s1+s2] =	stream.linear.scatter [tilespmem:s20], [sflag:$0x9], $0x4000, $0x38;
	[tilespmem:$0x1EC80] =	vst v63  }
0x232: {  	_ =	swait.ge [sflag:s6], $0x4000  }
0x233: {  	s28 =	sld [smem:$0x7FD]  }
0x234: {  	[sflag:s6] =	ssyncset.done $0x0  }
0x235: {  	[sflag:s6] =	ssyncadd.s32 $0xFFFFC000  }
0x236: {  	[tilespmem:s5], [sflag:$0x1] =	stream.indirect.gather [hbm4b:s3+s10], $0x80, s28, s10, $0xb8;
	[tilespmem:$0x1EC80] =	vst v63  }
0x237: {  	_ =	swait.ge [sflag:s22], $0x4000  }
0x238: {  	s1 =	sld [smem:$0x7C7]  }
0x239: {  	[sflag:s22] =	ssyncset.done $0x0  }
0x23a: {  	[sflag:s22] =	ssyncadd.s32 $0xFFFFC000  }
0x23b: {  	[hbm4b:s1+s2] =	stream.linear.scatter [tilespmem:s14], [sflag:$0xA], $0x4000, $0x38;
	[tilespmem:$0x1EC80] =	vst v63  }
0x23c: {  	_ =	swait.ge [sflag:s23], $0x4000  }
0x23d: {  	s28 =	sld [smem:$0x7C8]  }
0x23e: {  	[sflag:s23] =	ssyncset.done $0x0  }
0x23f: {  	[sflag:s23] =	ssyncadd.s32 $0xFFFFC000  }
0x240: {  	[hbm4b:s28+s2] =	stream.linear.scatter [tilespmem:s12], [sflag:$0xB], $0x4000, $0x38;
	[tilespmem:$0x1EC80] =	vst v63  }
0x241: {  	_ =	swait.ge [sflag:s24], $0x4000  }
0x242: {  	s1 =	sld [smem:$0x7C9]  }
0x243: {  	[sflag:s24] =	ssyncset.done $0x0  }
0x244: {  	[sflag:s24] =	ssyncadd.s32 $0xFFFFC000  }
0x245: {  	[hbm4b:s1+s2] =	stream.linear.scatter [tilespmem:s11], [sflag:$0xC], $0x4000, $0x38;
	[tilespmem:$0x1EC80] =	vst v63  }
0x246: {  	_ =	swait.ge [sflag:s25], $0x4000  }
0x247: {  	s28 =	sld [smem:$0x7CA]  }
0x248: {  	[sflag:s25] =	ssyncset.done $0x0  }
0x249: {  	[sflag:s25] =	ssyncadd.s32 $0xFFFFC000  }
0x24a: {  	[hbm4b:s28+s2] =	stream.linear.scatter [tilespmem:s9], [sflag:$0xD], $0x4000, $0x38;
	[tilespmem:$0x1EC80] =	vst v63  }
0x24b: {  	_ =	swait.ge [sflag:s21], $0x4000  }
0x24c: {  	s1 =	sld [smem:$0x7CB]  }
0x24d: {  	[sflag:s21] =	ssyncset.done $0x0  }
0x24e: {  	[sflag:s21] =	ssyncadd.s32 $0xFFFFC000  }
0x24f: {  	[hbm4b:s1+s2] =	stream.linear.scatter [tilespmem:s8], [sflag:$0xE], $0x4000, $0x38;
	[tilespmem:$0x1EC80] =	vst v63  }
0x250: {  	_ =	swait.ge [sflag:s7], $0x4000  }
0x251: {  	s28 =	sld [smem:$0x7CC]  }
0x252: {  	[sflag:s7] =	ssyncset.done $0x0  }
0x253: {  	[sflag:s7] =	ssyncadd.s32 $0xFFFFC000  }
0x254: {  	[hbm4b:s28+s2] =	stream.linear.scatter [tilespmem:s5], [sflag:$0x8], $0x4000, $0x38;
	[tilespmem:$0x1EC80] =	vst v63  }
0x255: {  	_ =	swait.ge [sflag:s13], $0x4000  }
0x256: {  	[sflag:s13] =	ssyncset.done $0x0  }
0x257: {  	[sflag:s13] =	ssyncadd.s32 $0xFFFFC000  }
0x258: {  	_ =	swait.ge [sflag:s16], $0x4000  }
0x259: {  	[sflag:s16] =	ssyncset.done $0x0  }
0x25a: {  	[sflag:s16] =	ssyncadd.s32 $0xFFFFC000  }
0x25b: {  	_ =	swait.ge [sflag:s19], $0x4000  }
0x25c: {  	[sflag:s19] =	ssyncset.done $0x0  }
0x25d: {  	[sflag:s19] =	ssyncadd.s32 $0xFFFFC000  }
0x25e: {  	_ =	swait.ge [sflag:s18], $0x4000  }
0x25f: {  	[sflag:s18] =	ssyncset.done $0x0  }
0x260: {  	[sflag:s18] =	ssyncadd.s32 $0xFFFFC000  }
0x261: {  	_ =	swait.ge [sflag:s17], $0x4000  }
0x262: {  	[sflag:s17] =	ssyncset.done $0x0  }
0x263: {  	[sflag:s17] =	ssyncadd.s32 $0xFFFFC000  }
0x264: {  	_ =	swait.ge [sflag:s15], $0x4000  }
0x265: {  	p1 =	sne.s32 s30, $0x1;
	[sflag:s15] =	ssyncset.done $0x0  }
.Ltmp1:
0x266: {  	[sflag:s15] =	ssyncadd.s32 $0xFFFFC000;
	(pc) =	sbr.rel @!p1 .LBB2_2-.Ltmp1, $4  }
0x267: {  	_ =	swait.ge [sflag:s6], $0x4000  }
0x268: {  	[sflag:s6] =	ssyncset.done $0x0  }
0x269: {  	[sflag:s6] =	ssyncadd.s32 $0xFFFFC000  }
0x26a: {  	p0 =	por $0x1, $0x1;
	s1 =	sadd.s32 $0xFFFFFFFF, s30;
	_ =	swait.ge [sflag:s4], $0x1000  }
.LBB2_3:
0x26b: {  	[sflag:s4] =	ssyncset.done $0x0  }
0x26c: {  	s0 =	rddreg [dreg:$0x7];
	s30 =	simm.s32 $0x1C00;
	[sflag:s4] =	ssyncadd.s32 $0xFFFFF000  }
0x26d: {  	[tilespmem:s30], [sflag:$0x10] =	stream.linear.gather [hbm4b:s0+s2], $0x20, $0x38;
	[tilespmem:$0x1EC80] =	vst v63  }
0x26e: {  	_ =	swait.ge [sflag:s29], $0x20  }
0x26f: {  	s28 =	sld [smem:$0x7CD]  }
0x270: {  	[sflag:s29] =	ssyncset.done $0x0  }
0x271: {  	s0 =	rddreg [dreg:$0x6];
	[sflag:s29] =	ssyncadd.s32 $0xFFFFFFE0  }
0x272: {  	[tilespmem:s31], [sflag:$0xF] =	stream.indirect.gather [hbm4b:s0+s28], $0x80, s30, s28, $0xb8;
	[tilespmem:$0x1EC80] =	vst v63  }
0x273: {  	_ =	swait.ge [sflag:s4], $0x1000  }
0x274: {  	[sflag:s4] =	ssyncset.done $0x0  }
0x275: {  	s0 =	rddreg [dreg:$0x8];
	[sflag:s4] =	ssyncadd.s32 $0xFFFFF000  }
0x276: {  	[hbm4b:s0+s2] =	stream.linear.scatter [tilespmem:s31], [sflag:$0xF], $0x1000, $0x38;
	[tilespmem:$0x1EC80] =	vst v63  }
0x277: {  	s30 =	rddreg [dreg:$0x9]  }
0x278: {  	[tilespmem:s2], [sflag:$0x10] =	stream.linear.gather [hbm4b:s30+s2], $0x1C00, $0x38;
	[tilespmem:$0x1EC80] =	vst v63  }
0x279: {  	_ =	swait.ge [sflag:s29], $0x1C00  }
0x27a: {  	[sflag:s29] =	ssyncset.done $0x0  }
0x27b: {  	[sflag:s29] =	ssyncadd.s32 $0xFFFFE400  }
0x27c: {  	[tilespmem:s5], [sflag:$0x1] =	stream.indirect.gather [hbm4b:s3+s10], $0x80, s2, s10, $0xb8;
	[tilespmem:$0x1EC80] =	vst v63  }
0x27d: {  	s0 =	sld [smem:$0x7CE]  }
0x27e: {  	[tilespmem:s20], [sflag:$0x2] =	stream.indirect.gather [hbm4b:s3+s10], $0x80, s10, s10, $0xb8;
	[tilespmem:$0x1EC80] =	vst v63  }
0x27f: {  	s28 =	sld [smem:$0x7CF]  }
0x280: {  	[tilespmem:s14], [sflag:$0x3] =	stream.indirect.gather [hbm4b:s3+s10], $0x80, s0, s10, $0xb8;
	[tilespmem:$0x1EC80] =	vst v63  }
0x281: {  	s30 =	sld [smem:$0x7D0]  }
0x282: {  	[tilespmem:s12], [sflag:$0x4] =	stream.indirect.gather [hbm4b:s3+s10], $0x80, s28, s10, $0xb8;
	[tilespmem:$0x1EC80] =	vst v63  }
0x283: {  	s0 =	sld [smem:$0x7D1]  }
0x284: {  	[tilespmem:s11], [sflag:$0x5] =	stream.indirect.gather [hbm4b:s3+s10], $0x80, s30, s10, $0xb8;
	[tilespmem:$0x1EC80] =	vst v63  }
0x285: {  	s28 =	sld [smem:$0x7D2]  }
0x286: {  	[tilespmem:s9], [sflag:$0x6] =	stream.indirect.gather [hbm4b:s3+s10], $0x80, s0, s10, $0xb8;
	[tilespmem:$0x1EC80] =	vst v63  }
0x287: {  	_ = 	snop  }
0x288: {  	[tilespmem:s8], [sflag:$0x7] =	stream.indirect.gather [hbm4b:s3+s10], $0x80, s28, s10, $0xb8;
	[tilespmem:$0x1EC80] =	vst v63  }
0x289: {  	_ =	swait.ge [sflag:s7], $0x4000  }
0x28a: {  	s30 =	sld [smem:$0x7B1]  }
0x28b: {  	[sflag:s7] =	ssyncset.done $0x0  }
0x28c: {  	[sflag:s7] =	ssyncadd.s32 $0xFFFFC000  }
0x28d: {  	[hbm4b:s30+s2] =	stream.linear.scatter [tilespmem:s5], [sflag:$0x8], $0x4000, $0x38;
	[tilespmem:$0x1EC80] =	vst v63  }
0x28e: {  	_ =	swait.ge [sflag:s26], $0x4000  }
0x28f: {  	[sflag:s26] =	ssyncset.done $0x0  }
0x290: {  	s28 =	rddreg [dreg:$0xa];
	[sflag:s26] =	ssyncadd.s32 $0xFFFFC000  }
0x291: {  	[hbm4b:s28+s2] =	stream.linear.scatter [tilespmem:s20], [sflag:$0x9], $0x4000, $0x38;
	[tilespmem:$0x1EC80] =	vst v63  }
0x292: {  	_ =	swait.ge [sflag:s6], $0x4000  }
0x293: {  	s30 =	sld [smem:$0x7D3]  }
0x294: {  	[sflag:s6] =	ssyncset.done $0x0  }
0x295: {  	[sflag:s6] =	ssyncadd.s32 $0xFFFFC000  }
0x296: {  	[tilespmem:s5], [sflag:$0x1] =	stream.indirect.gather [hbm4b:s3+s10], $0x80, s30, s10, $0xb8;
	[tilespmem:$0x1EC80] =	vst v63  }
0x297: {  	_ =	swait.ge [sflag:s22], $0x4000  }
0x298: {  	[sflag:s22] =	ssyncset.done $0x0  }
0x299: {  	s28 =	rddreg [dreg:$0xb];
	[sflag:s22] =	ssyncadd.s32 $0xFFFFC000  }
0x29a: {  	[hbm4b:s28+s2] =	stream.linear.scatter [tilespmem:s14], [sflag:$0xA], $0x4000, $0x38;
	[tilespmem:$0x1EC80] =	vst v63  }
0x29b: {  	_ =	swait.ge [sflag:s13], $0x4000  }
0x29c: {  	s30 =	sld [smem:$0x7D4]  }
0x29d: {  	[sflag:s13] =	ssyncset.done $0x0  }
0x29e: {  	[sflag:s13] =	ssyncadd.s32 $0xFFFFC000  }
0x29f: {  	[tilespmem:s20], [sflag:$0x2] =	stream.indirect.gather [hbm4b:s3+s10], $0x80, s30, s10, $0xb8;
	[tilespmem:$0x1EC80] =	vst v63  }
0x2a0: {  	_ =	swait.ge [sflag:s23], $0x4000  }
0x2a1: {  	[sflag:s23] =	ssyncset.done $0x0  }
0x2a2: {  	s28 =	rddreg [dreg:$0xc];
	[sflag:s23] =	ssyncadd.s32 $0xFFFFC000  }
0x2a3: {  	[hbm4b:s28+s2] =	stream.linear.scatter [tilespmem:s12], [sflag:$0xB], $0x4000, $0x38;
	[tilespmem:$0x1EC80] =	vst v63  }
0x2a4: {  	_ =	swait.ge [sflag:s16], $0x4000  }
0x2a5: {  	s30 =	sld [smem:$0x7D5]  }
0x2a6: {  	[sflag:s16] =	ssyncset.done $0x0  }
0x2a7: {  	[sflag:s16] =	ssyncadd.s32 $0xFFFFC000  }
0x2a8: {  	[tilespmem:s14], [sflag:$0x3] =	stream.indirect.gather [hbm4b:s3+s10], $0x80, s30, s10, $0xb8;
	[tilespmem:$0x1EC80] =	vst v63  }
0x2a9: {  	_ =	swait.ge [sflag:s24], $0x4000  }
0x2aa: {  	[sflag:s24] =	ssyncset.done $0x0  }
0x2ab: {  	s28 =	rddreg [dreg:$0xd];
	[sflag:s24] =	ssyncadd.s32 $0xFFFFC000  }
0x2ac: {  	[hbm4b:s28+s2] =	stream.linear.scatter [tilespmem:s11], [sflag:$0xC], $0x4000, $0x38;
	[tilespmem:$0x1EC80] =	vst v63  }
0x2ad: {  	_ =	swait.ge [sflag:s19], $0x4000  }
0x2ae: {  	s30 =	sld [smem:$0x7D6]  }
0x2af: {  	[sflag:s19] =	ssyncset.done $0x0  }
0x2b0: {  	[sflag:s19] =	ssyncadd.s32 $0xFFFFC000  }
0x2b1: {  	[tilespmem:s12], [sflag:$0x4] =	stream.indirect.gather [hbm4b:s3+s10], $0x80, s30, s10, $0xb8;
	[tilespmem:$0x1EC80] =	vst v63  }
0x2b2: {  	_ =	swait.ge [sflag:s25], $0x4000  }
0x2b3: {  	[sflag:s25] =	ssyncset.done $0x0  }
0x2b4: {  	s28 =	rddreg [dreg:$0xe];
	[sflag:s25] =	ssyncadd.s32 $0xFFFFC000  }
0x2b5: {  	[hbm4b:s28+s2] =	stream.linear.scatter [tilespmem:s9], [sflag:$0xD], $0x4000, $0x38;
	[tilespmem:$0x1EC80] =	vst v63  }
0x2b6: {  	_ =	swait.ge [sflag:s18], $0x4000  }
0x2b7: {  	s30 =	sld [smem:$0x7D7]  }
0x2b8: {  	[sflag:s18] =	ssyncset.done $0x0  }
0x2b9: {  	[sflag:s18] =	ssyncadd.s32 $0xFFFFC000  }
0x2ba: {  	[tilespmem:s11], [sflag:$0x5] =	stream.indirect.gather [hbm4b:s3+s10], $0x80, s30, s10, $0xb8;
	[tilespmem:$0x1EC80] =	vst v63  }
0x2bb: {  	_ =	swait.ge [sflag:s21], $0x4000  }
0x2bc: {  	[sflag:s21] =	ssyncset.done $0x0  }
0x2bd: {  	s28 =	rddreg [dreg:$0xf];
	[sflag:s21] =	ssyncadd.s32 $0xFFFFC000  }
0x2be: {  	[hbm4b:s28+s2] =	stream.linear.scatter [tilespmem:s8], [sflag:$0xE], $0x4000, $0x38;
	[tilespmem:$0x1EC80] =	vst v63  }
0x2bf: {  	_ =	swait.ge [sflag:s17], $0x4000  }
0x2c0: {  	s30 =	sld [smem:$0x7D8]  }
0x2c1: {  	[sflag:s17] =	ssyncset.done $0x0  }
0x2c2: {  	[sflag:s17] =	ssyncadd.s32 $0xFFFFC000  }
0x2c3: {  	[tilespmem:s9], [sflag:$0x6] =	stream.indirect.gather [hbm4b:s3+s10], $0x80, s30, s10, $0xb8;
	[tilespmem:$0x1EC80] =	vst v63  }
0x2c4: {  	_ =	swait.ge [sflag:s7], $0x4000  }
0x2c5: {  	[sflag:s7] =	ssyncset.done $0x0  }
0x2c6: {  	s28 =	rddreg [dreg:$0x10];
	[sflag:s7] =	ssyncadd.s32 $0xFFFFC000  }
0x2c7: {  	[hbm4b:s28+s2] =	stream.linear.scatter [tilespmem:s5], [sflag:$0x8], $0x4000, $0x38;
	[tilespmem:$0x1EC80] =	vst v63  }
0x2c8: {  	_ =	swait.ge [sflag:s15], $0x4000  }
0x2c9: {  	s30 =	sld [smem:$0x7D9]  }
0x2ca: {  	[sflag:s15] =	ssyncset.done $0x0  }
0x2cb: {  	[sflag:s15] =	ssyncadd.s32 $0xFFFFC000  }
0x2cc: {  	[tilespmem:s8], [sflag:$0x7] =	stream.indirect.gather [hbm4b:s3+s10], $0x80, s30, s10, $0xb8;
	[tilespmem:$0x1EC80] =	vst v63  }
0x2cd: {  	_ =	swait.ge [sflag:s26], $0x4000  }
0x2ce: {  	[sflag:s26] =	ssyncset.done $0x0  }
0x2cf: {  	s28 =	rddreg [dreg:$0x11];
	[sflag:s26] =	ssyncadd.s32 $0xFFFFC000  }
0x2d0: {  	[hbm4b:s28+s2] =	stream.linear.scatter [tilespmem:s20], [sflag:$0x9], $0x4000, $0x38;
	[tilespmem:$0x1EC80] =	vst v63  }
0x2d1: {  	_ =	swait.ge [sflag:s6], $0x4000  }
0x2d2: {  	s30 =	sld [smem:$0x7DA]  }
0x2d3: {  	[sflag:s6] =	ssyncset.done $0x0  }
0x2d4: {  	[sflag:s6] =	ssyncadd.s32 $0xFFFFC000  }
0x2d5: {  	[tilespmem:s5], [sflag:$0x1] =	stream.indirect.gather [hbm4b:s3+s10], $0x80, s30, s10, $0xb8;
	[tilespmem:$0x1EC80] =	vst v63  }
0x2d6: {  	_ =	swait.ge [sflag:s22], $0x4000  }
0x2d7: {  	[sflag:s22] =	ssyncset.done $0x0  }
0x2d8: {  	s28 =	rddreg [dreg:$0x12];
	[sflag:s22] =	ssyncadd.s32 $0xFFFFC000  }
0x2d9: {  	[hbm4b:s28+s2] =	stream.linear.scatter [tilespmem:s14], [sflag:$0xA], $0x4000, $0x38;
	[tilespmem:$0x1EC80] =	vst v63  }
0x2da: {  	_ =	swait.ge [sflag:s13], $0x4000  }
0x2db: {  	s30 =	sld [smem:$0x7DB]  }
0x2dc: {  	[sflag:s13] =	ssyncset.done $0x0  }
0x2dd: {  	[sflag:s13] =	ssyncadd.s32 $0xFFFFC000  }
0x2de: {  	[tilespmem:s20], [sflag:$0x2] =	stream.indirect.gather [hbm4b:s3+s10], $0x80, s30, s10, $0xb8;
	[tilespmem:$0x1EC80] =	vst v63  }
0x2df: {  	_ =	swait.ge [sflag:s23], $0x4000  }
0x2e0: {  	[sflag:s23] =	ssyncset.done $0x0  }
0x2e1: {  	s28 =	rddreg [dreg:$0x13];
	[sflag:s23] =	ssyncadd.s32 $0xFFFFC000  }
0x2e2: {  	[hbm4b:s28+s2] =	stream.linear.scatter [tilespmem:s12], [sflag:$0xB], $0x4000, $0x38;
	[tilespmem:$0x1EC80] =	vst v63  }
0x2e3: {  	_ =	swait.ge [sflag:s16], $0x4000  }
0x2e4: {  	s30 =	sld [smem:$0x7DC]  }
0x2e5: {  	[sflag:s16] =	ssyncset.done $0x0  }
0x2e6: {  	[sflag:s16] =	ssyncadd.s32 $0xFFFFC000  }
0x2e7: {  	[tilespmem:s14], [sflag:$0x3] =	stream.indirect.gather [hbm4b:s3+s10], $0x80, s30, s10, $0xb8;
	[tilespmem:$0x1EC80] =	vst v63  }
0x2e8: {  	_ =	swait.ge [sflag:s24], $0x4000  }
0x2e9: {  	[sflag:s24] =	ssyncset.done $0x0  }
0x2ea: {  	s28 =	rddreg [dreg:$0x14];
	[sflag:s24] =	ssyncadd.s32 $0xFFFFC000  }
0x2eb: {  	[hbm4b:s28+s2] =	stream.linear.scatter [tilespmem:s11], [sflag:$0xC], $0x4000, $0x38;
	[tilespmem:$0x1EC80] =	vst v63  }
0x2ec: {  	_ =	swait.ge [sflag:s19], $0x4000  }
0x2ed: {  	s30 =	sld [smem:$0x7DD]  }
0x2ee: {  	[sflag:s19] =	ssyncset.done $0x0  }
0x2ef: {  	[sflag:s19] =	ssyncadd.s32 $0xFFFFC000  }
0x2f0: {  	[tilespmem:s12], [sflag:$0x4] =	stream.indirect.gather [hbm4b:s3+s10], $0x80, s30, s10, $0xb8;
	[tilespmem:$0x1EC80] =	vst v63  }
0x2f1: {  	_ =	swait.ge [sflag:s25], $0x4000  }
0x2f2: {  	[sflag:s25] =	ssyncset.done $0x0  }
0x2f3: {  	s28 =	rddreg [dreg:$0x15];
	[sflag:s25] =	ssyncadd.s32 $0xFFFFC000  }
0x2f4: {  	[hbm4b:s28+s2] =	stream.linear.scatter [tilespmem:s9], [sflag:$0xD], $0x4000, $0x38;
	[tilespmem:$0x1EC80] =	vst v63  }
0x2f5: {  	_ =	swait.ge [sflag:s18], $0x4000  }
0x2f6: {  	s30 =	sld [smem:$0x7DE]  }
0x2f7: {  	[sflag:s18] =	ssyncset.done $0x0  }
0x2f8: {  	[sflag:s18] =	ssyncadd.s32 $0xFFFFC000  }
0x2f9: {  	[tilespmem:s11], [sflag:$0x5] =	stream.indirect.gather [hbm4b:s3+s10], $0x80, s30, s10, $0xb8;
	[tilespmem:$0x1EC80] =	vst v63  }
0x2fa: {  	_ =	swait.ge [sflag:s21], $0x4000  }
0x2fb: {  	[sflag:s21] =	ssyncset.done $0x0  }
0x2fc: {  	s28 =	rddreg [dreg:$0x16];
	[sflag:s21] =	ssyncadd.s32 $0xFFFFC000  }
0x2fd: {  	[hbm4b:s28+s2] =	stream.linear.scatter [tilespmem:s8], [sflag:$0xE], $0x4000, $0x38;
	[tilespmem:$0x1EC80] =	vst v63  }
0x2fe: {  	_ =	swait.ge [sflag:s17], $0x4000  }
0x2ff: {  	s30 =	sld [smem:$0x7DF]  }
0x300: {  	[sflag:s17] =	ssyncset.done $0x0  }
0x301: {  	[sflag:s17] =	ssyncadd.s32 $0xFFFFC000  }
0x302: {  	[tilespmem:s9], [sflag:$0x6] =	stream.indirect.gather [hbm4b:s3+s10], $0x80, s30, s10, $0xb8;
	[tilespmem:$0x1EC80] =	vst v63  }
0x303: {  	_ =	swait.ge [sflag:s7], $0x4000  }
0x304: {  	[sflag:s7] =	ssyncset.done $0x0  }
0x305: {  	s28 =	rddreg [dreg:$0x17];
	[sflag:s7] =	ssyncadd.s32 $0xFFFFC000  }
0x306: {  	[hbm4b:s28+s2] =	stream.linear.scatter [tilespmem:s5], [sflag:$0x8], $0x4000, $0x38;
	[tilespmem:$0x1EC80] =	vst v63  }
0x307: {  	_ =	swait.ge [sflag:s15], $0x4000  }
0x308: {  	s30 =	sld [smem:$0x7E0]  }
0x309: {  	[sflag:s15] =	ssyncset.done $0x0  }
0x30a: {  	[sflag:s15] =	ssyncadd.s32 $0xFFFFC000  }
0x30b: {  	[tilespmem:s8], [sflag:$0x7] =	stream.indirect.gather [hbm4b:s3+s10], $0x80, s30, s10, $0xb8;
	[tilespmem:$0x1EC80] =	vst v63  }
0x30c: {  	_ =	swait.ge [sflag:s26], $0x4000  }
0x30d: {  	[sflag:s26] =	ssyncset.done $0x0  }
0x30e: {  	s28 =	rddreg [dreg:$0x18];
	[sflag:s26] =	ssyncadd.s32 $0xFFFFC000  }
0x30f: {  	[hbm4b:s28+s2] =	stream.linear.scatter [tilespmem:s20], [sflag:$0x9], $0x4000, $0x38;
	[tilespmem:$0x1EC80] =	vst v63  }
0x310: {  	_ =	swait.ge [sflag:s6], $0x4000  }
0x311: {  	s30 =	sld [smem:$0x7E1]  }
0x312: {  	[sflag:s6] =	ssyncset.done $0x0  }
0x313: {  	[sflag:s6] =	ssyncadd.s32 $0xFFFFC000  }
0x314: {  	[tilespmem:s5], [sflag:$0x1] =	stream.indirect.gather [hbm4b:s3+s10], $0x80, s30, s10, $0xb8;
	[tilespmem:$0x1EC80] =	vst v63  }
0x315: {  	_ =	swait.ge [sflag:s22], $0x4000  }
0x316: {  	[sflag:s22] =	ssyncset.done $0x0  }
0x317: {  	s28 =	rddreg [dreg:$0x19];
	[sflag:s22] =	ssyncadd.s32 $0xFFFFC000  }
0x318: {  	[hbm4b:s28+s2] =	stream.linear.scatter [tilespmem:s14], [sflag:$0xA], $0x4000, $0x38;
	[tilespmem:$0x1EC80] =	vst v63  }
0x319: {  	_ =	swait.ge [sflag:s13], $0x4000  }
0x31a: {  	s30 =	sld [smem:$0x7E2]  }
0x31b: {  	[sflag:s13] =	ssyncset.done $0x0  }
0x31c: {  	[sflag:s13] =	ssyncadd.s32 $0xFFFFC000  }
0x31d: {  	[tilespmem:s20], [sflag:$0x2] =	stream.indirect.gather [hbm4b:s3+s10], $0x80, s30, s10, $0xb8;
	[tilespmem:$0x1EC80] =	vst v63  }
0x31e: {  	_ =	swait.ge [sflag:s23], $0x4000  }
0x31f: {  	[sflag:s23] =	ssyncset.done $0x0  }
0x320: {  	s28 =	rddreg [dreg:$0x1a];
	[sflag:s23] =	ssyncadd.s32 $0xFFFFC000  }
0x321: {  	[hbm4b:s28+s2] =	stream.linear.scatter [tilespmem:s12], [sflag:$0xB], $0x4000, $0x38;
	[tilespmem:$0x1EC80] =	vst v63  }
0x322: {  	_ =	swait.ge [sflag:s16], $0x4000  }
0x323: {  	s30 =	sld [smem:$0x7E3]  }
0x324: {  	[sflag:s16] =	ssyncset.done $0x0  }
0x325: {  	[sflag:s16] =	ssyncadd.s32 $0xFFFFC000  }
0x326: {  	[tilespmem:s14], [sflag:$0x3] =	stream.indirect.gather [hbm4b:s3+s10], $0x80, s30, s10, $0xb8;
	[tilespmem:$0x1EC80] =	vst v63  }
0x327: {  	_ =	swait.ge [sflag:s24], $0x4000  }
0x328: {  	[sflag:s24] =	ssyncset.done $0x0  }
0x329: {  	s28 =	rddreg [dreg:$0x1b];
	[sflag:s24] =	ssyncadd.s32 $0xFFFFC000  }
0x32a: {  	[hbm4b:s28+s2] =	stream.linear.scatter [tilespmem:s11], [sflag:$0xC], $0x4000, $0x38;
	[tilespmem:$0x1EC80] =	vst v63  }
0x32b: {  	_ =	swait.ge [sflag:s19], $0x4000  }
0x32c: {  	s30 =	sld [smem:$0x7E4]  }
0x32d: {  	[sflag:s19] =	ssyncset.done $0x0  }
0x32e: {  	[sflag:s19] =	ssyncadd.s32 $0xFFFFC000  }
0x32f: {  	[tilespmem:s12], [sflag:$0x4] =	stream.indirect.gather [hbm4b:s3+s10], $0x80, s30, s10, $0xb8;
	[tilespmem:$0x1EC80] =	vst v63  }
0x330: {  	_ =	swait.ge [sflag:s25], $0x4000  }
0x331: {  	[sflag:s25] =	ssyncset.done $0x0  }
0x332: {  	s28 =	rddreg [dreg:$0x1c];
	[sflag:s25] =	ssyncadd.s32 $0xFFFFC000  }
0x333: {  	[hbm4b:s28+s2] =	stream.linear.scatter [tilespmem:s9], [sflag:$0xD], $0x4000, $0x38;
	[tilespmem:$0x1EC80] =	vst v63  }
0x334: {  	_ =	swait.ge [sflag:s18], $0x4000  }
0x335: {  	s30 =	sld [smem:$0x7E5]  }
0x336: {  	[sflag:s18] =	ssyncset.done $0x0  }
0x337: {  	[sflag:s18] =	ssyncadd.s32 $0xFFFFC000  }
0x338: {  	[tilespmem:s11], [sflag:$0x5] =	stream.indirect.gather [hbm4b:s3+s10], $0x80, s30, s10, $0xb8;
	[tilespmem:$0x1EC80] =	vst v63  }
0x339: {  	_ =	swait.ge [sflag:s21], $0x4000  }
0x33a: {  	[sflag:s21] =	ssyncset.done $0x0  }
0x33b: {  	s28 =	rddreg [dreg:$0x1d];
	[sflag:s21] =	ssyncadd.s32 $0xFFFFC000  }
0x33c: {  	[hbm4b:s28+s2] =	stream.linear.scatter [tilespmem:s8], [sflag:$0xE], $0x4000, $0x38;
	[tilespmem:$0x1EC80] =	vst v63  }
0x33d: {  	_ =	swait.ge [sflag:s17], $0x4000  }
0x33e: {  	s30 =	sld [smem:$0x7E6]  }
0x33f: {  	[sflag:s17] =	ssyncset.done $0x0  }
0x340: {  	[sflag:s17] =	ssyncadd.s32 $0xFFFFC000  }
0x341: {  	[tilespmem:s9], [sflag:$0x6] =	stream.indirect.gather [hbm4b:s3+s10], $0x80, s30, s10, $0xb8;
	[tilespmem:$0x1EC80] =	vst v63  }
0x342: {  	_ =	swait.ge [sflag:s7], $0x4000  }
0x343: {  	[sflag:s7] =	ssyncset.done $0x0  }
0x344: {  	s28 =	rddreg [dreg:$0x1e];
	[sflag:s7] =	ssyncadd.s32 $0xFFFFC000  }
0x345: {  	[hbm4b:s28+s2] =	stream.linear.scatter [tilespmem:s5], [sflag:$0x8], $0x4000, $0x38;
	[tilespmem:$0x1EC80] =	vst v63  }
0x346: {  	_ =	swait.ge [sflag:s15], $0x4000  }
0x347: {  	s30 =	sld [smem:$0x7E7]  }
0x348: {  	[sflag:s15] =	ssyncset.done $0x0  }
0x349: {  	[sflag:s15] =	ssyncadd.s32 $0xFFFFC000  }
0x34a: {  	[tilespmem:s8], [sflag:$0x7] =	stream.indirect.gather [hbm4b:s3+s10], $0x80, s30, s10, $0xb8;
	[tilespmem:$0x1EC80] =	vst v63  }
0x34b: {  	_ =	swait.ge [sflag:s26], $0x4000  }
0x34c: {  	[sflag:s26] =	ssyncset.done $0x0  }
0x34d: {  	s28 =	rddreg [dreg:$0x1f];
	[sflag:s26] =	ssyncadd.s32 $0xFFFFC000  }
0x34e: {  	[hbm4b:s28+s2] =	stream.linear.scatter [tilespmem:s20], [sflag:$0x9], $0x4000, $0x38;
	[tilespmem:$0x1EC80] =	vst v63  }
0x34f: {  	_ =	swait.ge [sflag:s6], $0x4000  }
0x350: {  	s30 =	sld [smem:$0x7E8]  }
0x351: {  	[sflag:s6] =	ssyncset.done $0x0  }
0x352: {  	[sflag:s6] =	ssyncadd.s32 $0xFFFFC000  }
0x353: {  	[tilespmem:s5], [sflag:$0x1] =	stream.indirect.gather [hbm4b:s3+s10], $0x80, s30, s10, $0xb8;
	[tilespmem:$0x1EC80] =	vst v63  }
0x354: {  	_ =	swait.ge [sflag:s22], $0x4000  }
0x355: {  	s28 =	sld [smem:$0x7B2]  }
0x356: {  	[sflag:s22] =	ssyncset.done $0x0  }
0x357: {  	[sflag:s22] =	ssyncadd.s32 $0xFFFFC000  }
0x358: {  	[hbm4b:s28+s2] =	stream.linear.scatter [tilespmem:s14], [sflag:$0xA], $0x4000, $0x38;
	[tilespmem:$0x1EC80] =	vst v63  }
0x359: {  	_ =	swait.ge [sflag:s13], $0x4000  }
0x35a: {  	s30 =	sld [smem:$0x7E9]  }
0x35b: {  	[sflag:s13] =	ssyncset.done $0x0  }
0x35c: {  	[sflag:s13] =	ssyncadd.s32 $0xFFFFC000  }
0x35d: {  	[tilespmem:s20], [sflag:$0x2] =	stream.indirect.gather [hbm4b:s3+s10], $0x80, s30, s10, $0xb8;
	[tilespmem:$0x1EC80] =	vst v63  }
0x35e: {  	_ =	swait.ge [sflag:s23], $0x4000  }
0x35f: {  	s28 =	sld [smem:$0x7B3]  }
0x360: {  	[sflag:s23] =	ssyncset.done $0x0  }
0x361: {  	[sflag:s23] =	ssyncadd.s32 $0xFFFFC000  }
0x362: {  	[hbm4b:s28+s2] =	stream.linear.scatter [tilespmem:s12], [sflag:$0xB], $0x4000, $0x38;
	[tilespmem:$0x1EC80] =	vst v63  }
0x363: {  	_ =	swait.ge [sflag:s16], $0x4000  }
0x364: {  	s30 =	sld [smem:$0x7EA]  }
0x365: {  	[sflag:s16] =	ssyncset.done $0x0  }
0x366: {  	[sflag:s16] =	ssyncadd.s32 $0xFFFFC000  }
0x367: {  	[tilespmem:s14], [sflag:$0x3] =	stream.indirect.gather [hbm4b:s3+s10], $0x80, s30, s10, $0xb8;
	[tilespmem:$0x1EC80] =	vst v63  }
0x368: {  	_ =	swait.ge [sflag:s24], $0x4000  }
0x369: {  	s28 =	sld [smem:$0x7B4]  }
0x36a: {  	[sflag:s24] =	ssyncset.done $0x0  }
0x36b: {  	[sflag:s24] =	ssyncadd.s32 $0xFFFFC000  }
0x36c: {  	[hbm4b:s28+s2] =	stream.linear.scatter [tilespmem:s11], [sflag:$0xC], $0x4000, $0x38;
	[tilespmem:$0x1EC80] =	vst v63  }
0x36d: {  	_ =	swait.ge [sflag:s19], $0x4000  }
0x36e: {  	s30 =	sld [smem:$0x7EB]  }
0x36f: {  	[sflag:s19] =	ssyncset.done $0x0  }
0x370: {  	[sflag:s19] =	ssyncadd.s32 $0xFFFFC000  }
0x371: {  	[tilespmem:s12], [sflag:$0x4] =	stream.indirect.gather [hbm4b:s3+s10], $0x80, s30, s10, $0xb8;
	[tilespmem:$0x1EC80] =	vst v63  }
0x372: {  	_ =	swait.ge [sflag:s25], $0x4000  }
0x373: {  	s28 =	sld [smem:$0x7B5]  }
0x374: {  	[sflag:s25] =	ssyncset.done $0x0  }
0x375: {  	[sflag:s25] =	ssyncadd.s32 $0xFFFFC000  }
0x376: {  	[hbm4b:s28+s2] =	stream.linear.scatter [tilespmem:s9], [sflag:$0xD], $0x4000, $0x38;
	[tilespmem:$0x1EC80] =	vst v63  }
0x377: {  	_ =	swait.ge [sflag:s18], $0x4000  }
0x378: {  	s30 =	sld [smem:$0x7EC]  }
0x379: {  	[sflag:s18] =	ssyncset.done $0x0  }
0x37a: {  	[sflag:s18] =	ssyncadd.s32 $0xFFFFC000  }
0x37b: {  	[tilespmem:s11], [sflag:$0x5] =	stream.indirect.gather [hbm4b:s3+s10], $0x80, s30, s10, $0xb8;
	[tilespmem:$0x1EC80] =	vst v63  }
0x37c: {  	_ =	swait.ge [sflag:s21], $0x4000  }
0x37d: {  	s28 =	sld [smem:$0x7B6]  }
0x37e: {  	[sflag:s21] =	ssyncset.done $0x0  }
0x37f: {  	[sflag:s21] =	ssyncadd.s32 $0xFFFFC000  }
0x380: {  	[hbm4b:s28+s2] =	stream.linear.scatter [tilespmem:s8], [sflag:$0xE], $0x4000, $0x38;
	[tilespmem:$0x1EC80] =	vst v63  }
0x381: {  	_ =	swait.ge [sflag:s17], $0x4000  }
0x382: {  	s30 =	sld [smem:$0x7ED]  }
0x383: {  	[sflag:s17] =	ssyncset.done $0x0  }
0x384: {  	[sflag:s17] =	ssyncadd.s32 $0xFFFFC000  }
0x385: {  	[tilespmem:s9], [sflag:$0x6] =	stream.indirect.gather [hbm4b:s3+s10], $0x80, s30, s10, $0xb8;
	[tilespmem:$0x1EC80] =	vst v63  }
0x386: {  	_ =	swait.ge [sflag:s7], $0x4000  }
0x387: {  	s28 =	sld [smem:$0x7B7]  }
0x388: {  	[sflag:s7] =	ssyncset.done $0x0  }
0x389: {  	[sflag:s7] =	ssyncadd.s32 $0xFFFFC000  }
0x38a: {  	[hbm4b:s28+s2] =	stream.linear.scatter [tilespmem:s5], [sflag:$0x8], $0x4000, $0x38;
	[tilespmem:$0x1EC80] =	vst v63  }
0x38b: {  	_ =	swait.ge [sflag:s15], $0x4000  }
0x38c: {  	s30 =	sld [smem:$0x7EE]  }
0x38d: {  	[sflag:s15] =	ssyncset.done $0x0  }
0x38e: {  	[sflag:s15] =	ssyncadd.s32 $0xFFFFC000  }
0x38f: {  	[tilespmem:s8], [sflag:$0x7] =	stream.indirect.gather [hbm4b:s3+s10], $0x80, s30, s10, $0xb8;
	[tilespmem:$0x1EC80] =	vst v63  }
0x390: {  	_ =	swait.ge [sflag:s26], $0x4000  }
0x391: {  	s28 =	sld [smem:$0x7B8]  }
0x392: {  	[sflag:s26] =	ssyncset.done $0x0  }
0x393: {  	[sflag:s26] =	ssyncadd.s32 $0xFFFFC000  }
0x394: {  	[hbm4b:s28+s2] =	stream.linear.scatter [tilespmem:s20], [sflag:$0x9], $0x4000, $0x38;
	[tilespmem:$0x1EC80] =	vst v63  }
0x395: {  	_ =	swait.ge [sflag:s6], $0x4000  }
0x396: {  	s30 =	sld [smem:$0x7EF]  }
0x397: {  	[sflag:s6] =	ssyncset.done $0x0  }
0x398: {  	[sflag:s6] =	ssyncadd.s32 $0xFFFFC000  }
0x399: {  	[tilespmem:s5], [sflag:$0x1] =	stream.indirect.gather [hbm4b:s3+s10], $0x80, s30, s10, $0xb8;
	[tilespmem:$0x1EC80] =	vst v63  }
0x39a: {  	_ =	swait.ge [sflag:s22], $0x4000  }
0x39b: {  	s28 =	sld [smem:$0x7B9]  }
0x39c: {  	[sflag:s22] =	ssyncset.done $0x0  }
0x39d: {  	[sflag:s22] =	ssyncadd.s32 $0xFFFFC000  }
0x39e: {  	[hbm4b:s28+s2] =	stream.linear.scatter [tilespmem:s14], [sflag:$0xA], $0x4000, $0x38;
	[tilespmem:$0x1EC80] =	vst v63  }
0x39f: {  	_ =	swait.ge [sflag:s13], $0x4000  }
0x3a0: {  	s30 =	sld [smem:$0x7F0]  }
0x3a1: {  	[sflag:s13] =	ssyncset.done $0x0  }
0x3a2: {  	[sflag:s13] =	ssyncadd.s32 $0xFFFFC000  }
0x3a3: {  	[tilespmem:s20], [sflag:$0x2] =	stream.indirect.gather [hbm4b:s3+s10], $0x80, s30, s10, $0xb8;
	[tilespmem:$0x1EC80] =	vst v63  }
0x3a4: {  	_ =	swait.ge [sflag:s23], $0x4000  }
0x3a5: {  	s28 =	sld [smem:$0x7BA]  }
0x3a6: {  	[sflag:s23] =	ssyncset.done $0x0  }
0x3a7: {  	[sflag:s23] =	ssyncadd.s32 $0xFFFFC000  }
0x3a8: {  	[hbm4b:s28+s2] =	stream.linear.scatter [tilespmem:s12], [sflag:$0xB], $0x4000, $0x38;
	[tilespmem:$0x1EC80] =	vst v63  }
0x3a9: {  	_ =	swait.ge [sflag:s16], $0x4000  }
0x3aa: {  	s30 =	sld [smem:$0x7F1]  }
0x3ab: {  	[sflag:s16] =	ssyncset.done $0x0  }
0x3ac: {  	[sflag:s16] =	ssyncadd.s32 $0xFFFFC000  }
0x3ad: {  	[tilespmem:s14], [sflag:$0x3] =	stream.indirect.gather [hbm4b:s3+s10], $0x80, s30, s10, $0xb8;
	[tilespmem:$0x1EC80] =	vst v63  }
0x3ae: {  	_ =	swait.ge [sflag:s24], $0x4000  }
0x3af: {  	s28 =	sld [smem:$0x7BB]  }
0x3b0: {  	[sflag:s24] =	ssyncset.done $0x0  }
0x3b1: {  	[sflag:s24] =	ssyncadd.s32 $0xFFFFC000  }
0x3b2: {  	[hbm4b:s28+s2] =	stream.linear.scatter [tilespmem:s11], [sflag:$0xC], $0x4000, $0x38;
	[tilespmem:$0x1EC80] =	vst v63  }
0x3b3: {  	_ =	swait.ge [sflag:s19], $0x4000  }
0x3b4: {  	s30 =	sld [smem:$0x7F2]  }
0x3b5: {  	[sflag:s19] =	ssyncset.done $0x0  }
0x3b6: {  	[sflag:s19] =	ssyncadd.s32 $0xFFFFC000  }
0x3b7: {  	[tilespmem:s12], [sflag:$0x4] =	stream.indirect.gather [hbm4b:s3+s10], $0x80, s30, s10, $0xb8;
	[tilespmem:$0x1EC80] =	vst v63  }
0x3b8: {  	_ =	swait.ge [sflag:s25], $0x4000  }
0x3b9: {  	s28 =	sld [smem:$0x7BC]  }
0x3ba: {  	[sflag:s25] =	ssyncset.done $0x0  }
0x3bb: {  	[sflag:s25] =	ssyncadd.s32 $0xFFFFC000  }
0x3bc: {  	[hbm4b:s28+s2] =	stream.linear.scatter [tilespmem:s9], [sflag:$0xD], $0x4000, $0x38;
	[tilespmem:$0x1EC80] =	vst v63  }
0x3bd: {  	_ =	swait.ge [sflag:s18], $0x4000  }
0x3be: {  	s30 =	sld [smem:$0x7F3]  }
0x3bf: {  	[sflag:s18] =	ssyncset.done $0x0  }
0x3c0: {  	[sflag:s18] =	ssyncadd.s32 $0xFFFFC000  }
0x3c1: {  	[tilespmem:s11], [sflag:$0x5] =	stream.indirect.gather [hbm4b:s3+s10], $0x80, s30, s10, $0xb8;
	[tilespmem:$0x1EC80] =	vst v63  }
0x3c2: {  	_ =	swait.ge [sflag:s21], $0x4000  }
0x3c3: {  	s28 =	sld [smem:$0x7BD]  }
0x3c4: {  	[sflag:s21] =	ssyncset.done $0x0  }
0x3c5: {  	[sflag:s21] =	ssyncadd.s32 $0xFFFFC000  }
0x3c6: {  	[hbm4b:s28+s2] =	stream.linear.scatter [tilespmem:s8], [sflag:$0xE], $0x4000, $0x38;
	[tilespmem:$0x1EC80] =	vst v63  }
0x3c7: {  	_ =	swait.ge [sflag:s17], $0x4000  }
0x3c8: {  	s30 =	sld [smem:$0x7F4]  }
0x3c9: {  	[sflag:s17] =	ssyncset.done $0x0  }
0x3ca: {  	[sflag:s17] =	ssyncadd.s32 $0xFFFFC000  }
0x3cb: {  	[tilespmem:s9], [sflag:$0x6] =	stream.indirect.gather [hbm4b:s3+s10], $0x80, s30, s10, $0xb8;
	[tilespmem:$0x1EC80] =	vst v63  }
0x3cc: {  	_ =	swait.ge [sflag:s7], $0x4000  }
0x3cd: {  	s28 =	sld [smem:$0x7BE]  }
0x3ce: {  	[sflag:s7] =	ssyncset.done $0x0  }
0x3cf: {  	[sflag:s7] =	ssyncadd.s32 $0xFFFFC000  }
0x3d0: {  	[hbm4b:s28+s2] =	stream.linear.scatter [tilespmem:s5], [sflag:$0x8], $0x4000, $0x38;
	[tilespmem:$0x1EC80] =	vst v63  }
0x3d1: {  	_ =	swait.ge [sflag:s15], $0x4000  }
0x3d2: {  	s30 =	sld [smem:$0x7F5]  }
0x3d3: {  	[sflag:s15] =	ssyncset.done $0x0  }
0x3d4: {  	[sflag:s15] =	ssyncadd.s32 $0xFFFFC000  }
0x3d5: {  	[tilespmem:s8], [sflag:$0x7] =	stream.indirect.gather [hbm4b:s3+s10], $0x80, s30, s10, $0xb8;
	[tilespmem:$0x1EC80] =	vst v63  }
0x3d6: {  	_ =	swait.ge [sflag:s26], $0x4000  }
0x3d7: {  	s28 =	sld [smem:$0x7BF]  }
0x3d8: {  	[sflag:s26] =	ssyncset.done $0x0  }
0x3d9: {  	[sflag:s26] =	ssyncadd.s32 $0xFFFFC000  }
0x3da: {  	[hbm4b:s28+s2] =	stream.linear.scatter [tilespmem:s20], [sflag:$0x9], $0x4000, $0x38;
	[tilespmem:$0x1EC80] =	vst v63  }
0x3db: {  	_ =	swait.ge [sflag:s6], $0x4000  }
0x3dc: {  	s30 =	sld [smem:$0x7F6]  }
0x3dd: {  	[sflag:s6] =	ssyncset.done $0x0  }
0x3de: {  	[sflag:s6] =	ssyncadd.s32 $0xFFFFC000  }
0x3df: {  	[tilespmem:s5], [sflag:$0x1] =	stream.indirect.gather [hbm4b:s3+s10], $0x80, s30, s10, $0xb8;
	[tilespmem:$0x1EC80] =	vst v63  }
0x3e0: {  	_ =	swait.ge [sflag:s22], $0x4000  }
0x3e1: {  	s28 =	sld [smem:$0x7C0]  }
0x3e2: {  	[sflag:s22] =	ssyncset.done $0x0  }
0x3e3: {  	[sflag:s22] =	ssyncadd.s32 $0xFFFFC000  }
0x3e4: {  	[hbm4b:s28+s2] =	stream.linear.scatter [tilespmem:s14], [sflag:$0xA], $0x4000, $0x38;
	[tilespmem:$0x1EC80] =	vst v63  }
0x3e5: {  	_ =	swait.ge [sflag:s13], $0x4000  }
0x3e6: {  	s30 =	sld [smem:$0x7F7]  }
0x3e7: {  	[sflag:s13] =	ssyncset.done $0x0  }
0x3e8: {  	[sflag:s13] =	ssyncadd.s32 $0xFFFFC000  }
0x3e9: {  	[tilespmem:s20], [sflag:$0x2] =	stream.indirect.gather [hbm4b:s3+s10], $0x80, s30, s10, $0xb8;
	[tilespmem:$0x1EC80] =	vst v63  }
0x3ea: {  	_ =	swait.ge [sflag:s23], $0x4000  }
0x3eb: {  	s28 =	sld [smem:$0x7C1]  }
0x3ec: {  	[sflag:s23] =	ssyncset.done $0x0  }
0x3ed: {  	[sflag:s23] =	ssyncadd.s32 $0xFFFFC000  }
0x3ee: {  	[hbm4b:s28+s2] =	stream.linear.scatter [tilespmem:s12], [sflag:$0xB], $0x4000, $0x38;
	[tilespmem:$0x1EC80] =	vst v63  }
0x3ef: {  	_ =	swait.ge [sflag:s16], $0x4000  }
0x3f0: {  	s30 =	sld [smem:$0x7F8]  }
0x3f1: {  	[sflag:s16] =	ssyncset.done $0x0  }
0x3f2: {  	[sflag:s16] =	ssyncadd.s32 $0xFFFFC000  }
0x3f3: {  	[tilespmem:s14], [sflag:$0x3] =	stream.indirect.gather [hbm4b:s3+s10], $0x80, s30, s10, $0xb8;
	[tilespmem:$0x1EC80] =	vst v63  }
0x3f4: {  	_ =	swait.ge [sflag:s24], $0x4000  }
0x3f5: {  	s28 =	sld [smem:$0x7C2]  }
0x3f6: {  	[sflag:s24] =	ssyncset.done $0x0  }
0x3f7: {  	[sflag:s24] =	ssyncadd.s32 $0xFFFFC000  }
0x3f8: {  	[hbm4b:s28+s2] =	stream.linear.scatter [tilespmem:s11], [sflag:$0xC], $0x4000, $0x38;
	[tilespmem:$0x1EC80] =	vst v63  }
0x3f9: {  	_ =	swait.ge [sflag:s19], $0x4000  }
0x3fa: {  	s30 =	sld [smem:$0x7F9]  }
0x3fb: {  	[sflag:s19] =	ssyncset.done $0x0  }
0x3fc: {  	[sflag:s19] =	ssyncadd.s32 $0xFFFFC000  }
0x3fd: {  	[tilespmem:s12], [sflag:$0x4] =	stream.indirect.gather [hbm4b:s3+s10], $0x80, s30, s10, $0xb8;
	[tilespmem:$0x1EC80] =	vst v63  }
0x3fe: {  	_ =	swait.ge [sflag:s25], $0x4000  }
0x3ff: {  	s28 =	sld [smem:$0x7C3]  }
0x400: {  	[sflag:s25] =	ssyncset.done $0x0  }
0x401: {  	[sflag:s25] =	ssyncadd.s32 $0xFFFFC000  }
0x402: {  	[hbm4b:s28+s2] =	stream.linear.scatter [tilespmem:s9], [sflag:$0xD], $0x4000, $0x38;
	[tilespmem:$0x1EC80] =	vst v63  }
0x403: {  	_ =	swait.ge [sflag:s18], $0x4000  }
0x404: {  	s30 =	sld [smem:$0x7FA]  }
0x405: {  	[sflag:s18] =	ssyncset.done $0x0  }
0x406: {  	[sflag:s18] =	ssyncadd.s32 $0xFFFFC000  }
0x407: {  	[tilespmem:s11], [sflag:$0x5] =	stream.indirect.gather [hbm4b:s3+s10], $0x80, s30, s10, $0xb8;
	[tilespmem:$0x1EC80] =	vst v63  }
0x408: {  	_ =	swait.ge [sflag:s21], $0x4000  }
0x409: {  	s28 =	sld [smem:$0x7C4]  }
0x40a: {  	[sflag:s21] =	ssyncset.done $0x0  }
0x40b: {  	[sflag:s21] =	ssyncadd.s32 $0xFFFFC000  }
0x40c: {  	[hbm4b:s28+s2] =	stream.linear.scatter [tilespmem:s8], [sflag:$0xE], $0x4000, $0x38;
	[tilespmem:$0x1EC80] =	vst v63  }
0x40d: {  	_ =	swait.ge [sflag:s17], $0x4000  }
0x40e: {  	s30 =	sld [smem:$0x7FB]  }
0x40f: {  	[sflag:s17] =	ssyncset.done $0x0  }
0x410: {  	[sflag:s17] =	ssyncadd.s32 $0xFFFFC000  }
0x411: {  	[tilespmem:s9], [sflag:$0x6] =	stream.indirect.gather [hbm4b:s3+s10], $0x80, s30, s10, $0xb8;
	[tilespmem:$0x1EC80] =	vst v63  }
0x412: {  	_ =	swait.ge [sflag:s7], $0x4000  }
0x413: {  	s28 =	sld [smem:$0x7C5]  }
0x414: {  	[sflag:s7] =	ssyncset.done $0x0  }
0x415: {  	[sflag:s7] =	ssyncadd.s32 $0xFFFFC000  }
0x416: {  	[hbm4b:s28+s2] =	stream.linear.scatter [tilespmem:s5], [sflag:$0x8], $0x4000, $0x38;
	[tilespmem:$0x1EC80] =	vst v63  }
0x417: {  	_ =	swait.ge [sflag:s15], $0x4000  }
0x418: {  	s30 =	sld [smem:$0x7FC]  }
0x419: {  	[sflag:s15] =	ssyncset.done $0x0  }
0x41a: {  	[sflag:s15] =	ssyncadd.s32 $0xFFFFC000  }
0x41b: {  	[tilespmem:s8], [sflag:$0x7] =	stream.indirect.gather [hbm4b:s3+s10], $0x80, s30, s10, $0xb8;
	[tilespmem:$0x1EC80] =	vst v63  }
0x41c: {  	_ =	swait.ge [sflag:s26], $0x4000  }
0x41d: {  	s28 =	sld [smem:$0x7C6]  }
0x41e: {  	[sflag:s26] =	ssyncset.done $0x0  }
0x41f: {  	[sflag:s26] =	ssyncadd.s32 $0xFFFFC000  }
0x420: {  	[hbm4b:s28+s2] =	stream.linear.scatter [tilespmem:s20], [sflag:$0x9], $0x4000, $0x38;
	[tilespmem:$0x1EC80] =	vst v63  }
0x421: {  	_ =	swait.ge [sflag:s6], $0x4000  }
0x422: {  	s30 =	sld [smem:$0x7FD]  }
0x423: {  	[sflag:s6] =	ssyncset.done $0x0  }
0x424: {  	[sflag:s6] =	ssyncadd.s32 $0xFFFFC000  }
0x425: {  	[tilespmem:s5], [sflag:$0x1] =	stream.indirect.gather [hbm4b:s3+s10], $0x80, s30, s10, $0xb8;
	[tilespmem:$0x1EC80] =	vst v63  }
0x426: {  	_ =	swait.ge [sflag:s22], $0x4000  }
0x427: {  	s28 =	sld [smem:$0x7C7]  }
0x428: {  	[sflag:s22] =	ssyncset.done $0x0  }
0x429: {  	[sflag:s22] =	ssyncadd.s32 $0xFFFFC000  }
0x42a: {  	[hbm4b:s28+s2] =	stream.linear.scatter [tilespmem:s14], [sflag:$0xA], $0x4000, $0x38;
	[tilespmem:$0x1EC80] =	vst v63  }
0x42b: {  	_ =	swait.ge [sflag:s23], $0x4000  }
0x42c: {  	s30 =	sld [smem:$0x7C8]  }
0x42d: {  	[sflag:s23] =	ssyncset.done $0x0  }
0x42e: {  	[sflag:s23] =	ssyncadd.s32 $0xFFFFC000  }
0x42f: {  	[hbm4b:s30+s2] =	stream.linear.scatter [tilespmem:s12], [sflag:$0xB], $0x4000, $0x38;
	[tilespmem:$0x1EC80] =	vst v63  }
0x430: {  	_ =	swait.ge [sflag:s24], $0x4000  }
0x431: {  	s28 =	sld [smem:$0x7C9]  }
0x432: {  	[sflag:s24] =	ssyncset.done $0x0  }
0x433: {  	[sflag:s24] =	ssyncadd.s32 $0xFFFFC000  }
0x434: {  	[hbm4b:s28+s2] =	stream.linear.scatter [tilespmem:s11], [sflag:$0xC], $0x4000, $0x38;
	[tilespmem:$0x1EC80] =	vst v63  }
0x435: {  	_ =	swait.ge [sflag:s25], $0x4000  }
0x436: {  	s30 =	sld [smem:$0x7CA]  }
0x437: {  	[sflag:s25] =	ssyncset.done $0x0  }
0x438: {  	[sflag:s25] =	ssyncadd.s32 $0xFFFFC000  }
0x439: {  	[hbm4b:s30+s2] =	stream.linear.scatter [tilespmem:s9], [sflag:$0xD], $0x4000, $0x38;
	[tilespmem:$0x1EC80] =	vst v63  }
0x43a: {  	_ =	swait.ge [sflag:s21], $0x4000  }
0x43b: {  	s28 =	sld [smem:$0x7CB]  }
0x43c: {  	[sflag:s21] =	ssyncset.done $0x0  }
0x43d: {  	[sflag:s21] =	ssyncadd.s32 $0xFFFFC000  }
0x43e: {  	[hbm4b:s28+s2] =	stream.linear.scatter [tilespmem:s8], [sflag:$0xE], $0x4000, $0x38;
	[tilespmem:$0x1EC80] =	vst v63  }
0x43f: {  	_ =	swait.ge [sflag:s7], $0x4000  }
0x440: {  	s30 =	sld [smem:$0x7CC]  }
0x441: {  	[sflag:s7] =	ssyncset.done $0x0  }
0x442: {  	[sflag:s7] =	ssyncadd.s32 $0xFFFFC000  }
0x443: {  	[hbm4b:s30+s2] =	stream.linear.scatter [tilespmem:s5], [sflag:$0x8], $0x4000, $0x38;
	[tilespmem:$0x1EC80] =	vst v63  }
0x444: {  	_ =	swait.ge [sflag:s13], $0x4000  }
0x445: {  	[sflag:s13] =	ssyncset.done $0x0  }
0x446: {  	[sflag:s13] =	ssyncadd.s32 $0xFFFFC000  }
0x447: {  	_ =	swait.ge [sflag:s16], $0x4000  }
0x448: {  	[sflag:s16] =	ssyncset.done $0x0  }
0x449: {  	[sflag:s16] =	ssyncadd.s32 $0xFFFFC000  }
0x44a: {  	_ =	swait.ge [sflag:s19], $0x4000  }
0x44b: {  	[sflag:s19] =	ssyncset.done $0x0  }
0x44c: {  	[sflag:s19] =	ssyncadd.s32 $0xFFFFC000  }
0x44d: {  	_ =	swait.ge [sflag:s18], $0x4000  }
0x44e: {  	[sflag:s18] =	ssyncset.done $0x0  }
0x44f: {  	[sflag:s18] =	ssyncadd.s32 $0xFFFFC000  }
0x450: {  	_ =	swait.ge [sflag:s17], $0x4000  }
0x451: {  	[sflag:s17] =	ssyncset.done $0x0  }
0x452: {  	[sflag:s17] =	ssyncadd.s32 $0xFFFFC000  }
0x453: {  	_ =	swait.ge [sflag:s15], $0x4000  }
0x454: {  	p1 =	sne.s32 s1, $0x1;
	[sflag:s15] =	ssyncset.done $0x0  }
.Ltmp2:
0x455: {  	[sflag:s15] =	ssyncadd.s32 $0xFFFFC000;
	(pc) =	sbr.rel @p1 .LBB2_3-.Ltmp2, $4  }
0x456: {  	_ =	swait.ge [sflag:s6], $0x4000  }
0x457: {  	[sflag:s6] =	ssyncset.done $0x0  }
0x458: {  	[sflag:s6] =	ssyncadd.s32 $0xFFFFC000  }
0x459: {  	s1 =	sadd.s32 $0xFFFFFFFF, s1;
	_ =	swait.ge [sflag:s4], $0x1000  }
0x45a: {  	s30 =	rddreg [dreg:$0x5]  }
.LBB2_5:
0x45b: {  	[sflag:s4] =	ssyncset.done @p0 $0x0  }
0x45c: {  	s0 =	rddreg [dreg:$0x7];
	s28 =	simm.s32 $0x1C00;
	[sflag:s4] =	ssyncadd.s32 @p0 $0xFFFFF000  }
0x45d: {  	[tilespmem:s28], [sflag:$0x10] =	stream.linear.gather [hbm4b:s0+s2], $0x20, $0x38;
	[tilespmem:$0x1EC80] =	vst v63  }
0x45e: {  	_ =	swait.ge [sflag:s29], $0x20  }
0x45f: {  	s1 =	sld [smem:$0x7CD]  }
0x460: {  	[sflag:s29] =	ssyncset.done $0x0  }
0x461: {  	s0 =	rddreg [dreg:$0x6];
	[sflag:s29] =	ssyncadd.s32 $0xFFFFFFE0  }
0x462: {  	[tilespmem:s31], [sflag:$0xF] =	stream.indirect.gather [hbm4b:s0+s1], $0x80, s28, s1, $0xb8;
	[tilespmem:$0x1EC80] =	vst v63  }
0x463: {  	_ =	swait.ge [sflag:s4], $0x1000  }
0x464: {  	[sflag:s4] =	ssyncset.done $0x0  }
0x465: {  	s1 =	rddreg [dreg:$0x8];
	[sflag:s4] =	ssyncadd.s32 $0xFFFFF000  }
0x466: {  	[hbm4b:s1+s2] =	stream.linear.scatter [tilespmem:s31], [sflag:$0xF], $0x1000, $0x38;
	[tilespmem:$0x1EC80] =	vst v63  }
0x467: {  	s28 =	rddreg [dreg:$0x9]  }
0x468: {  	[tilespmem:s2], [sflag:$0x10] =	stream.linear.gather [hbm4b:s28+s2], $0x1C00, $0x38;
	[tilespmem:$0x1EC80] =	vst v63  }
0x469: {  	_ =	swait.ge [sflag:s29], $0x1C00  }
0x46a: {  	[sflag:s29] =	ssyncset.done $0x0  }
0x46b: {  	[sflag:s29] =	ssyncadd.s32 $0xFFFFE400  }
0x46c: {  	[tilespmem:s5], [sflag:$0x1] =	stream.indirect.gather [hbm4b:s3+s10], $0x80, s2, s10, $0xb8;
	[tilespmem:$0x1EC80] =	vst v63  }
0x46d: {  	s1 =	sld [smem:$0x7CE]  }
0x46e: {  	[tilespmem:s20], [sflag:$0x2] =	stream.indirect.gather [hbm4b:s3+s10], $0x80, s10, s10, $0xb8;
	[tilespmem:$0x1EC80] =	vst v63  }
0x46f: {  	s28 =	sld [smem:$0x7CF]  }
0x470: {  	[tilespmem:s14], [sflag:$0x3] =	stream.indirect.gather [hbm4b:s3+s10], $0x80, s1, s10, $0xb8;
	[tilespmem:$0x1EC80] =	vst v63  }
0x471: {  	s29 =	sld [smem:$0x7D0]  }
0x472: {  	[tilespmem:s12], [sflag:$0x4] =	stream.indirect.gather [hbm4b:s3+s10], $0x80, s28, s10, $0xb8;
	[tilespmem:$0x1EC80] =	vst v63  }
0x473: {  	s31 =	sld [smem:$0x7D1]  }
0x474: {  	[tilespmem:s11], [sflag:$0x5] =	stream.indirect.gather [hbm4b:s3+s10], $0x80, s29, s10, $0xb8;
	[tilespmem:$0x1EC80] =	vst v63  }
0x475: {  	s28 =	sld [smem:$0x7D2]  }
0x476: {  	[tilespmem:s9], [sflag:$0x6] =	stream.indirect.gather [hbm4b:s3+s10], $0x80, s31, s10, $0xb8;
	[tilespmem:$0x1EC80] =	vst v63  }
0x477: {  	_ = 	snop  }
0x478: {  	[tilespmem:s8], [sflag:$0x7] =	stream.indirect.gather [hbm4b:s3+s10], $0x80, s28, s10, $0xb8;
	[tilespmem:$0x1EC80] =	vst v63  }
0x479: {  	_ =	swait.ge [sflag:s7], $0x4000  }
0x47a: {  	s29 =	sld [smem:$0x7B1]  }
0x47b: {  	[sflag:s7] =	ssyncset.done $0x0  }
0x47c: {  	[sflag:s7] =	ssyncadd.s32 $0xFFFFC000  }
0x47d: {  	[hbm4b:s29+s2] =	stream.linear.scatter [tilespmem:s5], [sflag:$0x8], $0x4000, $0x38;
	[tilespmem:$0x1EC80] =	vst v63  }
0x47e: {  	_ =	swait.ge [sflag:s26], $0x4000  }
0x47f: {  	[sflag:s26] =	ssyncset.done $0x0  }
0x480: {  	s31 =	rddreg [dreg:$0xa];
	[sflag:s26] =	ssyncadd.s32 $0xFFFFC000  }
0x481: {  	[hbm4b:s31+s2] =	stream.linear.scatter [tilespmem:s20], [sflag:$0x9], $0x4000, $0x38;
	[tilespmem:$0x1EC80] =	vst v63  }
0x482: {  	_ =	swait.ge [sflag:s6], $0x4000  }
0x483: {  	s1 =	sld [smem:$0x7D3]  }
0x484: {  	[sflag:s6] =	ssyncset.done $0x0  }
0x485: {  	[sflag:s6] =	ssyncadd.s32 $0xFFFFC000  }
0x486: {  	[tilespmem:s5], [sflag:$0x1] =	stream.indirect.gather [hbm4b:s3+s10], $0x80, s1, s10, $0xb8;
	[tilespmem:$0x1EC80] =	vst v63  }
0x487: {  	_ =	swait.ge [sflag:s22], $0x4000  }
0x488: {  	[sflag:s22] =	ssyncset.done $0x0  }
0x489: {  	s28 =	rddreg [dreg:$0xb];
	[sflag:s22] =	ssyncadd.s32 $0xFFFFC000  }
0x48a: {  	[hbm4b:s28+s2] =	stream.linear.scatter [tilespmem:s14], [sflag:$0xA], $0x4000, $0x38;
	[tilespmem:$0x1EC80] =	vst v63  }
0x48b: {  	_ =	swait.ge [sflag:s13], $0x4000  }
0x48c: {  	s29 =	sld [smem:$0x7D4]  }
0x48d: {  	[sflag:s13] =	ssyncset.done $0x0  }
0x48e: {  	[sflag:s13] =	ssyncadd.s32 $0xFFFFC000  }
0x48f: {  	[tilespmem:s20], [sflag:$0x2] =	stream.indirect.gather [hbm4b:s3+s10], $0x80, s29, s10, $0xb8;
	[tilespmem:$0x1EC80] =	vst v63  }
0x490: {  	_ =	swait.ge [sflag:s23], $0x4000  }
0x491: {  	[sflag:s23] =	ssyncset.done $0x0  }
0x492: {  	s31 =	rddreg [dreg:$0xc];
	[sflag:s23] =	ssyncadd.s32 $0xFFFFC000  }
0x493: {  	[hbm4b:s31+s2] =	stream.linear.scatter [tilespmem:s12], [sflag:$0xB], $0x4000, $0x38;
	[tilespmem:$0x1EC80] =	vst v63  }
0x494: {  	_ =	swait.ge [sflag:s16], $0x4000  }
0x495: {  	s1 =	sld [smem:$0x7D5]  }
0x496: {  	[sflag:s16] =	ssyncset.done $0x0  }
0x497: {  	[sflag:s16] =	ssyncadd.s32 $0xFFFFC000  }
0x498: {  	[tilespmem:s14], [sflag:$0x3] =	stream.indirect.gather [hbm4b:s3+s10], $0x80, s1, s10, $0xb8;
	[tilespmem:$0x1EC80] =	vst v63  }
0x499: {  	_ =	swait.ge [sflag:s24], $0x4000  }
0x49a: {  	[sflag:s24] =	ssyncset.done $0x0  }
0x49b: {  	s28 =	rddreg [dreg:$0xd];
	[sflag:s24] =	ssyncadd.s32 $0xFFFFC000  }
0x49c: {  	[hbm4b:s28+s2] =	stream.linear.scatter [tilespmem:s11], [sflag:$0xC], $0x4000, $0x38;
	[tilespmem:$0x1EC80] =	vst v63  }
0x49d: {  	_ =	swait.ge [sflag:s19], $0x4000  }
0x49e: {  	s29 =	sld [smem:$0x7D6]  }
0x49f: {  	[sflag:s19] =	ssyncset.done $0x0  }
0x4a0: {  	[sflag:s19] =	ssyncadd.s32 $0xFFFFC000  }
0x4a1: {  	[tilespmem:s12], [sflag:$0x4] =	stream.indirect.gather [hbm4b:s3+s10], $0x80, s29, s10, $0xb8;
	[tilespmem:$0x1EC80] =	vst v63  }
0x4a2: {  	_ =	swait.ge [sflag:s25], $0x4000  }
0x4a3: {  	[sflag:s25] =	ssyncset.done $0x0  }
0x4a4: {  	s31 =	rddreg [dreg:$0xe];
	[sflag:s25] =	ssyncadd.s32 $0xFFFFC000  }
0x4a5: {  	[hbm4b:s31+s2] =	stream.linear.scatter [tilespmem:s9], [sflag:$0xD], $0x4000, $0x38;
	[tilespmem:$0x1EC80] =	vst v63  }
0x4a6: {  	_ =	swait.ge [sflag:s18], $0x4000  }
0x4a7: {  	s1 =	sld [smem:$0x7D7]  }
0x4a8: {  	[sflag:s18] =	ssyncset.done $0x0  }
0x4a9: {  	[sflag:s18] =	ssyncadd.s32 $0xFFFFC000  }
0x4aa: {  	[tilespmem:s11], [sflag:$0x5] =	stream.indirect.gather [hbm4b:s3+s10], $0x80, s1, s10, $0xb8;
	[tilespmem:$0x1EC80] =	vst v63  }
0x4ab: {  	_ =	swait.ge [sflag:s21], $0x4000  }
0x4ac: {  	[sflag:s21] =	ssyncset.done $0x0  }
0x4ad: {  	s28 =	rddreg [dreg:$0xf];
	[sflag:s21] =	ssyncadd.s32 $0xFFFFC000  }
0x4ae: {  	[hbm4b:s28+s2] =	stream.linear.scatter [tilespmem:s8], [sflag:$0xE], $0x4000, $0x38;
	[tilespmem:$0x1EC80] =	vst v63  }
0x4af: {  	_ =	swait.ge [sflag:s17], $0x4000  }
0x4b0: {  	s29 =	sld [smem:$0x7D8]  }
0x4b1: {  	[sflag:s17] =	ssyncset.done $0x0  }
0x4b2: {  	[sflag:s17] =	ssyncadd.s32 $0xFFFFC000  }
0x4b3: {  	[tilespmem:s9], [sflag:$0x6] =	stream.indirect.gather [hbm4b:s3+s10], $0x80, s29, s10, $0xb8;
	[tilespmem:$0x1EC80] =	vst v63  }
0x4b4: {  	_ =	swait.ge [sflag:s7], $0x4000  }
0x4b5: {  	[sflag:s7] =	ssyncset.done $0x0  }
0x4b6: {  	s31 =	rddreg [dreg:$0x10];
	[sflag:s7] =	ssyncadd.s32 $0xFFFFC000  }
0x4b7: {  	[hbm4b:s31+s2] =	stream.linear.scatter [tilespmem:s5], [sflag:$0x8], $0x4000, $0x38;
	[tilespmem:$0x1EC80] =	vst v63  }
0x4b8: {  	_ =	swait.ge [sflag:s15], $0x4000  }
0x4b9: {  	s1 =	sld [smem:$0x7D9]  }
0x4ba: {  	[sflag:s15] =	ssyncset.done $0x0  }
0x4bb: {  	[sflag:s15] =	ssyncadd.s32 $0xFFFFC000  }
0x4bc: {  	[tilespmem:s8], [sflag:$0x7] =	stream.indirect.gather [hbm4b:s3+s10], $0x80, s1, s10, $0xb8;
	[tilespmem:$0x1EC80] =	vst v63  }
0x4bd: {  	_ =	swait.ge [sflag:s26], $0x4000  }
0x4be: {  	[sflag:s26] =	ssyncset.done $0x0  }
0x4bf: {  	s28 =	rddreg [dreg:$0x11];
	[sflag:s26] =	ssyncadd.s32 $0xFFFFC000  }
0x4c0: {  	[hbm4b:s28+s2] =	stream.linear.scatter [tilespmem:s20], [sflag:$0x9], $0x4000, $0x38;
	[tilespmem:$0x1EC80] =	vst v63  }
0x4c1: {  	_ =	swait.ge [sflag:s6], $0x4000  }
0x4c2: {  	s29 =	sld [smem:$0x7DA]  }
0x4c3: {  	[sflag:s6] =	ssyncset.done $0x0  }
0x4c4: {  	[sflag:s6] =	ssyncadd.s32 $0xFFFFC000  }
0x4c5: {  	[tilespmem:s5], [sflag:$0x1] =	stream.indirect.gather [hbm4b:s3+s10], $0x80, s29, s10, $0xb8;
	[tilespmem:$0x1EC80] =	vst v63  }
0x4c6: {  	_ =	swait.ge [sflag:s22], $0x4000  }
0x4c7: {  	[sflag:s22] =	ssyncset.done $0x0  }
0x4c8: {  	s31 =	rddreg [dreg:$0x12];
	[sflag:s22] =	ssyncadd.s32 $0xFFFFC000  }
0x4c9: {  	[hbm4b:s31+s2] =	stream.linear.scatter [tilespmem:s14], [sflag:$0xA], $0x4000, $0x38;
	[tilespmem:$0x1EC80] =	vst v63  }
0x4ca: {  	_ =	swait.ge [sflag:s13], $0x4000  }
0x4cb: {  	s1 =	sld [smem:$0x7DB]  }
0x4cc: {  	[sflag:s13] =	ssyncset.done $0x0  }
0x4cd: {  	[sflag:s13] =	ssyncadd.s32 $0xFFFFC000  }
0x4ce: {  	[tilespmem:s20], [sflag:$0x2] =	stream.indirect.gather [hbm4b:s3+s10], $0x80, s1, s10, $0xb8;
	[tilespmem:$0x1EC80] =	vst v63  }
0x4cf: {  	_ =	swait.ge [sflag:s23], $0x4000  }
0x4d0: {  	[sflag:s23] =	ssyncset.done $0x0  }
0x4d1: {  	s28 =	rddreg [dreg:$0x13];
	[sflag:s23] =	ssyncadd.s32 $0xFFFFC000  }
0x4d2: {  	[hbm4b:s28+s2] =	stream.linear.scatter [tilespmem:s12], [sflag:$0xB], $0x4000, $0x38;
	[tilespmem:$0x1EC80] =	vst v63  }
0x4d3: {  	_ =	swait.ge [sflag:s16], $0x4000  }
0x4d4: {  	s29 =	sld [smem:$0x7DC]  }
0x4d5: {  	[sflag:s16] =	ssyncset.done $0x0  }
0x4d6: {  	[sflag:s16] =	ssyncadd.s32 $0xFFFFC000  }
0x4d7: {  	[tilespmem:s14], [sflag:$0x3] =	stream.indirect.gather [hbm4b:s3+s10], $0x80, s29, s10, $0xb8;
	[tilespmem:$0x1EC80] =	vst v63  }
0x4d8: {  	_ =	swait.ge [sflag:s24], $0x4000  }
0x4d9: {  	[sflag:s24] =	ssyncset.done $0x0  }
0x4da: {  	s31 =	rddreg [dreg:$0x14];
	[sflag:s24] =	ssyncadd.s32 $0xFFFFC000  }
0x4db: {  	[hbm4b:s31+s2] =	stream.linear.scatter [tilespmem:s11], [sflag:$0xC], $0x4000, $0x38;
	[tilespmem:$0x1EC80] =	vst v63  }
0x4dc: {  	_ =	swait.ge [sflag:s19], $0x4000  }
0x4dd: {  	s1 =	sld [smem:$0x7DD]  }
0x4de: {  	[sflag:s19] =	ssyncset.done $0x0  }
0x4df: {  	[sflag:s19] =	ssyncadd.s32 $0xFFFFC000  }
0x4e0: {  	[tilespmem:s12], [sflag:$0x4] =	stream.indirect.gather [hbm4b:s3+s10], $0x80, s1, s10, $0xb8;
	[tilespmem:$0x1EC80] =	vst v63  }
0x4e1: {  	_ =	swait.ge [sflag:s25], $0x4000  }
0x4e2: {  	[sflag:s25] =	ssyncset.done $0x0  }
0x4e3: {  	s28 =	rddreg [dreg:$0x15];
	[sflag:s25] =	ssyncadd.s32 $0xFFFFC000  }
0x4e4: {  	[hbm4b:s28+s2] =	stream.linear.scatter [tilespmem:s9], [sflag:$0xD], $0x4000, $0x38;
	[tilespmem:$0x1EC80] =	vst v63  }
0x4e5: {  	_ =	swait.ge [sflag:s18], $0x4000  }
0x4e6: {  	s29 =	sld [smem:$0x7DE]  }
0x4e7: {  	[sflag:s18] =	ssyncset.done $0x0  }
0x4e8: {  	[sflag:s18] =	ssyncadd.s32 $0xFFFFC000  }
0x4e9: {  	[tilespmem:s11], [sflag:$0x5] =	stream.indirect.gather [hbm4b:s3+s10], $0x80, s29, s10, $0xb8;
	[tilespmem:$0x1EC80] =	vst v63  }
0x4ea: {  	_ =	swait.ge [sflag:s21], $0x4000  }
0x4eb: {  	[sflag:s21] =	ssyncset.done $0x0  }
0x4ec: {  	s31 =	rddreg [dreg:$0x16];
	[sflag:s21] =	ssyncadd.s32 $0xFFFFC000  }
0x4ed: {  	[hbm4b:s31+s2] =	stream.linear.scatter [tilespmem:s8], [sflag:$0xE], $0x4000, $0x38;
	[tilespmem:$0x1EC80] =	vst v63  }
0x4ee: {  	_ =	swait.ge [sflag:s17], $0x4000  }
0x4ef: {  	s1 =	sld [smem:$0x7DF]  }
0x4f0: {  	[sflag:s17] =	ssyncset.done $0x0  }
0x4f1: {  	[sflag:s17] =	ssyncadd.s32 $0xFFFFC000  }
0x4f2: {  	[tilespmem:s9], [sflag:$0x6] =	stream.indirect.gather [hbm4b:s3+s10], $0x80, s1, s10, $0xb8;
	[tilespmem:$0x1EC80] =	vst v63  }
0x4f3: {  	_ =	swait.ge [sflag:s7], $0x4000  }
0x4f4: {  	[sflag:s7] =	ssyncset.done $0x0  }
0x4f5: {  	s28 =	rddreg [dreg:$0x17];
	[sflag:s7] =	ssyncadd.s32 $0xFFFFC000  }
0x4f6: {  	[hbm4b:s28+s2] =	stream.linear.scatter [tilespmem:s5], [sflag:$0x8], $0x4000, $0x38;
	[tilespmem:$0x1EC80] =	vst v63  }
0x4f7: {  	_ =	swait.ge [sflag:s15], $0x4000  }
0x4f8: {  	s29 =	sld [smem:$0x7E0]  }
0x4f9: {  	[sflag:s15] =	ssyncset.done $0x0  }
0x4fa: {  	[sflag:s15] =	ssyncadd.s32 $0xFFFFC000  }
0x4fb: {  	[tilespmem:s8], [sflag:$0x7] =	stream.indirect.gather [hbm4b:s3+s10], $0x80, s29, s10, $0xb8;
	[tilespmem:$0x1EC80] =	vst v63  }
0x4fc: {  	_ =	swait.ge [sflag:s26], $0x4000  }
0x4fd: {  	[sflag:s26] =	ssyncset.done $0x0  }
0x4fe: {  	s31 =	rddreg [dreg:$0x18];
	[sflag:s26] =	ssyncadd.s32 $0xFFFFC000  }
0x4ff: {  	[hbm4b:s31+s2] =	stream.linear.scatter [tilespmem:s20], [sflag:$0x9], $0x4000, $0x38;
	[tilespmem:$0x1EC80] =	vst v63  }
0x500: {  	_ =	swait.ge [sflag:s6], $0x4000  }
0x501: {  	s1 =	sld [smem:$0x7E1]  }
0x502: {  	[sflag:s6] =	ssyncset.done $0x0  }
0x503: {  	[sflag:s6] =	ssyncadd.s32 $0xFFFFC000  }
0x504: {  	[tilespmem:s5], [sflag:$0x1] =	stream.indirect.gather [hbm4b:s3+s10], $0x80, s1, s10, $0xb8;
	[tilespmem:$0x1EC80] =	vst v63  }
0x505: {  	_ =	swait.ge [sflag:s22], $0x4000  }
0x506: {  	[sflag:s22] =	ssyncset.done $0x0  }
0x507: {  	s28 =	rddreg [dreg:$0x19];
	[sflag:s22] =	ssyncadd.s32 $0xFFFFC000  }
0x508: {  	[hbm4b:s28+s2] =	stream.linear.scatter [tilespmem:s14], [sflag:$0xA], $0x4000, $0x38;
	[tilespmem:$0x1EC80] =	vst v63  }
0x509: {  	_ =	swait.ge [sflag:s13], $0x4000  }
0x50a: {  	s29 =	sld [smem:$0x7E2]  }
0x50b: {  	[sflag:s13] =	ssyncset.done $0x0  }
0x50c: {  	[sflag:s13] =	ssyncadd.s32 $0xFFFFC000  }
0x50d: {  	[tilespmem:s20], [sflag:$0x2] =	stream.indirect.gather [hbm4b:s3+s10], $0x80, s29, s10, $0xb8;
	[tilespmem:$0x1EC80] =	vst v63  }
0x50e: {  	_ =	swait.ge [sflag:s23], $0x4000  }
0x50f: {  	[sflag:s23] =	ssyncset.done $0x0  }
0x510: {  	s31 =	rddreg [dreg:$0x1a];
	[sflag:s23] =	ssyncadd.s32 $0xFFFFC000  }
0x511: {  	[hbm4b:s31+s2] =	stream.linear.scatter [tilespmem:s12], [sflag:$0xB], $0x4000, $0x38;
	[tilespmem:$0x1EC80] =	vst v63  }
0x512: {  	_ =	swait.ge [sflag:s16], $0x4000  }
0x513: {  	s1 =	sld [smem:$0x7E3]  }
0x514: {  	[sflag:s16] =	ssyncset.done $0x0  }
0x515: {  	[sflag:s16] =	ssyncadd.s32 $0xFFFFC000  }
0x516: {  	[tilespmem:s14], [sflag:$0x3] =	stream.indirect.gather [hbm4b:s3+s10], $0x80, s1, s10, $0xb8;
	[tilespmem:$0x1EC80] =	vst v63  }
0x517: {  	_ =	swait.ge [sflag:s24], $0x4000  }
0x518: {  	[sflag:s24] =	ssyncset.done $0x0  }
0x519: {  	s28 =	rddreg [dreg:$0x1b];
	[sflag:s24] =	ssyncadd.s32 $0xFFFFC000  }
0x51a: {  	[hbm4b:s28+s2] =	stream.linear.scatter [tilespmem:s11], [sflag:$0xC], $0x4000, $0x38;
	[tilespmem:$0x1EC80] =	vst v63  }
0x51b: {  	_ =	swait.ge [sflag:s19], $0x4000  }
0x51c: {  	s29 =	sld [smem:$0x7E4]  }
0x51d: {  	[sflag:s19] =	ssyncset.done $0x0  }
0x51e: {  	[sflag:s19] =	ssyncadd.s32 $0xFFFFC000  }
0x51f: {  	[tilespmem:s12], [sflag:$0x4] =	stream.indirect.gather [hbm4b:s3+s10], $0x80, s29, s10, $0xb8;
	[tilespmem:$0x1EC80] =	vst v63  }
0x520: {  	_ =	swait.ge [sflag:s25], $0x4000  }
0x521: {  	[sflag:s25] =	ssyncset.done $0x0  }
0x522: {  	s31 =	rddreg [dreg:$0x1c];
	[sflag:s25] =	ssyncadd.s32 $0xFFFFC000  }
0x523: {  	[hbm4b:s31+s2] =	stream.linear.scatter [tilespmem:s9], [sflag:$0xD], $0x4000, $0x38;
	[tilespmem:$0x1EC80] =	vst v63  }
0x524: {  	_ =	swait.ge [sflag:s18], $0x4000  }
0x525: {  	s1 =	sld [smem:$0x7E5]  }
0x526: {  	[sflag:s18] =	ssyncset.done $0x0  }
0x527: {  	[sflag:s18] =	ssyncadd.s32 $0xFFFFC000  }
0x528: {  	[tilespmem:s11], [sflag:$0x5] =	stream.indirect.gather [hbm4b:s3+s10], $0x80, s1, s10, $0xb8;
	[tilespmem:$0x1EC80] =	vst v63  }
0x529: {  	_ =	swait.ge [sflag:s21], $0x4000  }
0x52a: {  	[sflag:s21] =	ssyncset.done $0x0  }
0x52b: {  	s28 =	rddreg [dreg:$0x1d];
	[sflag:s21] =	ssyncadd.s32 $0xFFFFC000  }
0x52c: {  	[hbm4b:s28+s2] =	stream.linear.scatter [tilespmem:s8], [sflag:$0xE], $0x4000, $0x38;
	[tilespmem:$0x1EC80] =	vst v63  }
0x52d: {  	_ =	swait.ge [sflag:s17], $0x4000  }
0x52e: {  	s29 =	sld [smem:$0x7E6]  }
0x52f: {  	[sflag:s17] =	ssyncset.done $0x0  }
0x530: {  	[sflag:s17] =	ssyncadd.s32 $0xFFFFC000  }
0x531: {  	[tilespmem:s9], [sflag:$0x6] =	stream.indirect.gather [hbm4b:s3+s10], $0x80, s29, s10, $0xb8;
	[tilespmem:$0x1EC80] =	vst v63  }
0x532: {  	_ =	swait.ge [sflag:s7], $0x4000  }
0x533: {  	[sflag:s7] =	ssyncset.done $0x0  }
0x534: {  	s31 =	rddreg [dreg:$0x1e];
	[sflag:s7] =	ssyncadd.s32 $0xFFFFC000  }
0x535: {  	[hbm4b:s31+s2] =	stream.linear.scatter [tilespmem:s5], [sflag:$0x8], $0x4000, $0x38;
	[tilespmem:$0x1EC80] =	vst v63  }
0x536: {  	_ =	swait.ge [sflag:s15], $0x4000  }
0x537: {  	s1 =	sld [smem:$0x7E7]  }
0x538: {  	[sflag:s15] =	ssyncset.done $0x0  }
0x539: {  	[sflag:s15] =	ssyncadd.s32 $0xFFFFC000  }
0x53a: {  	[tilespmem:s8], [sflag:$0x7] =	stream.indirect.gather [hbm4b:s3+s10], $0x80, s1, s10, $0xb8;
	[tilespmem:$0x1EC80] =	vst v63  }
0x53b: {  	_ =	swait.ge [sflag:s26], $0x4000  }
0x53c: {  	[sflag:s26] =	ssyncset.done $0x0  }
0x53d: {  	s28 =	rddreg [dreg:$0x1f];
	[sflag:s26] =	ssyncadd.s32 $0xFFFFC000  }
0x53e: {  	[hbm4b:s28+s2] =	stream.linear.scatter [tilespmem:s20], [sflag:$0x9], $0x4000, $0x38;
	[tilespmem:$0x1EC80] =	vst v63  }
0x53f: {  	_ =	swait.ge [sflag:s6], $0x4000  }
0x540: {  	s29 =	sld [smem:$0x7E8]  }
0x541: {  	[sflag:s6] =	ssyncset.done $0x0  }
0x542: {  	[sflag:s6] =	ssyncadd.s32 $0xFFFFC000  }
0x543: {  	[tilespmem:s5], [sflag:$0x1] =	stream.indirect.gather [hbm4b:s3+s10], $0x80, s29, s10, $0xb8;
	[tilespmem:$0x1EC80] =	vst v63  }
0x544: {  	_ =	swait.ge [sflag:s22], $0x4000  }
0x545: {  	s31 =	sld [smem:$0x7B2]  }
0x546: {  	[sflag:s22] =	ssyncset.done $0x0  }
0x547: {  	[sflag:s22] =	ssyncadd.s32 $0xFFFFC000  }
0x548: {  	[hbm4b:s31+s2] =	stream.linear.scatter [tilespmem:s14], [sflag:$0xA], $0x4000, $0x38;
	[tilespmem:$0x1EC80] =	vst v63  }
0x549: {  	_ =	swait.ge [sflag:s13], $0x4000  }
0x54a: {  	s1 =	sld [smem:$0x7E9]  }
0x54b: {  	[sflag:s13] =	ssyncset.done $0x0  }
0x54c: {  	[sflag:s13] =	ssyncadd.s32 $0xFFFFC000  }
0x54d: {  	[tilespmem:s20], [sflag:$0x2] =	stream.indirect.gather [hbm4b:s3+s10], $0x80, s1, s10, $0xb8;
	[tilespmem:$0x1EC80] =	vst v63  }
0x54e: {  	_ =	swait.ge [sflag:s23], $0x4000  }
0x54f: {  	s28 =	sld [smem:$0x7B3]  }
0x550: {  	[sflag:s23] =	ssyncset.done $0x0  }
0x551: {  	[sflag:s23] =	ssyncadd.s32 $0xFFFFC000  }
0x552: {  	[hbm4b:s28+s2] =	stream.linear.scatter [tilespmem:s12], [sflag:$0xB], $0x4000, $0x38;
	[tilespmem:$0x1EC80] =	vst v63  }
0x553: {  	_ =	swait.ge [sflag:s16], $0x4000  }
0x554: {  	s29 =	sld [smem:$0x7EA]  }
0x555: {  	[sflag:s16] =	ssyncset.done $0x0  }
0x556: {  	[sflag:s16] =	ssyncadd.s32 $0xFFFFC000  }
0x557: {  	[tilespmem:s14], [sflag:$0x3] =	stream.indirect.gather [hbm4b:s3+s10], $0x80, s29, s10, $0xb8;
	[tilespmem:$0x1EC80] =	vst v63  }
0x558: {  	_ =	swait.ge [sflag:s24], $0x4000  }
0x559: {  	s31 =	sld [smem:$0x7B4]  }
0x55a: {  	[sflag:s24] =	ssyncset.done $0x0  }
0x55b: {  	[sflag:s24] =	ssyncadd.s32 $0xFFFFC000  }
0x55c: {  	[hbm4b:s31+s2] =	stream.linear.scatter [tilespmem:s11], [sflag:$0xC], $0x4000, $0x38;
	[tilespmem:$0x1EC80] =	vst v63  }
0x55d: {  	_ =	swait.ge [sflag:s19], $0x4000  }
0x55e: {  	s1 =	sld [smem:$0x7EB]  }
0x55f: {  	[sflag:s19] =	ssyncset.done $0x0  }
0x560: {  	[sflag:s19] =	ssyncadd.s32 $0xFFFFC000  }
0x561: {  	[tilespmem:s12], [sflag:$0x4] =	stream.indirect.gather [hbm4b:s3+s10], $0x80, s1, s10, $0xb8;
	[tilespmem:$0x1EC80] =	vst v63  }
0x562: {  	_ =	swait.ge [sflag:s25], $0x4000  }
0x563: {  	s28 =	sld [smem:$0x7B5]  }
0x564: {  	[sflag:s25] =	ssyncset.done $0x0  }
0x565: {  	[sflag:s25] =	ssyncadd.s32 $0xFFFFC000  }
0x566: {  	[hbm4b:s28+s2] =	stream.linear.scatter [tilespmem:s9], [sflag:$0xD], $0x4000, $0x38;
	[tilespmem:$0x1EC80] =	vst v63  }
0x567: {  	_ =	swait.ge [sflag:s18], $0x4000  }
0x568: {  	s29 =	sld [smem:$0x7EC]  }
0x569: {  	[sflag:s18] =	ssyncset.done $0x0  }
0x56a: {  	[sflag:s18] =	ssyncadd.s32 $0xFFFFC000  }
0x56b: {  	[tilespmem:s11], [sflag:$0x5] =	stream.indirect.gather [hbm4b:s3+s10], $0x80, s29, s10, $0xb8;
	[tilespmem:$0x1EC80] =	vst v63  }
0x56c: {  	_ =	swait.ge [sflag:s21], $0x4000  }
0x56d: {  	s31 =	sld [smem:$0x7B6]  }
0x56e: {  	[sflag:s21] =	ssyncset.done $0x0  }
0x56f: {  	[sflag:s21] =	ssyncadd.s32 $0xFFFFC000  }
0x570: {  	[hbm4b:s31+s2] =	stream.linear.scatter [tilespmem:s8], [sflag:$0xE], $0x4000, $0x38;
	[tilespmem:$0x1EC80] =	vst v63  }
0x571: {  	_ =	swait.ge [sflag:s17], $0x4000  }
0x572: {  	s1 =	sld [smem:$0x7ED]  }
0x573: {  	[sflag:s17] =	ssyncset.done $0x0  }
0x574: {  	[sflag:s17] =	ssyncadd.s32 $0xFFFFC000  }
0x575: {  	[tilespmem:s9], [sflag:$0x6] =	stream.indirect.gather [hbm4b:s3+s10], $0x80, s1, s10, $0xb8;
	[tilespmem:$0x1EC80] =	vst v63  }
0x576: {  	_ =	swait.ge [sflag:s7], $0x4000  }
0x577: {  	s28 =	sld [smem:$0x7B7]  }
0x578: {  	[sflag:s7] =	ssyncset.done $0x0  }
0x579: {  	[sflag:s7] =	ssyncadd.s32 $0xFFFFC000  }
0x57a: {  	[hbm4b:s28+s2] =	stream.linear.scatter [tilespmem:s5], [sflag:$0x8], $0x4000, $0x38;
	[tilespmem:$0x1EC80] =	vst v63  }
0x57b: {  	_ =	swait.ge [sflag:s15], $0x4000  }
0x57c: {  	s29 =	sld [smem:$0x7EE]  }
0x57d: {  	[sflag:s15] =	ssyncset.done $0x0  }
0x57e: {  	[sflag:s15] =	ssyncadd.s32 $0xFFFFC000  }
0x57f: {  	[tilespmem:s8], [sflag:$0x7] =	stream.indirect.gather [hbm4b:s3+s10], $0x80, s29, s10, $0xb8;
	[tilespmem:$0x1EC80] =	vst v63  }
0x580: {  	_ =	swait.ge [sflag:s26], $0x4000  }
0x581: {  	s31 =	sld [smem:$0x7B8]  }
0x582: {  	[sflag:s26] =	ssyncset.done $0x0  }
0x583: {  	[sflag:s26] =	ssyncadd.s32 $0xFFFFC000  }
0x584: {  	[hbm4b:s31+s2] =	stream.linear.scatter [tilespmem:s20], [sflag:$0x9], $0x4000, $0x38;
	[tilespmem:$0x1EC80] =	vst v63  }
0x585: {  	_ =	swait.ge [sflag:s6], $0x4000  }
0x586: {  	s1 =	sld [smem:$0x7EF]  }
0x587: {  	[sflag:s6] =	ssyncset.done $0x0  }
0x588: {  	[sflag:s6] =	ssyncadd.s32 $0xFFFFC000  }
0x589: {  	[tilespmem:s5], [sflag:$0x1] =	stream.indirect.gather [hbm4b:s3+s10], $0x80, s1, s10, $0xb8;
	[tilespmem:$0x1EC80] =	vst v63  }
0x58a: {  	_ =	swait.ge [sflag:s22], $0x4000  }
0x58b: {  	s28 =	sld [smem:$0x7B9]  }
0x58c: {  	[sflag:s22] =	ssyncset.done $0x0  }
0x58d: {  	[sflag:s22] =	ssyncadd.s32 $0xFFFFC000  }
0x58e: {  	[hbm4b:s28+s2] =	stream.linear.scatter [tilespmem:s14], [sflag:$0xA], $0x4000, $0x38;
	[tilespmem:$0x1EC80] =	vst v63  }
0x58f: {  	_ =	swait.ge [sflag:s13], $0x4000  }
0x590: {  	s29 =	sld [smem:$0x7F0]  }
0x591: {  	[sflag:s13] =	ssyncset.done $0x0  }
0x592: {  	[sflag:s13] =	ssyncadd.s32 $0xFFFFC000  }
0x593: {  	[tilespmem:s20], [sflag:$0x2] =	stream.indirect.gather [hbm4b:s3+s10], $0x80, s29, s10, $0xb8;
	[tilespmem:$0x1EC80] =	vst v63  }
0x594: {  	_ =	swait.ge [sflag:s23], $0x4000  }
0x595: {  	s31 =	sld [smem:$0x7BA]  }
0x596: {  	[sflag:s23] =	ssyncset.done $0x0  }
0x597: {  	[sflag:s23] =	ssyncadd.s32 $0xFFFFC000  }
0x598: {  	[hbm4b:s31+s2] =	stream.linear.scatter [tilespmem:s12], [sflag:$0xB], $0x4000, $0x38;
	[tilespmem:$0x1EC80] =	vst v63  }
0x599: {  	_ =	swait.ge [sflag:s16], $0x4000  }
0x59a: {  	s1 =	sld [smem:$0x7F1]  }
0x59b: {  	[sflag:s16] =	ssyncset.done $0x0  }
0x59c: {  	[sflag:s16] =	ssyncadd.s32 $0xFFFFC000  }
0x59d: {  	[tilespmem:s14], [sflag:$0x3] =	stream.indirect.gather [hbm4b:s3+s10], $0x80, s1, s10, $0xb8;
	[tilespmem:$0x1EC80] =	vst v63  }
0x59e: {  	_ =	swait.ge [sflag:s24], $0x4000  }
0x59f: {  	s28 =	sld [smem:$0x7BB]  }
0x5a0: {  	[sflag:s24] =	ssyncset.done $0x0  }
0x5a1: {  	[sflag:s24] =	ssyncadd.s32 $0xFFFFC000  }
0x5a2: {  	[hbm4b:s28+s2] =	stream.linear.scatter [tilespmem:s11], [sflag:$0xC], $0x4000, $0x38;
	[tilespmem:$0x1EC80] =	vst v63  }
0x5a3: {  	_ =	swait.ge [sflag:s19], $0x4000  }
0x5a4: {  	s29 =	sld [smem:$0x7F2]  }
0x5a5: {  	[sflag:s19] =	ssyncset.done $0x0  }
0x5a6: {  	[sflag:s19] =	ssyncadd.s32 $0xFFFFC000  }
0x5a7: {  	[tilespmem:s12], [sflag:$0x4] =	stream.indirect.gather [hbm4b:s3+s10], $0x80, s29, s10, $0xb8;
	[tilespmem:$0x1EC80] =	vst v63  }
0x5a8: {  	_ =	swait.ge [sflag:s25], $0x4000  }
0x5a9: {  	s31 =	sld [smem:$0x7BC]  }
0x5aa: {  	[sflag:s25] =	ssyncset.done $0x0  }
0x5ab: {  	[sflag:s25] =	ssyncadd.s32 $0xFFFFC000  }
0x5ac: {  	[hbm4b:s31+s2] =	stream.linear.scatter [tilespmem:s9], [sflag:$0xD], $0x4000, $0x38;
	[tilespmem:$0x1EC80] =	vst v63  }
0x5ad: {  	_ =	swait.ge [sflag:s18], $0x4000  }
0x5ae: {  	s1 =	sld [smem:$0x7F3]  }
0x5af: {  	[sflag:s18] =	ssyncset.done $0x0  }
0x5b0: {  	[sflag:s18] =	ssyncadd.s32 $0xFFFFC000  }
0x5b1: {  	[tilespmem:s11], [sflag:$0x5] =	stream.indirect.gather [hbm4b:s3+s10], $0x80, s1, s10, $0xb8;
	[tilespmem:$0x1EC80] =	vst v63  }
0x5b2: {  	_ =	swait.ge [sflag:s21], $0x4000  }
0x5b3: {  	s28 =	sld [smem:$0x7BD]  }
0x5b4: {  	[sflag:s21] =	ssyncset.done $0x0  }
0x5b5: {  	[sflag:s21] =	ssyncadd.s32 $0xFFFFC000  }
0x5b6: {  	[hbm4b:s28+s2] =	stream.linear.scatter [tilespmem:s8], [sflag:$0xE], $0x4000, $0x38;
	[tilespmem:$0x1EC80] =	vst v63  }
0x5b7: {  	_ =	swait.ge [sflag:s17], $0x4000  }
0x5b8: {  	s29 =	sld [smem:$0x7F4]  }
0x5b9: {  	[sflag:s17] =	ssyncset.done $0x0  }
0x5ba: {  	[sflag:s17] =	ssyncadd.s32 $0xFFFFC000  }
0x5bb: {  	[tilespmem:s9], [sflag:$0x6] =	stream.indirect.gather [hbm4b:s3+s10], $0x80, s29, s10, $0xb8;
	[tilespmem:$0x1EC80] =	vst v63  }
0x5bc: {  	_ =	swait.ge [sflag:s7], $0x4000  }
0x5bd: {  	s31 =	sld [smem:$0x7BE]  }
0x5be: {  	[sflag:s7] =	ssyncset.done $0x0  }
0x5bf: {  	[sflag:s7] =	ssyncadd.s32 $0xFFFFC000  }
0x5c0: {  	[hbm4b:s31+s2] =	stream.linear.scatter [tilespmem:s5], [sflag:$0x8], $0x4000, $0x38;
	[tilespmem:$0x1EC80] =	vst v63  }
0x5c1: {  	_ =	swait.ge [sflag:s15], $0x4000  }
0x5c2: {  	s1 =	sld [smem:$0x7F5]  }
0x5c3: {  	[sflag:s15] =	ssyncset.done $0x0  }
0x5c4: {  	[sflag:s15] =	ssyncadd.s32 $0xFFFFC000  }
0x5c5: {  	[tilespmem:s8], [sflag:$0x7] =	stream.indirect.gather [hbm4b:s3+s10], $0x80, s1, s10, $0xb8;
	[tilespmem:$0x1EC80] =	vst v63  }
0x5c6: {  	_ =	swait.ge [sflag:s26], $0x4000  }
0x5c7: {  	s28 =	sld [smem:$0x7BF]  }
0x5c8: {  	[sflag:s26] =	ssyncset.done $0x0  }
0x5c9: {  	[sflag:s26] =	ssyncadd.s32 $0xFFFFC000  }
0x5ca: {  	[hbm4b:s28+s2] =	stream.linear.scatter [tilespmem:s20], [sflag:$0x9], $0x4000, $0x38;
	[tilespmem:$0x1EC80] =	vst v63  }
0x5cb: {  	_ =	swait.ge [sflag:s6], $0x4000  }
0x5cc: {  	s29 =	sld [smem:$0x7F6]  }
0x5cd: {  	[sflag:s6] =	ssyncset.done $0x0  }
0x5ce: {  	[sflag:s6] =	ssyncadd.s32 $0xFFFFC000  }
0x5cf: {  	[tilespmem:s5], [sflag:$0x1] =	stream.indirect.gather [hbm4b:s3+s10], $0x80, s29, s10, $0xb8;
	[tilespmem:$0x1EC80] =	vst v63  }
0x5d0: {  	_ =	swait.ge [sflag:s22], $0x4000  }
0x5d1: {  	s31 =	sld [smem:$0x7C0]  }
0x5d2: {  	[sflag:s22] =	ssyncset.done $0x0  }
0x5d3: {  	[sflag:s22] =	ssyncadd.s32 $0xFFFFC000  }
0x5d4: {  	[hbm4b:s31+s2] =	stream.linear.scatter [tilespmem:s14], [sflag:$0xA], $0x4000, $0x38;
	[tilespmem:$0x1EC80] =	vst v63  }
0x5d5: {  	_ =	swait.ge [sflag:s13], $0x4000  }
0x5d6: {  	s1 =	sld [smem:$0x7F7]  }
0x5d7: {  	[sflag:s13] =	ssyncset.done $0x0  }
0x5d8: {  	[sflag:s13] =	ssyncadd.s32 $0xFFFFC000  }
0x5d9: {  	[tilespmem:s20], [sflag:$0x2] =	stream.indirect.gather [hbm4b:s3+s10], $0x80, s1, s10, $0xb8;
	[tilespmem:$0x1EC80] =	vst v63  }
0x5da: {  	_ =	swait.ge [sflag:s23], $0x4000  }
0x5db: {  	s28 =	sld [smem:$0x7C1]  }
0x5dc: {  	[sflag:s23] =	ssyncset.done $0x0  }
0x5dd: {  	[sflag:s23] =	ssyncadd.s32 $0xFFFFC000  }
0x5de: {  	[hbm4b:s28+s2] =	stream.linear.scatter [tilespmem:s12], [sflag:$0xB], $0x4000, $0x38;
	[tilespmem:$0x1EC80] =	vst v63  }
0x5df: {  	_ =	swait.ge [sflag:s16], $0x4000  }
0x5e0: {  	s29 =	sld [smem:$0x7F8]  }
0x5e1: {  	[sflag:s16] =	ssyncset.done $0x0  }
0x5e2: {  	[sflag:s16] =	ssyncadd.s32 $0xFFFFC000  }
0x5e3: {  	[tilespmem:s14], [sflag:$0x3] =	stream.indirect.gather [hbm4b:s3+s10], $0x80, s29, s10, $0xb8;
	[tilespmem:$0x1EC80] =	vst v63  }
0x5e4: {  	_ =	swait.ge [sflag:s24], $0x4000  }
0x5e5: {  	s31 =	sld [smem:$0x7C2]  }
0x5e6: {  	[sflag:s24] =	ssyncset.done $0x0  }
0x5e7: {  	[sflag:s24] =	ssyncadd.s32 $0xFFFFC000  }
0x5e8: {  	[hbm4b:s31+s2] =	stream.linear.scatter [tilespmem:s11], [sflag:$0xC], $0x4000, $0x38;
	[tilespmem:$0x1EC80] =	vst v63  }
0x5e9: {  	_ =	swait.ge [sflag:s19], $0x4000  }
0x5ea: {  	s1 =	sld [smem:$0x7F9]  }
0x5eb: {  	[sflag:s19] =	ssyncset.done $0x0  }
0x5ec: {  	[sflag:s19] =	ssyncadd.s32 $0xFFFFC000  }
0x5ed: {  	[tilespmem:s12], [sflag:$0x4] =	stream.indirect.gather [hbm4b:s3+s10], $0x80, s1, s10, $0xb8;
	[tilespmem:$0x1EC80] =	vst v63  }
0x5ee: {  	_ =	swait.ge [sflag:s25], $0x4000  }
0x5ef: {  	s28 =	sld [smem:$0x7C3]  }
0x5f0: {  	[sflag:s25] =	ssyncset.done $0x0  }
0x5f1: {  	[sflag:s25] =	ssyncadd.s32 $0xFFFFC000  }
0x5f2: {  	[hbm4b:s28+s2] =	stream.linear.scatter [tilespmem:s9], [sflag:$0xD], $0x4000, $0x38;
	[tilespmem:$0x1EC80] =	vst v63  }
0x5f3: {  	_ =	swait.ge [sflag:s18], $0x4000  }
0x5f4: {  	s29 =	sld [smem:$0x7FA]  }
0x5f5: {  	[sflag:s18] =	ssyncset.done $0x0  }
0x5f6: {  	[sflag:s18] =	ssyncadd.s32 $0xFFFFC000  }
0x5f7: {  	[tilespmem:s11], [sflag:$0x5] =	stream.indirect.gather [hbm4b:s3+s10], $0x80, s29, s10, $0xb8;
	[tilespmem:$0x1EC80] =	vst v63  }
0x5f8: {  	_ =	swait.ge [sflag:s21], $0x4000  }
0x5f9: {  	s31 =	sld [smem:$0x7C4]  }
0x5fa: {  	[sflag:s21] =	ssyncset.done $0x0  }
0x5fb: {  	[sflag:s21] =	ssyncadd.s32 $0xFFFFC000  }
0x5fc: {  	[hbm4b:s31+s2] =	stream.linear.scatter [tilespmem:s8], [sflag:$0xE], $0x4000, $0x38;
	[tilespmem:$0x1EC80] =	vst v63  }
0x5fd: {  	_ =	swait.ge [sflag:s17], $0x4000  }
0x5fe: {  	s1 =	sld [smem:$0x7FB]  }
0x5ff: {  	[sflag:s17] =	ssyncset.done $0x0  }
0x600: {  	[sflag:s17] =	ssyncadd.s32 $0xFFFFC000  }
0x601: {  	[tilespmem:s9], [sflag:$0x6] =	stream.indirect.gather [hbm4b:s3+s10], $0x80, s1, s10, $0xb8;
	[tilespmem:$0x1EC80] =	vst v63  }
0x602: {  	_ =	swait.ge [sflag:s7], $0x4000  }
0x603: {  	s28 =	sld [smem:$0x7C5]  }
0x604: {  	[sflag:s7] =	ssyncset.done $0x0  }
0x605: {  	[sflag:s7] =	ssyncadd.s32 $0xFFFFC000  }
0x606: {  	[hbm4b:s28+s2] =	stream.linear.scatter [tilespmem:s5], [sflag:$0x8], $0x4000, $0x38;
	[tilespmem:$0x1EC80] =	vst v63  }
0x607: {  	_ =	swait.ge [sflag:s15], $0x4000  }
0x608: {  	s29 =	sld [smem:$0x7FC]  }
0x609: {  	[sflag:s15] =	ssyncset.done $0x0  }
0x60a: {  	[sflag:s15] =	ssyncadd.s32 $0xFFFFC000  }
0x60b: {  	[tilespmem:s8], [sflag:$0x7] =	stream.indirect.gather [hbm4b:s3+s10], $0x80, s29, s10, $0xb8;
	[tilespmem:$0x1EC80] =	vst v63  }
0x60c: {  	_ =	swait.ge [sflag:s26], $0x4000  }
0x60d: {  	s31 =	sld [smem:$0x7C6]  }
0x60e: {  	[sflag:s26] =	ssyncset.done $0x0  }
0x60f: {  	[sflag:s26] =	ssyncadd.s32 $0xFFFFC000  }
0x610: {  	[hbm4b:s31+s2] =	stream.linear.scatter [tilespmem:s20], [sflag:$0x9], $0x4000, $0x38;
	[tilespmem:$0x1EC80] =	vst v63  }
0x611: {  	_ =	swait.ge [sflag:s6], $0x4000  }
0x612: {  	s1 =	sld [smem:$0x7FD]  }
0x613: {  	[sflag:s6] =	ssyncset.done $0x0  }
0x614: {  	[sflag:s6] =	ssyncadd.s32 $0xFFFFC000  }
0x615: {  	[tilespmem:s5], [sflag:$0x1] =	stream.indirect.gather [hbm4b:s3+s10], $0x80, s1, s10, $0xb8;
	[tilespmem:$0x1EC80] =	vst v63  }
0x616: {  	_ =	swait.ge [sflag:s22], $0x4000  }
0x617: {  	s20 =	sld [smem:$0x7C7]  }
0x618: {  	[sflag:s22] =	ssyncset.done $0x0  }
0x619: {  	[sflag:s22] =	ssyncadd.s32 $0xFFFFC000  }
0x61a: {  	[hbm4b:s20+s2] =	stream.linear.scatter [tilespmem:s14], [sflag:$0xA], $0x4000, $0x38;
	[tilespmem:$0x1EC80] =	vst v63  }
0x61b: {  	_ =	swait.ge [sflag:s23], $0x4000  }
0x61c: {  	s22 =	sld [smem:$0x7C8]  }
0x61d: {  	[sflag:s23] =	ssyncset.done $0x0  }
0x61e: {  	[sflag:s23] =	ssyncadd.s32 $0xFFFFC000  }
0x61f: {  	[hbm4b:s22+s2] =	stream.linear.scatter [tilespmem:s12], [sflag:$0xB], $0x4000, $0x38;
	[tilespmem:$0x1EC80] =	vst v63  }
0x620: {  	_ =	swait.ge [sflag:s24], $0x4000  }
0x621: {  	s23 =	sld [smem:$0x7C9]  }
0x622: {  	[sflag:s24] =	ssyncset.done $0x0  }
0x623: {  	[sflag:s24] =	ssyncadd.s32 $0xFFFFC000  }
0x624: {  	[hbm4b:s23+s2] =	stream.linear.scatter [tilespmem:s11], [sflag:$0xC], $0x4000, $0x38;
	[tilespmem:$0x1EC80] =	vst v63  }
0x625: {  	_ =	swait.ge [sflag:s25], $0x4000  }
0x626: {  	s26 =	sld [smem:$0x7CA]  }
0x627: {  	[sflag:s25] =	ssyncset.done $0x0  }
0x628: {  	[sflag:s25] =	ssyncadd.s32 $0xFFFFC000  }
0x629: {  	[hbm4b:s26+s2] =	stream.linear.scatter [tilespmem:s9], [sflag:$0xD], $0x4000, $0x38;
	[tilespmem:$0x1EC80] =	vst v63  }
0x62a: {  	_ =	swait.ge [sflag:s21], $0x4000  }
0x62b: {  	s28 =	sld [smem:$0x7CB]  }
0x62c: {  	[sflag:s21] =	ssyncset.done $0x0  }
0x62d: {  	[sflag:s21] =	ssyncadd.s32 $0xFFFFC000  }
0x62e: {  	[hbm4b:s28+s2] =	stream.linear.scatter [tilespmem:s8], [sflag:$0xE], $0x4000, $0x38;
	[tilespmem:$0x1EC80] =	vst v63  }
0x62f: {  	_ =	swait.ge [sflag:s7], $0x4000  }
0x630: {  	s29 =	sld [smem:$0x7CC]  }
0x631: {  	[sflag:s7] =	ssyncset.done $0x0  }
0x632: {  	[sflag:s7] =	ssyncadd.s32 $0xFFFFC000  }
0x633: {  	[hbm4b:s29+s2] =	stream.linear.scatter [tilespmem:s5], [sflag:$0x8], $0x4000, $0x38;
	[tilespmem:$0x1EC80] =	vst v63  }
0x634: {  	_ =	swait.ge [sflag:s13], $0x4000  }
0x635: {  	[sflag:s13] =	ssyncset.done $0x0  }
0x636: {  	[sflag:s13] =	ssyncadd.s32 $0xFFFFC000  }
0x637: {  	_ =	swait.ge [sflag:s16], $0x4000  }
0x638: {  	[sflag:s16] =	ssyncset.done $0x0  }
0x639: {  	[sflag:s16] =	ssyncadd.s32 $0xFFFFC000  }
0x63a: {  	_ =	swait.ge [sflag:s19], $0x4000  }
0x63b: {  	[sflag:s19] =	ssyncset.done $0x0  }
0x63c: {  	[sflag:s19] =	ssyncadd.s32 $0xFFFFC000  }
0x63d: {  	_ =	swait.ge [sflag:s18], $0x4000  }
0x63e: {  	[sflag:s18] =	ssyncset.done $0x0  }
0x63f: {  	[sflag:s18] =	ssyncadd.s32 $0xFFFFC000  }
0x640: {  	_ =	swait.ge [sflag:s17], $0x4000  }
0x641: {  	[sflag:s17] =	ssyncset.done $0x0  }
0x642: {  	[sflag:s17] =	ssyncadd.s32 $0xFFFFC000  }
0x643: {  	_ =	swait.ge [sflag:s15], $0x4000  }
0x644: {  	[sflag:s15] =	ssyncset.done $0x0  }
0x645: {  	[sflag:s15] =	ssyncadd.s32 $0xFFFFC000  }
0x646: {  	_ =	swait.ge [sflag:s6], $0x4000  }
0x647: {  	[sflag:s6] =	ssyncset.done $0x0  }
0x648: {  	[sflag:s6] =	ssyncadd.s32 $0xFFFFC000  }
0x649: {  	_ =	swait.ge [sflag:s4], $0x1000  }
0x64a: {  	[sflag:s4] =	ssyncset.done $0x0  }
0x64b: {  	[sflag:s4] =	ssyncadd.s32 $0xFFFFF000  }
0x64c: {  	_ =	sfence.sel $0x180000  }
0x64d: {  	s31 =	stileid.u32;
	[bflag:$0x0] =	sbarrier.arrive $0xFFFF  }
0x64e: {  	p0 =	sne.s32 s31, $0x0;
	_ =	strace $0x90000047  }
0x64f: {  	s0 =	sadd.s32 @!p0 $0x100000, s30;
	[bflag:$0x2] =	sbarrier.arrive $0xFFFF  }
0x650: {  	[sflag:s0] =	ssyncadd.tile.s32 @!p0 $0x1;
	_ =	shalt  }
.LBB2_2:
.Ltmp3:
0x651: {  	(pc) =	sbr.rel .LBB2_5-.Ltmp3, $2  }
0x652: {  	_ =	sdelay $0x2  }
0x653: {  	s30 =	rddreg [dreg:$0x5]  }
.Lfunc_end2:
_tile_overlayer_lowered:
.L_overlay_start_2:
0x654: {  	(tag) =	ssettag $0x2  }
0x655: {  	s0 =	rddreg [dreg:$0x0];
	s2 =	stileid.u32  }
0x656: {  	s1 =	rddreg [dreg:$0x1];
	p0 =	sne.s32 s2, $0x0  }
0x657: {  	s3 =	rddreg [dreg:$0x2];
	[bflag:$0x3] =	sbarrier.arrive $0xFFFF;
	s2 =	simm.s32 @!p0 $0x1C10  }
0x658: {  	[timem:s3], [sflag:s2] =	dma.local @!p0 [hbm:s0], s1  }
0x659: {  	s0 =	simm.s32 @!p0 $0x10  }
0x65a: {  	_ =	swait.ge @!p0 [sflag:s0], s1  }
0x65b: {  	s1 =	ssub.s32 @!p0 $0x0, s1;
	[sflag:s0] =	ssyncset.done @!p0 $0x0  }
0x65c: {  	[sflag:s0] =	ssyncadd.s32 @!p0 s1  }
0x65d: {  	[bflag:$0x3] =	sbarrier.arrive $0xFFFF  }
0x65e: {  	_ =	shalt  }

</sc_bundles>
